<compile_context>
chip_gen: v7x
topology: tpu7x:2x2x1
jax: 0.10.2.dev20260603
libtpu: 0.0.44.dev20260713+nightly
codegen_flags: <defaults>
</compile_context>

<pallas_src>
import functools

import jax
import jax.numpy as jnp
from jax import lax
from jax.experimental import pallas as pl
from jax.experimental.pallas import tpu as pltpu
from jax.experimental.pallas import tpu_sc as plsc

N_NODES = 10000
D = 128
W = D // 2
B = 320000
NC = 2
NS = 16
NW = NC * NS
B_PER_W = B // NW
C = 320
NFULL = B_PER_W // C
CT = B_PER_W - NFULL * C
R_PER_T = N_NODES // NS
R_CHUNK = 25


def _convert_rows(x_hbm, tbl, tid, cins, couts, lsems, ssems):
    n_cc = R_PER_T // R_CHUNK

    def load(cc, p):
        base = tid * R_PER_T + cc * R_CHUNK
        pltpu.async_copy(x_hbm.at[pl.ds(base, R_CHUNK), :], cins[p], lsems[p])

    load(0, 0)

    def cc_body(cc2, _):
        for q in range(2):
            cc = cc2 * 2 + q
            load(cc + 1, 1 - q)
            pltpu.make_async_copy(
                x_hbm.at[pl.ds(0, R_CHUNK), :], cins[q], lsems[q]
            ).wait()

            @pl.when(cc >= 2)
            def _():
                pltpu.make_async_copy(
                    couts[q], tbl.at[pl.ds(0, R_CHUNK), :], ssems[q]
                ).wait()

            conv_in, conv_out = cins[q], couts[q]

            def r_body(r, _):
                for k in range(4):
                    a = conv_in[r, pl.ds(k * 16, 16)]
                    b = conv_in[r, pl.ds(64 + k * 16, 16)]
                    pk = plsc.pack(a, b, format=plsc.PackFormat.INTERLEAVED)
                    conv_out[r, pl.ds(k * 16, 16)] = plsc.bitcast(pk, jnp.int32)
                return 0

            lax.fori_loop(0, R_CHUNK, r_body, 0)
            base = tid * R_PER_T + cc * R_CHUNK
            pltpu.async_copy(couts[q], tbl.at[pl.ds(base, R_CHUNK), :], ssems[q])
        return 0

    lax.fori_loop(0, (n_cc - 1) // 2, cc_body, 0)
    cc = n_cc - 1
    pltpu.make_async_copy(
        x_hbm.at[pl.ds(0, R_CHUNK), :], cins[0], lsems[0]
    ).wait()
    pltpu.make_async_copy(
        couts[0], tbl.at[pl.ds(0, R_CHUNK), :], ssems[0]
    ).wait()
    conv_in, conv_out = cins[0], couts[0]

    def r_tail(r, _):
        for k in range(4):
            a = conv_in[r, pl.ds(k * 16, 16)]
            b = conv_in[r, pl.ds(64 + k * 16, 16)]
            pk = plsc.pack(a, b, format=plsc.PackFormat.INTERLEAVED)
            conv_out[r, pl.ds(k * 16, 16)] = plsc.bitcast(pk, jnp.int32)
        return 0

    lax.fori_loop(0, R_CHUNK, r_tail, 0)
    base = tid * R_PER_T + cc * R_CHUNK
    pltpu.async_copy(couts[0], tbl.at[pl.ds(base, R_CHUNK), :], ssems[0])
    for q in range(2):
        pltpu.make_async_copy(
            couts[q], tbl.at[pl.ds(0, R_CHUNK), :], ssems[q]
        ).wait()


def _compute_chunk(rows_s, rows_d, out_v, out_base, n_groups):
    lane = lax.iota(jnp.int32, 16)

    def g_body(g, _):
        def q_body(q, tot):
            for jj in range(4):
                j = q * 4 + jj
                e = g * 16 + j
                acc0 = jnp.zeros((16,), jnp.float32)
                acc1 = jnp.zeros((16,), jnp.float32)
                for k in range(4):
                    s = plsc.bitcast(rows_s[e, pl.ds(k * 16, 16)], jnp.bfloat16)
                    t = plsc.bitcast(rows_d[e, pl.ds(k * 16, 16)], jnp.bfloat16)
                    a, b = plsc.unpack(s * t, format=plsc.PackFormat.INTERLEAVED)
                    acc0 = acc0 + a
                    acc1 = acc1 + b
                red = jnp.sum(acc0 + acc1)
                tot = jnp.where(lane == j, red, tot)
            return tot

        tot = lax.fori_loop(0, 4, q_body, jnp.zeros((16,), jnp.float32))
        out_v[pl.ds(out_base + g * 16, 16)] = tot
        return 0

    lax.fori_loop(0, n_groups, g_body, 0)


def _make_sc_kernel():
    mesh = plsc.VectorSubcoreMesh(core_axis_name="c", subcore_axis_name="s")

    @functools.partial(
        pl.kernel,
        mesh=mesh,
        compiler_params=pltpu.CompilerParams(
            needs_layout_passes=False, use_tc_tiling_on_sc=False
        ),
        out_type=(
            jax.ShapeDtypeStruct((B,), jnp.float32),
            jax.ShapeDtypeStruct((N_NODES, W), jnp.int32),
            jax.ShapeDtypeStruct((N_NODES, W), jnp.int32),
        ),
        scratch_types=[
            pltpu.VMEM((R_CHUNK, D), jnp.float32),
            pltpu.VMEM((R_CHUNK, D), jnp.float32),
            pltpu.VMEM((R_CHUNK, W), jnp.int32),
            pltpu.VMEM((R_CHUNK, W), jnp.int32),
            pltpu.VMEM((B_PER_W,), jnp.int32),
            pltpu.VMEM((B_PER_W,), jnp.int32),
            pltpu.VMEM((C, W), jnp.int32),
            pltpu.VMEM((C, W), jnp.int32),
            pltpu.VMEM((C, W), jnp.int32),
            pltpu.VMEM((C, W), jnp.int32),
            pltpu.VMEM((B_PER_W,), jnp.float32),
            pltpu.SemaphoreType.DMA,
            pltpu.SemaphoreType.DMA,
            pltpu.SemaphoreType.DMA,
            pltpu.SemaphoreType.DMA,
            pltpu.SemaphoreType.DMA,
            pltpu.SemaphoreType.DMA,
            pltpu.SemaphoreType.DMA,
            pltpu.SemaphoreType.DMA,
            pltpu.SemaphoreType.DMA,
            pltpu.SemaphoreType.DMA,
        ],
    )
    def k(x_hbm, edge_hbm, out_hbm, tbl0, tbl1,
          cin0, cin1, cout0, cout1, idx_s, idx_d, rs0, rs1, rd0, rd1, out_v,
          sem_s0, sem_s1, sem_d0, sem_d1,
          cl0, cl1, cs0, cs1, sem_is, sem_id):
        cid = lax.axis_index("c")
        sid = lax.axis_index("s")
        wid = sid * NC + cid
        wbase = wid * B_PER_W

        pltpu.async_copy(edge_hbm.at[pl.ds(wbase, B_PER_W)], idx_s, sem_is)
        pltpu.async_copy(edge_hbm.at[pl.ds(B + wbase, B_PER_W)], idx_d, sem_id)

        @pl.when(cid == 0)
        def _():
            _convert_rows(x_hbm, tbl0, sid, (cin0, cin1), (cout0, cout1),
                          (cl0, cl1), (cs0, cs1))

        @pl.when(cid == 1)
        def _():
            _convert_rows(x_hbm, tbl1, sid, (cin0, cin1), (cout0, cout1),
                          (cl0, cl1), (cs0, cs1))

        pltpu.make_async_copy(
            edge_hbm.at[pl.ds(0, B_PER_W)], idx_s, sem_is
        ).wait()
        pltpu.make_async_copy(
            edge_hbm.at[pl.ds(0, B_PER_W)], idx_d, sem_id
        ).wait()
        plsc.subcore_barrier()

        bufs = ((rs0, rd0, sem_s0, sem_d0), (rs1, rd1, sem_s1, sem_d1))

        def issue(c, buf, n):
            rs, rd, ss, sd = buf
            cbase = pl.multiple_of(c * C, 16)
            rs_d = rs.at[pl.ds(0, n), :]
            rd_d = rd.at[pl.ds(0, n), :]

            @pl.when(cid == 0)
            def _():
                pltpu.async_copy(tbl0.at[idx_s.at[pl.ds(cbase, n)]], rs_d, ss)
                pltpu.async_copy(tbl0.at[idx_d.at[pl.ds(cbase, n)]], rd_d, sd)

            @pl.when(cid == 1)
            def _():
                pltpu.async_copy(tbl1.at[idx_s.at[pl.ds(cbase, n)]], rs_d, ss)
                pltpu.async_copy(tbl1.at[idx_d.at[pl.ds(cbase, n)]], rd_d, sd)

        def wait_and_compute(c, buf, n):
            rs, rd, ss, sd = buf
            pltpu.make_async_copy(
                tbl0.at[idx_s.at[pl.ds(0, n)]], rs.at[pl.ds(0, n), :], ss
            ).wait()
            pltpu.make_async_copy(
                tbl0.at[idx_d.at[pl.ds(0, n)]], rd.at[pl.ds(0, n), :], sd
            ).wait()
            _compute_chunk(rs, rd, out_v, c * C, n // 16)

        issue(0, bufs[0], C)

        def pair_body(i, _):
            c = i * 2
            issue(c + 1, bufs[1], C)
            wait_and_compute(c, bufs[0], C)
            issue(c + 2, bufs[0], C)
            wait_and_compute(c + 1, bufs[1], C)
            return 0

        lax.fori_loop(0, (NFULL - 1) // 2, pair_body, 0)
        issue(NFULL, bufs[1], CT)
        wait_and_compute(NFULL - 1, bufs[0], C)
        wait_and_compute(NFULL, bufs[1], CT)

        pltpu.sync_copy(out_v, out_hbm.at[pl.ds(wbase, B_PER_W)])

    return k


_sc_kernel = _make_sc_kernel()


@jax.jit
def kernel(x, edge_index):
    ei = edge_index.astype(jnp.int32).reshape(-1)
    scores, _, _ = _sc_kernel(x, ei)
    return scores

# --- scband reference (transcript-rebuilt; emitter-appended) ---
"""Pipeline reference for scband-link-prediction-srhgnplus-33294586479050 (READ-ONLY COPY).

The authoritative reference and input builder live on the scoring server;
editing this copy changes nothing except your own understanding.
"""

import jax, jax.numpy as jnp
import numpy as np


def setup_inputs(seed: int = 0) -> dict:
    key = jax.random.key(seed)
    k1, k2 = jax.random.split(key)
    x = jax.random.normal(k1, (10000, 128), dtype=jnp.float32)
    edge_index = jax.random.randint(k2, (2, 320000), 0, 10000, dtype=jnp.int64)
    return {"x": x, "edge_index": edge_index}


def reference(x, edge_index):
    # Gather endpoint embeddings for each candidate edge (memory-bound gather),
    # then LinkPredictor with prediction_type='dot': sum(x_i * x_j, dim=1).
    # Dropout is identity in eval mode.
    x_i = jnp.take(x, edge_index[0], axis=0)
    x_j = jnp.take(x, edge_index[1], axis=0)
    scores = jnp.sum(x_i * x_j, axis=1)
    return scores

if __name__ == "__main__":
    import jax
    _d = setup_inputs()
    print(jax.jit(kernel)(*tuple(_d.values())))

</pallas_src>

<mosaic_0001>
#map = affine_map<(d0, d1) -> (0, 0)>
#map1 = affine_map<(d0, d1) -> (0)>
module attributes {stable_mosaic.version = 14 : i64} {
  func.func @k(%arg0: i32, %arg1: i32, %arg2: memref<10000x128xf32, #tpu.memory_space<hbm>>, %arg3: memref<640000xi32, #tpu.memory_space<hbm>>, %arg4: memref<320000xf32, #tpu.memory_space<hbm>>, %arg5: memref<10000x64xi32, #tpu.memory_space<hbm>>, %arg6: memref<10000x64xi32, #tpu.memory_space<hbm>>, %arg7: memref<25x128xf32, #tpu.memory_space<vmem>>, %arg8: memref<25x128xf32, #tpu.memory_space<vmem>>, %arg9: memref<25x64xi32, #tpu.memory_space<vmem>>, %arg10: memref<25x64xi32, #tpu.memory_space<vmem>>, %arg11: memref<10000xi32, #tpu.memory_space<vmem>>, %arg12: memref<10000xi32, #tpu.memory_space<vmem>>, %arg13: memref<320x64xi32, #tpu.memory_space<vmem>>, %arg14: memref<320x64xi32, #tpu.memory_space<vmem>>, %arg15: memref<320x64xi32, #tpu.memory_space<vmem>>, %arg16: memref<320x64xi32, #tpu.memory_space<vmem>>, %arg17: memref<10000xf32, #tpu.memory_space<vmem>>, %arg18: memref<!tpu.dma_semaphore, #tpu.memory_space<semaphore_mem>>, %arg19: memref<!tpu.dma_semaphore, #tpu.memory_space<semaphore_mem>>, %arg20: memref<!tpu.dma_semaphore, #tpu.memory_space<semaphore_mem>>, %arg21: memref<!tpu.dma_semaphore, #tpu.memory_space<semaphore_mem>>, %arg22: memref<!tpu.dma_semaphore, #tpu.memory_space<semaphore_mem>>, %arg23: memref<!tpu.dma_semaphore, #tpu.memory_space<semaphore_mem>>, %arg24: memref<!tpu.dma_semaphore, #tpu.memory_space<semaphore_mem>>, %arg25: memref<!tpu.dma_semaphore, #tpu.memory_space<semaphore_mem>>, %arg26: memref<!tpu.dma_semaphore, #tpu.memory_space<semaphore_mem>>, %arg27: memref<!tpu.dma_semaphore, #tpu.memory_space<semaphore_mem>>) attributes {dimension_semantics = [#tpu.dimension_semantics<core_parallel>, #tpu.dimension_semantics<subcore_parallel>], iteration_bounds = array<i64: 2, 16>, scalar_prefetch = 0 : i64, scratch_operands = 21 : i64, tpu.core_type = #tpu.core_type<sc_vector_subcore>, window_params = [{transform_indices = #map}, {transform_indices = #map1}, {transform_indices = #map1}, {transform_indices = #map}, {transform_indices = #map}]} {
    %mul3A = arith.constant 2 : i32
    %mul3A_0 = arith.muli %arg1, %mul3A : i32
    %add3A = arith.addi %mul3A_0, %arg0 : i32
    %mul3A_1 = arith.constant 10000 : i32
    %mul3A_2 = arith.muli %add3A, %mul3A_1 : i32
    %dma_start3A = tpu.memref_slice %arg3[%mul3A_2] : memref<640000xi32, #tpu.memory_space<hbm>> -> memref<10000xi32, #tpu.memory_space<hbm>>
    %dma_start3A_3 = tpu.memref_slice %arg3[%mul3A_2] : memref<640000xi32, #tpu.memory_space<hbm>> -> memref<10000xi32, #tpu.memory_space<hbm>>
    tpu.enqueue_dma source(%dma_start3A_3 : memref<10000xi32, #tpu.memory_space<hbm>>) target(%arg11 : memref<10000xi32, #tpu.memory_space<vmem>>) target_semaphore(%arg26 : memref<!tpu.dma_semaphore, #tpu.memory_space<semaphore_mem>>)
    %add3A_4 = arith.constant 320000 : i32
    %add3A_5 = arith.addi %add3A_4, %mul3A_2 : i32
    %dma_start3A_6 = tpu.memref_slice %arg3[%add3A_5] : memref<640000xi32, #tpu.memory_space<hbm>> -> memref<10000xi32, #tpu.memory_space<hbm>>
    %dma_start3A_7 = tpu.memref_slice %arg3[%add3A_5] : memref<640000xi32, #tpu.memory_space<hbm>> -> memref<10000xi32, #tpu.memory_space<hbm>>
    tpu.enqueue_dma source(%dma_start3A_7 : memref<10000xi32, #tpu.memory_space<hbm>>) target(%arg12 : memref<10000xi32, #tpu.memory_space<vmem>>) target_semaphore(%arg27 : memref<!tpu.dma_semaphore, #tpu.memory_space<semaphore_mem>>)
    %eq3A = arith.constant 0 : i32
    %eq3A_8 = arith.cmpi eq, %arg0, %eq3A : i32
    %convert_element_type3A = arith.extui %eq3A_8 : i1 to i32
    %cond3A = arith.constant 0 : i32
    %cond3A_9 = arith.cmpi ne, %convert_element_type3A, %cond3A : i32
    scf.if %cond3A_9 {
      %mul3A_98 = arith.constant 625 : i32
      %mul3A_99 = arith.muli %arg1, %mul3A_98 : i32
      %add3A_100 = arith.constant 0 : i32
      %add3A_101 = arith.addi %mul3A_99, %add3A_100 : i32
      %dma_start3A_102 = arith.constant 0 : i32
      %dma_start3A_103 = tpu.memref_slice %arg2[%add3A_101, %dma_start3A_102] : memref<10000x128xf32, #tpu.memory_space<hbm>> -> memref<25x128xf32, #tpu.memory_space<hbm>>
      %dma_start3A_104 = arith.constant 0 : i32
      %dma_start3A_105 = tpu.memref_slice %arg2[%add3A_101, %dma_start3A_104] : memref<10000x128xf32, #tpu.memory_space<hbm>> -> memref<25x128xf32, #tpu.memory_space<hbm>>
      tpu.enqueue_dma source(%dma_start3A_105 : memref<25x128xf32, #tpu.memory_space<hbm>>) target(%arg7 : memref<25x128xf32, #tpu.memory_space<vmem>>) target_semaphore(%arg22 : memref<!tpu.dma_semaphore, #tpu.memory_space<semaphore_mem>>)
      %scan3A_106 = arith.constant 0 : i32
      %scan3A_107 = arith.constant 0 : i32
      %scan3A_108 = arith.constant 12 : i32
      %scan3A_109 = arith.addi %scan3A_107, %scan3A_108 : i32
      %scan3A_110 = arith.constant 1 : i32
      %scan3A_111 = scf.for %scan3A_152 = %scan3A_107 to %scan3A_109 step %scan3A_110 iter_args(%scan3A_153 = %scan3A_106) -> (i32)  : i32 {
        %mul3A_154 = arith.constant 2 : i32
        %mul3A_155 = arith.muli %scan3A_152, %mul3A_154 : i32
        %add3A_156 = arith.constant 0 : i32
        %add3A_157 = arith.addi %mul3A_155, %add3A_156 : i32
        %add3A_158 = arith.constant 1 : i32
        %add3A_159 = arith.addi %add3A_157, %add3A_158 : i32
        %mul3A_160 = arith.constant 625 : i32
        %mul3A_161 = arith.muli %arg1, %mul3A_160 : i32
        %mul3A_162 = arith.constant 25 : i32
        %mul3A_163 = arith.muli %add3A_159, %mul3A_162 : i32
        %add3A_164 = arith.addi %mul3A_161, %mul3A_163 : i32
        %dma_start3A_165 = arith.constant 0 : i32
        %dma_start3A_166 = tpu.memref_slice %arg2[%add3A_164, %dma_start3A_165] : memref<10000x128xf32, #tpu.memory_space<hbm>> -> memref<25x128xf32, #tpu.memory_space<hbm>>
        %dma_start3A_167 = arith.constant 0 : i32
        %dma_start3A_168 = tpu.memref_slice %arg2[%add3A_164, %dma_start3A_167] : memref<10000x128xf32, #tpu.memory_space<hbm>> -> memref<25x128xf32, #tpu.memory_space<hbm>>
        tpu.enqueue_dma source(%dma_start3A_168 : memref<25x128xf32, #tpu.memory_space<hbm>>) target(%arg8 : memref<25x128xf32, #tpu.memory_space<vmem>>) target_semaphore(%arg23 : memref<!tpu.dma_semaphore, #tpu.memory_space<semaphore_mem>>)
        %dma_wait3A_169 = arith.constant 0 : i32
        %dma_wait3A_170 = arith.constant 0 : i32
        %dma_wait3A_171 = tpu.memref_slice %arg2[%dma_wait3A_169, %dma_wait3A_170] : memref<10000x128xf32, #tpu.memory_space<hbm>> -> memref<25x128xf32, #tpu.memory_space<hbm>>
        %dma_wait3A_172 = arith.constant 0 : i32
        %dma_wait3A_173 = arith.constant 0 : i32
        %dma_wait3A_174 = tpu.memref_slice %arg2[%dma_wait3A_172, %dma_wait3A_173] : memref<10000x128xf32, #tpu.memory_space<hbm>> -> memref<25x128xf32, #tpu.memory_space<hbm>>
        tpu.wait_dma2 semaphore(%arg22 : memref<!tpu.dma_semaphore, #tpu.memory_space<semaphore_mem>>) src(%dma_wait3A_174 : memref<25x128xf32, #tpu.memory_space<hbm>>) dst(%arg7 : memref<25x128xf32, #tpu.memory_space<vmem>>)
        %ge3A = arith.constant 2 : i32
        %ge3A_175 = arith.cmpi sge, %add3A_157, %ge3A : i32
        %convert_element_type3A_176 = arith.extui %ge3A_175 : i1 to i32
        %cond3A_177 = arith.constant 0 : i32
        %cond3A_178 = arith.cmpi ne, %convert_element_type3A_176, %cond3A_177 : i32
        scf.if %cond3A_178 {
          %dma_wait3A_238 = arith.constant 0 : i32
          %dma_wait3A_239 = arith.constant 0 : i32
          %dma_wait3A_240 = tpu.memref_slice %arg5[%dma_wait3A_238, %dma_wait3A_239] : memref<10000x64xi32, #tpu.memory_space<hbm>> -> memref<25x64xi32, #tpu.memory_space<hbm>>
          %dma_wait3A_241 = arith.constant 0 : i32
          %dma_wait3A_242 = arith.constant 0 : i32
          %dma_wait3A_243 = tpu.memref_slice %arg5[%dma_wait3A_241, %dma_wait3A_242] : memref<10000x64xi32, #tpu.memory_space<hbm>> -> memref<25x64xi32, #tpu.memory_space<hbm>>
          tpu.wait_dma2 semaphore(%arg24 : memref<!tpu.dma_semaphore, #tpu.memory_space<semaphore_mem>>) src(%arg9 : memref<25x64xi32, #tpu.memory_space<vmem>>) dst(%dma_wait3A_243 : memref<25x64xi32, #tpu.memory_space<hbm>>)
        } else {
        }
        %scan3A_179 = arith.constant 0 : i32
        %scan3A_180 = arith.constant 0 : i32
        %scan3A_181 = arith.constant 25 : i32
        %scan3A_182 = arith.addi %scan3A_180, %scan3A_181 : i32
        %scan3A_183 = arith.constant 1 : i32
        %scan3A_184 = scf.for %scan3A_238 = %scan3A_180 to %scan3A_182 step %scan3A_183 iter_args(%scan3A_239 = %scan3A_179) -> (i32)  : i32 {
          %get3A = arith.index_cast %scan3A_238 : i32 to index
          %get3A_240 = arith.constant 0 : index
          %get3A_241 = tpu.vector_load %arg7[%get3A, %get3A_240] {strides = array<i32>} : memref<25x128xf32, #tpu.memory_space<vmem>>, vector<16xf32>,
          %get3A_242 = arith.index_cast %scan3A_238 : i32 to index
          %get3A_243 = arith.constant 64 : index
          %get3A_244 = tpu.vector_load %arg7[%get3A_242, %get3A_243] {strides = array<i32>} : memref<25x128xf32, #tpu.memory_space<vmem>>, vector<16xf32>,
          %pack3A = tpu.pack_subelements %get3A_241, %get3A_244 {pack_format = #tpu.pack_format<interleaved>, positions = array<i32: 0, 1>} : vector<16xf32>, vector<16xf32> -> vector<32xbf16>
          %bitcast3A = vector.bitcast %pack3A : vector<32xbf16> to vector<16xi32>
          %swap3A = arith.index_cast %scan3A_238 : i32 to index
          %swap3A_245 = arith.constant 0 : index
          %swap3A_246 = tpu.vector_load %arg9[%swap3A, %swap3A_245] {strides = array<i32>} : memref<25x64xi32, #tpu.memory_space<vmem>>, vector<16xi32>,
          tpu.vector_store %arg9[%swap3A, %swap3A_245], %bitcast3A {strides = array<i32>} : memref<25x64xi32, #tpu.memory_space<vmem>>, vector<16xi32>,
          %get3A_247 = arith.index_cast %scan3A_238 : i32 to index
          %get3A_248 = arith.constant 16 : index
          %get3A_249 = tpu.vector_load %arg7[%get3A_247, %get3A_248] {strides = array<i32>} : memref<25x128xf32, #tpu.memory_space<vmem>>, vector<16xf32>,
          %get3A_250 = arith.index_cast %scan3A_238 : i32 to index
          %get3A_251 = arith.constant 80 : index
          %get3A_252 = tpu.vector_load %arg7[%get3A_250, %get3A_251] {strides = array<i32>} : memref<25x128xf32, #tpu.memory_space<vmem>>, vector<16xf32>,
          %pack3A_253 = tpu.pack_subelements %get3A_249, %get3A_252 {pack_format = #tpu.pack_format<interleaved>, positions = array<i32: 0, 1>} : vector<16xf32>, vector<16xf32> -> vector<32xbf16>
          %bitcast3A_254 = vector.bitcast %pack3A_253 : vector<32xbf16> to vector<16xi32>
          %swap3A_255 = arith.index_cast %scan3A_238 : i32 to index
          %swap3A_256 = arith.constant 16 : index
          %swap3A_257 = tpu.vector_load %arg9[%swap3A_255, %swap3A_256] {strides = array<i32>} : memref<25x64xi32, #tpu.memory_space<vmem>>, vector<16xi32>,
          tpu.vector_store %arg9[%swap3A_255, %swap3A_256], %bitcast3A_254 {strides = array<i32>} : memref<25x64xi32, #tpu.memory_space<vmem>>, vector<16xi32>,
          %get3A_258 = arith.index_cast %scan3A_238 : i32 to index
          %get3A_259 = arith.constant 32 : index
          %get3A_260 = tpu.vector_load %arg7[%get3A_258, %get3A_259] {strides = array<i32>} : memref<25x128xf32, #tpu.memory_space<vmem>>, vector<16xf32>,
          %get3A_261 = arith.index_cast %scan3A_238 : i32 to index
          %get3A_262 = arith.constant 96 : index
          %get3A_263 = tpu.vector_load %arg7[%get3A_261, %get3A_262] {strides = array<i32>} : memref<25x128xf32, #tpu.memory_space<vmem>>, vector<16xf32>,
          %pack3A_264 = tpu.pack_subelements %get3A_260, %get3A_263 {pack_format = #tpu.pack_format<interleaved>, positions = array<i32: 0, 1>} : vector<16xf32>, vector<16xf32> -> vector<32xbf16>
          %bitcast3A_265 = vector.bitcast %pack3A_264 : vector<32xbf16> to vector<16xi32>
          %swap3A_266 = arith.index_cast %scan3A_238 : i32 to index
          %swap3A_267 = arith.constant 32 : index
          %swap3A_268 = tpu.vector_load %arg9[%swap3A_266, %swap3A_267] {strides = array<i32>} : memref<25x64xi32, #tpu.memory_space<vmem>>, vector<16xi32>,
          tpu.vector_store %arg9[%swap3A_266, %swap3A_267], %bitcast3A_265 {strides = array<i32>} : memref<25x64xi32, #tpu.memory_space<vmem>>, vector<16xi32>,
          %get3A_269 = arith.index_cast %scan3A_238 : i32 to index
          %get3A_270 = arith.constant 48 : index
          %get3A_271 = tpu.vector_load %arg7[%get3A_269, %get3A_270] {strides = array<i32>} : memref<25x128xf32, #tpu.memory_space<vmem>>, vector<16xf32>,
          %get3A_272 = arith.index_cast %scan3A_238 : i32 to index
          %get3A_273 = arith.constant 112 : index
          %get3A_274 = tpu.vector_load %arg7[%get3A_272, %get3A_273] {strides = array<i32>} : memref<25x128xf32, #tpu.memory_space<vmem>>, vector<16xf32>,
          %pack3A_275 = tpu.pack_subelements %get3A_271, %get3A_274 {pack_format = #tpu.pack_format<interleaved>, positions = array<i32: 0, 1>} : vector<16xf32>, vector<16xf32> -> vector<32xbf16>
          %bitcast3A_276 = vector.bitcast %pack3A_275 : vector<32xbf16> to vector<16xi32>
          %swap3A_277 = arith.index_cast %scan3A_238 : i32 to index
          %swap3A_278 = arith.constant 48 : index
          %swap3A_279 = tpu.vector_load %arg9[%swap3A_277, %swap3A_278] {strides = array<i32>} : memref<25x64xi32, #tpu.memory_space<vmem>>, vector<16xi32>,
          tpu.vector_store %arg9[%swap3A_277, %swap3A_278], %bitcast3A_276 {strides = array<i32>} : memref<25x64xi32, #tpu.memory_space<vmem>>, vector<16xi32>,
          %scan3A_280 = arith.constant 0 : i32
          scf.yield %scan3A_280 : i32
        }
        %scan3A_185 = arith.constant 25 : i32
        %mul3A_186 = arith.constant 625 : i32
        %mul3A_187 = arith.muli %arg1, %mul3A_186 : i32
        %mul3A_188 = arith.constant 25 : i32
        %mul3A_189 = arith.muli %add3A_157, %mul3A_188 : i32
        %add3A_190 = arith.addi %mul3A_187, %mul3A_189 : i32
        %dma_start3A_191 = arith.constant 0 : i32
        %dma_start3A_192 = tpu.memref_slice %arg5[%add3A_190, %dma_start3A_191] : memref<10000x64xi32, #tpu.memory_space<hbm>> -> memref<25x64xi32, #tpu.memory_space<hbm>>
        %dma_start3A_193 = arith.constant 0 : i32
        %dma_start3A_194 = tpu.memref_slice %arg5[%add3A_190, %dma_start3A_193] : memref<10000x64xi32, #tpu.memory_space<hbm>> -> memref<25x64xi32, #tpu.memory_space<hbm>>
        tpu.enqueue_dma source(%arg9 : memref<25x64xi32, #tpu.memory_space<vmem>>) target(%dma_start3A_194 : memref<25x64xi32, #tpu.memory_space<hbm>>) target_semaphore(%arg24 : memref<!tpu.dma_semaphore, #tpu.memory_space<semaphore_mem>>)
        %mul3A_195 = arith.constant 2 : i32
        %mul3A_196 = arith.muli %scan3A_152, %mul3A_195 : i32
        %add3A_197 = arith.constant 1 : i32
        %add3A_198 = arith.addi %mul3A_196, %add3A_197 : i32
        %add3A_199 = arith.constant 1 : i32
        %add3A_200 = arith.addi %add3A_198, %add3A_199 : i32
        %mul3A_201 = arith.constant 625 : i32
        %mul3A_202 = arith.muli %arg1, %mul3A_201 : i32
        %mul3A_203 = arith.constant 25 : i32
        %mul3A_204 = arith.muli %add3A_200, %mul3A_203 : i32
        %add3A_205 = arith.addi %mul3A_202, %mul3A_204 : i32
        %dma_start3A_206 = arith.constant 0 : i32
        %dma_start3A_207 = tpu.memref_slice %arg2[%add3A_205, %dma_start3A_206] : memref<10000x128xf32, #tpu.memory_space<hbm>> -> memref<25x128xf32, #tpu.memory_space<hbm>>
        %dma_start3A_208 = arith.constant 0 : i32
        %dma_start3A_209 = tpu.memref_slice %arg2[%add3A_205, %dma_start3A_208] : memref<10000x128xf32, #tpu.memory_space<hbm>> -> memref<25x128xf32, #tpu.memory_space<hbm>>
        tpu.enqueue_dma source(%dma_start3A_209 : memref<25x128xf32, #tpu.memory_space<hbm>>) target(%arg7 : memref<25x128xf32, #tpu.memory_space<vmem>>) target_semaphore(%arg22 : memref<!tpu.dma_semaphore, #tpu.memory_space<semaphore_mem>>)
        %dma_wait3A_210 = arith.constant 0 : i32
        %dma_wait3A_211 = arith.constant 0 : i32
        %dma_wait3A_212 = tpu.memref_slice %arg2[%dma_wait3A_210, %dma_wait3A_211] : memref<10000x128xf32, #tpu.memory_space<hbm>> -> memref<25x128xf32, #tpu.memory_space<hbm>>
        %dma_wait3A_213 = arith.constant 0 : i32
        %dma_wait3A_214 = arith.constant 0 : i32
        %dma_wait3A_215 = tpu.memref_slice %arg2[%dma_wait3A_213, %dma_wait3A_214] : memref<10000x128xf32, #tpu.memory_space<hbm>> -> memref<25x128xf32, #tpu.memory_space<hbm>>
        tpu.wait_dma2 semaphore(%arg23 : memref<!tpu.dma_semaphore, #tpu.memory_space<semaphore_mem>>) src(%dma_wait3A_215 : memref<25x128xf32, #tpu.memory_space<hbm>>) dst(%arg8 : memref<25x128xf32, #tpu.memory_space<vmem>>)
        %ge3A_216 = arith.constant 2 : i32
        %ge3A_217 = arith.cmpi sge, %add3A_198, %ge3A_216 : i32
        %convert_element_type3A_218 = arith.extui %ge3A_217 : i1 to i32
        %cond3A_219 = arith.constant 0 : i32
        %cond3A_220 = arith.cmpi ne, %convert_element_type3A_218, %cond3A_219 : i32
        scf.if %cond3A_220 {
          %dma_wait3A_238 = arith.constant 0 : i32
          %dma_wait3A_239 = arith.constant 0 : i32
          %dma_wait3A_240 = tpu.memref_slice %arg5[%dma_wait3A_238, %dma_wait3A_239] : memref<10000x64xi32, #tpu.memory_space<hbm>> -> memref<25x64xi32, #tpu.memory_space<hbm>>
          %dma_wait3A_241 = arith.constant 0 : i32
          %dma_wait3A_242 = arith.constant 0 : i32
          %dma_wait3A_243 = tpu.memref_slice %arg5[%dma_wait3A_241, %dma_wait3A_242] : memref<10000x64xi32, #tpu.memory_space<hbm>> -> memref<25x64xi32, #tpu.memory_space<hbm>>
          tpu.wait_dma2 semaphore(%arg25 : memref<!tpu.dma_semaphore, #tpu.memory_space<semaphore_mem>>) src(%arg10 : memref<25x64xi32, #tpu.memory_space<vmem>>) dst(%dma_wait3A_243 : memref<25x64xi32, #tpu.memory_space<hbm>>)
        } else {
        }
        %scan3A_221 = arith.constant 0 : i32
        %scan3A_222 = arith.constant 0 : i32
        %scan3A_223 = arith.constant 25 : i32
        %scan3A_224 = arith.addi %scan3A_222, %scan3A_223 : i32
        %scan3A_225 = arith.constant 1 : i32
        %scan3A_226 = scf.for %scan3A_238 = %scan3A_222 to %scan3A_224 step %scan3A_225 iter_args(%scan3A_239 = %scan3A_221) -> (i32)  : i32 {
          %get3A = arith.index_cast %scan3A_238 : i32 to index
          %get3A_240 = arith.constant 0 : index
          %get3A_241 = tpu.vector_load %arg8[%get3A, %get3A_240] {strides = array<i32>} : memref<25x128xf32, #tpu.memory_space<vmem>>, vector<16xf32>,
          %get3A_242 = arith.index_cast %scan3A_238 : i32 to index
          %get3A_243 = arith.constant 64 : index
          %get3A_244 = tpu.vector_load %arg8[%get3A_242, %get3A_243] {strides = array<i32>} : memref<25x128xf32, #tpu.memory_space<vmem>>, vector<16xf32>,
          %pack3A = tpu.pack_subelements %get3A_241, %get3A_244 {pack_format = #tpu.pack_format<interleaved>, positions = array<i32: 0, 1>} : vector<16xf32>, vector<16xf32> -> vector<32xbf16>
          %bitcast3A = vector.bitcast %pack3A : vector<32xbf16> to vector<16xi32>
          %swap3A = arith.index_cast %scan3A_238 : i32 to index
          %swap3A_245 = arith.constant 0 : index
          %swap3A_246 = tpu.vector_load %arg10[%swap3A, %swap3A_245] {strides = array<i32>} : memref<25x64xi32, #tpu.memory_space<vmem>>, vector<16xi32>,
          tpu.vector_store %arg10[%swap3A, %swap3A_245], %bitcast3A {strides = array<i32>} : memref<25x64xi32, #tpu.memory_space<vmem>>, vector<16xi32>,
          %get3A_247 = arith.index_cast %scan3A_238 : i32 to index
          %get3A_248 = arith.constant 16 : index
          %get3A_249 = tpu.vector_load %arg8[%get3A_247, %get3A_248] {strides = array<i32>} : memref<25x128xf32, #tpu.memory_space<vmem>>, vector<16xf32>,
          %get3A_250 = arith.index_cast %scan3A_238 : i32 to index
          %get3A_251 = arith.constant 80 : index
          %get3A_252 = tpu.vector_load %arg8[%get3A_250, %get3A_251] {strides = array<i32>} : memref<25x128xf32, #tpu.memory_space<vmem>>, vector<16xf32>,
          %pack3A_253 = tpu.pack_subelements %get3A_249, %get3A_252 {pack_format = #tpu.pack_format<interleaved>, positions = array<i32: 0, 1>} : vector<16xf32>, vector<16xf32> -> vector<32xbf16>
          %bitcast3A_254 = vector.bitcast %pack3A_253 : vector<32xbf16> to vector<16xi32>
          %swap3A_255 = arith.index_cast %scan3A_238 : i32 to index
          %swap3A_256 = arith.constant 16 : index
          %swap3A_257 = tpu.vector_load %arg10[%swap3A_255, %swap3A_256] {strides = array<i32>} : memref<25x64xi32, #tpu.memory_space<vmem>>, vector<16xi32>,
          tpu.vector_store %arg10[%swap3A_255, %swap3A_256], %bitcast3A_254 {strides = array<i32>} : memref<25x64xi32, #tpu.memory_space<vmem>>, vector<16xi32>,
          %get3A_258 = arith.index_cast %scan3A_238 : i32 to index
          %get3A_259 = arith.constant 32 : index
          %get3A_260 = tpu.vector_load %arg8[%get3A_258, %get3A_259] {strides = array<i32>} : memref<25x128xf32, #tpu.memory_space<vmem>>, vector<16xf32>,
          %get3A_261 = arith.index_cast %scan3A_238 : i32 to index
          %get3A_262 = arith.constant 96 : index
          %get3A_263 = tpu.vector_load %arg8[%get3A_261, %get3A_262] {strides = array<i32>} : memref<25x128xf32, #tpu.memory_space<vmem>>, vector<16xf32>,
          %pack3A_264 = tpu.pack_subelements %get3A_260, %get3A_263 {pack_format = #tpu.pack_format<interleaved>, positions = array<i32: 0, 1>} : vector<16xf32>, vector<16xf32> -> vector<32xbf16>
          %bitcast3A_265 = vector.bitcast %pack3A_264 : vector<32xbf16> to vector<16xi32>
          %swap3A_266 = arith.index_cast %scan3A_238 : i32 to index
          %swap3A_267 = arith.constant 32 : index
          %swap3A_268 = tpu.vector_load %arg10[%swap3A_266, %swap3A_267] {strides = array<i32>} : memref<25x64xi32, #tpu.memory_space<vmem>>, vector<16xi32>,
          tpu.vector_store %arg10[%swap3A_266, %swap3A_267], %bitcast3A_265 {strides = array<i32>} : memref<25x64xi32, #tpu.memory_space<vmem>>, vector<16xi32>,
          %get3A_269 = arith.index_cast %scan3A_238 : i32 to index
          %get3A_270 = arith.constant 48 : index
          %get3A_271 = tpu.vector_load %arg8[%get3A_269, %get3A_270] {strides = array<i32>} : memref<25x128xf32, #tpu.memory_space<vmem>>, vector<16xf32>,
          %get3A_272 = arith.index_cast %scan3A_238 : i32 to index
          %get3A_273 = arith.constant 112 : index
          %get3A_274 = tpu.vector_load %arg8[%get3A_272, %get3A_273] {strides = array<i32>} : memref<25x128xf32, #tpu.memory_space<vmem>>, vector<16xf32>,
          %pack3A_275 = tpu.pack_subelements %get3A_271, %get3A_274 {pack_format = #tpu.pack_format<interleaved>, positions = array<i32: 0, 1>} : vector<16xf32>, vector<16xf32> -> vector<32xbf16>
          %bitcast3A_276 = vector.bitcast %pack3A_275 : vector<32xbf16> to vector<16xi32>
          %swap3A_277 = arith.index_cast %scan3A_238 : i32 to index
          %swap3A_278 = arith.constant 48 : index
          %swap3A_279 = tpu.vector_load %arg10[%swap3A_277, %swap3A_278] {strides = array<i32>} : memref<25x64xi32, #tpu.memory_space<vmem>>, vector<16xi32>,
          tpu.vector_store %arg10[%swap3A_277, %swap3A_278], %bitcast3A_276 {strides = array<i32>} : memref<25x64xi32, #tpu.memory_space<vmem>>, vector<16xi32>,
          %scan3A_280 = arith.constant 0 : i32
          scf.yield %scan3A_280 : i32
        }
        %scan3A_227 = arith.constant 25 : i32
        %mul3A_228 = arith.constant 625 : i32
        %mul3A_229 = arith.muli %arg1, %mul3A_228 : i32
        %mul3A_230 = arith.constant 25 : i32
        %mul3A_231 = arith.muli %add3A_198, %mul3A_230 : i32
        %add3A_232 = arith.addi %mul3A_229, %mul3A_231 : i32
        %dma_start3A_233 = arith.constant 0 : i32
        %dma_start3A_234 = tpu.memref_slice %arg5[%add3A_232, %dma_start3A_233] : memref<10000x64xi32, #tpu.memory_space<hbm>> -> memref<25x64xi32, #tpu.memory_space<hbm>>
        %dma_start3A_235 = arith.constant 0 : i32
        %dma_start3A_236 = tpu.memref_slice %arg5[%add3A_232, %dma_start3A_235] : memref<10000x64xi32, #tpu.memory_space<hbm>> -> memref<25x64xi32, #tpu.memory_space<hbm>>
        tpu.enqueue_dma source(%arg10 : memref<25x64xi32, #tpu.memory_space<vmem>>) target(%dma_start3A_236 : memref<25x64xi32, #tpu.memory_space<hbm>>) target_semaphore(%arg25 : memref<!tpu.dma_semaphore, #tpu.memory_space<semaphore_mem>>)
        %scan3A_237 = arith.constant 0 : i32
        scf.yield %scan3A_237 : i32
      }
      %scan3A_112 = arith.constant 12 : i32
      %dma_wait3A_113 = arith.constant 0 : i32
      %dma_wait3A_114 = arith.constant 0 : i32
      %dma_wait3A_115 = tpu.memref_slice %arg2[%dma_wait3A_113, %dma_wait3A_114] : memref<10000x128xf32, #tpu.memory_space<hbm>> -> memref<25x128xf32, #tpu.memory_space<hbm>>
      %dma_wait3A_116 = arith.constant 0 : i32
      %dma_wait3A_117 = arith.constant 0 : i32
      %dma_wait3A_118 = tpu.memref_slice %arg2[%dma_wait3A_116, %dma_wait3A_117] : memref<10000x128xf32, #tpu.memory_space<hbm>> -> memref<25x128xf32, #tpu.memory_space<hbm>>
      tpu.wait_dma2 semaphore(%arg22 : memref<!tpu.dma_semaphore, #tpu.memory_space<semaphore_mem>>) src(%dma_wait3A_118 : memref<25x128xf32, #tpu.memory_space<hbm>>) dst(%arg7 : memref<25x128xf32, #tpu.memory_space<vmem>>)
      %dma_wait3A_119 = arith.constant 0 : i32
      %dma_wait3A_120 = arith.constant 0 : i32
      %dma_wait3A_121 = tpu.memref_slice %arg5[%dma_wait3A_119, %dma_wait3A_120] : memref<10000x64xi32, #tpu.memory_space<hbm>> -> memref<25x64xi32, #tpu.memory_space<hbm>>
      %dma_wait3A_122 = arith.constant 0 : i32
      %dma_wait3A_123 = arith.constant 0 : i32
      %dma_wait3A_124 = tpu.memref_slice %arg5[%dma_wait3A_122, %dma_wait3A_123] : memref<10000x64xi32, #tpu.memory_space<hbm>> -> memref<25x64xi32, #tpu.memory_space<hbm>>
      tpu.wait_dma2 semaphore(%arg24 : memref<!tpu.dma_semaphore, #tpu.memory_space<semaphore_mem>>) src(%arg9 : memref<25x64xi32, #tpu.memory_space<vmem>>) dst(%dma_wait3A_124 : memref<25x64xi32, #tpu.memory_space<hbm>>)
      %scan3A_125 = arith.constant 0 : i32
      %scan3A_126 = arith.constant 0 : i32
      %scan3A_127 = arith.constant 25 : i32
      %scan3A_128 = arith.addi %scan3A_126, %scan3A_127 : i32
      %scan3A_129 = arith.constant 1 : i32
      %scan3A_130 = scf.for %scan3A_152 = %scan3A_126 to %scan3A_128 step %scan3A_129 iter_args(%scan3A_153 = %scan3A_125) -> (i32)  : i32 {
        %get3A = arith.index_cast %scan3A_152 : i32 to index
        %get3A_154 = arith.constant 0 : index
        %get3A_155 = tpu.vector_load %arg7[%get3A, %get3A_154] {strides = array<i32>} : memref<25x128xf32, #tpu.memory_space<vmem>>, vector<16xf32>,
        %get3A_156 = arith.index_cast %scan3A_152 : i32 to index
        %get3A_157 = arith.constant 64 : index
        %get3A_158 = tpu.vector_load %arg7[%get3A_156, %get3A_157] {strides = array<i32>} : memref<25x128xf32, #tpu.memory_space<vmem>>, vector<16xf32>,
        %pack3A = tpu.pack_subelements %get3A_155, %get3A_158 {pack_format = #tpu.pack_format<interleaved>, positions = array<i32: 0, 1>} : vector<16xf32>, vector<16xf32> -> vector<32xbf16>
        %bitcast3A = vector.bitcast %pack3A : vector<32xbf16> to vector<16xi32>
        %swap3A = arith.index_cast %scan3A_152 : i32 to index
        %swap3A_159 = arith.constant 0 : index
        %swap3A_160 = tpu.vector_load %arg9[%swap3A, %swap3A_159] {strides = array<i32>} : memref<25x64xi32, #tpu.memory_space<vmem>>, vector<16xi32>,
        tpu.vector_store %arg9[%swap3A, %swap3A_159], %bitcast3A {strides = array<i32>} : memref<25x64xi32, #tpu.memory_space<vmem>>, vector<16xi32>,
        %get3A_161 = arith.index_cast %scan3A_152 : i32 to index
        %get3A_162 = arith.constant 16 : index
        %get3A_163 = tpu.vector_load %arg7[%get3A_161, %get3A_162] {strides = array<i32>} : memref<25x128xf32, #tpu.memory_space<vmem>>, vector<16xf32>,
        %get3A_164 = arith.index_cast %scan3A_152 : i32 to index
        %get3A_165 = arith.constant 80 : index
        %get3A_166 = tpu.vector_load %arg7[%get3A_164, %get3A_165] {strides = array<i32>} : memref<25x128xf32, #tpu.memory_space<vmem>>, vector<16xf32>,
        %pack3A_167 = tpu.pack_subelements %get3A_163, %get3A_166 {pack_format = #tpu.pack_format<interleaved>, positions = array<i32: 0, 1>} : vector<16xf32>, vector<16xf32> -> vector<32xbf16>
        %bitcast3A_168 = vector.bitcast %pack3A_167 : vector<32xbf16> to vector<16xi32>
        %swap3A_169 = arith.index_cast %scan3A_152 : i32 to index
        %swap3A_170 = arith.constant 16 : index
        %swap3A_171 = tpu.vector_load %arg9[%swap3A_169, %swap3A_170] {strides = array<i32>} : memref<25x64xi32, #tpu.memory_space<vmem>>, vector<16xi32>,
        tpu.vector_store %arg9[%swap3A_169, %swap3A_170], %bitcast3A_168 {strides = array<i32>} : memref<25x64xi32, #tpu.memory_space<vmem>>, vector<16xi32>,
        %get3A_172 = arith.index_cast %scan3A_152 : i32 to index
        %get3A_173 = arith.constant 32 : index
        %get3A_174 = tpu.vector_load %arg7[%get3A_172, %get3A_173] {strides = array<i32>} : memref<25x128xf32, #tpu.memory_space<vmem>>, vector<16xf32>,
        %get3A_175 = arith.index_cast %scan3A_152 : i32 to index
        %get3A_176 = arith.constant 96 : index
        %get3A_177 = tpu.vector_load %arg7[%get3A_175, %get3A_176] {strides = array<i32>} : memref<25x128xf32, #tpu.memory_space<vmem>>, vector<16xf32>,
        %pack3A_178 = tpu.pack_subelements %get3A_174, %get3A_177 {pack_format = #tpu.pack_format<interleaved>, positions = array<i32: 0, 1>} : vector<16xf32>, vector<16xf32> -> vector<32xbf16>
        %bitcast3A_179 = vector.bitcast %pack3A_178 : vector<32xbf16> to vector<16xi32>
        %swap3A_180 = arith.index_cast %scan3A_152 : i32 to index
        %swap3A_181 = arith.constant 32 : index
        %swap3A_182 = tpu.vector_load %arg9[%swap3A_180, %swap3A_181] {strides = array<i32>} : memref<25x64xi32, #tpu.memory_space<vmem>>, vector<16xi32>,
        tpu.vector_store %arg9[%swap3A_180, %swap3A_181], %bitcast3A_179 {strides = array<i32>} : memref<25x64xi32, #tpu.memory_space<vmem>>, vector<16xi32>,
        %get3A_183 = arith.index_cast %scan3A_152 : i32 to index
        %get3A_184 = arith.constant 48 : index
        %get3A_185 = tpu.vector_load %arg7[%get3A_183, %get3A_184] {strides = array<i32>} : memref<25x128xf32, #tpu.memory_space<vmem>>, vector<16xf32>,
        %get3A_186 = arith.index_cast %scan3A_152 : i32 to index
        %get3A_187 = arith.constant 112 : index
        %get3A_188 = tpu.vector_load %arg7[%get3A_186, %get3A_187] {strides = array<i32>} : memref<25x128xf32, #tpu.memory_space<vmem>>, vector<16xf32>,
        %pack3A_189 = tpu.pack_subelements %get3A_185, %get3A_188 {pack_format = #tpu.pack_format<interleaved>, positions = array<i32: 0, 1>} : vector<16xf32>, vector<16xf32> -> vector<32xbf16>
        %bitcast3A_190 = vector.bitcast %pack3A_189 : vector<32xbf16> to vector<16xi32>
        %swap3A_191 = arith.index_cast %scan3A_152 : i32 to index
        %swap3A_192 = arith.constant 48 : index
        %swap3A_193 = tpu.vector_load %arg9[%swap3A_191, %swap3A_192] {strides = array<i32>} : memref<25x64xi32, #tpu.memory_space<vmem>>, vector<16xi32>,
        tpu.vector_store %arg9[%swap3A_191, %swap3A_192], %bitcast3A_190 {strides = array<i32>} : memref<25x64xi32, #tpu.memory_space<vmem>>, vector<16xi32>,
        %scan3A_194 = arith.constant 0 : i32
        scf.yield %scan3A_194 : i32
      }
      %scan3A_131 = arith.constant 25 : i32
      %mul3A_132 = arith.constant 625 : i32
      %mul3A_133 = arith.muli %arg1, %mul3A_132 : i32
      %add3A_134 = arith.constant 600 : i32
      %add3A_135 = arith.addi %mul3A_133, %add3A_134 : i32
      %dma_start3A_136 = arith.constant 0 : i32
      %dma_start3A_137 = tpu.memref_slice %arg5[%add3A_135, %dma_start3A_136] : memref<10000x64xi32, #tpu.memory_space<hbm>> -> memref<25x64xi32, #tpu.memory_space<hbm>>
      %dma_start3A_138 = arith.constant 0 : i32
      %dma_start3A_139 = tpu.memref_slice %arg5[%add3A_135, %dma_start3A_138] : memref<10000x64xi32, #tpu.memory_space<hbm>> -> memref<25x64xi32, #tpu.memory_space<hbm>>
      tpu.enqueue_dma source(%arg9 : memref<25x64xi32, #tpu.memory_space<vmem>>) target(%dma_start3A_139 : memref<25x64xi32, #tpu.memory_space<hbm>>) target_semaphore(%arg24 : memref<!tpu.dma_semaphore, #tpu.memory_space<semaphore_mem>>)
      %dma_wait3A_140 = arith.constant 0 : i32
      %dma_wait3A_141 = arith.constant 0 : i32
      %dma_wait3A_142 = tpu.memref_slice %arg5[%dma_wait3A_140, %dma_wait3A_141] : memref<10000x64xi32, #tpu.memory_space<hbm>> -> memref<25x64xi32, #tpu.memory_space<hbm>>
      %dma_wait3A_143 = arith.constant 0 : i32
      %dma_wait3A_144 = arith.constant 0 : i32
      %dma_wait3A_145 = tpu.memref_slice %arg5[%dma_wait3A_143, %dma_wait3A_144] : memref<10000x64xi32, #tpu.memory_space<hbm>> -> memref<25x64xi32, #tpu.memory_space<hbm>>
      tpu.wait_dma2 semaphore(%arg24 : memref<!tpu.dma_semaphore, #tpu.memory_space<semaphore_mem>>) src(%arg9 : memref<25x64xi32, #tpu.memory_space<vmem>>) dst(%dma_wait3A_145 : memref<25x64xi32, #tpu.memory_space<hbm>>)
      %dma_wait3A_146 = arith.constant 0 : i32
      %dma_wait3A_147 = arith.constant 0 : i32
      %dma_wait3A_148 = tpu.memref_slice %arg5[%dma_wait3A_146, %dma_wait3A_147] : memref<10000x64xi32, #tpu.memory_space<hbm>> -> memref<25x64xi32, #tpu.memory_space<hbm>>
      %dma_wait3A_149 = arith.constant 0 : i32
      %dma_wait3A_150 = arith.constant 0 : i32
      %dma_wait3A_151 = tpu.memref_slice %arg5[%dma_wait3A_149, %dma_wait3A_150] : memref<10000x64xi32, #tpu.memory_space<hbm>> -> memref<25x64xi32, #tpu.memory_space<hbm>>
      tpu.wait_dma2 semaphore(%arg25 : memref<!tpu.dma_semaphore, #tpu.memory_space<semaphore_mem>>) src(%arg10 : memref<25x64xi32, #tpu.memory_space<vmem>>) dst(%dma_wait3A_151 : memref<25x64xi32, #tpu.memory_space<hbm>>)
    } else {
    }
    %eq3A_10 = arith.constant 1 : i32
    %eq3A_11 = arith.cmpi eq, %arg0, %eq3A_10 : i32
    %convert_element_type3A_12 = arith.extui %eq3A_11 : i1 to i32
    %cond3A_13 = arith.constant 0 : i32
    %cond3A_14 = arith.cmpi ne, %convert_element_type3A_12, %cond3A_13 : i32
    scf.if %cond3A_14 {
      %mul3A_98 = arith.constant 625 : i32
      %mul3A_99 = arith.muli %arg1, %mul3A_98 : i32
      %add3A_100 = arith.constant 0 : i32
      %add3A_101 = arith.addi %mul3A_99, %add3A_100 : i32
      %dma_start3A_102 = arith.constant 0 : i32
      %dma_start3A_103 = tpu.memref_slice %arg2[%add3A_101, %dma_start3A_102] : memref<10000x128xf32, #tpu.memory_space<hbm>> -> memref<25x128xf32, #tpu.memory_space<hbm>>
      %dma_start3A_104 = arith.constant 0 : i32
      %dma_start3A_105 = tpu.memref_slice %arg2[%add3A_101, %dma_start3A_104] : memref<10000x128xf32, #tpu.memory_space<hbm>> -> memref<25x128xf32, #tpu.memory_space<hbm>>
      tpu.enqueue_dma source(%dma_start3A_105 : memref<25x128xf32, #tpu.memory_space<hbm>>) target(%arg7 : memref<25x128xf32, #tpu.memory_space<vmem>>) target_semaphore(%arg22 : memref<!tpu.dma_semaphore, #tpu.memory_space<semaphore_mem>>)
      %scan3A_106 = arith.constant 0 : i32
      %scan3A_107 = arith.constant 0 : i32
      %scan3A_108 = arith.constant 12 : i32
      %scan3A_109 = arith.addi %scan3A_107, %scan3A_108 : i32
      %scan3A_110 = arith.constant 1 : i32
      %scan3A_111 = scf.for %scan3A_152 = %scan3A_107 to %scan3A_109 step %scan3A_110 iter_args(%scan3A_153 = %scan3A_106) -> (i32)  : i32 {
        %mul3A_154 = arith.constant 2 : i32
        %mul3A_155 = arith.muli %scan3A_152, %mul3A_154 : i32
        %add3A_156 = arith.constant 0 : i32
        %add3A_157 = arith.addi %mul3A_155, %add3A_156 : i32
        %add3A_158 = arith.constant 1 : i32
        %add3A_159 = arith.addi %add3A_157, %add3A_158 : i32
        %mul3A_160 = arith.constant 625 : i32
        %mul3A_161 = arith.muli %arg1, %mul3A_160 : i32
        %mul3A_162 = arith.constant 25 : i32
        %mul3A_163 = arith.muli %add3A_159, %mul3A_162 : i32
        %add3A_164 = arith.addi %mul3A_161, %mul3A_163 : i32
        %dma_start3A_165 = arith.constant 0 : i32
        %dma_start3A_166 = tpu.memref_slice %arg2[%add3A_164, %dma_start3A_165] : memref<10000x128xf32, #tpu.memory_space<hbm>> -> memref<25x128xf32, #tpu.memory_space<hbm>>
        %dma_start3A_167 = arith.constant 0 : i32
        %dma_start3A_168 = tpu.memref_slice %arg2[%add3A_164, %dma_start3A_167] : memref<10000x128xf32, #tpu.memory_space<hbm>> -> memref<25x128xf32, #tpu.memory_space<hbm>>
        tpu.enqueue_dma source(%dma_start3A_168 : memref<25x128xf32, #tpu.memory_space<hbm>>) target(%arg8 : memref<25x128xf32, #tpu.memory_space<vmem>>) target_semaphore(%arg23 : memref<!tpu.dma_semaphore, #tpu.memory_space<semaphore_mem>>)
        %dma_wait3A_169 = arith.constant 0 : i32
        %dma_wait3A_170 = arith.constant 0 : i32
        %dma_wait3A_171 = tpu.memref_slice %arg2[%dma_wait3A_169, %dma_wait3A_170] : memref<10000x128xf32, #tpu.memory_space<hbm>> -> memref<25x128xf32, #tpu.memory_space<hbm>>
        %dma_wait3A_172 = arith.constant 0 : i32
        %dma_wait3A_173 = arith.constant 0 : i32
        %dma_wait3A_174 = tpu.memref_slice %arg2[%dma_wait3A_172, %dma_wait3A_173] : memref<10000x128xf32, #tpu.memory_space<hbm>> -> memref<25x128xf32, #tpu.memory_space<hbm>>
        tpu.wait_dma2 semaphore(%arg22 : memref<!tpu.dma_semaphore, #tpu.memory_space<semaphore_mem>>) src(%dma_wait3A_174 : memref<25x128xf32, #tpu.memory_space<hbm>>) dst(%arg7 : memref<25x128xf32, #tpu.memory_space<vmem>>)
        %ge3A = arith.constant 2 : i32
        %ge3A_175 = arith.cmpi sge, %add3A_157, %ge3A : i32
        %convert_element_type3A_176 = arith.extui %ge3A_175 : i1 to i32
        %cond3A_177 = arith.constant 0 : i32
        %cond3A_178 = arith.cmpi ne, %convert_element_type3A_176, %cond3A_177 : i32
        scf.if %cond3A_178 {
          %dma_wait3A_238 = arith.constant 0 : i32
          %dma_wait3A_239 = arith.constant 0 : i32
          %dma_wait3A_240 = tpu.memref_slice %arg6[%dma_wait3A_238, %dma_wait3A_239] : memref<10000x64xi32, #tpu.memory_space<hbm>> -> memref<25x64xi32, #tpu.memory_space<hbm>>
          %dma_wait3A_241 = arith.constant 0 : i32
          %dma_wait3A_242 = arith.constant 0 : i32
          %dma_wait3A_243 = tpu.memref_slice %arg6[%dma_wait3A_241, %dma_wait3A_242] : memref<10000x64xi32, #tpu.memory_space<hbm>> -> memref<25x64xi32, #tpu.memory_space<hbm>>
          tpu.wait_dma2 semaphore(%arg24 : memref<!tpu.dma_semaphore, #tpu.memory_space<semaphore_mem>>) src(%arg9 : memref<25x64xi32, #tpu.memory_space<vmem>>) dst(%dma_wait3A_243 : memref<25x64xi32, #tpu.memory_space<hbm>>)
        } else {
        }
        %scan3A_179 = arith.constant 0 : i32
        %scan3A_180 = arith.constant 0 : i32
        %scan3A_181 = arith.constant 25 : i32
        %scan3A_182 = arith.addi %scan3A_180, %scan3A_181 : i32
        %scan3A_183 = arith.constant 1 : i32
        %scan3A_184 = scf.for %scan3A_238 = %scan3A_180 to %scan3A_182 step %scan3A_183 iter_args(%scan3A_239 = %scan3A_179) -> (i32)  : i32 {
          %get3A = arith.index_cast %scan3A_238 : i32 to index
          %get3A_240 = arith.constant 0 : index
          %get3A_241 = tpu.vector_load %arg7[%get3A, %get3A_240] {strides = array<i32>} : memref<25x128xf32, #tpu.memory_space<vmem>>, vector<16xf32>,
          %get3A_242 = arith.index_cast %scan3A_238 : i32 to index
          %get3A_243 = arith.constant 64 : index
          %get3A_244 = tpu.vector_load %arg7[%get3A_242, %get3A_243] {strides = array<i32>} : memref<25x128xf32, #tpu.memory_space<vmem>>, vector<16xf32>,
          %pack3A = tpu.pack_subelements %get3A_241, %get3A_244 {pack_format = #tpu.pack_format<interleaved>, positions = array<i32: 0, 1>} : vector<16xf32>, vector<16xf32> -> vector<32xbf16>
          %bitcast3A = vector.bitcast %pack3A : vector<32xbf16> to vector<16xi32>
          %swap3A = arith.index_cast %scan3A_238 : i32 to index
          %swap3A_245 = arith.constant 0 : index
          %swap3A_246 = tpu.vector_load %arg9[%swap3A, %swap3A_245] {strides = array<i32>} : memref<25x64xi32, #tpu.memory_space<vmem>>, vector<16xi32>,
          tpu.vector_store %arg9[%swap3A, %swap3A_245], %bitcast3A {strides = array<i32>} : memref<25x64xi32, #tpu.memory_space<vmem>>, vector<16xi32>,
          %get3A_247 = arith.index_cast %scan3A_238 : i32 to index
          %get3A_248 = arith.constant 16 : index
          %get3A_249 = tpu.vector_load %arg7[%get3A_247, %get3A_248] {strides = array<i32>} : memref<25x128xf32, #tpu.memory_space<vmem>>, vector<16xf32>,
          %get3A_250 = arith.index_cast %scan3A_238 : i32 to index
          %get3A_251 = arith.constant 80 : index
          %get3A_252 = tpu.vector_load %arg7[%get3A_250, %get3A_251] {strides = array<i32>} : memref<25x128xf32, #tpu.memory_space<vmem>>, vector<16xf32>,
          %pack3A_253 = tpu.pack_subelements %get3A_249, %get3A_252 {pack_format = #tpu.pack_format<interleaved>, positions = array<i32: 0, 1>} : vector<16xf32>, vector<16xf32> -> vector<32xbf16>
          %bitcast3A_254 = vector.bitcast %pack3A_253 : vector<32xbf16> to vector<16xi32>
          %swap3A_255 = arith.index_cast %scan3A_238 : i32 to index
          %swap3A_256 = arith.constant 16 : index
          %swap3A_257 = tpu.vector_load %arg9[%swap3A_255, %swap3A_256] {strides = array<i32>} : memref<25x64xi32, #tpu.memory_space<vmem>>, vector<16xi32>,
          tpu.vector_store %arg9[%swap3A_255, %swap3A_256], %bitcast3A_254 {strides = array<i32>} : memref<25x64xi32, #tpu.memory_space<vmem>>, vector<16xi32>,
          %get3A_258 = arith.index_cast %scan3A_238 : i32 to index
          %get3A_259 = arith.constant 32 : index
          %get3A_260 = tpu.vector_load %arg7[%get3A_258, %get3A_259] {strides = array<i32>} : memref<25x128xf32, #tpu.memory_space<vmem>>, vector<16xf32>,
          %get3A_261 = arith.index_cast %scan3A_238 : i32 to index
          %get3A_262 = arith.constant 96 : index
          %get3A_263 = tpu.vector_load %arg7[%get3A_261, %get3A_262] {strides = array<i32>} : memref<25x128xf32, #tpu.memory_space<vmem>>, vector<16xf32>,
          %pack3A_264 = tpu.pack_subelements %get3A_260, %get3A_263 {pack_format = #tpu.pack_format<interleaved>, positions = array<i32: 0, 1>} : vector<16xf32>, vector<16xf32> -> vector<32xbf16>
          %bitcast3A_265 = vector.bitcast %pack3A_264 : vector<32xbf16> to vector<16xi32>
          %swap3A_266 = arith.index_cast %scan3A_238 : i32 to index
          %swap3A_267 = arith.constant 32 : index
          %swap3A_268 = tpu.vector_load %arg9[%swap3A_266, %swap3A_267] {strides = array<i32>} : memref<25x64xi32, #tpu.memory_space<vmem>>, vector<16xi32>,
          tpu.vector_store %arg9[%swap3A_266, %swap3A_267], %bitcast3A_265 {strides = array<i32>} : memref<25x64xi32, #tpu.memory_space<vmem>>, vector<16xi32>,
          %get3A_269 = arith.index_cast %scan3A_238 : i32 to index
          %get3A_270 = arith.constant 48 : index
          %get3A_271 = tpu.vector_load %arg7[%get3A_269, %get3A_270] {strides = array<i32>} : memref<25x128xf32, #tpu.memory_space<vmem>>, vector<16xf32>,
          %get3A_272 = arith.index_cast %scan3A_238 : i32 to index
          %get3A_273 = arith.constant 112 : index
          %get3A_274 = tpu.vector_load %arg7[%get3A_272, %get3A_273] {strides = array<i32>} : memref<25x128xf32, #tpu.memory_space<vmem>>, vector<16xf32>,
          %pack3A_275 = tpu.pack_subelements %get3A_271, %get3A_274 {pack_format = #tpu.pack_format<interleaved>, positions = array<i32: 0, 1>} : vector<16xf32>, vector<16xf32> -> vector<32xbf16>
          %bitcast3A_276 = vector.bitcast %pack3A_275 : vector<32xbf16> to vector<16xi32>
          %swap3A_277 = arith.index_cast %scan3A_238 : i32 to index
          %swap3A_278 = arith.constant 48 : index
          %swap3A_279 = tpu.vector_load %arg9[%swap3A_277, %swap3A_278] {strides = array<i32>} : memref<25x64xi32, #tpu.memory_space<vmem>>, vector<16xi32>,
          tpu.vector_store %arg9[%swap3A_277, %swap3A_278], %bitcast3A_276 {strides = array<i32>} : memref<25x64xi32, #tpu.memory_space<vmem>>, vector<16xi32>,
          %scan3A_280 = arith.constant 0 : i32
          scf.yield %scan3A_280 : i32
        }
        %scan3A_185 = arith.constant 25 : i32
        %mul3A_186 = arith.constant 625 : i32
        %mul3A_187 = arith.muli %arg1, %mul3A_186 : i32
        %mul3A_188 = arith.constant 25 : i32
        %mul3A_189 = arith.muli %add3A_157, %mul3A_188 : i32
        %add3A_190 = arith.addi %mul3A_187, %mul3A_189 : i32
        %dma_start3A_191 = arith.constant 0 : i32
        %dma_start3A_192 = tpu.memref_slice %arg6[%add3A_190, %dma_start3A_191] : memref<10000x64xi32, #tpu.memory_space<hbm>> -> memref<25x64xi32, #tpu.memory_space<hbm>>
        %dma_start3A_193 = arith.constant 0 : i32
        %dma_start3A_194 = tpu.memref_slice %arg6[%add3A_190, %dma_start3A_193] : memref<10000x64xi32, #tpu.memory_space<hbm>> -> memref<25x64xi32, #tpu.memory_space<hbm>>
        tpu.enqueue_dma source(%arg9 : memref<25x64xi32, #tpu.memory_space<vmem>>) target(%dma_start3A_194 : memref<25x64xi32, #tpu.memory_space<hbm>>) target_semaphore(%arg24 : memref<!tpu.dma_semaphore, #tpu.memory_space<semaphore_mem>>)
        %mul3A_195 = arith.constant 2 : i32
        %mul3A_196 = arith.muli %scan3A_152, %mul3A_195 : i32
        %add3A_197 = arith.constant 1 : i32
        %add3A_198 = arith.addi %mul3A_196, %add3A_197 : i32
        %add3A_199 = arith.constant 1 : i32
        %add3A_200 = arith.addi %add3A_198, %add3A_199 : i32
        %mul3A_201 = arith.constant 625 : i32
        %mul3A_202 = arith.muli %arg1, %mul3A_201 : i32
        %mul3A_203 = arith.constant 25 : i32
        %mul3A_204 = arith.muli %add3A_200, %mul3A_203 : i32
        %add3A_205 = arith.addi %mul3A_202, %mul3A_204 : i32
        %dma_start3A_206 = arith.constant 0 : i32
        %dma_start3A_207 = tpu.memref_slice %arg2[%add3A_205, %dma_start3A_206] : memref<10000x128xf32, #tpu.memory_space<hbm>> -> memref<25x128xf32, #tpu.memory_space<hbm>>
        %dma_start3A_208 = arith.constant 0 : i32
        %dma_start3A_209 = tpu.memref_slice %arg2[%add3A_205, %dma_start3A_208] : memref<10000x128xf32, #tpu.memory_space<hbm>> -> memref<25x128xf32, #tpu.memory_space<hbm>>
        tpu.enqueue_dma source(%dma_start3A_209 : memref<25x128xf32, #tpu.memory_space<hbm>>) target(%arg7 : memref<25x128xf32, #tpu.memory_space<vmem>>) target_semaphore(%arg22 : memref<!tpu.dma_semaphore, #tpu.memory_space<semaphore_mem>>)
        %dma_wait3A_210 = arith.constant 0 : i32
        %dma_wait3A_211 = arith.constant 0 : i32
        %dma_wait3A_212 = tpu.memref_slice %arg2[%dma_wait3A_210, %dma_wait3A_211] : memref<10000x128xf32, #tpu.memory_space<hbm>> -> memref<25x128xf32, #tpu.memory_space<hbm>>
        %dma_wait3A_213 = arith.constant 0 : i32
        %dma_wait3A_214 = arith.constant 0 : i32
        %dma_wait3A_215 = tpu.memref_slice %arg2[%dma_wait3A_213, %dma_wait3A_214] : memref<10000x128xf32, #tpu.memory_space<hbm>> -> memref<25x128xf32, #tpu.memory_space<hbm>>
        tpu.wait_dma2 semaphore(%arg23 : memref<!tpu.dma_semaphore, #tpu.memory_space<semaphore_mem>>) src(%dma_wait3A_215 : memref<25x128xf32, #tpu.memory_space<hbm>>) dst(%arg8 : memref<25x128xf32, #tpu.memory_space<vmem>>)
        %ge3A_216 = arith.constant 2 : i32
        %ge3A_217 = arith.cmpi sge, %add3A_198, %ge3A_216 : i32
        %convert_element_type3A_218 = arith.extui %ge3A_217 : i1 to i32
        %cond3A_219 = arith.constant 0 : i32
        %cond3A_220 = arith.cmpi ne, %convert_element_type3A_218, %cond3A_219 : i32
        scf.if %cond3A_220 {
          %dma_wait3A_238 = arith.constant 0 : i32
          %dma_wait3A_239 = arith.constant 0 : i32
          %dma_wait3A_240 = tpu.memref_slice %arg6[%dma_wait3A_238, %dma_wait3A_239] : memref<10000x64xi32, #tpu.memory_space<hbm>> -> memref<25x64xi32, #tpu.memory_space<hbm>>
          %dma_wait3A_241 = arith.constant 0 : i32
          %dma_wait3A_242 = arith.constant 0 : i32
          %dma_wait3A_243 = tpu.memref_slice %arg6[%dma_wait3A_241, %dma_wait3A_242] : memref<10000x64xi32, #tpu.memory_space<hbm>> -> memref<25x64xi32, #tpu.memory_space<hbm>>
          tpu.wait_dma2 semaphore(%arg25 : memref<!tpu.dma_semaphore, #tpu.memory_space<semaphore_mem>>) src(%arg10 : memref<25x64xi32, #tpu.memory_space<vmem>>) dst(%dma_wait3A_243 : memref<25x64xi32, #tpu.memory_space<hbm>>)
        } else {
        }
        %scan3A_221 = arith.constant 0 : i32
        %scan3A_222 = arith.constant 0 : i32
        %scan3A_223 = arith.constant 25 : i32
        %scan3A_224 = arith.addi %scan3A_222, %scan3A_223 : i32
        %scan3A_225 = arith.constant 1 : i32
        %scan3A_226 = scf.for %scan3A_238 = %scan3A_222 to %scan3A_224 step %scan3A_225 iter_args(%scan3A_239 = %scan3A_221) -> (i32)  : i32 {
          %get3A = arith.index_cast %scan3A_238 : i32 to index
          %get3A_240 = arith.constant 0 : index
          %get3A_241 = tpu.vector_load %arg8[%get3A, %get3A_240] {strides = array<i32>} : memref<25x128xf32, #tpu.memory_space<vmem>>, vector<16xf32>,
          %get3A_242 = arith.index_cast %scan3A_238 : i32 to index
          %get3A_243 = arith.constant 64 : index
          %get3A_244 = tpu.vector_load %arg8[%get3A_242, %get3A_243] {strides = array<i32>} : memref<25x128xf32, #tpu.memory_space<vmem>>, vector<16xf32>,
          %pack3A = tpu.pack_subelements %get3A_241, %get3A_244 {pack_format = #tpu.pack_format<interleaved>, positions = array<i32: 0, 1>} : vector<16xf32>, vector<16xf32> -> vector<32xbf16>
          %bitcast3A = vector.bitcast %pack3A : vector<32xbf16> to vector<16xi32>
          %swap3A = arith.index_cast %scan3A_238 : i32 to index
          %swap3A_245 = arith.constant 0 : index
          %swap3A_246 = tpu.vector_load %arg10[%swap3A, %swap3A_245] {strides = array<i32>} : memref<25x64xi32, #tpu.memory_space<vmem>>, vector<16xi32>,
          tpu.vector_store %arg10[%swap3A, %swap3A_245], %bitcast3A {strides = array<i32>} : memref<25x64xi32, #tpu.memory_space<vmem>>, vector<16xi32>,
          %get3A_247 = arith.index_cast %scan3A_238 : i32 to index
          %get3A_248 = arith.constant 16 : index
          %get3A_249 = tpu.vector_load %arg8[%get3A_247, %get3A_248] {strides = array<i32>} : memref<25x128xf32, #tpu.memory_space<vmem>>, vector<16xf32>,
          %get3A_250 = arith.index_cast %scan3A_238 : i32 to index
          %get3A_251 = arith.constant 80 : index
          %get3A_252 = tpu.vector_load %arg8[%get3A_250, %get3A_251] {strides = array<i32>} : memref<25x128xf32, #tpu.memory_space<vmem>>, vector<16xf32>,
          %pack3A_253 = tpu.pack_subelements %get3A_249, %get3A_252 {pack_format = #tpu.pack_format<interleaved>, positions = array<i32: 0, 1>} : vector<16xf32>, vector<16xf32> -> vector<32xbf16>
          %bitcast3A_254 = vector.bitcast %pack3A_253 : vector<32xbf16> to vector<16xi32>
          %swap3A_255 = arith.index_cast %scan3A_238 : i32 to index
          %swap3A_256 = arith.constant 16 : index
          %swap3A_257 = tpu.vector_load %arg10[%swap3A_255, %swap3A_256] {strides = array<i32>} : memref<25x64xi32, #tpu.memory_space<vmem>>, vector<16xi32>,
          tpu.vector_store %arg10[%swap3A_255, %swap3A_256], %bitcast3A_254 {strides = array<i32>} : memref<25x64xi32, #tpu.memory_space<vmem>>, vector<16xi32>,
          %get3A_258 = arith.index_cast %scan3A_238 : i32 to index
          %get3A_259 = arith.constant 32 : index
          %get3A_260 = tpu.vector_load %arg8[%get3A_258, %get3A_259] {strides = array<i32>} : memref<25x128xf32, #tpu.memory_space<vmem>>, vector<16xf32>,
          %get3A_261 = arith.index_cast %scan3A_238 : i32 to index
          %get3A_262 = arith.constant 96 : index
          %get3A_263 = tpu.vector_load %arg8[%get3A_261, %get3A_262] {strides = array<i32>} : memref<25x128xf32, #tpu.memory_space<vmem>>, vector<16xf32>,
          %pack3A_264 = tpu.pack_subelements %get3A_260, %get3A_263 {pack_format = #tpu.pack_format<interleaved>, positions = array<i32: 0, 1>} : vector<16xf32>, vector<16xf32> -> vector<32xbf16>
          %bitcast3A_265 = vector.bitcast %pack3A_264 : vector<32xbf16> to vector<16xi32>
          %swap3A_266 = arith.index_cast %scan3A_238 : i32 to index
          %swap3A_267 = arith.constant 32 : index
          %swap3A_268 = tpu.vector_load %arg10[%swap3A_266, %swap3A_267] {strides = array<i32>} : memref<25x64xi32, #tpu.memory_space<vmem>>, vector<16xi32>,
          tpu.vector_store %arg10[%swap3A_266, %swap3A_267], %bitcast3A_265 {strides = array<i32>} : memref<25x64xi32, #tpu.memory_space<vmem>>, vector<16xi32>,
          %get3A_269 = arith.index_cast %scan3A_238 : i32 to index
          %get3A_270 = arith.constant 48 : index
          %get3A_271 = tpu.vector_load %arg8[%get3A_269, %get3A_270] {strides = array<i32>} : memref<25x128xf32, #tpu.memory_space<vmem>>, vector<16xf32>,
          %get3A_272 = arith.index_cast %scan3A_238 : i32 to index
          %get3A_273 = arith.constant 112 : index
          %get3A_274 = tpu.vector_load %arg8[%get3A_272, %get3A_273] {strides = array<i32>} : memref<25x128xf32, #tpu.memory_space<vmem>>, vector<16xf32>,
          %pack3A_275 = tpu.pack_subelements %get3A_271, %get3A_274 {pack_format = #tpu.pack_format<interleaved>, positions = array<i32: 0, 1>} : vector<16xf32>, vector<16xf32> -> vector<32xbf16>
          %bitcast3A_276 = vector.bitcast %pack3A_275 : vector<32xbf16> to vector<16xi32>
          %swap3A_277 = arith.index_cast %scan3A_238 : i32 to index
          %swap3A_278 = arith.constant 48 : index
          %swap3A_279 = tpu.vector_load %arg10[%swap3A_277, %swap3A_278] {strides = array<i32>} : memref<25x64xi32, #tpu.memory_space<vmem>>, vector<16xi32>,
          tpu.vector_store %arg10[%swap3A_277, %swap3A_278], %bitcast3A_276 {strides = array<i32>} : memref<25x64xi32, #tpu.memory_space<vmem>>, vector<16xi32>,
          %scan3A_280 = arith.constant 0 : i32
          scf.yield %scan3A_280 : i32
        }
        %scan3A_227 = arith.constant 25 : i32
        %mul3A_228 = arith.constant 625 : i32
        %mul3A_229 = arith.muli %arg1, %mul3A_228 : i32
        %mul3A_230 = arith.constant 25 : i32
        %mul3A_231 = arith.muli %add3A_198, %mul3A_230 : i32
        %add3A_232 = arith.addi %mul3A_229, %mul3A_231 : i32
        %dma_start3A_233 = arith.constant 0 : i32
        %dma_start3A_234 = tpu.memref_slice %arg6[%add3A_232, %dma_start3A_233] : memref<10000x64xi32, #tpu.memory_space<hbm>> -> memref<25x64xi32, #tpu.memory_space<hbm>>
        %dma_start3A_235 = arith.constant 0 : i32
        %dma_start3A_236 = tpu.memref_slice %arg6[%add3A_232, %dma_start3A_235] : memref<10000x64xi32, #tpu.memory_space<hbm>> -> memref<25x64xi32, #tpu.memory_space<hbm>>
        tpu.enqueue_dma source(%arg10 : memref<25x64xi32, #tpu.memory_space<vmem>>) target(%dma_start3A_236 : memref<25x64xi32, #tpu.memory_space<hbm>>) target_semaphore(%arg25 : memref<!tpu.dma_semaphore, #tpu.memory_space<semaphore_mem>>)
        %scan3A_237 = arith.constant 0 : i32
        scf.yield %scan3A_237 : i32
      }
      %scan3A_112 = arith.constant 12 : i32
      %dma_wait3A_113 = arith.constant 0 : i32
      %dma_wait3A_114 = arith.constant 0 : i32
      %dma_wait3A_115 = tpu.memref_slice %arg2[%dma_wait3A_113, %dma_wait3A_114] : memref<10000x128xf32, #tpu.memory_space<hbm>> -> memref<25x128xf32, #tpu.memory_space<hbm>>
      %dma_wait3A_116 = arith.constant 0 : i32
      %dma_wait3A_117 = arith.constant 0 : i32
      %dma_wait3A_118 = tpu.memref_slice %arg2[%dma_wait3A_116, %dma_wait3A_117] : memref<10000x128xf32, #tpu.memory_space<hbm>> -> memref<25x128xf32, #tpu.memory_space<hbm>>
      tpu.wait_dma2 semaphore(%arg22 : memref<!tpu.dma_semaphore, #tpu.memory_space<semaphore_mem>>) src(%dma_wait3A_118 : memref<25x128xf32, #tpu.memory_space<hbm>>) dst(%arg7 : memref<25x128xf32, #tpu.memory_space<vmem>>)
      %dma_wait3A_119 = arith.constant 0 : i32
      %dma_wait3A_120 = arith.constant 0 : i32
      %dma_wait3A_121 = tpu.memref_slice %arg6[%dma_wait3A_119, %dma_wait3A_120] : memref<10000x64xi32, #tpu.memory_space<hbm>> -> memref<25x64xi32, #tpu.memory_space<hbm>>
      %dma_wait3A_122 = arith.constant 0 : i32
      %dma_wait3A_123 = arith.constant 0 : i32
      %dma_wait3A_124 = tpu.memref_slice %arg6[%dma_wait3A_122, %dma_wait3A_123] : memref<10000x64xi32, #tpu.memory_space<hbm>> -> memref<25x64xi32, #tpu.memory_space<hbm>>
      tpu.wait_dma2 semaphore(%arg24 : memref<!tpu.dma_semaphore, #tpu.memory_space<semaphore_mem>>) src(%arg9 : memref<25x64xi32, #tpu.memory_space<vmem>>) dst(%dma_wait3A_124 : memref<25x64xi32, #tpu.memory_space<hbm>>)
      %scan3A_125 = arith.constant 0 : i32
      %scan3A_126 = arith.constant 0 : i32
      %scan3A_127 = arith.constant 25 : i32
      %scan3A_128 = arith.addi %scan3A_126, %scan3A_127 : i32
      %scan3A_129 = arith.constant 1 : i32
      %scan3A_130 = scf.for %scan3A_152 = %scan3A_126 to %scan3A_128 step %scan3A_129 iter_args(%scan3A_153 = %scan3A_125) -> (i32)  : i32 {
        %get3A = arith.index_cast %scan3A_152 : i32 to index
        %get3A_154 = arith.constant 0 : index
        %get3A_155 = tpu.vector_load %arg7[%get3A, %get3A_154] {strides = array<i32>} : memref<25x128xf32, #tpu.memory_space<vmem>>, vector<16xf32>,
        %get3A_156 = arith.index_cast %scan3A_152 : i32 to index
        %get3A_157 = arith.constant 64 : index
        %get3A_158 = tpu.vector_load %arg7[%get3A_156, %get3A_157] {strides = array<i32>} : memref<25x128xf32, #tpu.memory_space<vmem>>, vector<16xf32>,
        %pack3A = tpu.pack_subelements %get3A_155, %get3A_158 {pack_format = #tpu.pack_format<interleaved>, positions = array<i32: 0, 1>} : vector<16xf32>, vector<16xf32> -> vector<32xbf16>
        %bitcast3A = vector.bitcast %pack3A : vector<32xbf16> to vector<16xi32>
        %swap3A = arith.index_cast %scan3A_152 : i32 to index
        %swap3A_159 = arith.constant 0 : index
        %swap3A_160 = tpu.vector_load %arg9[%swap3A, %swap3A_159] {strides = array<i32>} : memref<25x64xi32, #tpu.memory_space<vmem>>, vector<16xi32>,
        tpu.vector_store %arg9[%swap3A, %swap3A_159], %bitcast3A {strides = array<i32>} : memref<25x64xi32, #tpu.memory_space<vmem>>, vector<16xi32>,
        %get3A_161 = arith.index_cast %scan3A_152 : i32 to index
        %get3A_162 = arith.constant 16 : index
        %get3A_163 = tpu.vector_load %arg7[%get3A_161, %get3A_162] {strides = array<i32>} : memref<25x128xf32, #tpu.memory_space<vmem>>, vector<16xf32>,
        %get3A_164 = arith.index_cast %scan3A_152 : i32 to index
        %get3A_165 = arith.constant 80 : index
        %get3A_166 = tpu.vector_load %arg7[%get3A_164, %get3A_165] {strides = array<i32>} : memref<25x128xf32, #tpu.memory_space<vmem>>, vector<16xf32>,
        %pack3A_167 = tpu.pack_subelements %get3A_163, %get3A_166 {pack_format = #tpu.pack_format<interleaved>, positions = array<i32: 0, 1>} : vector<16xf32>, vector<16xf32> -> vector<32xbf16>
        %bitcast3A_168 = vector.bitcast %pack3A_167 : vector<32xbf16> to vector<16xi32>
        %swap3A_169 = arith.index_cast %scan3A_152 : i32 to index
        %swap3A_170 = arith.constant 16 : index
        %swap3A_171 = tpu.vector_load %arg9[%swap3A_169, %swap3A_170] {strides = array<i32>} : memref<25x64xi32, #tpu.memory_space<vmem>>, vector<16xi32>,
        tpu.vector_store %arg9[%swap3A_169, %swap3A_170], %bitcast3A_168 {strides = array<i32>} : memref<25x64xi32, #tpu.memory_space<vmem>>, vector<16xi32>,
        %get3A_172 = arith.index_cast %scan3A_152 : i32 to index
        %get3A_173 = arith.constant 32 : index
        %get3A_174 = tpu.vector_load %arg7[%get3A_172, %get3A_173] {strides = array<i32>} : memref<25x128xf32, #tpu.memory_space<vmem>>, vector<16xf32>,
        %get3A_175 = arith.index_cast %scan3A_152 : i32 to index
        %get3A_176 = arith.constant 96 : index
        %get3A_177 = tpu.vector_load %arg7[%get3A_175, %get3A_176] {strides = array<i32>} : memref<25x128xf32, #tpu.memory_space<vmem>>, vector<16xf32>,
        %pack3A_178 = tpu.pack_subelements %get3A_174, %get3A_177 {pack_format = #tpu.pack_format<interleaved>, positions = array<i32: 0, 1>} : vector<16xf32>, vector<16xf32> -> vector<32xbf16>
        %bitcast3A_179 = vector.bitcast %pack3A_178 : vector<32xbf16> to vector<16xi32>
        %swap3A_180 = arith.index_cast %scan3A_152 : i32 to index
        %swap3A_181 = arith.constant 32 : index
        %swap3A_182 = tpu.vector_load %arg9[%swap3A_180, %swap3A_181] {strides = array<i32>} : memref<25x64xi32, #tpu.memory_space<vmem>>, vector<16xi32>,
        tpu.vector_store %arg9[%swap3A_180, %swap3A_181], %bitcast3A_179 {strides = array<i32>} : memref<25x64xi32, #tpu.memory_space<vmem>>, vector<16xi32>,
        %get3A_183 = arith.index_cast %scan3A_152 : i32 to index
        %get3A_184 = arith.constant 48 : index
        %get3A_185 = tpu.vector_load %arg7[%get3A_183, %get3A_184] {strides = array<i32>} : memref<25x128xf32, #tpu.memory_space<vmem>>, vector<16xf32>,
        %get3A_186 = arith.index_cast %scan3A_152 : i32 to index
        %get3A_187 = arith.constant 112 : index
        %get3A_188 = tpu.vector_load %arg7[%get3A_186, %get3A_187] {strides = array<i32>} : memref<25x128xf32, #tpu.memory_space<vmem>>, vector<16xf32>,
        %pack3A_189 = tpu.pack_subelements %get3A_185, %get3A_188 {pack_format = #tpu.pack_format<interleaved>, positions = array<i32: 0, 1>} : vector<16xf32>, vector<16xf32> -> vector<32xbf16>
        %bitcast3A_190 = vector.bitcast %pack3A_189 : vector<32xbf16> to vector<16xi32>
        %swap3A_191 = arith.index_cast %scan3A_152 : i32 to index
        %swap3A_192 = arith.constant 48 : index
        %swap3A_193 = tpu.vector_load %arg9[%swap3A_191, %swap3A_192] {strides = array<i32>} : memref<25x64xi32, #tpu.memory_space<vmem>>, vector<16xi32>,
        tpu.vector_store %arg9[%swap3A_191, %swap3A_192], %bitcast3A_190 {strides = array<i32>} : memref<25x64xi32, #tpu.memory_space<vmem>>, vector<16xi32>,
        %scan3A_194 = arith.constant 0 : i32
        scf.yield %scan3A_194 : i32
      }
      %scan3A_131 = arith.constant 25 : i32
      %mul3A_132 = arith.constant 625 : i32
      %mul3A_133 = arith.muli %arg1, %mul3A_132 : i32
      %add3A_134 = arith.constant 600 : i32
      %add3A_135 = arith.addi %mul3A_133, %add3A_134 : i32
      %dma_start3A_136 = arith.constant 0 : i32
      %dma_start3A_137 = tpu.memref_slice %arg6[%add3A_135, %dma_start3A_136] : memref<10000x64xi32, #tpu.memory_space<hbm>> -> memref<25x64xi32, #tpu.memory_space<hbm>>
      %dma_start3A_138 = arith.constant 0 : i32
      %dma_start3A_139 = tpu.memref_slice %arg6[%add3A_135, %dma_start3A_138] : memref<10000x64xi32, #tpu.memory_space<hbm>> -> memref<25x64xi32, #tpu.memory_space<hbm>>
      tpu.enqueue_dma source(%arg9 : memref<25x64xi32, #tpu.memory_space<vmem>>) target(%dma_start3A_139 : memref<25x64xi32, #tpu.memory_space<hbm>>) target_semaphore(%arg24 : memref<!tpu.dma_semaphore, #tpu.memory_space<semaphore_mem>>)
      %dma_wait3A_140 = arith.constant 0 : i32
      %dma_wait3A_141 = arith.constant 0 : i32
      %dma_wait3A_142 = tpu.memref_slice %arg6[%dma_wait3A_140, %dma_wait3A_141] : memref<10000x64xi32, #tpu.memory_space<hbm>> -> memref<25x64xi32, #tpu.memory_space<hbm>>
      %dma_wait3A_143 = arith.constant 0 : i32
      %dma_wait3A_144 = arith.constant 0 : i32
      %dma_wait3A_145 = tpu.memref_slice %arg6[%dma_wait3A_143, %dma_wait3A_144] : memref<10000x64xi32, #tpu.memory_space<hbm>> -> memref<25x64xi32, #tpu.memory_space<hbm>>
      tpu.wait_dma2 semaphore(%arg24 : memref<!tpu.dma_semaphore, #tpu.memory_space<semaphore_mem>>) src(%arg9 : memref<25x64xi32, #tpu.memory_space<vmem>>) dst(%dma_wait3A_145 : memref<25x64xi32, #tpu.memory_space<hbm>>)
      %dma_wait3A_146 = arith.constant 0 : i32
      %dma_wait3A_147 = arith.constant 0 : i32
      %dma_wait3A_148 = tpu.memref_slice %arg6[%dma_wait3A_146, %dma_wait3A_147] : memref<10000x64xi32, #tpu.memory_space<hbm>> -> memref<25x64xi32, #tpu.memory_space<hbm>>
      %dma_wait3A_149 = arith.constant 0 : i32
      %dma_wait3A_150 = arith.constant 0 : i32
      %dma_wait3A_151 = tpu.memref_slice %arg6[%dma_wait3A_149, %dma_wait3A_150] : memref<10000x64xi32, #tpu.memory_space<hbm>> -> memref<25x64xi32, #tpu.memory_space<hbm>>
      tpu.wait_dma2 semaphore(%arg25 : memref<!tpu.dma_semaphore, #tpu.memory_space<semaphore_mem>>) src(%arg10 : memref<25x64xi32, #tpu.memory_space<vmem>>) dst(%dma_wait3A_151 : memref<25x64xi32, #tpu.memory_space<hbm>>)
    } else {
    }
    %dma_wait3A = arith.constant 0 : i32
    %dma_wait3A_15 = tpu.memref_slice %arg3[%dma_wait3A] : memref<640000xi32, #tpu.memory_space<hbm>> -> memref<10000xi32, #tpu.memory_space<hbm>>
    %dma_wait3A_16 = arith.constant 0 : i32
    %dma_wait3A_17 = tpu.memref_slice %arg3[%dma_wait3A_16] : memref<640000xi32, #tpu.memory_space<hbm>> -> memref<10000xi32, #tpu.memory_space<hbm>>
    tpu.wait_dma2 semaphore(%arg26 : memref<!tpu.dma_semaphore, #tpu.memory_space<semaphore_mem>>) src(%dma_wait3A_17 : memref<10000xi32, #tpu.memory_space<hbm>>) dst(%arg11 : memref<10000xi32, #tpu.memory_space<vmem>>)
    %dma_wait3A_18 = arith.constant 0 : i32
    %dma_wait3A_19 = tpu.memref_slice %arg3[%dma_wait3A_18] : memref<640000xi32, #tpu.memory_space<hbm>> -> memref<10000xi32, #tpu.memory_space<hbm>>
    %dma_wait3A_20 = arith.constant 0 : i32
    %dma_wait3A_21 = tpu.memref_slice %arg3[%dma_wait3A_20] : memref<640000xi32, #tpu.memory_space<hbm>> -> memref<10000xi32, #tpu.memory_space<hbm>>
    tpu.wait_dma2 semaphore(%arg27 : memref<!tpu.dma_semaphore, #tpu.memory_space<semaphore_mem>>) src(%dma_wait3A_21 : memref<10000xi32, #tpu.memory_space<hbm>>) dst(%arg12 : memref<10000xi32, #tpu.memory_space<vmem>>)
    %barrier3A = arith.constant 0 : index
    tpu.barrier barrier_id(%barrier3A)
    %multiple_of3A = arith.constant 0 : i32
    %multiple_of3A_22 = tpu.assume_multiple %multiple_of3A, 16 : i32
    %eq3A_23 = arith.constant 0 : i32
    %eq3A_24 = arith.cmpi eq, %arg0, %eq3A_23 : i32
    %convert_element_type3A_25 = arith.extui %eq3A_24 : i1 to i32
    %cond3A_26 = arith.constant 0 : i32
    %cond3A_27 = arith.cmpi ne, %convert_element_type3A_25, %cond3A_26 : i32
    scf.if %cond3A_27 {
      %dma_start3A_98 = arith.constant 0 : i32
      %dma_start3A_99 = arith.constant 0 : i32
      %dma_start3A_100 = tpu.memref_slice %arg13[%dma_start3A_98, %dma_start3A_99] : memref<320x64xi32, #tpu.memory_space<vmem>> -> memref<320x64xi32, #tpu.memory_space<vmem>>
      %dma_start3A_101 = tpu.memref_slice %arg11[%multiple_of3A_22] : memref<10000xi32, #tpu.memory_space<vmem>> -> memref<320xi32, #tpu.memory_space<vmem>>
      %dma_start3A_102 = arith.constant 0 : i32
      %dma_start3A_103 = arith.constant 0 : i32
      %dma_start3A_104 = tpu.memref_slice %arg5[%dma_start3A_102, %dma_start3A_103] : memref<10000x64xi32, #tpu.memory_space<hbm>> -> memref<10000x64xi32, #tpu.memory_space<hbm>>
      tpu.enqueue_indirect_dma source(%dma_start3A_104 : memref<10000x64xi32, #tpu.memory_space<hbm>>) target(%dma_start3A_100 : memref<320x64xi32, #tpu.memory_space<vmem>>) offsets(%dma_start3A_101 : memref<320xi32, #tpu.memory_space<vmem>>) semaphore(%arg18 : memref<!tpu.dma_semaphore, #tpu.memory_space<semaphore_mem>>)
      %dma_start3A_105 = arith.constant 0 : i32
      %dma_start3A_106 = arith.constant 0 : i32
      %dma_start3A_107 = tpu.memref_slice %arg15[%dma_start3A_105, %dma_start3A_106] : memref<320x64xi32, #tpu.memory_space<vmem>> -> memref<320x64xi32, #tpu.memory_space<vmem>>
      %dma_start3A_108 = tpu.memref_slice %arg12[%multiple_of3A_22] : memref<10000xi32, #tpu.memory_space<vmem>> -> memref<320xi32, #tpu.memory_space<vmem>>
      %dma_start3A_109 = arith.constant 0 : i32
      %dma_start3A_110 = arith.constant 0 : i32
      %dma_start3A_111 = tpu.memref_slice %arg5[%dma_start3A_109, %dma_start3A_110] : memref<10000x64xi32, #tpu.memory_space<hbm>> -> memref<10000x64xi32, #tpu.memory_space<hbm>>
      tpu.enqueue_indirect_dma source(%dma_start3A_111 : memref<10000x64xi32, #tpu.memory_space<hbm>>) target(%dma_start3A_107 : memref<320x64xi32, #tpu.memory_space<vmem>>) offsets(%dma_start3A_108 : memref<320xi32, #tpu.memory_space<vmem>>) semaphore(%arg20 : memref<!tpu.dma_semaphore, #tpu.memory_space<semaphore_mem>>)
    } else {
    }
    %eq3A_28 = arith.constant 1 : i32
    %eq3A_29 = arith.cmpi eq, %arg0, %eq3A_28 : i32
    %convert_element_type3A_30 = arith.extui %eq3A_29 : i1 to i32
    %cond3A_31 = arith.constant 0 : i32
    %cond3A_32 = arith.cmpi ne, %convert_element_type3A_30, %cond3A_31 : i32
    scf.if %cond3A_32 {
      %dma_start3A_98 = arith.constant 0 : i32
      %dma_start3A_99 = arith.constant 0 : i32
      %dma_start3A_100 = tpu.memref_slice %arg13[%dma_start3A_98, %dma_start3A_99] : memref<320x64xi32, #tpu.memory_space<vmem>> -> memref<320x64xi32, #tpu.memory_space<vmem>>
      %dma_start3A_101 = tpu.memref_slice %arg11[%multiple_of3A_22] : memref<10000xi32, #tpu.memory_space<vmem>> -> memref<320xi32, #tpu.memory_space<vmem>>
      %dma_start3A_102 = arith.constant 0 : i32
      %dma_start3A_103 = arith.constant 0 : i32
      %dma_start3A_104 = tpu.memref_slice %arg6[%dma_start3A_102, %dma_start3A_103] : memref<10000x64xi32, #tpu.memory_space<hbm>> -> memref<10000x64xi32, #tpu.memory_space<hbm>>
      tpu.enqueue_indirect_dma source(%dma_start3A_104 : memref<10000x64xi32, #tpu.memory_space<hbm>>) target(%dma_start3A_100 : memref<320x64xi32, #tpu.memory_space<vmem>>) offsets(%dma_start3A_101 : memref<320xi32, #tpu.memory_space<vmem>>) semaphore(%arg18 : memref<!tpu.dma_semaphore, #tpu.memory_space<semaphore_mem>>)
      %dma_start3A_105 = arith.constant 0 : i32
      %dma_start3A_106 = arith.constant 0 : i32
      %dma_start3A_107 = tpu.memref_slice %arg15[%dma_start3A_105, %dma_start3A_106] : memref<320x64xi32, #tpu.memory_space<vmem>> -> memref<320x64xi32, #tpu.memory_space<vmem>>
      %dma_start3A_108 = tpu.memref_slice %arg12[%multiple_of3A_22] : memref<10000xi32, #tpu.memory_space<vmem>> -> memref<320xi32, #tpu.memory_space<vmem>>
      %dma_start3A_109 = arith.constant 0 : i32
      %dma_start3A_110 = arith.constant 0 : i32
      %dma_start3A_111 = tpu.memref_slice %arg6[%dma_start3A_109, %dma_start3A_110] : memref<10000x64xi32, #tpu.memory_space<hbm>> -> memref<10000x64xi32, #tpu.memory_space<hbm>>
      tpu.enqueue_indirect_dma source(%dma_start3A_111 : memref<10000x64xi32, #tpu.memory_space<hbm>>) target(%dma_start3A_107 : memref<320x64xi32, #tpu.memory_space<vmem>>) offsets(%dma_start3A_108 : memref<320xi32, #tpu.memory_space<vmem>>) semaphore(%arg20 : memref<!tpu.dma_semaphore, #tpu.memory_space<semaphore_mem>>)
    } else {
    }
    %scan3A = arith.constant 0 : i32
    %scan3A_33 = arith.constant 0 : i32
    %scan3A_34 = arith.constant 15 : i32
    %scan3A_35 = arith.addi %scan3A_33, %scan3A_34 : i32
    %scan3A_36 = arith.constant 1 : i32
    %scan3A_37 = scf.for %scan3A_98 = %scan3A_33 to %scan3A_35 step %scan3A_36 iter_args(%scan3A_99 = %scan3A) -> (i32)  : i32 {
      %mul3A_100 = arith.constant 2 : i32
      %mul3A_101 = arith.muli %scan3A_98, %mul3A_100 : i32
      %add3A_102 = arith.constant 1 : i32
      %add3A_103 = arith.addi %mul3A_101, %add3A_102 : i32
      %mul3A_104 = arith.constant 320 : i32
      %mul3A_105 = arith.muli %add3A_103, %mul3A_104 : i32
      %multiple_of3A_106 = tpu.assume_multiple %mul3A_105, 16 : i32
      %eq3A_107 = arith.constant 0 : i32
      %eq3A_108 = arith.cmpi eq, %arg0, %eq3A_107 : i32
      %convert_element_type3A_109 = arith.extui %eq3A_108 : i1 to i32
      %cond3A_110 = arith.constant 0 : i32
      %cond3A_111 = arith.cmpi ne, %convert_element_type3A_109, %cond3A_110 : i32
      scf.if %cond3A_111 {
        %dma_start3A_187 = arith.constant 0 : i32
        %dma_start3A_188 = arith.constant 0 : i32
        %dma_start3A_189 = tpu.memref_slice %arg14[%dma_start3A_187, %dma_start3A_188] : memref<320x64xi32, #tpu.memory_space<vmem>> -> memref<320x64xi32, #tpu.memory_space<vmem>>
        %dma_start3A_190 = tpu.memref_slice %arg11[%multiple_of3A_106] : memref<10000xi32, #tpu.memory_space<vmem>> -> memref<320xi32, #tpu.memory_space<vmem>>
        %dma_start3A_191 = arith.constant 0 : i32
        %dma_start3A_192 = arith.constant 0 : i32
        %dma_start3A_193 = tpu.memref_slice %arg5[%dma_start3A_191, %dma_start3A_192] : memref<10000x64xi32, #tpu.memory_space<hbm>> -> memref<10000x64xi32, #tpu.memory_space<hbm>>
        tpu.enqueue_indirect_dma source(%dma_start3A_193 : memref<10000x64xi32, #tpu.memory_space<hbm>>) target(%dma_start3A_189 : memref<320x64xi32, #tpu.memory_space<vmem>>) offsets(%dma_start3A_190 : memref<320xi32, #tpu.memory_space<vmem>>) semaphore(%arg19 : memref<!tpu.dma_semaphore, #tpu.memory_space<semaphore_mem>>)
        %dma_start3A_194 = arith.constant 0 : i32
        %dma_start3A_195 = arith.constant 0 : i32
        %dma_start3A_196 = tpu.memref_slice %arg16[%dma_start3A_194, %dma_start3A_195] : memref<320x64xi32, #tpu.memory_space<vmem>> -> memref<320x64xi32, #tpu.memory_space<vmem>>
        %dma_start3A_197 = tpu.memref_slice %arg12[%multiple_of3A_106] : memref<10000xi32, #tpu.memory_space<vmem>> -> memref<320xi32, #tpu.memory_space<vmem>>
        %dma_start3A_198 = arith.constant 0 : i32
        %dma_start3A_199 = arith.constant 0 : i32
        %dma_start3A_200 = tpu.memref_slice %arg5[%dma_start3A_198, %dma_start3A_199] : memref<10000x64xi32, #tpu.memory_space<hbm>> -> memref<10000x64xi32, #tpu.memory_space<hbm>>
        tpu.enqueue_indirect_dma source(%dma_start3A_200 : memref<10000x64xi32, #tpu.memory_space<hbm>>) target(%dma_start3A_196 : memref<320x64xi32, #tpu.memory_space<vmem>>) offsets(%dma_start3A_197 : memref<320xi32, #tpu.memory_space<vmem>>) semaphore(%arg21 : memref<!tpu.dma_semaphore, #tpu.memory_space<semaphore_mem>>)
      } else {
      }
      %eq3A_112 = arith.constant 1 : i32
      %eq3A_113 = arith.cmpi eq, %arg0, %eq3A_112 : i32
      %convert_element_type3A_114 = arith.extui %eq3A_113 : i1 to i32
      %cond3A_115 = arith.constant 0 : i32
      %cond3A_116 = arith.cmpi ne, %convert_element_type3A_114, %cond3A_115 : i32
      scf.if %cond3A_116 {
        %dma_start3A_187 = arith.constant 0 : i32
        %dma_start3A_188 = arith.constant 0 : i32
        %dma_start3A_189 = tpu.memref_slice %arg14[%dma_start3A_187, %dma_start3A_188] : memref<320x64xi32, #tpu.memory_space<vmem>> -> memref<320x64xi32, #tpu.memory_space<vmem>>
        %dma_start3A_190 = tpu.memref_slice %arg11[%multiple_of3A_106] : memref<10000xi32, #tpu.memory_space<vmem>> -> memref<320xi32, #tpu.memory_space<vmem>>
        %dma_start3A_191 = arith.constant 0 : i32
        %dma_start3A_192 = arith.constant 0 : i32
        %dma_start3A_193 = tpu.memref_slice %arg6[%dma_start3A_191, %dma_start3A_192] : memref<10000x64xi32, #tpu.memory_space<hbm>> -> memref<10000x64xi32, #tpu.memory_space<hbm>>
        tpu.enqueue_indirect_dma source(%dma_start3A_193 : memref<10000x64xi32, #tpu.memory_space<hbm>>) target(%dma_start3A_189 : memref<320x64xi32, #tpu.memory_space<vmem>>) offsets(%dma_start3A_190 : memref<320xi32, #tpu.memory_space<vmem>>) semaphore(%arg19 : memref<!tpu.dma_semaphore, #tpu.memory_space<semaphore_mem>>)
        %dma_start3A_194 = arith.constant 0 : i32
        %dma_start3A_195 = arith.constant 0 : i32
        %dma_start3A_196 = tpu.memref_slice %arg16[%dma_start3A_194, %dma_start3A_195] : memref<320x64xi32, #tpu.memory_space<vmem>> -> memref<320x64xi32, #tpu.memory_space<vmem>>
        %dma_start3A_197 = tpu.memref_slice %arg12[%multiple_of3A_106] : memref<10000xi32, #tpu.memory_space<vmem>> -> memref<320xi32, #tpu.memory_space<vmem>>
        %dma_start3A_198 = arith.constant 0 : i32
        %dma_start3A_199 = arith.constant 0 : i32
        %dma_start3A_200 = tpu.memref_slice %arg6[%dma_start3A_198, %dma_start3A_199] : memref<10000x64xi32, #tpu.memory_space<hbm>> -> memref<10000x64xi32, #tpu.memory_space<hbm>>
        tpu.enqueue_indirect_dma source(%dma_start3A_200 : memref<10000x64xi32, #tpu.memory_space<hbm>>) target(%dma_start3A_196 : memref<320x64xi32, #tpu.memory_space<vmem>>) offsets(%dma_start3A_197 : memref<320xi32, #tpu.memory_space<vmem>>) semaphore(%arg21 : memref<!tpu.dma_semaphore, #tpu.memory_space<semaphore_mem>>)
      } else {
      }
      %dma_wait3A_117 = arith.constant 0 : i32
      %dma_wait3A_118 = arith.constant 0 : i32
      %dma_wait3A_119 = tpu.memref_slice %arg13[%dma_wait3A_117, %dma_wait3A_118] : memref<320x64xi32, #tpu.memory_space<vmem>> -> memref<320x64xi32, #tpu.memory_space<vmem>>
      %dma_wait3A_120 = arith.constant 0 : i32
      %dma_wait3A_121 = tpu.memref_slice %arg11[%dma_wait3A_120] : memref<10000xi32, #tpu.memory_space<vmem>> -> memref<320xi32, #tpu.memory_space<vmem>>
      %dma_wait3A_122 = arith.constant 0 : i32
      %dma_wait3A_123 = arith.constant 0 : i32
      %dma_wait3A_124 = tpu.memref_slice %arg5[%dma_wait3A_122, %dma_wait3A_123] : memref<10000x64xi32, #tpu.memory_space<hbm>> -> memref<10000x64xi32, #tpu.memory_space<hbm>>
      tpu.wait_indirect_dma semaphore(%arg18 : memref<!tpu.dma_semaphore, #tpu.memory_space<semaphore_mem>>) src(%dma_wait3A_124 : memref<10000x64xi32, #tpu.memory_space<hbm>>) dst(%dma_wait3A_119 : memref<320x64xi32, #tpu.memory_space<vmem>>)
      %dma_wait3A_125 = arith.constant 0 : i32
      %dma_wait3A_126 = arith.constant 0 : i32
      %dma_wait3A_127 = tpu.memref_slice %arg15[%dma_wait3A_125, %dma_wait3A_126] : memref<320x64xi32, #tpu.memory_space<vmem>> -> memref<320x64xi32, #tpu.memory_space<vmem>>
      %dma_wait3A_128 = arith.constant 0 : i32
      %dma_wait3A_129 = tpu.memref_slice %arg12[%dma_wait3A_128] : memref<10000xi32, #tpu.memory_space<vmem>> -> memref<320xi32, #tpu.memory_space<vmem>>
      %dma_wait3A_130 = arith.constant 0 : i32
      %dma_wait3A_131 = arith.constant 0 : i32
      %dma_wait3A_132 = tpu.memref_slice %arg5[%dma_wait3A_130, %dma_wait3A_131] : memref<10000x64xi32, #tpu.memory_space<hbm>> -> memref<10000x64xi32, #tpu.memory_space<hbm>>
      tpu.wait_indirect_dma semaphore(%arg20 : memref<!tpu.dma_semaphore, #tpu.memory_space<semaphore_mem>>) src(%dma_wait3A_132 : memref<10000x64xi32, #tpu.memory_space<hbm>>) dst(%dma_wait3A_127 : memref<320x64xi32, #tpu.memory_space<vmem>>)
      %mul3A_133 = arith.constant 320 : i32
      %mul3A_134 = arith.muli %mul3A_101, %mul3A_133 : i32
      %iota3A_135 = tpu.iota {dimensions = array<i32: 0>} : vector<16xi32>
      %scan3A_136 = arith.constant 0 : i32
      %scan3A_137 = arith.constant 0 : i32
      %scan3A_138 = arith.constant 20 : i32
      %scan3A_139 = arith.addi %scan3A_137, %scan3A_138 : i32
      %scan3A_140 = arith.constant 1 : i32
      %scan3A_141 = scf.for %scan3A_187 = %scan3A_137 to %scan3A_139 step %scan3A_140 iter_args(%scan3A_188 = %scan3A_136) -> (i32)  : i32 {
        %broadcast_in_dim3A = arith.constant 0.000000e+00 : f32
        %broadcast_in_dim3A_189 = vector.broadcast %broadcast_in_dim3A : f32 to vector<16xf32>
        %scan3A_190 = arith.constant 0 : i32
        %scan3A_191 = arith.constant 4 : i32
        %scan3A_192 = arith.addi %scan3A_190, %scan3A_191 : i32
        %scan3A_193 = arith.constant 1 : i32
        %scan3A_194 = scf.for %scan3A_201 = %scan3A_190 to %scan3A_192 step %scan3A_193 iter_args(%scan3A_202 = %broadcast_in_dim3A_189) -> (vector<16xf32>)  : i32 {
          %mul3A_203 = arith.constant 4 : i32
          %mul3A_204 = arith.muli %scan3A_201, %mul3A_203 : i32
          %add3A_205 = arith.constant 0 : i32
          %add3A_206 = arith.addi %mul3A_204, %add3A_205 : i32
          %mul3A_207 = arith.constant 16 : i32
          %mul3A_208 = arith.muli %scan3A_187, %mul3A_207 : i32
          %add3A_209 = arith.addi %mul3A_208, %add3A_206 : i32
          %broadcast_in_dim3A_210 = arith.constant 0.000000e+00 : f32
          %broadcast_in_dim3A_211 = vector.broadcast %broadcast_in_dim3A_210 : f32 to vector<16xf32>
          %broadcast_in_dim3A_212 = arith.constant 0.000000e+00 : f32
          %broadcast_in_dim3A_213 = vector.broadcast %broadcast_in_dim3A_212 : f32 to vector<16xf32>
          %get3A = arith.index_cast %add3A_209 : i32 to index
          %get3A_214 = arith.constant 0 : index
          %get3A_215 = tpu.vector_load %arg13[%get3A, %get3A_214] {strides = array<i32>} : memref<320x64xi32, #tpu.memory_space<vmem>>, vector<16xi32>,
          %bitcast3A = vector.bitcast %get3A_215 : vector<16xi32> to vector<32xbf16>
          %get3A_216 = arith.index_cast %add3A_209 : i32 to index
          %get3A_217 = arith.constant 0 : index
          %get3A_218 = tpu.vector_load %arg15[%get3A_216, %get3A_217] {strides = array<i32>} : memref<320x64xi32, #tpu.memory_space<vmem>>, vector<16xi32>,
          %bitcast3A_219 = vector.bitcast %get3A_218 : vector<16xi32> to vector<32xbf16>
          %mul3A_220 = arith.mulf %bitcast3A, %bitcast3A_219 : vector<32xbf16>
          %unpack3A = tpu.unpack_subelements %mul3A_220, 0 {pack_format = #tpu.pack_format<interleaved>} : vector<32xbf16> -> vector<16xf32>
          %unpack3A_221 = tpu.unpack_subelements %mul3A_220, 1 {pack_format = #tpu.pack_format<interleaved>} : vector<32xbf16> -> vector<16xf32>
          %add3A_222 = arith.addf %broadcast_in_dim3A_211, %unpack3A : vector<16xf32>
          %add3A_223 = arith.addf %broadcast_in_dim3A_213, %unpack3A_221 : vector<16xf32>
          %get3A_224 = arith.index_cast %add3A_209 : i32 to index
          %get3A_225 = arith.constant 16 : index
          %get3A_226 = tpu.vector_load %arg13[%get3A_224, %get3A_225] {strides = array<i32>} : memref<320x64xi32, #tpu.memory_space<vmem>>, vector<16xi32>,
          %bitcast3A_227 = vector.bitcast %get3A_226 : vector<16xi32> to vector<32xbf16>
          %get3A_228 = arith.index_cast %add3A_209 : i32 to index
          %get3A_229 = arith.constant 16 : index
          %get3A_230 = tpu.vector_load %arg15[%get3A_228, %get3A_229] {strides = array<i32>} : memref<320x64xi32, #tpu.memory_space<vmem>>, vector<16xi32>,
          %bitcast3A_231 = vector.bitcast %get3A_230 : vector<16xi32> to vector<32xbf16>
          %mul3A_232 = arith.mulf %bitcast3A_227, %bitcast3A_231 : vector<32xbf16>
          %unpack3A_233 = tpu.unpack_subelements %mul3A_232, 0 {pack_format = #tpu.pack_format<interleaved>} : vector<32xbf16> -> vector<16xf32>
          %unpack3A_234 = tpu.unpack_subelements %mul3A_232, 1 {pack_format = #tpu.pack_format<interleaved>} : vector<32xbf16> -> vector<16xf32>
          %add3A_235 = arith.addf %add3A_222, %unpack3A_233 : vector<16xf32>
          %add3A_236 = arith.addf %add3A_223, %unpack3A_234 : vector<16xf32>
          %get3A_237 = arith.index_cast %add3A_209 : i32 to index
          %get3A_238 = arith.constant 32 : index
          %get3A_239 = tpu.vector_load %arg13[%get3A_237, %get3A_238] {strides = array<i32>} : memref<320x64xi32, #tpu.memory_space<vmem>>, vector<16xi32>,
          %bitcast3A_240 = vector.bitcast %get3A_239 : vector<16xi32> to vector<32xbf16>
          %get3A_241 = arith.index_cast %add3A_209 : i32 to index
          %get3A_242 = arith.constant 32 : index
          %get3A_243 = tpu.vector_load %arg15[%get3A_241, %get3A_242] {strides = array<i32>} : memref<320x64xi32, #tpu.memory_space<vmem>>, vector<16xi32>,
          %bitcast3A_244 = vector.bitcast %get3A_243 : vector<16xi32> to vector<32xbf16>
          %mul3A_245 = arith.mulf %bitcast3A_240, %bitcast3A_244 : vector<32xbf16>
          %unpack3A_246 = tpu.unpack_subelements %mul3A_245, 0 {pack_format = #tpu.pack_format<interleaved>} : vector<32xbf16> -> vector<16xf32>
          %unpack3A_247 = tpu.unpack_subelements %mul3A_245, 1 {pack_format = #tpu.pack_format<interleaved>} : vector<32xbf16> -> vector<16xf32>
          %add3A_248 = arith.addf %add3A_235, %unpack3A_246 : vector<16xf32>
          %add3A_249 = arith.addf %add3A_236, %unpack3A_247 : vector<16xf32>
          %get3A_250 = arith.index_cast %add3A_209 : i32 to index
          %get3A_251 = arith.constant 48 : index
          %get3A_252 = tpu.vector_load %arg13[%get3A_250, %get3A_251] {strides = array<i32>} : memref<320x64xi32, #tpu.memory_space<vmem>>, vector<16xi32>,
          %bitcast3A_253 = vector.bitcast %get3A_252 : vector<16xi32> to vector<32xbf16>
          %get3A_254 = arith.index_cast %add3A_209 : i32 to index
          %get3A_255 = arith.constant 48 : index
          %get3A_256 = tpu.vector_load %arg15[%get3A_254, %get3A_255] {strides = array<i32>} : memref<320x64xi32, #tpu.memory_space<vmem>>, vector<16xi32>,
          %bitcast3A_257 = vector.bitcast %get3A_256 : vector<16xi32> to vector<32xbf16>
          %mul3A_258 = arith.mulf %bitcast3A_253, %bitcast3A_257 : vector<32xbf16>
          %unpack3A_259 = tpu.unpack_subelements %mul3A_258, 0 {pack_format = #tpu.pack_format<interleaved>} : vector<32xbf16> -> vector<16xf32>
          %unpack3A_260 = tpu.unpack_subelements %mul3A_258, 1 {pack_format = #tpu.pack_format<interleaved>} : vector<32xbf16> -> vector<16xf32>
          %add3A_261 = arith.addf %add3A_248, %unpack3A_259 : vector<16xf32>
          %add3A_262 = arith.addf %add3A_249, %unpack3A_260 : vector<16xf32>
          %add3A_263 = arith.addf %add3A_261, %add3A_262 : vector<16xf32>
          %reduce_sum3A = arith.constant true
          %reduce_sum3A_264 = vector.broadcast %reduce_sum3A : i1 to vector<16xi1>
          %reduce_sum3A_265 = tpu.scan <sum>, %add3A_263 masked %reduce_sum3A_264 : vector<16xf32>, vector<16xi1> -> vector<16xf32>
          %reduce_sum3A_266 = vector.extract %reduce_sum3A_265[15] : f32 from vector<16xf32>
          %eq3A_267 = vector.broadcast %add3A_206 : i32 to vector<16xi32>
          %eq3A_268 = arith.cmpi eq, %iota3A_135, %eq3A_267 : vector<16xi32>
          %broadcast_in_dim3A_269 = vector.broadcast %reduce_sum3A_266 : f32 to vector<16xf32>
          %select_n3A = arith.select %eq3A_268, %broadcast_in_dim3A_269, %scan3A_202 : vector<16xi1>, vector<16xf32>
          %mul3A_270 = arith.constant 4 : i32
          %mul3A_271 = arith.muli %scan3A_201, %mul3A_270 : i32
          %add3A_272 = arith.constant 1 : i32
          %add3A_273 = arith.addi %mul3A_271, %add3A_272 : i32
          %mul3A_274 = arith.constant 16 : i32
          %mul3A_275 = arith.muli %scan3A_187, %mul3A_274 : i32
          %add3A_276 = arith.addi %mul3A_275, %add3A_273 : i32
          %broadcast_in_dim3A_277 = arith.constant 0.000000e+00 : f32
          %broadcast_in_dim3A_278 = vector.broadcast %broadcast_in_dim3A_277 : f32 to vector<16xf32>
          %broadcast_in_dim3A_279 = arith.constant 0.000000e+00 : f32
          %broadcast_in_dim3A_280 = vector.broadcast %broadcast_in_dim3A_279 : f32 to vector<16xf32>
          %get3A_281 = arith.index_cast %add3A_276 : i32 to index
          %get3A_282 = arith.constant 0 : index
          %get3A_283 = tpu.vector_load %arg13[%get3A_281, %get3A_282] {strides = array<i32>} : memref<320x64xi32, #tpu.memory_space<vmem>>, vector<16xi32>,
          %bitcast3A_284 = vector.bitcast %get3A_283 : vector<16xi32> to vector<32xbf16>
          %get3A_285 = arith.index_cast %add3A_276 : i32 to index
          %get3A_286 = arith.constant 0 : index
          %get3A_287 = tpu.vector_load %arg15[%get3A_285, %get3A_286] {strides = array<i32>} : memref<320x64xi32, #tpu.memory_space<vmem>>, vector<16xi32>,
          %bitcast3A_288 = vector.bitcast %get3A_287 : vector<16xi32> to vector<32xbf16>
          %mul3A_289 = arith.mulf %bitcast3A_284, %bitcast3A_288 : vector<32xbf16>
          %unpack3A_290 = tpu.unpack_subelements %mul3A_289, 0 {pack_format = #tpu.pack_format<interleaved>} : vector<32xbf16> -> vector<16xf32>
          %unpack3A_291 = tpu.unpack_subelements %mul3A_289, 1 {pack_format = #tpu.pack_format<interleaved>} : vector<32xbf16> -> vector<16xf32>
          %add3A_292 = arith.addf %broadcast_in_dim3A_278, %unpack3A_290 : vector<16xf32>
          %add3A_293 = arith.addf %broadcast_in_dim3A_280, %unpack3A_291 : vector<16xf32>
          %get3A_294 = arith.index_cast %add3A_276 : i32 to index
          %get3A_295 = arith.constant 16 : index
          %get3A_296 = tpu.vector_load %arg13[%get3A_294, %get3A_295] {strides = array<i32>} : memref<320x64xi32, #tpu.memory_space<vmem>>, vector<16xi32>,
          %bitcast3A_297 = vector.bitcast %get3A_296 : vector<16xi32> to vector<32xbf16>
          %get3A_298 = arith.index_cast %add3A_276 : i32 to index
          %get3A_299 = arith.constant 16 : index
          %get3A_300 = tpu.vector_load %arg15[%get3A_298, %get3A_299] {strides = array<i32>} : memref<320x64xi32, #tpu.memory_space<vmem>>, vector<16xi32>,
          %bitcast3A_301 = vector.bitcast %get3A_300 : vector<16xi32> to vector<32xbf16>
          %mul3A_302 = arith.mulf %bitcast3A_297, %bitcast3A_301 : vector<32xbf16>
          %unpack3A_303 = tpu.unpack_subelements %mul3A_302, 0 {pack_format = #tpu.pack_format<interleaved>} : vector<32xbf16> -> vector<16xf32>
          %unpack3A_304 = tpu.unpack_subelements %mul3A_302, 1 {pack_format = #tpu.pack_format<interleaved>} : vector<32xbf16> -> vector<16xf32>
          %add3A_305 = arith.addf %add3A_292, %unpack3A_303 : vector<16xf32>
          %add3A_306 = arith.addf %add3A_293, %unpack3A_304 : vector<16xf32>
          %get3A_307 = arith.index_cast %add3A_276 : i32 to index
          %get3A_308 = arith.constant 32 : index
          %get3A_309 = tpu.vector_load %arg13[%get3A_307, %get3A_308] {strides = array<i32>} : memref<320x64xi32, #tpu.memory_space<vmem>>, vector<16xi32>,
          %bitcast3A_310 = vector.bitcast %get3A_309 : vector<16xi32> to vector<32xbf16>
          %get3A_311 = arith.index_cast %add3A_276 : i32 to index
          %get3A_312 = arith.constant 32 : index
          %get3A_313 = tpu.vector_load %arg15[%get3A_311, %get3A_312] {strides = array<i32>} : memref<320x64xi32, #tpu.memory_space<vmem>>, vector<16xi32>,
          %bitcast3A_314 = vector.bitcast %get3A_313 : vector<16xi32> to vector<32xbf16>
          %mul3A_315 = arith.mulf %bitcast3A_310, %bitcast3A_314 : vector<32xbf16>
          %unpack3A_316 = tpu.unpack_subelements %mul3A_315, 0 {pack_format = #tpu.pack_format<interleaved>} : vector<32xbf16> -> vector<16xf32>
          %unpack3A_317 = tpu.unpack_subelements %mul3A_315, 1 {pack_format = #tpu.pack_format<interleaved>} : vector<32xbf16> -> vector<16xf32>
          %add3A_318 = arith.addf %add3A_305, %unpack3A_316 : vector<16xf32>
          %add3A_319 = arith.addf %add3A_306, %unpack3A_317 : vector<16xf32>
          %get3A_320 = arith.index_cast %add3A_276 : i32 to index
          %get3A_321 = arith.constant 48 : index
          %get3A_322 = tpu.vector_load %arg13[%get3A_320, %get3A_321] {strides = array<i32>} : memref<320x64xi32, #tpu.memory_space<vmem>>, vector<16xi32>,
          %bitcast3A_323 = vector.bitcast %get3A_322 : vector<16xi32> to vector<32xbf16>
          %get3A_324 = arith.index_cast %add3A_276 : i32 to index
          %get3A_325 = arith.constant 48 : index
          %get3A_326 = tpu.vector_load %arg15[%get3A_324, %get3A_325] {strides = array<i32>} : memref<320x64xi32, #tpu.memory_space<vmem>>, vector<16xi32>,
          %bitcast3A_327 = vector.bitcast %get3A_326 : vector<16xi32> to vector<32xbf16>
          %mul3A_328 = arith.mulf %bitcast3A_323, %bitcast3A_327 : vector<32xbf16>
          %unpack3A_329 = tpu.unpack_subelements %mul3A_328, 0 {pack_format = #tpu.pack_format<interleaved>} : vector<32xbf16> -> vector<16xf32>
          %unpack3A_330 = tpu.unpack_subelements %mul3A_328, 1 {pack_format = #tpu.pack_format<interleaved>} : vector<32xbf16> -> vector<16xf32>
          %add3A_331 = arith.addf %add3A_318, %unpack3A_329 : vector<16xf32>
          %add3A_332 = arith.addf %add3A_319, %unpack3A_330 : vector<16xf32>
          %add3A_333 = arith.addf %add3A_331, %add3A_332 : vector<16xf32>
          %reduce_sum3A_334 = arith.constant true
          %reduce_sum3A_335 = vector.broadcast %reduce_sum3A_334 : i1 to vector<16xi1>
          %reduce_sum3A_336 = tpu.scan <sum>, %add3A_333 masked %reduce_sum3A_335 : vector<16xf32>, vector<16xi1> -> vector<16xf32>
          %reduce_sum3A_337 = vector.extract %reduce_sum3A_336[15] : f32 from vector<16xf32>
          %eq3A_338 = vector.broadcast %add3A_273 : i32 to vector<16xi32>
          %eq3A_339 = arith.cmpi eq, %iota3A_135, %eq3A_338 : vector<16xi32>
          %broadcast_in_dim3A_340 = vector.broadcast %reduce_sum3A_337 : f32 to vector<16xf32>
          %select_n3A_341 = arith.select %eq3A_339, %broadcast_in_dim3A_340, %select_n3A : vector<16xi1>, vector<16xf32>
          %mul3A_342 = arith.constant 4 : i32
          %mul3A_343 = arith.muli %scan3A_201, %mul3A_342 : i32
          %add3A_344 = arith.constant 2 : i32
          %add3A_345 = arith.addi %mul3A_343, %add3A_344 : i32
          %mul3A_346 = arith.constant 16 : i32
          %mul3A_347 = arith.muli %scan3A_187, %mul3A_346 : i32
          %add3A_348 = arith.addi %mul3A_347, %add3A_345 : i32
          %broadcast_in_dim3A_349 = arith.constant 0.000000e+00 : f32
          %broadcast_in_dim3A_350 = vector.broadcast %broadcast_in_dim3A_349 : f32 to vector<16xf32>
          %broadcast_in_dim3A_351 = arith.constant 0.000000e+00 : f32
          %broadcast_in_dim3A_352 = vector.broadcast %broadcast_in_dim3A_351 : f32 to vector<16xf32>
          %get3A_353 = arith.index_cast %add3A_348 : i32 to index
          %get3A_354 = arith.constant 0 : index
          %get3A_355 = tpu.vector_load %arg13[%get3A_353, %get3A_354] {strides = array<i32>} : memref<320x64xi32, #tpu.memory_space<vmem>>, vector<16xi32>,
          %bitcast3A_356 = vector.bitcast %get3A_355 : vector<16xi32> to vector<32xbf16>
          %get3A_357 = arith.index_cast %add3A_348 : i32 to index
          %get3A_358 = arith.constant 0 : index
          %get3A_359 = tpu.vector_load %arg15[%get3A_357, %get3A_358] {strides = array<i32>} : memref<320x64xi32, #tpu.memory_space<vmem>>, vector<16xi32>,
          %bitcast3A_360 = vector.bitcast %get3A_359 : vector<16xi32> to vector<32xbf16>
          %mul3A_361 = arith.mulf %bitcast3A_356, %bitcast3A_360 : vector<32xbf16>
          %unpack3A_362 = tpu.unpack_subelements %mul3A_361, 0 {pack_format = #tpu.pack_format<interleaved>} : vector<32xbf16> -> vector<16xf32>
          %unpack3A_363 = tpu.unpack_subelements %mul3A_361, 1 {pack_format = #tpu.pack_format<interleaved>} : vector<32xbf16> -> vector<16xf32>
          %add3A_364 = arith.addf %broadcast_in_dim3A_350, %unpack3A_362 : vector<16xf32>
          %add3A_365 = arith.addf %broadcast_in_dim3A_352, %unpack3A_363 : vector<16xf32>
          %get3A_366 = arith.index_cast %add3A_348 : i32 to index
          %get3A_367 = arith.constant 16 : index
          %get3A_368 = tpu.vector_load %arg13[%get3A_366, %get3A_367] {strides = array<i32>} : memref<320x64xi32, #tpu.memory_space<vmem>>, vector<16xi32>,
          %bitcast3A_369 = vector.bitcast %get3A_368 : vector<16xi32> to vector<32xbf16>
          %get3A_370 = arith.index_cast %add3A_348 : i32 to index
          %get3A_371 = arith.constant 16 : index
          %get3A_372 = tpu.vector_load %arg15[%get3A_370, %get3A_371] {strides = array<i32>} : memref<320x64xi32, #tpu.memory_space<vmem>>, vector<16xi32>,
          %bitcast3A_373 = vector.bitcast %get3A_372 : vector<16xi32> to vector<32xbf16>
          %mul3A_374 = arith.mulf %bitcast3A_369, %bitcast3A_373 : vector<32xbf16>
          %unpack3A_375 = tpu.unpack_subelements %mul3A_374, 0 {pack_format = #tpu.pack_format<interleaved>} : vector<32xbf16> -> vector<16xf32>
          %unpack3A_376 = tpu.unpack_subelements %mul3A_374, 1 {pack_format = #tpu.pack_format<interleaved>} : vector<32xbf16> -> vector<16xf32>
          %add3A_377 = arith.addf %add3A_364, %unpack3A_375 : vector<16xf32>
          %add3A_378 = arith.addf %add3A_365, %unpack3A_376 : vector<16xf32>
          %get3A_379 = arith.index_cast %add3A_348 : i32 to index
          %get3A_380 = arith.constant 32 : index
          %get3A_381 = tpu.vector_load %arg13[%get3A_379, %get3A_380] {strides = array<i32>} : memref<320x64xi32, #tpu.memory_space<vmem>>, vector<16xi32>,
          %bitcast3A_382 = vector.bitcast %get3A_381 : vector<16xi32> to vector<32xbf16>
          %get3A_383 = arith.index_cast %add3A_348 : i32 to index
          %get3A_384 = arith.constant 32 : index
          %get3A_385 = tpu.vector_load %arg15[%get3A_383, %get3A_384] {strides = array<i32>} : memref<320x64xi32, #tpu.memory_space<vmem>>, vector<16xi32>,
          %bitcast3A_386 = vector.bitcast %get3A_385 : vector<16xi32> to vector<32xbf16>
          %mul3A_387 = arith.mulf %bitcast3A_382, %bitcast3A_386 : vector<32xbf16>
          %unpack3A_388 = tpu.unpack_subelements %mul3A_387, 0 {pack_format = #tpu.pack_format<interleaved>} : vector<32xbf16> -> vector<16xf32>
          %unpack3A_389 = tpu.unpack_subelements %mul3A_387, 1 {pack_format = #tpu.pack_format<interleaved>} : vector<32xbf16> -> vector<16xf32>
          %add3A_390 = arith.addf %add3A_377, %unpack3A_388 : vector<16xf32>
          %add3A_391 = arith.addf %add3A_378, %unpack3A_389 : vector<16xf32>
          %get3A_392 = arith.index_cast %add3A_348 : i32 to index
          %get3A_393 = arith.constant 48 : index
          %get3A_394 = tpu.vector_load %arg13[%get3A_392, %get3A_393] {strides = array<i32>} : memref<320x64xi32, #tpu.memory_space<vmem>>, vector<16xi32>,
          %bitcast3A_395 = vector.bitcast %get3A_394 : vector<16xi32> to vector<32xbf16>
          %get3A_396 = arith.index_cast %add3A_348 : i32 to index
          %get3A_397 = arith.constant 48 : index
          %get3A_398 = tpu.vector_load %arg15[%get3A_396, %get3A_397] {strides = array<i32>} : memref<320x64xi32, #tpu.memory_space<vmem>>, vector<16xi32>,
          %bitcast3A_399 = vector.bitcast %get3A_398 : vector<16xi32> to vector<32xbf16>
          %mul3A_400 = arith.mulf %bitcast3A_395, %bitcast3A_399 : vector<32xbf16>
          %unpack3A_401 = tpu.unpack_subelements %mul3A_400, 0 {pack_format = #tpu.pack_format<interleaved>} : vector<32xbf16> -> vector<16xf32>
          %unpack3A_402 = tpu.unpack_subelements %mul3A_400, 1 {pack_format = #tpu.pack_format<interleaved>} : vector<32xbf16> -> vector<16xf32>
          %add3A_403 = arith.addf %add3A_390, %unpack3A_401 : vector<16xf32>
          %add3A_404 = arith.addf %add3A_391, %unpack3A_402 : vector<16xf32>
          %add3A_405 = arith.addf %add3A_403, %add3A_404 : vector<16xf32>
          %reduce_sum3A_406 = arith.constant true
          %reduce_sum3A_407 = vector.broadcast %reduce_sum3A_406 : i1 to vector<16xi1>
          %reduce_sum3A_408 = tpu.scan <sum>, %add3A_405 masked %reduce_sum3A_407 : vector<16xf32>, vector<16xi1> -> vector<16xf32>
          %reduce_sum3A_409 = vector.extract %reduce_sum3A_408[15] : f32 from vector<16xf32>
          %eq3A_410 = vector.broadcast %add3A_345 : i32 to vector<16xi32>
          %eq3A_411 = arith.cmpi eq, %iota3A_135, %eq3A_410 : vector<16xi32>
          %broadcast_in_dim3A_412 = vector.broadcast %reduce_sum3A_409 : f32 to vector<16xf32>
          %select_n3A_413 = arith.select %eq3A_411, %broadcast_in_dim3A_412, %select_n3A_341 : vector<16xi1>, vector<16xf32>
          %mul3A_414 = arith.constant 4 : i32
          %mul3A_415 = arith.muli %scan3A_201, %mul3A_414 : i32
          %add3A_416 = arith.constant 3 : i32
          %add3A_417 = arith.addi %mul3A_415, %add3A_416 : i32
          %mul3A_418 = arith.constant 16 : i32
          %mul3A_419 = arith.muli %scan3A_187, %mul3A_418 : i32
          %add3A_420 = arith.addi %mul3A_419, %add3A_417 : i32
          %broadcast_in_dim3A_421 = arith.constant 0.000000e+00 : f32
          %broadcast_in_dim3A_422 = vector.broadcast %broadcast_in_dim3A_421 : f32 to vector<16xf32>
          %broadcast_in_dim3A_423 = arith.constant 0.000000e+00 : f32
          %broadcast_in_dim3A_424 = vector.broadcast %broadcast_in_dim3A_423 : f32 to vector<16xf32>
          %get3A_425 = arith.index_cast %add3A_420 : i32 to index
          %get3A_426 = arith.constant 0 : index
          %get3A_427 = tpu.vector_load %arg13[%get3A_425, %get3A_426] {strides = array<i32>} : memref<320x64xi32, #tpu.memory_space<vmem>>, vector<16xi32>,
          %bitcast3A_428 = vector.bitcast %get3A_427 : vector<16xi32> to vector<32xbf16>
          %get3A_429 = arith.index_cast %add3A_420 : i32 to index
          %get3A_430 = arith.constant 0 : index
          %get3A_431 = tpu.vector_load %arg15[%get3A_429, %get3A_430] {strides = array<i32>} : memref<320x64xi32, #tpu.memory_space<vmem>>, vector<16xi32>,
          %bitcast3A_432 = vector.bitcast %get3A_431 : vector<16xi32> to vector<32xbf16>
          %mul3A_433 = arith.mulf %bitcast3A_428, %bitcast3A_432 : vector<32xbf16>
          %unpack3A_434 = tpu.unpack_subelements %mul3A_433, 0 {pack_format = #tpu.pack_format<interleaved>} : vector<32xbf16> -> vector<16xf32>
          %unpack3A_435 = tpu.unpack_subelements %mul3A_433, 1 {pack_format = #tpu.pack_format<interleaved>} : vector<32xbf16> -> vector<16xf32>
          %add3A_436 = arith.addf %broadcast_in_dim3A_422, %unpack3A_434 : vector<16xf32>
          %add3A_437 = arith.addf %broadcast_in_dim3A_424, %unpack3A_435 : vector<16xf32>
          %get3A_438 = arith.index_cast %add3A_420 : i32 to index
          %get3A_439 = arith.constant 16 : index
          %get3A_440 = tpu.vector_load %arg13[%get3A_438, %get3A_439] {strides = array<i32>} : memref<320x64xi32, #tpu.memory_space<vmem>>, vector<16xi32>,
          %bitcast3A_441 = vector.bitcast %get3A_440 : vector<16xi32> to vector<32xbf16>
          %get3A_442 = arith.index_cast %add3A_420 : i32 to index
          %get3A_443 = arith.constant 16 : index
          %get3A_444 = tpu.vector_load %arg15[%get3A_442, %get3A_443] {strides = array<i32>} : memref<320x64xi32, #tpu.memory_space<vmem>>, vector<16xi32>,
          %bitcast3A_445 = vector.bitcast %get3A_444 : vector<16xi32> to vector<32xbf16>
          %mul3A_446 = arith.mulf %bitcast3A_441, %bitcast3A_445 : vector<32xbf16>
          %unpack3A_447 = tpu.unpack_subelements %mul3A_446, 0 {pack_format = #tpu.pack_format<interleaved>} : vector<32xbf16> -> vector<16xf32>
          %unpack3A_448 = tpu.unpack_subelements %mul3A_446, 1 {pack_format = #tpu.pack_format<interleaved>} : vector<32xbf16> -> vector<16xf32>
          %add3A_449 = arith.addf %add3A_436, %unpack3A_447 : vector<16xf32>
          %add3A_450 = arith.addf %add3A_437, %unpack3A_448 : vector<16xf32>
          %get3A_451 = arith.index_cast %add3A_420 : i32 to index
          %get3A_452 = arith.constant 32 : index
          %get3A_453 = tpu.vector_load %arg13[%get3A_451, %get3A_452] {strides = array<i32>} : memref<320x64xi32, #tpu.memory_space<vmem>>, vector<16xi32>,
          %bitcast3A_454 = vector.bitcast %get3A_453 : vector<16xi32> to vector<32xbf16>
          %get3A_455 = arith.index_cast %add3A_420 : i32 to index
          %get3A_456 = arith.constant 32 : index
          %get3A_457 = tpu.vector_load %arg15[%get3A_455, %get3A_456] {strides = array<i32>} : memref<320x64xi32, #tpu.memory_space<vmem>>, vector<16xi32>,
          %bitcast3A_458 = vector.bitcast %get3A_457 : vector<16xi32> to vector<32xbf16>
          %mul3A_459 = arith.mulf %bitcast3A_454, %bitcast3A_458 : vector<32xbf16>
          %unpack3A_460 = tpu.unpack_subelements %mul3A_459, 0 {pack_format = #tpu.pack_format<interleaved>} : vector<32xbf16> -> vector<16xf32>
          %unpack3A_461 = tpu.unpack_subelements %mul3A_459, 1 {pack_format = #tpu.pack_format<interleaved>} : vector<32xbf16> -> vector<16xf32>
          %add3A_462 = arith.addf %add3A_449, %unpack3A_460 : vector<16xf32>
          %add3A_463 = arith.addf %add3A_450, %unpack3A_461 : vector<16xf32>
          %get3A_464 = arith.index_cast %add3A_420 : i32 to index
          %get3A_465 = arith.constant 48 : index
          %get3A_466 = tpu.vector_load %arg13[%get3A_464, %get3A_465] {strides = array<i32>} : memref<320x64xi32, #tpu.memory_space<vmem>>, vector<16xi32>,
          %bitcast3A_467 = vector.bitcast %get3A_466 : vector<16xi32> to vector<32xbf16>
          %get3A_468 = arith.index_cast %add3A_420 : i32 to index
          %get3A_469 = arith.constant 48 : index
          %get3A_470 = tpu.vector_load %arg15[%get3A_468, %get3A_469] {strides = array<i32>} : memref<320x64xi32, #tpu.memory_space<vmem>>, vector<16xi32>,
          %bitcast3A_471 = vector.bitcast %get3A_470 : vector<16xi32> to vector<32xbf16>
          %mul3A_472 = arith.mulf %bitcast3A_467, %bitcast3A_471 : vector<32xbf16>
          %unpack3A_473 = tpu.unpack_subelements %mul3A_472, 0 {pack_format = #tpu.pack_format<interleaved>} : vector<32xbf16> -> vector<16xf32>
          %unpack3A_474 = tpu.unpack_subelements %mul3A_472, 1 {pack_format = #tpu.pack_format<interleaved>} : vector<32xbf16> -> vector<16xf32>
          %add3A_475 = arith.addf %add3A_462, %unpack3A_473 : vector<16xf32>
          %add3A_476 = arith.addf %add3A_463, %unpack3A_474 : vector<16xf32>
          %add3A_477 = arith.addf %add3A_475, %add3A_476 : vector<16xf32>
          %reduce_sum3A_478 = arith.constant true
          %reduce_sum3A_479 = vector.broadcast %reduce_sum3A_478 : i1 to vector<16xi1>
          %reduce_sum3A_480 = tpu.scan <sum>, %add3A_477 masked %reduce_sum3A_479 : vector<16xf32>, vector<16xi1> -> vector<16xf32>
          %reduce_sum3A_481 = vector.extract %reduce_sum3A_480[15] : f32 from vector<16xf32>
          %eq3A_482 = vector.broadcast %add3A_417 : i32 to vector<16xi32>
          %eq3A_483 = arith.cmpi eq, %iota3A_135, %eq3A_482 : vector<16xi32>
          %broadcast_in_dim3A_484 = vector.broadcast %reduce_sum3A_481 : f32 to vector<16xf32>
          %select_n3A_485 = arith.select %eq3A_483, %broadcast_in_dim3A_484, %select_n3A_413 : vector<16xi1>, vector<16xf32>
          scf.yield %select_n3A_485 : vector<16xf32>
        }
        %scan3A_195 = arith.constant 4 : i32
        %mul3A_196 = arith.constant 16 : i32
        %mul3A_197 = arith.muli %scan3A_187, %mul3A_196 : i32
        %add3A_198 = arith.addi %mul3A_134, %mul3A_197 : i32
        %swap3A = arith.index_cast %add3A_198 : i32 to index
        %swap3A_199 = tpu.vector_load %arg17[%swap3A] {strides = array<i32>} : memref<10000xf32, #tpu.memory_space<vmem>>, vector<16xf32>,
        tpu.vector_store %arg17[%swap3A], %scan3A_194 {strides = array<i32>} : memref<10000xf32, #tpu.memory_space<vmem>>, vector<16xf32>,
        %scan3A_200 = arith.constant 0 : i32
        scf.yield %scan3A_200 : i32
      }
      %scan3A_142 = arith.constant 20 : i32
      %add3A_143 = arith.constant 2 : i32
      %add3A_144 = arith.addi %mul3A_101, %add3A_143 : i32
      %mul3A_145 = arith.constant 320 : i32
      %mul3A_146 = arith.muli %add3A_144, %mul3A_145 : i32
      %multiple_of3A_147 = tpu.assume_multiple %mul3A_146, 16 : i32
      %eq3A_148 = arith.constant 0 : i32
      %eq3A_149 = arith.cmpi eq, %arg0, %eq3A_148 : i32
      %convert_element_type3A_150 = arith.extui %eq3A_149 : i1 to i32
      %cond3A_151 = arith.constant 0 : i32
      %cond3A_152 = arith.cmpi ne, %convert_element_type3A_150, %cond3A_151 : i32
      scf.if %cond3A_152 {
        %dma_start3A_187 = arith.constant 0 : i32
        %dma_start3A_188 = arith.constant 0 : i32
        %dma_start3A_189 = tpu.memref_slice %arg13[%dma_start3A_187, %dma_start3A_188] : memref<320x64xi32, #tpu.memory_space<vmem>> -> memref<320x64xi32, #tpu.memory_space<vmem>>
        %dma_start3A_190 = tpu.memref_slice %arg11[%multiple_of3A_147] : memref<10000xi32, #tpu.memory_space<vmem>> -> memref<320xi32, #tpu.memory_space<vmem>>
        %dma_start3A_191 = arith.constant 0 : i32
        %dma_start3A_192 = arith.constant 0 : i32
        %dma_start3A_193 = tpu.memref_slice %arg5[%dma_start3A_191, %dma_start3A_192] : memref<10000x64xi32, #tpu.memory_space<hbm>> -> memref<10000x64xi32, #tpu.memory_space<hbm>>
        tpu.enqueue_indirect_dma source(%dma_start3A_193 : memref<10000x64xi32, #tpu.memory_space<hbm>>) target(%dma_start3A_189 : memref<320x64xi32, #tpu.memory_space<vmem>>) offsets(%dma_start3A_190 : memref<320xi32, #tpu.memory_space<vmem>>) semaphore(%arg18 : memref<!tpu.dma_semaphore, #tpu.memory_space<semaphore_mem>>)
        %dma_start3A_194 = arith.constant 0 : i32
        %dma_start3A_195 = arith.constant 0 : i32
        %dma_start3A_196 = tpu.memref_slice %arg15[%dma_start3A_194, %dma_start3A_195] : memref<320x64xi32, #tpu.memory_space<vmem>> -> memref<320x64xi32, #tpu.memory_space<vmem>>
        %dma_start3A_197 = tpu.memref_slice %arg12[%multiple_of3A_147] : memref<10000xi32, #tpu.memory_space<vmem>> -> memref<320xi32, #tpu.memory_space<vmem>>
        %dma_start3A_198 = arith.constant 0 : i32
        %dma_start3A_199 = arith.constant 0 : i32
        %dma_start3A_200 = tpu.memref_slice %arg5[%dma_start3A_198, %dma_start3A_199] : memref<10000x64xi32, #tpu.memory_space<hbm>> -> memref<10000x64xi32, #tpu.memory_space<hbm>>
        tpu.enqueue_indirect_dma source(%dma_start3A_200 : memref<10000x64xi32, #tpu.memory_space<hbm>>) target(%dma_start3A_196 : memref<320x64xi32, #tpu.memory_space<vmem>>) offsets(%dma_start3A_197 : memref<320xi32, #tpu.memory_space<vmem>>) semaphore(%arg20 : memref<!tpu.dma_semaphore, #tpu.memory_space<semaphore_mem>>)
      } else {
      }
      %eq3A_153 = arith.constant 1 : i32
      %eq3A_154 = arith.cmpi eq, %arg0, %eq3A_153 : i32
      %convert_element_type3A_155 = arith.extui %eq3A_154 : i1 to i32
      %cond3A_156 = arith.constant 0 : i32
      %cond3A_157 = arith.cmpi ne, %convert_element_type3A_155, %cond3A_156 : i32
      scf.if %cond3A_157 {
        %dma_start3A_187 = arith.constant 0 : i32
        %dma_start3A_188 = arith.constant 0 : i32
        %dma_start3A_189 = tpu.memref_slice %arg13[%dma_start3A_187, %dma_start3A_188] : memref<320x64xi32, #tpu.memory_space<vmem>> -> memref<320x64xi32, #tpu.memory_space<vmem>>
        %dma_start3A_190 = tpu.memref_slice %arg11[%multiple_of3A_147] : memref<10000xi32, #tpu.memory_space<vmem>> -> memref<320xi32, #tpu.memory_space<vmem>>
        %dma_start3A_191 = arith.constant 0 : i32
        %dma_start3A_192 = arith.constant 0 : i32
        %dma_start3A_193 = tpu.memref_slice %arg6[%dma_start3A_191, %dma_start3A_192] : memref<10000x64xi32, #tpu.memory_space<hbm>> -> memref<10000x64xi32, #tpu.memory_space<hbm>>
        tpu.enqueue_indirect_dma source(%dma_start3A_193 : memref<10000x64xi32, #tpu.memory_space<hbm>>) target(%dma_start3A_189 : memref<320x64xi32, #tpu.memory_space<vmem>>) offsets(%dma_start3A_190 : memref<320xi32, #tpu.memory_space<vmem>>) semaphore(%arg18 : memref<!tpu.dma_semaphore, #tpu.memory_space<semaphore_mem>>)
        %dma_start3A_194 = arith.constant 0 : i32
        %dma_start3A_195 = arith.constant 0 : i32
        %dma_start3A_196 = tpu.memref_slice %arg15[%dma_start3A_194, %dma_start3A_195] : memref<320x64xi32, #tpu.memory_space<vmem>> -> memref<320x64xi32, #tpu.memory_space<vmem>>
        %dma_start3A_197 = tpu.memref_slice %arg12[%multiple_of3A_147] : memref<10000xi32, #tpu.memory_space<vmem>> -> memref<320xi32, #tpu.memory_space<vmem>>
        %dma_start3A_198 = arith.constant 0 : i32
        %dma_start3A_199 = arith.constant 0 : i32
        %dma_start3A_200 = tpu.memref_slice %arg6[%dma_start3A_198, %dma_start3A_199] : memref<10000x64xi32, #tpu.memory_space<hbm>> -> memref<10000x64xi32, #tpu.memory_space<hbm>>
        tpu.enqueue_indirect_dma source(%dma_start3A_200 : memref<10000x64xi32, #tpu.memory_space<hbm>>) target(%dma_start3A_196 : memref<320x64xi32, #tpu.memory_space<vmem>>) offsets(%dma_start3A_197 : memref<320xi32, #tpu.memory_space<vmem>>) semaphore(%arg20 : memref<!tpu.dma_semaphore, #tpu.memory_space<semaphore_mem>>)
      } else {
      }
      %add3A_158 = arith.constant 1 : i32
      %add3A_159 = arith.addi %mul3A_101, %add3A_158 : i32
      %dma_wait3A_160 = arith.constant 0 : i32
      %dma_wait3A_161 = arith.constant 0 : i32
      %dma_wait3A_162 = tpu.memref_slice %arg14[%dma_wait3A_160, %dma_wait3A_161] : memref<320x64xi32, #tpu.memory_space<vmem>> -> memref<320x64xi32, #tpu.memory_space<vmem>>
      %dma_wait3A_163 = arith.constant 0 : i32
      %dma_wait3A_164 = tpu.memref_slice %arg11[%dma_wait3A_163] : memref<10000xi32, #tpu.memory_space<vmem>> -> memref<320xi32, #tpu.memory_space<vmem>>
      %dma_wait3A_165 = arith.constant 0 : i32
      %dma_wait3A_166 = arith.constant 0 : i32
      %dma_wait3A_167 = tpu.memref_slice %arg5[%dma_wait3A_165, %dma_wait3A_166] : memref<10000x64xi32, #tpu.memory_space<hbm>> -> memref<10000x64xi32, #tpu.memory_space<hbm>>
      tpu.wait_indirect_dma semaphore(%arg19 : memref<!tpu.dma_semaphore, #tpu.memory_space<semaphore_mem>>) src(%dma_wait3A_167 : memref<10000x64xi32, #tpu.memory_space<hbm>>) dst(%dma_wait3A_162 : memref<320x64xi32, #tpu.memory_space<vmem>>)
      %dma_wait3A_168 = arith.constant 0 : i32
      %dma_wait3A_169 = arith.constant 0 : i32
      %dma_wait3A_170 = tpu.memref_slice %arg16[%dma_wait3A_168, %dma_wait3A_169] : memref<320x64xi32, #tpu.memory_space<vmem>> -> memref<320x64xi32, #tpu.memory_space<vmem>>
      %dma_wait3A_171 = arith.constant 0 : i32
      %dma_wait3A_172 = tpu.memref_slice %arg12[%dma_wait3A_171] : memref<10000xi32, #tpu.memory_space<vmem>> -> memref<320xi32, #tpu.memory_space<vmem>>
      %dma_wait3A_173 = arith.constant 0 : i32
      %dma_wait3A_174 = arith.constant 0 : i32
      %dma_wait3A_175 = tpu.memref_slice %arg5[%dma_wait3A_173, %dma_wait3A_174] : memref<10000x64xi32, #tpu.memory_space<hbm>> -> memref<10000x64xi32, #tpu.memory_space<hbm>>
      tpu.wait_indirect_dma semaphore(%arg21 : memref<!tpu.dma_semaphore, #tpu.memory_space<semaphore_mem>>) src(%dma_wait3A_175 : memref<10000x64xi32, #tpu.memory_space<hbm>>) dst(%dma_wait3A_170 : memref<320x64xi32, #tpu.memory_space<vmem>>)
      %mul3A_176 = arith.constant 320 : i32
      %mul3A_177 = arith.muli %add3A_159, %mul3A_176 : i32
      %iota3A_178 = tpu.iota {dimensions = array<i32: 0>} : vector<16xi32>
      %scan3A_179 = arith.constant 0 : i32
      %scan3A_180 = arith.constant 0 : i32
      %scan3A_181 = arith.constant 20 : i32
      %scan3A_182 = arith.addi %scan3A_180, %scan3A_181 : i32
      %scan3A_183 = arith.constant 1 : i32
      %scan3A_184 = scf.for %scan3A_187 = %scan3A_180 to %scan3A_182 step %scan3A_183 iter_args(%scan3A_188 = %scan3A_179) -> (i32)  : i32 {
        %broadcast_in_dim3A = arith.constant 0.000000e+00 : f32
        %broadcast_in_dim3A_189 = vector.broadcast %broadcast_in_dim3A : f32 to vector<16xf32>
        %scan3A_190 = arith.constant 0 : i32
        %scan3A_191 = arith.constant 4 : i32
        %scan3A_192 = arith.addi %scan3A_190, %scan3A_191 : i32
        %scan3A_193 = arith.constant 1 : i32
        %scan3A_194 = scf.for %scan3A_201 = %scan3A_190 to %scan3A_192 step %scan3A_193 iter_args(%scan3A_202 = %broadcast_in_dim3A_189) -> (vector<16xf32>)  : i32 {
          %mul3A_203 = arith.constant 4 : i32
          %mul3A_204 = arith.muli %scan3A_201, %mul3A_203 : i32
          %add3A_205 = arith.constant 0 : i32
          %add3A_206 = arith.addi %mul3A_204, %add3A_205 : i32
          %mul3A_207 = arith.constant 16 : i32
          %mul3A_208 = arith.muli %scan3A_187, %mul3A_207 : i32
          %add3A_209 = arith.addi %mul3A_208, %add3A_206 : i32
          %broadcast_in_dim3A_210 = arith.constant 0.000000e+00 : f32
          %broadcast_in_dim3A_211 = vector.broadcast %broadcast_in_dim3A_210 : f32 to vector<16xf32>
          %broadcast_in_dim3A_212 = arith.constant 0.000000e+00 : f32
          %broadcast_in_dim3A_213 = vector.broadcast %broadcast_in_dim3A_212 : f32 to vector<16xf32>
          %get3A = arith.index_cast %add3A_209 : i32 to index
          %get3A_214 = arith.constant 0 : index
          %get3A_215 = tpu.vector_load %arg14[%get3A, %get3A_214] {strides = array<i32>} : memref<320x64xi32, #tpu.memory_space<vmem>>, vector<16xi32>,
          %bitcast3A = vector.bitcast %get3A_215 : vector<16xi32> to vector<32xbf16>
          %get3A_216 = arith.index_cast %add3A_209 : i32 to index
          %get3A_217 = arith.constant 0 : index
          %get3A_218 = tpu.vector_load %arg16[%get3A_216, %get3A_217] {strides = array<i32>} : memref<320x64xi32, #tpu.memory_space<vmem>>, vector<16xi32>,
          %bitcast3A_219 = vector.bitcast %get3A_218 : vector<16xi32> to vector<32xbf16>
          %mul3A_220 = arith.mulf %bitcast3A, %bitcast3A_219 : vector<32xbf16>
          %unpack3A = tpu.unpack_subelements %mul3A_220, 0 {pack_format = #tpu.pack_format<interleaved>} : vector<32xbf16> -> vector<16xf32>
          %unpack3A_221 = tpu.unpack_subelements %mul3A_220, 1 {pack_format = #tpu.pack_format<interleaved>} : vector<32xbf16> -> vector<16xf32>
          %add3A_222 = arith.addf %broadcast_in_dim3A_211, %unpack3A : vector<16xf32>
          %add3A_223 = arith.addf %broadcast_in_dim3A_213, %unpack3A_221 : vector<16xf32>
          %get3A_224 = arith.index_cast %add3A_209 : i32 to index
          %get3A_225 = arith.constant 16 : index
          %get3A_226 = tpu.vector_load %arg14[%get3A_224, %get3A_225] {strides = array<i32>} : memref<320x64xi32, #tpu.memory_space<vmem>>, vector<16xi32>,
          %bitcast3A_227 = vector.bitcast %get3A_226 : vector<16xi32> to vector<32xbf16>
          %get3A_228 = arith.index_cast %add3A_209 : i32 to index
          %get3A_229 = arith.constant 16 : index
          %get3A_230 = tpu.vector_load %arg16[%get3A_228, %get3A_229] {strides = array<i32>} : memref<320x64xi32, #tpu.memory_space<vmem>>, vector<16xi32>,
          %bitcast3A_231 = vector.bitcast %get3A_230 : vector<16xi32> to vector<32xbf16>
          %mul3A_232 = arith.mulf %bitcast3A_227, %bitcast3A_231 : vector<32xbf16>
          %unpack3A_233 = tpu.unpack_subelements %mul3A_232, 0 {pack_format = #tpu.pack_format<interleaved>} : vector<32xbf16> -> vector<16xf32>
          %unpack3A_234 = tpu.unpack_subelements %mul3A_232, 1 {pack_format = #tpu.pack_format<interleaved>} : vector<32xbf16> -> vector<16xf32>
          %add3A_235 = arith.addf %add3A_222, %unpack3A_233 : vector<16xf32>
          %add3A_236 = arith.addf %add3A_223, %unpack3A_234 : vector<16xf32>
          %get3A_237 = arith.index_cast %add3A_209 : i32 to index
          %get3A_238 = arith.constant 32 : index
          %get3A_239 = tpu.vector_load %arg14[%get3A_237, %get3A_238] {strides = array<i32>} : memref<320x64xi32, #tpu.memory_space<vmem>>, vector<16xi32>,
          %bitcast3A_240 = vector.bitcast %get3A_239 : vector<16xi32> to vector<32xbf16>
          %get3A_241 = arith.index_cast %add3A_209 : i32 to index
          %get3A_242 = arith.constant 32 : index
          %get3A_243 = tpu.vector_load %arg16[%get3A_241, %get3A_242] {strides = array<i32>} : memref<320x64xi32, #tpu.memory_space<vmem>>, vector<16xi32>,
          %bitcast3A_244 = vector.bitcast %get3A_243 : vector<16xi32> to vector<32xbf16>
          %mul3A_245 = arith.mulf %bitcast3A_240, %bitcast3A_244 : vector<32xbf16>
          %unpack3A_246 = tpu.unpack_subelements %mul3A_245, 0 {pack_format = #tpu.pack_format<interleaved>} : vector<32xbf16> -> vector<16xf32>
          %unpack3A_247 = tpu.unpack_subelements %mul3A_245, 1 {pack_format = #tpu.pack_format<interleaved>} : vector<32xbf16> -> vector<16xf32>
          %add3A_248 = arith.addf %add3A_235, %unpack3A_246 : vector<16xf32>
          %add3A_249 = arith.addf %add3A_236, %unpack3A_247 : vector<16xf32>
          %get3A_250 = arith.index_cast %add3A_209 : i32 to index
          %get3A_251 = arith.constant 48 : index
          %get3A_252 = tpu.vector_load %arg14[%get3A_250, %get3A_251] {strides = array<i32>} : memref<320x64xi32, #tpu.memory_space<vmem>>, vector<16xi32>,
          %bitcast3A_253 = vector.bitcast %get3A_252 : vector<16xi32> to vector<32xbf16>
          %get3A_254 = arith.index_cast %add3A_209 : i32 to index
          %get3A_255 = arith.constant 48 : index
          %get3A_256 = tpu.vector_load %arg16[%get3A_254, %get3A_255] {strides = array<i32>} : memref<320x64xi32, #tpu.memory_space<vmem>>, vector<16xi32>,
          %bitcast3A_257 = vector.bitcast %get3A_256 : vector<16xi32> to vector<32xbf16>
          %mul3A_258 = arith.mulf %bitcast3A_253, %bitcast3A_257 : vector<32xbf16>
          %unpack3A_259 = tpu.unpack_subelements %mul3A_258, 0 {pack_format = #tpu.pack_format<interleaved>} : vector<32xbf16> -> vector<16xf32>
          %unpack3A_260 = tpu.unpack_subelements %mul3A_258, 1 {pack_format = #tpu.pack_format<interleaved>} : vector<32xbf16> -> vector<16xf32>
          %add3A_261 = arith.addf %add3A_248, %unpack3A_259 : vector<16xf32>
          %add3A_262 = arith.addf %add3A_249, %unpack3A_260 : vector<16xf32>
          %add3A_263 = arith.addf %add3A_261, %add3A_262 : vector<16xf32>
          %reduce_sum3A = arith.constant true
          %reduce_sum3A_264 = vector.broadcast %reduce_sum3A : i1 to vector<16xi1>
          %reduce_sum3A_265 = tpu.scan <sum>, %add3A_263 masked %reduce_sum3A_264 : vector<16xf32>, vector<16xi1> -> vector<16xf32>
          %reduce_sum3A_266 = vector.extract %reduce_sum3A_265[15] : f32 from vector<16xf32>
          %eq3A_267 = vector.broadcast %add3A_206 : i32 to vector<16xi32>
          %eq3A_268 = arith.cmpi eq, %iota3A_178, %eq3A_267 : vector<16xi32>
          %broadcast_in_dim3A_269 = vector.broadcast %reduce_sum3A_266 : f32 to vector<16xf32>
          %select_n3A = arith.select %eq3A_268, %broadcast_in_dim3A_269, %scan3A_202 : vector<16xi1>, vector<16xf32>
          %mul3A_270 = arith.constant 4 : i32
          %mul3A_271 = arith.muli %scan3A_201, %mul3A_270 : i32
          %add3A_272 = arith.constant 1 : i32
          %add3A_273 = arith.addi %mul3A_271, %add3A_272 : i32
          %mul3A_274 = arith.constant 16 : i32
          %mul3A_275 = arith.muli %scan3A_187, %mul3A_274 : i32
          %add3A_276 = arith.addi %mul3A_275, %add3A_273 : i32
          %broadcast_in_dim3A_277 = arith.constant 0.000000e+00 : f32
          %broadcast_in_dim3A_278 = vector.broadcast %broadcast_in_dim3A_277 : f32 to vector<16xf32>
          %broadcast_in_dim3A_279 = arith.constant 0.000000e+00 : f32
          %broadcast_in_dim3A_280 = vector.broadcast %broadcast_in_dim3A_279 : f32 to vector<16xf32>
          %get3A_281 = arith.index_cast %add3A_276 : i32 to index
          %get3A_282 = arith.constant 0 : index
          %get3A_283 = tpu.vector_load %arg14[%get3A_281, %get3A_282] {strides = array<i32>} : memref<320x64xi32, #tpu.memory_space<vmem>>, vector<16xi32>,
          %bitcast3A_284 = vector.bitcast %get3A_283 : vector<16xi32> to vector<32xbf16>
          %get3A_285 = arith.index_cast %add3A_276 : i32 to index
          %get3A_286 = arith.constant 0 : index
          %get3A_287 = tpu.vector_load %arg16[%get3A_285, %get3A_286] {strides = array<i32>} : memref<320x64xi32, #tpu.memory_space<vmem>>, vector<16xi32>,
          %bitcast3A_288 = vector.bitcast %get3A_287 : vector<16xi32> to vector<32xbf16>
          %mul3A_289 = arith.mulf %bitcast3A_284, %bitcast3A_288 : vector<32xbf16>
          %unpack3A_290 = tpu.unpack_subelements %mul3A_289, 0 {pack_format = #tpu.pack_format<interleaved>} : vector<32xbf16> -> vector<16xf32>
          %unpack3A_291 = tpu.unpack_subelements %mul3A_289, 1 {pack_format = #tpu.pack_format<interleaved>} : vector<32xbf16> -> vector<16xf32>
          %add3A_292 = arith.addf %broadcast_in_dim3A_278, %unpack3A_290 : vector<16xf32>
          %add3A_293 = arith.addf %broadcast_in_dim3A_280, %unpack3A_291 : vector<16xf32>
          %get3A_294 = arith.index_cast %add3A_276 : i32 to index
          %get3A_295 = arith.constant 16 : index
          %get3A_296 = tpu.vector_load %arg14[%get3A_294, %get3A_295] {strides = array<i32>} : memref<320x64xi32, #tpu.memory_space<vmem>>, vector<16xi32>,
          %bitcast3A_297 = vector.bitcast %get3A_296 : vector<16xi32> to vector<32xbf16>
          %get3A_298 = arith.index_cast %add3A_276 : i32 to index
          %get3A_299 = arith.constant 16 : index
          %get3A_300 = tpu.vector_load %arg16[%get3A_298, %get3A_299] {strides = array<i32>} : memref<320x64xi32, #tpu.memory_space<vmem>>, vector<16xi32>,
          %bitcast3A_301 = vector.bitcast %get3A_300 : vector<16xi32> to vector<32xbf16>
          %mul3A_302 = arith.mulf %bitcast3A_297, %bitcast3A_301 : vector<32xbf16>
          %unpack3A_303 = tpu.unpack_subelements %mul3A_302, 0 {pack_format = #tpu.pack_format<interleaved>} : vector<32xbf16> -> vector<16xf32>
          %unpack3A_304 = tpu.unpack_subelements %mul3A_302, 1 {pack_format = #tpu.pack_format<interleaved>} : vector<32xbf16> -> vector<16xf32>
          %add3A_305 = arith.addf %add3A_292, %unpack3A_303 : vector<16xf32>
          %add3A_306 = arith.addf %add3A_293, %unpack3A_304 : vector<16xf32>
          %get3A_307 = arith.index_cast %add3A_276 : i32 to index
          %get3A_308 = arith.constant 32 : index
          %get3A_309 = tpu.vector_load %arg14[%get3A_307, %get3A_308] {strides = array<i32>} : memref<320x64xi32, #tpu.memory_space<vmem>>, vector<16xi32>,
          %bitcast3A_310 = vector.bitcast %get3A_309 : vector<16xi32> to vector<32xbf16>
          %get3A_311 = arith.index_cast %add3A_276 : i32 to index
          %get3A_312 = arith.constant 32 : index
          %get3A_313 = tpu.vector_load %arg16[%get3A_311, %get3A_312] {strides = array<i32>} : memref<320x64xi32, #tpu.memory_space<vmem>>, vector<16xi32>,
          %bitcast3A_314 = vector.bitcast %get3A_313 : vector<16xi32> to vector<32xbf16>
          %mul3A_315 = arith.mulf %bitcast3A_310, %bitcast3A_314 : vector<32xbf16>
          %unpack3A_316 = tpu.unpack_subelements %mul3A_315, 0 {pack_format = #tpu.pack_format<interleaved>} : vector<32xbf16> -> vector<16xf32>
          %unpack3A_317 = tpu.unpack_subelements %mul3A_315, 1 {pack_format = #tpu.pack_format<interleaved>} : vector<32xbf16> -> vector<16xf32>
          %add3A_318 = arith.addf %add3A_305, %unpack3A_316 : vector<16xf32>
          %add3A_319 = arith.addf %add3A_306, %unpack3A_317 : vector<16xf32>
          %get3A_320 = arith.index_cast %add3A_276 : i32 to index
          %get3A_321 = arith.constant 48 : index
          %get3A_322 = tpu.vector_load %arg14[%get3A_320, %get3A_321] {strides = array<i32>} : memref<320x64xi32, #tpu.memory_space<vmem>>, vector<16xi32>,
          %bitcast3A_323 = vector.bitcast %get3A_322 : vector<16xi32> to vector<32xbf16>
          %get3A_324 = arith.index_cast %add3A_276 : i32 to index
          %get3A_325 = arith.constant 48 : index
          %get3A_326 = tpu.vector_load %arg16[%get3A_324, %get3A_325] {strides = array<i32>} : memref<320x64xi32, #tpu.memory_space<vmem>>, vector<16xi32>,
          %bitcast3A_327 = vector.bitcast %get3A_326 : vector<16xi32> to vector<32xbf16>
          %mul3A_328 = arith.mulf %bitcast3A_323, %bitcast3A_327 : vector<32xbf16>
          %unpack3A_329 = tpu.unpack_subelements %mul3A_328, 0 {pack_format = #tpu.pack_format<interleaved>} : vector<32xbf16> -> vector<16xf32>
          %unpack3A_330 = tpu.unpack_subelements %mul3A_328, 1 {pack_format = #tpu.pack_format<interleaved>} : vector<32xbf16> -> vector<16xf32>
          %add3A_331 = arith.addf %add3A_318, %unpack3A_329 : vector<16xf32>
          %add3A_332 = arith.addf %add3A_319, %unpack3A_330 : vector<16xf32>
          %add3A_333 = arith.addf %add3A_331, %add3A_332 : vector<16xf32>
          %reduce_sum3A_334 = arith.constant true
          %reduce_sum3A_335 = vector.broadcast %reduce_sum3A_334 : i1 to vector<16xi1>
          %reduce_sum3A_336 = tpu.scan <sum>, %add3A_333 masked %reduce_sum3A_335 : vector<16xf32>, vector<16xi1> -> vector<16xf32>
          %reduce_sum3A_337 = vector.extract %reduce_sum3A_336[15] : f32 from vector<16xf32>
          %eq3A_338 = vector.broadcast %add3A_273 : i32 to vector<16xi32>
          %eq3A_339 = arith.cmpi eq, %iota3A_178, %eq3A_338 : vector<16xi32>
          %broadcast_in_dim3A_340 = vector.broadcast %reduce_sum3A_337 : f32 to vector<16xf32>
          %select_n3A_341 = arith.select %eq3A_339, %broadcast_in_dim3A_340, %select_n3A : vector<16xi1>, vector<16xf32>
          %mul3A_342 = arith.constant 4 : i32
          %mul3A_343 = arith.muli %scan3A_201, %mul3A_342 : i32
          %add3A_344 = arith.constant 2 : i32
          %add3A_345 = arith.addi %mul3A_343, %add3A_344 : i32
          %mul3A_346 = arith.constant 16 : i32
          %mul3A_347 = arith.muli %scan3A_187, %mul3A_346 : i32
          %add3A_348 = arith.addi %mul3A_347, %add3A_345 : i32
          %broadcast_in_dim3A_349 = arith.constant 0.000000e+00 : f32
          %broadcast_in_dim3A_350 = vector.broadcast %broadcast_in_dim3A_349 : f32 to vector<16xf32>
          %broadcast_in_dim3A_351 = arith.constant 0.000000e+00 : f32
          %broadcast_in_dim3A_352 = vector.broadcast %broadcast_in_dim3A_351 : f32 to vector<16xf32>
          %get3A_353 = arith.index_cast %add3A_348 : i32 to index
          %get3A_354 = arith.constant 0 : index
          %get3A_355 = tpu.vector_load %arg14[%get3A_353, %get3A_354] {strides = array<i32>} : memref<320x64xi32, #tpu.memory_space<vmem>>, vector<16xi32>,
          %bitcast3A_356 = vector.bitcast %get3A_355 : vector<16xi32> to vector<32xbf16>
          %get3A_357 = arith.index_cast %add3A_348 : i32 to index
          %get3A_358 = arith.constant 0 : index
          %get3A_359 = tpu.vector_load %arg16[%get3A_357, %get3A_358] {strides = array<i32>} : memref<320x64xi32, #tpu.memory_space<vmem>>, vector<16xi32>,
          %bitcast3A_360 = vector.bitcast %get3A_359 : vector<16xi32> to vector<32xbf16>
          %mul3A_361 = arith.mulf %bitcast3A_356, %bitcast3A_360 : vector<32xbf16>
          %unpack3A_362 = tpu.unpack_subelements %mul3A_361, 0 {pack_format = #tpu.pack_format<interleaved>} : vector<32xbf16> -> vector<16xf32>
          %unpack3A_363 = tpu.unpack_subelements %mul3A_361, 1 {pack_format = #tpu.pack_format<interleaved>} : vector<32xbf16> -> vector<16xf32>
          %add3A_364 = arith.addf %broadcast_in_dim3A_350, %unpack3A_362 : vector<16xf32>
          %add3A_365 = arith.addf %broadcast_in_dim3A_352, %unpack3A_363 : vector<16xf32>
          %get3A_366 = arith.index_cast %add3A_348 : i32 to index
          %get3A_367 = arith.constant 16 : index
          %get3A_368 = tpu.vector_load %arg14[%get3A_366, %get3A_367] {strides = array<i32>} : memref<320x64xi32, #tpu.memory_space<vmem>>, vector<16xi32>,
          %bitcast3A_369 = vector.bitcast %get3A_368 : vector<16xi32> to vector<32xbf16>
          %get3A_370 = arith.index_cast %add3A_348 : i32 to index
          %get3A_371 = arith.constant 16 : index
          %get3A_372 = tpu.vector_load %arg16[%get3A_370, %get3A_371] {strides = array<i32>} : memref<320x64xi32, #tpu.memory_space<vmem>>, vector<16xi32>,
          %bitcast3A_373 = vector.bitcast %get3A_372 : vector<16xi32> to vector<32xbf16>
          %mul3A_374 = arith.mulf %bitcast3A_369, %bitcast3A_373 : vector<32xbf16>
          %unpack3A_375 = tpu.unpack_subelements %mul3A_374, 0 {pack_format = #tpu.pack_format<interleaved>} : vector<32xbf16> -> vector<16xf32>
          %unpack3A_376 = tpu.unpack_subelements %mul3A_374, 1 {pack_format = #tpu.pack_format<interleaved>} : vector<32xbf16> -> vector<16xf32>
          %add3A_377 = arith.addf %add3A_364, %unpack3A_375 : vector<16xf32>
          %add3A_378 = arith.addf %add3A_365, %unpack3A_376 : vector<16xf32>
          %get3A_379 = arith.index_cast %add3A_348 : i32 to index
          %get3A_380 = arith.constant 32 : index
          %get3A_381 = tpu.vector_load %arg14[%get3A_379, %get3A_380] {strides = array<i32>} : memref<320x64xi32, #tpu.memory_space<vmem>>, vector<16xi32>,
          %bitcast3A_382 = vector.bitcast %get3A_381 : vector<16xi32> to vector<32xbf16>
          %get3A_383 = arith.index_cast %add3A_348 : i32 to index
          %get3A_384 = arith.constant 32 : index
          %get3A_385 = tpu.vector_load %arg16[%get3A_383, %get3A_384] {strides = array<i32>} : memref<320x64xi32, #tpu.memory_space<vmem>>, vector<16xi32>,
          %bitcast3A_386 = vector.bitcast %get3A_385 : vector<16xi32> to vector<32xbf16>
          %mul3A_387 = arith.mulf %bitcast3A_382, %bitcast3A_386 : vector<32xbf16>
          %unpack3A_388 = tpu.unpack_subelements %mul3A_387, 0 {pack_format = #tpu.pack_format<interleaved>} : vector<32xbf16> -> vector<16xf32>
          %unpack3A_389 = tpu.unpack_subelements %mul3A_387, 1 {pack_format = #tpu.pack_format<interleaved>} : vector<32xbf16> -> vector<16xf32>
          %add3A_390 = arith.addf %add3A_377, %unpack3A_388 : vector<16xf32>
          %add3A_391 = arith.addf %add3A_378, %unpack3A_389 : vector<16xf32>
          %get3A_392 = arith.index_cast %add3A_348 : i32 to index
          %get3A_393 = arith.constant 48 : index
          %get3A_394 = tpu.vector_load %arg14[%get3A_392, %get3A_393] {strides = array<i32>} : memref<320x64xi32, #tpu.memory_space<vmem>>, vector<16xi32>,
          %bitcast3A_395 = vector.bitcast %get3A_394 : vector<16xi32> to vector<32xbf16>
          %get3A_396 = arith.index_cast %add3A_348 : i32 to index
          %get3A_397 = arith.constant 48 : index
          %get3A_398 = tpu.vector_load %arg16[%get3A_396, %get3A_397] {strides = array<i32>} : memref<320x64xi32, #tpu.memory_space<vmem>>, vector<16xi32>,
          %bitcast3A_399 = vector.bitcast %get3A_398 : vector<16xi32> to vector<32xbf16>
          %mul3A_400 = arith.mulf %bitcast3A_395, %bitcast3A_399 : vector<32xbf16>
          %unpack3A_401 = tpu.unpack_subelements %mul3A_400, 0 {pack_format = #tpu.pack_format<interleaved>} : vector<32xbf16> -> vector<16xf32>
          %unpack3A_402 = tpu.unpack_subelements %mul3A_400, 1 {pack_format = #tpu.pack_format<interleaved>} : vector<32xbf16> -> vector<16xf32>
          %add3A_403 = arith.addf %add3A_390, %unpack3A_401 : vector<16xf32>
          %add3A_404 = arith.addf %add3A_391, %unpack3A_402 : vector<16xf32>
          %add3A_405 = arith.addf %add3A_403, %add3A_404 : vector<16xf32>
          %reduce_sum3A_406 = arith.constant true
          %reduce_sum3A_407 = vector.broadcast %reduce_sum3A_406 : i1 to vector<16xi1>
          %reduce_sum3A_408 = tpu.scan <sum>, %add3A_405 masked %reduce_sum3A_407 : vector<16xf32>, vector<16xi1> -> vector<16xf32>
          %reduce_sum3A_409 = vector.extract %reduce_sum3A_408[15] : f32 from vector<16xf32>
          %eq3A_410 = vector.broadcast %add3A_345 : i32 to vector<16xi32>
          %eq3A_411 = arith.cmpi eq, %iota3A_178, %eq3A_410 : vector<16xi32>
          %broadcast_in_dim3A_412 = vector.broadcast %reduce_sum3A_409 : f32 to vector<16xf32>
          %select_n3A_413 = arith.select %eq3A_411, %broadcast_in_dim3A_412, %select_n3A_341 : vector<16xi1>, vector<16xf32>
          %mul3A_414 = arith.constant 4 : i32
          %mul3A_415 = arith.muli %scan3A_201, %mul3A_414 : i32
          %add3A_416 = arith.constant 3 : i32
          %add3A_417 = arith.addi %mul3A_415, %add3A_416 : i32
          %mul3A_418 = arith.constant 16 : i32
          %mul3A_419 = arith.muli %scan3A_187, %mul3A_418 : i32
          %add3A_420 = arith.addi %mul3A_419, %add3A_417 : i32
          %broadcast_in_dim3A_421 = arith.constant 0.000000e+00 : f32
          %broadcast_in_dim3A_422 = vector.broadcast %broadcast_in_dim3A_421 : f32 to vector<16xf32>
          %broadcast_in_dim3A_423 = arith.constant 0.000000e+00 : f32
          %broadcast_in_dim3A_424 = vector.broadcast %broadcast_in_dim3A_423 : f32 to vector<16xf32>
          %get3A_425 = arith.index_cast %add3A_420 : i32 to index
          %get3A_426 = arith.constant 0 : index
          %get3A_427 = tpu.vector_load %arg14[%get3A_425, %get3A_426] {strides = array<i32>} : memref<320x64xi32, #tpu.memory_space<vmem>>, vector<16xi32>,
          %bitcast3A_428 = vector.bitcast %get3A_427 : vector<16xi32> to vector<32xbf16>
          %get3A_429 = arith.index_cast %add3A_420 : i32 to index
          %get3A_430 = arith.constant 0 : index
          %get3A_431 = tpu.vector_load %arg16[%get3A_429, %get3A_430] {strides = array<i32>} : memref<320x64xi32, #tpu.memory_space<vmem>>, vector<16xi32>,
          %bitcast3A_432 = vector.bitcast %get3A_431 : vector<16xi32> to vector<32xbf16>
          %mul3A_433 = arith.mulf %bitcast3A_428, %bitcast3A_432 : vector<32xbf16>
          %unpack3A_434 = tpu.unpack_subelements %mul3A_433, 0 {pack_format = #tpu.pack_format<interleaved>} : vector<32xbf16> -> vector<16xf32>
          %unpack3A_435 = tpu.unpack_subelements %mul3A_433, 1 {pack_format = #tpu.pack_format<interleaved>} : vector<32xbf16> -> vector<16xf32>
          %add3A_436 = arith.addf %broadcast_in_dim3A_422, %unpack3A_434 : vector<16xf32>
          %add3A_437 = arith.addf %broadcast_in_dim3A_424, %unpack3A_435 : vector<16xf32>
          %get3A_438 = arith.index_cast %add3A_420 : i32 to index
          %get3A_439 = arith.constant 16 : index
          %get3A_440 = tpu.vector_load %arg14[%get3A_438, %get3A_439] {strides = array<i32>} : memref<320x64xi32, #tpu.memory_space<vmem>>, vector<16xi32>,
          %bitcast3A_441 = vector.bitcast %get3A_440 : vector<16xi32> to vector<32xbf16>
          %get3A_442 = arith.index_cast %add3A_420 : i32 to index
          %get3A_443 = arith.constant 16 : index
          %get3A_444 = tpu.vector_load %arg16[%get3A_442, %get3A_443] {strides = array<i32>} : memref<320x64xi32, #tpu.memory_space<vmem>>, vector<16xi32>,
          %bitcast3A_445 = vector.bitcast %get3A_444 : vector<16xi32> to vector<32xbf16>
          %mul3A_446 = arith.mulf %bitcast3A_441, %bitcast3A_445 : vector<32xbf16>
          %unpack3A_447 = tpu.unpack_subelements %mul3A_446, 0 {pack_format = #tpu.pack_format<interleaved>} : vector<32xbf16> -> vector<16xf32>
          %unpack3A_448 = tpu.unpack_subelements %mul3A_446, 1 {pack_format = #tpu.pack_format<interleaved>} : vector<32xbf16> -> vector<16xf32>
          %add3A_449 = arith.addf %add3A_436, %unpack3A_447 : vector<16xf32>
          %add3A_450 = arith.addf %add3A_437, %unpack3A_448 : vector<16xf32>
          %get3A_451 = arith.index_cast %add3A_420 : i32 to index
          %get3A_452 = arith.constant 32 : index
          %get3A_453 = tpu.vector_load %arg14[%get3A_451, %get3A_452] {strides = array<i32>} : memref<320x64xi32, #tpu.memory_space<vmem>>, vector<16xi32>,
          %bitcast3A_454 = vector.bitcast %get3A_453 : vector<16xi32> to vector<32xbf16>
          %get3A_455 = arith.index_cast %add3A_420 : i32 to index
          %get3A_456 = arith.constant 32 : index
          %get3A_457 = tpu.vector_load %arg16[%get3A_455, %get3A_456] {strides = array<i32>} : memref<320x64xi32, #tpu.memory_space<vmem>>, vector<16xi32>,
          %bitcast3A_458 = vector.bitcast %get3A_457 : vector<16xi32> to vector<32xbf16>
          %mul3A_459 = arith.mulf %bitcast3A_454, %bitcast3A_458 : vector<32xbf16>
          %unpack3A_460 = tpu.unpack_subelements %mul3A_459, 0 {pack_format = #tpu.pack_format<interleaved>} : vector<32xbf16> -> vector<16xf32>
          %unpack3A_461 = tpu.unpack_subelements %mul3A_459, 1 {pack_format = #tpu.pack_format<interleaved>} : vector<32xbf16> -> vector<16xf32>
          %add3A_462 = arith.addf %add3A_449, %unpack3A_460 : vector<16xf32>
          %add3A_463 = arith.addf %add3A_450, %unpack3A_461 : vector<16xf32>
          %get3A_464 = arith.index_cast %add3A_420 : i32 to index
          %get3A_465 = arith.constant 48 : index
          %get3A_466 = tpu.vector_load %arg14[%get3A_464, %get3A_465] {strides = array<i32>} : memref<320x64xi32, #tpu.memory_space<vmem>>, vector<16xi32>,
          %bitcast3A_467 = vector.bitcast %get3A_466 : vector<16xi32> to vector<32xbf16>
          %get3A_468 = arith.index_cast %add3A_420 : i32 to index
          %get3A_469 = arith.constant 48 : index
          %get3A_470 = tpu.vector_load %arg16[%get3A_468, %get3A_469] {strides = array<i32>} : memref<320x64xi32, #tpu.memory_space<vmem>>, vector<16xi32>,
          %bitcast3A_471 = vector.bitcast %get3A_470 : vector<16xi32> to vector<32xbf16>
          %mul3A_472 = arith.mulf %bitcast3A_467, %bitcast3A_471 : vector<32xbf16>
          %unpack3A_473 = tpu.unpack_subelements %mul3A_472, 0 {pack_format = #tpu.pack_format<interleaved>} : vector<32xbf16> -> vector<16xf32>
          %unpack3A_474 = tpu.unpack_subelements %mul3A_472, 1 {pack_format = #tpu.pack_format<interleaved>} : vector<32xbf16> -> vector<16xf32>
          %add3A_475 = arith.addf %add3A_462, %unpack3A_473 : vector<16xf32>
          %add3A_476 = arith.addf %add3A_463, %unpack3A_474 : vector<16xf32>
          %add3A_477 = arith.addf %add3A_475, %add3A_476 : vector<16xf32>
          %reduce_sum3A_478 = arith.constant true
          %reduce_sum3A_479 = vector.broadcast %reduce_sum3A_478 : i1 to vector<16xi1>
          %reduce_sum3A_480 = tpu.scan <sum>, %add3A_477 masked %reduce_sum3A_479 : vector<16xf32>, vector<16xi1> -> vector<16xf32>
          %reduce_sum3A_481 = vector.extract %reduce_sum3A_480[15] : f32 from vector<16xf32>
          %eq3A_482 = vector.broadcast %add3A_417 : i32 to vector<16xi32>
          %eq3A_483 = arith.cmpi eq, %iota3A_178, %eq3A_482 : vector<16xi32>
          %broadcast_in_dim3A_484 = vector.broadcast %reduce_sum3A_481 : f32 to vector<16xf32>
          %select_n3A_485 = arith.select %eq3A_483, %broadcast_in_dim3A_484, %select_n3A_413 : vector<16xi1>, vector<16xf32>
          scf.yield %select_n3A_485 : vector<16xf32>
        }
        %scan3A_195 = arith.constant 4 : i32
        %mul3A_196 = arith.constant 16 : i32
        %mul3A_197 = arith.muli %scan3A_187, %mul3A_196 : i32
        %add3A_198 = arith.addi %mul3A_177, %mul3A_197 : i32
        %swap3A = arith.index_cast %add3A_198 : i32 to index
        %swap3A_199 = tpu.vector_load %arg17[%swap3A] {strides = array<i32>} : memref<10000xf32, #tpu.memory_space<vmem>>, vector<16xf32>,
        tpu.vector_store %arg17[%swap3A], %scan3A_194 {strides = array<i32>} : memref<10000xf32, #tpu.memory_space<vmem>>, vector<16xf32>,
        %scan3A_200 = arith.constant 0 : i32
        scf.yield %scan3A_200 : i32
      }
      %scan3A_185 = arith.constant 20 : i32
      %scan3A_186 = arith.constant 0 : i32
      scf.yield %scan3A_186 : i32
    }
    %scan3A_38 = arith.constant 15 : i32
    %multiple_of3A_39 = arith.constant 9920 : i32
    %multiple_of3A_40 = tpu.assume_multiple %multiple_of3A_39, 16 : i32
    %eq3A_41 = arith.constant 0 : i32
    %eq3A_42 = arith.cmpi eq, %arg0, %eq3A_41 : i32
    %convert_element_type3A_43 = arith.extui %eq3A_42 : i1 to i32
    %cond3A_44 = arith.constant 0 : i32
    %cond3A_45 = arith.cmpi ne, %convert_element_type3A_43, %cond3A_44 : i32
    scf.if %cond3A_45 {
      %dma_start3A_98 = arith.constant 0 : i32
      %dma_start3A_99 = arith.constant 0 : i32
      %dma_start3A_100 = tpu.memref_slice %arg14[%dma_start3A_98, %dma_start3A_99] : memref<320x64xi32, #tpu.memory_space<vmem>> -> memref<80x64xi32, #tpu.memory_space<vmem>>
      %dma_start3A_101 = tpu.memref_slice %arg11[%multiple_of3A_40] : memref<10000xi32, #tpu.memory_space<vmem>> -> memref<80xi32, #tpu.memory_space<vmem>>
      %dma_start3A_102 = arith.constant 0 : i32
      %dma_start3A_103 = arith.constant 0 : i32
      %dma_start3A_104 = tpu.memref_slice %arg5[%dma_start3A_102, %dma_start3A_103] : memref<10000x64xi32, #tpu.memory_space<hbm>> -> memref<10000x64xi32, #tpu.memory_space<hbm>>
      tpu.enqueue_indirect_dma source(%dma_start3A_104 : memref<10000x64xi32, #tpu.memory_space<hbm>>) target(%dma_start3A_100 : memref<80x64xi32, #tpu.memory_space<vmem>>) offsets(%dma_start3A_101 : memref<80xi32, #tpu.memory_space<vmem>>) semaphore(%arg19 : memref<!tpu.dma_semaphore, #tpu.memory_space<semaphore_mem>>)
      %dma_start3A_105 = arith.constant 0 : i32
      %dma_start3A_106 = arith.constant 0 : i32
      %dma_start3A_107 = tpu.memref_slice %arg16[%dma_start3A_105, %dma_start3A_106] : memref<320x64xi32, #tpu.memory_space<vmem>> -> memref<80x64xi32, #tpu.memory_space<vmem>>
      %dma_start3A_108 = tpu.memref_slice %arg12[%multiple_of3A_40] : memref<10000xi32, #tpu.memory_space<vmem>> -> memref<80xi32, #tpu.memory_space<vmem>>
      %dma_start3A_109 = arith.constant 0 : i32
      %dma_start3A_110 = arith.constant 0 : i32
      %dma_start3A_111 = tpu.memref_slice %arg5[%dma_start3A_109, %dma_start3A_110] : memref<10000x64xi32, #tpu.memory_space<hbm>> -> memref<10000x64xi32, #tpu.memory_space<hbm>>
      tpu.enqueue_indirect_dma source(%dma_start3A_111 : memref<10000x64xi32, #tpu.memory_space<hbm>>) target(%dma_start3A_107 : memref<80x64xi32, #tpu.memory_space<vmem>>) offsets(%dma_start3A_108 : memref<80xi32, #tpu.memory_space<vmem>>) semaphore(%arg21 : memref<!tpu.dma_semaphore, #tpu.memory_space<semaphore_mem>>)
    } else {
    }
    %eq3A_46 = arith.constant 1 : i32
    %eq3A_47 = arith.cmpi eq, %arg0, %eq3A_46 : i32
    %convert_element_type3A_48 = arith.extui %eq3A_47 : i1 to i32
    %cond3A_49 = arith.constant 0 : i32
    %cond3A_50 = arith.cmpi ne, %convert_element_type3A_48, %cond3A_49 : i32
    scf.if %cond3A_50 {
      %dma_start3A_98 = arith.constant 0 : i32
      %dma_start3A_99 = arith.constant 0 : i32
      %dma_start3A_100 = tpu.memref_slice %arg14[%dma_start3A_98, %dma_start3A_99] : memref<320x64xi32, #tpu.memory_space<vmem>> -> memref<80x64xi32, #tpu.memory_space<vmem>>
      %dma_start3A_101 = tpu.memref_slice %arg11[%multiple_of3A_40] : memref<10000xi32, #tpu.memory_space<vmem>> -> memref<80xi32, #tpu.memory_space<vmem>>
      %dma_start3A_102 = arith.constant 0 : i32
      %dma_start3A_103 = arith.constant 0 : i32
      %dma_start3A_104 = tpu.memref_slice %arg6[%dma_start3A_102, %dma_start3A_103] : memref<10000x64xi32, #tpu.memory_space<hbm>> -> memref<10000x64xi32, #tpu.memory_space<hbm>>
      tpu.enqueue_indirect_dma source(%dma_start3A_104 : memref<10000x64xi32, #tpu.memory_space<hbm>>) target(%dma_start3A_100 : memref<80x64xi32, #tpu.memory_space<vmem>>) offsets(%dma_start3A_101 : memref<80xi32, #tpu.memory_space<vmem>>) semaphore(%arg19 : memref<!tpu.dma_semaphore, #tpu.memory_space<semaphore_mem>>)
      %dma_start3A_105 = arith.constant 0 : i32
      %dma_start3A_106 = arith.constant 0 : i32
      %dma_start3A_107 = tpu.memref_slice %arg16[%dma_start3A_105, %dma_start3A_106] : memref<320x64xi32, #tpu.memory_space<vmem>> -> memref<80x64xi32, #tpu.memory_space<vmem>>
      %dma_start3A_108 = tpu.memref_slice %arg12[%multiple_of3A_40] : memref<10000xi32, #tpu.memory_space<vmem>> -> memref<80xi32, #tpu.memory_space<vmem>>
      %dma_start3A_109 = arith.constant 0 : i32
      %dma_start3A_110 = arith.constant 0 : i32
      %dma_start3A_111 = tpu.memref_slice %arg6[%dma_start3A_109, %dma_start3A_110] : memref<10000x64xi32, #tpu.memory_space<hbm>> -> memref<10000x64xi32, #tpu.memory_space<hbm>>
      tpu.enqueue_indirect_dma source(%dma_start3A_111 : memref<10000x64xi32, #tpu.memory_space<hbm>>) target(%dma_start3A_107 : memref<80x64xi32, #tpu.memory_space<vmem>>) offsets(%dma_start3A_108 : memref<80xi32, #tpu.memory_space<vmem>>) semaphore(%arg21 : memref<!tpu.dma_semaphore, #tpu.memory_space<semaphore_mem>>)
    } else {
    }
    %dma_wait3A_51 = arith.constant 0 : i32
    %dma_wait3A_52 = arith.constant 0 : i32
    %dma_wait3A_53 = tpu.memref_slice %arg13[%dma_wait3A_51, %dma_wait3A_52] : memref<320x64xi32, #tpu.memory_space<vmem>> -> memref<320x64xi32, #tpu.memory_space<vmem>>
    %dma_wait3A_54 = arith.constant 0 : i32
    %dma_wait3A_55 = tpu.memref_slice %arg11[%dma_wait3A_54] : memref<10000xi32, #tpu.memory_space<vmem>> -> memref<320xi32, #tpu.memory_space<vmem>>
    %dma_wait3A_56 = arith.constant 0 : i32
    %dma_wait3A_57 = arith.constant 0 : i32
    %dma_wait3A_58 = tpu.memref_slice %arg5[%dma_wait3A_56, %dma_wait3A_57] : memref<10000x64xi32, #tpu.memory_space<hbm>> -> memref<10000x64xi32, #tpu.memory_space<hbm>>
    tpu.wait_indirect_dma semaphore(%arg18 : memref<!tpu.dma_semaphore, #tpu.memory_space<semaphore_mem>>) src(%dma_wait3A_58 : memref<10000x64xi32, #tpu.memory_space<hbm>>) dst(%dma_wait3A_53 : memref<320x64xi32, #tpu.memory_space<vmem>>)
    %dma_wait3A_59 = arith.constant 0 : i32
    %dma_wait3A_60 = arith.constant 0 : i32
    %dma_wait3A_61 = tpu.memref_slice %arg15[%dma_wait3A_59, %dma_wait3A_60] : memref<320x64xi32, #tpu.memory_space<vmem>> -> memref<320x64xi32, #tpu.memory_space<vmem>>
    %dma_wait3A_62 = arith.constant 0 : i32
    %dma_wait3A_63 = tpu.memref_slice %arg12[%dma_wait3A_62] : memref<10000xi32, #tpu.memory_space<vmem>> -> memref<320xi32, #tpu.memory_space<vmem>>
    %dma_wait3A_64 = arith.constant 0 : i32
    %dma_wait3A_65 = arith.constant 0 : i32
    %dma_wait3A_66 = tpu.memref_slice %arg5[%dma_wait3A_64, %dma_wait3A_65] : memref<10000x64xi32, #tpu.memory_space<hbm>> -> memref<10000x64xi32, #tpu.memory_space<hbm>>
    tpu.wait_indirect_dma semaphore(%arg20 : memref<!tpu.dma_semaphore, #tpu.memory_space<semaphore_mem>>) src(%dma_wait3A_66 : memref<10000x64xi32, #tpu.memory_space<hbm>>) dst(%dma_wait3A_61 : memref<320x64xi32, #tpu.memory_space<vmem>>)
    %iota3A = tpu.iota {dimensions = array<i32: 0>} : vector<16xi32>
    %scan3A_67 = arith.constant 0 : i32
    %scan3A_68 = arith.constant 0 : i32
    %scan3A_69 = arith.constant 20 : i32
    %scan3A_70 = arith.addi %scan3A_68, %scan3A_69 : i32
    %scan3A_71 = arith.constant 1 : i32
    %scan3A_72 = scf.for %scan3A_98 = %scan3A_68 to %scan3A_70 step %scan3A_71 iter_args(%scan3A_99 = %scan3A_67) -> (i32)  : i32 {
      %broadcast_in_dim3A = arith.constant 0.000000e+00 : f32
      %broadcast_in_dim3A_100 = vector.broadcast %broadcast_in_dim3A : f32 to vector<16xf32>
      %scan3A_101 = arith.constant 0 : i32
      %scan3A_102 = arith.constant 4 : i32
      %scan3A_103 = arith.addi %scan3A_101, %scan3A_102 : i32
      %scan3A_104 = arith.constant 1 : i32
      %scan3A_105 = scf.for %scan3A_113 = %scan3A_101 to %scan3A_103 step %scan3A_104 iter_args(%scan3A_114 = %broadcast_in_dim3A_100) -> (vector<16xf32>)  : i32 {
        %mul3A_115 = arith.constant 4 : i32
        %mul3A_116 = arith.muli %scan3A_113, %mul3A_115 : i32
        %add3A_117 = arith.constant 0 : i32
        %add3A_118 = arith.addi %mul3A_116, %add3A_117 : i32
        %mul3A_119 = arith.constant 16 : i32
        %mul3A_120 = arith.muli %scan3A_98, %mul3A_119 : i32
        %add3A_121 = arith.addi %mul3A_120, %add3A_118 : i32
        %broadcast_in_dim3A_122 = arith.constant 0.000000e+00 : f32
        %broadcast_in_dim3A_123 = vector.broadcast %broadcast_in_dim3A_122 : f32 to vector<16xf32>
        %broadcast_in_dim3A_124 = arith.constant 0.000000e+00 : f32
        %broadcast_in_dim3A_125 = vector.broadcast %broadcast_in_dim3A_124 : f32 to vector<16xf32>
        %get3A = arith.index_cast %add3A_121 : i32 to index
        %get3A_126 = arith.constant 0 : index
        %get3A_127 = tpu.vector_load %arg13[%get3A, %get3A_126] {strides = array<i32>} : memref<320x64xi32, #tpu.memory_space<vmem>>, vector<16xi32>,
        %bitcast3A = vector.bitcast %get3A_127 : vector<16xi32> to vector<32xbf16>
        %get3A_128 = arith.index_cast %add3A_121 : i32 to index
        %get3A_129 = arith.constant 0 : index
        %get3A_130 = tpu.vector_load %arg15[%get3A_128, %get3A_129] {strides = array<i32>} : memref<320x64xi32, #tpu.memory_space<vmem>>, vector<16xi32>,
        %bitcast3A_131 = vector.bitcast %get3A_130 : vector<16xi32> to vector<32xbf16>
        %mul3A_132 = arith.mulf %bitcast3A, %bitcast3A_131 : vector<32xbf16>
        %unpack3A = tpu.unpack_subelements %mul3A_132, 0 {pack_format = #tpu.pack_format<interleaved>} : vector<32xbf16> -> vector<16xf32>
        %unpack3A_133 = tpu.unpack_subelements %mul3A_132, 1 {pack_format = #tpu.pack_format<interleaved>} : vector<32xbf16> -> vector<16xf32>
        %add3A_134 = arith.addf %broadcast_in_dim3A_123, %unpack3A : vector<16xf32>
        %add3A_135 = arith.addf %broadcast_in_dim3A_125, %unpack3A_133 : vector<16xf32>
        %get3A_136 = arith.index_cast %add3A_121 : i32 to index
        %get3A_137 = arith.constant 16 : index
        %get3A_138 = tpu.vector_load %arg13[%get3A_136, %get3A_137] {strides = array<i32>} : memref<320x64xi32, #tpu.memory_space<vmem>>, vector<16xi32>,
        %bitcast3A_139 = vector.bitcast %get3A_138 : vector<16xi32> to vector<32xbf16>
        %get3A_140 = arith.index_cast %add3A_121 : i32 to index
        %get3A_141 = arith.constant 16 : index
        %get3A_142 = tpu.vector_load %arg15[%get3A_140, %get3A_141] {strides = array<i32>} : memref<320x64xi32, #tpu.memory_space<vmem>>, vector<16xi32>,
        %bitcast3A_143 = vector.bitcast %get3A_142 : vector<16xi32> to vector<32xbf16>
        %mul3A_144 = arith.mulf %bitcast3A_139, %bitcast3A_143 : vector<32xbf16>
        %unpack3A_145 = tpu.unpack_subelements %mul3A_144, 0 {pack_format = #tpu.pack_format<interleaved>} : vector<32xbf16> -> vector<16xf32>
        %unpack3A_146 = tpu.unpack_subelements %mul3A_144, 1 {pack_format = #tpu.pack_format<interleaved>} : vector<32xbf16> -> vector<16xf32>
        %add3A_147 = arith.addf %add3A_134, %unpack3A_145 : vector<16xf32>
        %add3A_148 = arith.addf %add3A_135, %unpack3A_146 : vector<16xf32>
        %get3A_149 = arith.index_cast %add3A_121 : i32 to index
        %get3A_150 = arith.constant 32 : index
        %get3A_151 = tpu.vector_load %arg13[%get3A_149, %get3A_150] {strides = array<i32>} : memref<320x64xi32, #tpu.memory_space<vmem>>, vector<16xi32>,
        %bitcast3A_152 = vector.bitcast %get3A_151 : vector<16xi32> to vector<32xbf16>
        %get3A_153 = arith.index_cast %add3A_121 : i32 to index
        %get3A_154 = arith.constant 32 : index
        %get3A_155 = tpu.vector_load %arg15[%get3A_153, %get3A_154] {strides = array<i32>} : memref<320x64xi32, #tpu.memory_space<vmem>>, vector<16xi32>,
        %bitcast3A_156 = vector.bitcast %get3A_155 : vector<16xi32> to vector<32xbf16>
        %mul3A_157 = arith.mulf %bitcast3A_152, %bitcast3A_156 : vector<32xbf16>
        %unpack3A_158 = tpu.unpack_subelements %mul3A_157, 0 {pack_format = #tpu.pack_format<interleaved>} : vector<32xbf16> -> vector<16xf32>
        %unpack3A_159 = tpu.unpack_subelements %mul3A_157, 1 {pack_format = #tpu.pack_format<interleaved>} : vector<32xbf16> -> vector<16xf32>
        %add3A_160 = arith.addf %add3A_147, %unpack3A_158 : vector<16xf32>
        %add3A_161 = arith.addf %add3A_148, %unpack3A_159 : vector<16xf32>
        %get3A_162 = arith.index_cast %add3A_121 : i32 to index
        %get3A_163 = arith.constant 48 : index
        %get3A_164 = tpu.vector_load %arg13[%get3A_162, %get3A_163] {strides = array<i32>} : memref<320x64xi32, #tpu.memory_space<vmem>>, vector<16xi32>,
        %bitcast3A_165 = vector.bitcast %get3A_164 : vector<16xi32> to vector<32xbf16>
        %get3A_166 = arith.index_cast %add3A_121 : i32 to index
        %get3A_167 = arith.constant 48 : index
        %get3A_168 = tpu.vector_load %arg15[%get3A_166, %get3A_167] {strides = array<i32>} : memref<320x64xi32, #tpu.memory_space<vmem>>, vector<16xi32>,
        %bitcast3A_169 = vector.bitcast %get3A_168 : vector<16xi32> to vector<32xbf16>
        %mul3A_170 = arith.mulf %bitcast3A_165, %bitcast3A_169 : vector<32xbf16>
        %unpack3A_171 = tpu.unpack_subelements %mul3A_170, 0 {pack_format = #tpu.pack_format<interleaved>} : vector<32xbf16> -> vector<16xf32>
        %unpack3A_172 = tpu.unpack_subelements %mul3A_170, 1 {pack_format = #tpu.pack_format<interleaved>} : vector<32xbf16> -> vector<16xf32>
        %add3A_173 = arith.addf %add3A_160, %unpack3A_171 : vector<16xf32>
        %add3A_174 = arith.addf %add3A_161, %unpack3A_172 : vector<16xf32>
        %add3A_175 = arith.addf %add3A_173, %add3A_174 : vector<16xf32>
        %reduce_sum3A = arith.constant true
        %reduce_sum3A_176 = vector.broadcast %reduce_sum3A : i1 to vector<16xi1>
        %reduce_sum3A_177 = tpu.scan <sum>, %add3A_175 masked %reduce_sum3A_176 : vector<16xf32>, vector<16xi1> -> vector<16xf32>
        %reduce_sum3A_178 = vector.extract %reduce_sum3A_177[15] : f32 from vector<16xf32>
        %eq3A_179 = vector.broadcast %add3A_118 : i32 to vector<16xi32>
        %eq3A_180 = arith.cmpi eq, %iota3A, %eq3A_179 : vector<16xi32>
        %broadcast_in_dim3A_181 = vector.broadcast %reduce_sum3A_178 : f32 to vector<16xf32>
        %select_n3A = arith.select %eq3A_180, %broadcast_in_dim3A_181, %scan3A_114 : vector<16xi1>, vector<16xf32>
        %mul3A_182 = arith.constant 4 : i32
        %mul3A_183 = arith.muli %scan3A_113, %mul3A_182 : i32
        %add3A_184 = arith.constant 1 : i32
        %add3A_185 = arith.addi %mul3A_183, %add3A_184 : i32
        %mul3A_186 = arith.constant 16 : i32
        %mul3A_187 = arith.muli %scan3A_98, %mul3A_186 : i32
        %add3A_188 = arith.addi %mul3A_187, %add3A_185 : i32
        %broadcast_in_dim3A_189 = arith.constant 0.000000e+00 : f32
        %broadcast_in_dim3A_190 = vector.broadcast %broadcast_in_dim3A_189 : f32 to vector<16xf32>
        %broadcast_in_dim3A_191 = arith.constant 0.000000e+00 : f32
        %broadcast_in_dim3A_192 = vector.broadcast %broadcast_in_dim3A_191 : f32 to vector<16xf32>
        %get3A_193 = arith.index_cast %add3A_188 : i32 to index
        %get3A_194 = arith.constant 0 : index
        %get3A_195 = tpu.vector_load %arg13[%get3A_193, %get3A_194] {strides = array<i32>} : memref<320x64xi32, #tpu.memory_space<vmem>>, vector<16xi32>,
        %bitcast3A_196 = vector.bitcast %get3A_195 : vector<16xi32> to vector<32xbf16>
        %get3A_197 = arith.index_cast %add3A_188 : i32 to index
        %get3A_198 = arith.constant 0 : index
        %get3A_199 = tpu.vector_load %arg15[%get3A_197, %get3A_198] {strides = array<i32>} : memref<320x64xi32, #tpu.memory_space<vmem>>, vector<16xi32>,
        %bitcast3A_200 = vector.bitcast %get3A_199 : vector<16xi32> to vector<32xbf16>
        %mul3A_201 = arith.mulf %bitcast3A_196, %bitcast3A_200 : vector<32xbf16>
        %unpack3A_202 = tpu.unpack_subelements %mul3A_201, 0 {pack_format = #tpu.pack_format<interleaved>} : vector<32xbf16> -> vector<16xf32>
        %unpack3A_203 = tpu.unpack_subelements %mul3A_201, 1 {pack_format = #tpu.pack_format<interleaved>} : vector<32xbf16> -> vector<16xf32>
        %add3A_204 = arith.addf %broadcast_in_dim3A_190, %unpack3A_202 : vector<16xf32>
        %add3A_205 = arith.addf %broadcast_in_dim3A_192, %unpack3A_203 : vector<16xf32>
        %get3A_206 = arith.index_cast %add3A_188 : i32 to index
        %get3A_207 = arith.constant 16 : index
        %get3A_208 = tpu.vector_load %arg13[%get3A_206, %get3A_207] {strides = array<i32>} : memref<320x64xi32, #tpu.memory_space<vmem>>, vector<16xi32>,
        %bitcast3A_209 = vector.bitcast %get3A_208 : vector<16xi32> to vector<32xbf16>
        %get3A_210 = arith.index_cast %add3A_188 : i32 to index
        %get3A_211 = arith.constant 16 : index
        %get3A_212 = tpu.vector_load %arg15[%get3A_210, %get3A_211] {strides = array<i32>} : memref<320x64xi32, #tpu.memory_space<vmem>>, vector<16xi32>,
        %bitcast3A_213 = vector.bitcast %get3A_212 : vector<16xi32> to vector<32xbf16>
        %mul3A_214 = arith.mulf %bitcast3A_209, %bitcast3A_213 : vector<32xbf16>
        %unpack3A_215 = tpu.unpack_subelements %mul3A_214, 0 {pack_format = #tpu.pack_format<interleaved>} : vector<32xbf16> -> vector<16xf32>
        %unpack3A_216 = tpu.unpack_subelements %mul3A_214, 1 {pack_format = #tpu.pack_format<interleaved>} : vector<32xbf16> -> vector<16xf32>
        %add3A_217 = arith.addf %add3A_204, %unpack3A_215 : vector<16xf32>
        %add3A_218 = arith.addf %add3A_205, %unpack3A_216 : vector<16xf32>
        %get3A_219 = arith.index_cast %add3A_188 : i32 to index
        %get3A_220 = arith.constant 32 : index
        %get3A_221 = tpu.vector_load %arg13[%get3A_219, %get3A_220] {strides = array<i32>} : memref<320x64xi32, #tpu.memory_space<vmem>>, vector<16xi32>,
        %bitcast3A_222 = vector.bitcast %get3A_221 : vector<16xi32> to vector<32xbf16>
        %get3A_223 = arith.index_cast %add3A_188 : i32 to index
        %get3A_224 = arith.constant 32 : index
        %get3A_225 = tpu.vector_load %arg15[%get3A_223, %get3A_224] {strides = array<i32>} : memref<320x64xi32, #tpu.memory_space<vmem>>, vector<16xi32>,
        %bitcast3A_226 = vector.bitcast %get3A_225 : vector<16xi32> to vector<32xbf16>
        %mul3A_227 = arith.mulf %bitcast3A_222, %bitcast3A_226 : vector<32xbf16>
        %unpack3A_228 = tpu.unpack_subelements %mul3A_227, 0 {pack_format = #tpu.pack_format<interleaved>} : vector<32xbf16> -> vector<16xf32>
        %unpack3A_229 = tpu.unpack_subelements %mul3A_227, 1 {pack_format = #tpu.pack_format<interleaved>} : vector<32xbf16> -> vector<16xf32>
        %add3A_230 = arith.addf %add3A_217, %unpack3A_228 : vector<16xf32>
        %add3A_231 = arith.addf %add3A_218, %unpack3A_229 : vector<16xf32>
        %get3A_232 = arith.index_cast %add3A_188 : i32 to index
        %get3A_233 = arith.constant 48 : index
        %get3A_234 = tpu.vector_load %arg13[%get3A_232, %get3A_233] {strides = array<i32>} : memref<320x64xi32, #tpu.memory_space<vmem>>, vector<16xi32>,
        %bitcast3A_235 = vector.bitcast %get3A_234 : vector<16xi32> to vector<32xbf16>
        %get3A_236 = arith.index_cast %add3A_188 : i32 to index
        %get3A_237 = arith.constant 48 : index
        %get3A_238 = tpu.vector_load %arg15[%get3A_236, %get3A_237] {strides = array<i32>} : memref<320x64xi32, #tpu.memory_space<vmem>>, vector<16xi32>,
        %bitcast3A_239 = vector.bitcast %get3A_238 : vector<16xi32> to vector<32xbf16>
        %mul3A_240 = arith.mulf %bitcast3A_235, %bitcast3A_239 : vector<32xbf16>
        %unpack3A_241 = tpu.unpack_subelements %mul3A_240, 0 {pack_format = #tpu.pack_format<interleaved>} : vector<32xbf16> -> vector<16xf32>
        %unpack3A_242 = tpu.unpack_subelements %mul3A_240, 1 {pack_format = #tpu.pack_format<interleaved>} : vector<32xbf16> -> vector<16xf32>
        %add3A_243 = arith.addf %add3A_230, %unpack3A_241 : vector<16xf32>
        %add3A_244 = arith.addf %add3A_231, %unpack3A_242 : vector<16xf32>
        %add3A_245 = arith.addf %add3A_243, %add3A_244 : vector<16xf32>
        %reduce_sum3A_246 = arith.constant true
        %reduce_sum3A_247 = vector.broadcast %reduce_sum3A_246 : i1 to vector<16xi1>
        %reduce_sum3A_248 = tpu.scan <sum>, %add3A_245 masked %reduce_sum3A_247 : vector<16xf32>, vector<16xi1> -> vector<16xf32>
        %reduce_sum3A_249 = vector.extract %reduce_sum3A_248[15] : f32 from vector<16xf32>
        %eq3A_250 = vector.broadcast %add3A_185 : i32 to vector<16xi32>
        %eq3A_251 = arith.cmpi eq, %iota3A, %eq3A_250 : vector<16xi32>
        %broadcast_in_dim3A_252 = vector.broadcast %reduce_sum3A_249 : f32 to vector<16xf32>
        %select_n3A_253 = arith.select %eq3A_251, %broadcast_in_dim3A_252, %select_n3A : vector<16xi1>, vector<16xf32>
        %mul3A_254 = arith.constant 4 : i32
        %mul3A_255 = arith.muli %scan3A_113, %mul3A_254 : i32
        %add3A_256 = arith.constant 2 : i32
        %add3A_257 = arith.addi %mul3A_255, %add3A_256 : i32
        %mul3A_258 = arith.constant 16 : i32
        %mul3A_259 = arith.muli %scan3A_98, %mul3A_258 : i32
        %add3A_260 = arith.addi %mul3A_259, %add3A_257 : i32
        %broadcast_in_dim3A_261 = arith.constant 0.000000e+00 : f32
        %broadcast_in_dim3A_262 = vector.broadcast %broadcast_in_dim3A_261 : f32 to vector<16xf32>
        %broadcast_in_dim3A_263 = arith.constant 0.000000e+00 : f32
        %broadcast_in_dim3A_264 = vector.broadcast %broadcast_in_dim3A_263 : f32 to vector<16xf32>
        %get3A_265 = arith.index_cast %add3A_260 : i32 to index
        %get3A_266 = arith.constant 0 : index
        %get3A_267 = tpu.vector_load %arg13[%get3A_265, %get3A_266] {strides = array<i32>} : memref<320x64xi32, #tpu.memory_space<vmem>>, vector<16xi32>,
        %bitcast3A_268 = vector.bitcast %get3A_267 : vector<16xi32> to vector<32xbf16>
        %get3A_269 = arith.index_cast %add3A_260 : i32 to index
        %get3A_270 = arith.constant 0 : index
        %get3A_271 = tpu.vector_load %arg15[%get3A_269, %get3A_270] {strides = array<i32>} : memref<320x64xi32, #tpu.memory_space<vmem>>, vector<16xi32>,
        %bitcast3A_272 = vector.bitcast %get3A_271 : vector<16xi32> to vector<32xbf16>
        %mul3A_273 = arith.mulf %bitcast3A_268, %bitcast3A_272 : vector<32xbf16>
        %unpack3A_274 = tpu.unpack_subelements %mul3A_273, 0 {pack_format = #tpu.pack_format<interleaved>} : vector<32xbf16> -> vector<16xf32>
        %unpack3A_275 = tpu.unpack_subelements %mul3A_273, 1 {pack_format = #tpu.pack_format<interleaved>} : vector<32xbf16> -> vector<16xf32>
        %add3A_276 = arith.addf %broadcast_in_dim3A_262, %unpack3A_274 : vector<16xf32>
        %add3A_277 = arith.addf %broadcast_in_dim3A_264, %unpack3A_275 : vector<16xf32>
        %get3A_278 = arith.index_cast %add3A_260 : i32 to index
        %get3A_279 = arith.constant 16 : index
        %get3A_280 = tpu.vector_load %arg13[%get3A_278, %get3A_279] {strides = array<i32>} : memref<320x64xi32, #tpu.memory_space<vmem>>, vector<16xi32>,
        %bitcast3A_281 = vector.bitcast %get3A_280 : vector<16xi32> to vector<32xbf16>
        %get3A_282 = arith.index_cast %add3A_260 : i32 to index
        %get3A_283 = arith.constant 16 : index
        %get3A_284 = tpu.vector_load %arg15[%get3A_282, %get3A_283] {strides = array<i32>} : memref<320x64xi32, #tpu.memory_space<vmem>>, vector<16xi32>,
        %bitcast3A_285 = vector.bitcast %get3A_284 : vector<16xi32> to vector<32xbf16>
        %mul3A_286 = arith.mulf %bitcast3A_281, %bitcast3A_285 : vector<32xbf16>
        %unpack3A_287 = tpu.unpack_subelements %mul3A_286, 0 {pack_format = #tpu.pack_format<interleaved>} : vector<32xbf16> -> vector<16xf32>
        %unpack3A_288 = tpu.unpack_subelements %mul3A_286, 1 {pack_format = #tpu.pack_format<interleaved>} : vector<32xbf16> -> vector<16xf32>
        %add3A_289 = arith.addf %add3A_276, %unpack3A_287 : vector<16xf32>
        %add3A_290 = arith.addf %add3A_277, %unpack3A_288 : vector<16xf32>
        %get3A_291 = arith.index_cast %add3A_260 : i32 to index
        %get3A_292 = arith.constant 32 : index
        %get3A_293 = tpu.vector_load %arg13[%get3A_291, %get3A_292] {strides = array<i32>} : memref<320x64xi32, #tpu.memory_space<vmem>>, vector<16xi32>,
        %bitcast3A_294 = vector.bitcast %get3A_293 : vector<16xi32> to vector<32xbf16>
        %get3A_295 = arith.index_cast %add3A_260 : i32 to index
        %get3A_296 = arith.constant 32 : index
        %get3A_297 = tpu.vector_load %arg15[%get3A_295, %get3A_296] {strides = array<i32>} : memref<320x64xi32, #tpu.memory_space<vmem>>, vector<16xi32>,
        %bitcast3A_298 = vector.bitcast %get3A_297 : vector<16xi32> to vector<32xbf16>
        %mul3A_299 = arith.mulf %bitcast3A_294, %bitcast3A_298 : vector<32xbf16>
        %unpack3A_300 = tpu.unpack_subelements %mul3A_299, 0 {pack_format = #tpu.pack_format<interleaved>} : vector<32xbf16> -> vector<16xf32>
        %unpack3A_301 = tpu.unpack_subelements %mul3A_299, 1 {pack_format = #tpu.pack_format<interleaved>} : vector<32xbf16> -> vector<16xf32>
        %add3A_302 = arith.addf %add3A_289, %unpack3A_300 : vector<16xf32>
        %add3A_303 = arith.addf %add3A_290, %unpack3A_301 : vector<16xf32>
        %get3A_304 = arith.index_cast %add3A_260 : i32 to index
        %get3A_305 = arith.constant 48 : index
        %get3A_306 = tpu.vector_load %arg13[%get3A_304, %get3A_305] {strides = array<i32>} : memref<320x64xi32, #tpu.memory_space<vmem>>, vector<16xi32>,
        %bitcast3A_307 = vector.bitcast %get3A_306 : vector<16xi32> to vector<32xbf16>
        %get3A_308 = arith.index_cast %add3A_260 : i32 to index
        %get3A_309 = arith.constant 48 : index
        %get3A_310 = tpu.vector_load %arg15[%get3A_308, %get3A_309] {strides = array<i32>} : memref<320x64xi32, #tpu.memory_space<vmem>>, vector<16xi32>,
        %bitcast3A_311 = vector.bitcast %get3A_310 : vector<16xi32> to vector<32xbf16>
        %mul3A_312 = arith.mulf %bitcast3A_307, %bitcast3A_311 : vector<32xbf16>
        %unpack3A_313 = tpu.unpack_subelements %mul3A_312, 0 {pack_format = #tpu.pack_format<interleaved>} : vector<32xbf16> -> vector<16xf32>
        %unpack3A_314 = tpu.unpack_subelements %mul3A_312, 1 {pack_format = #tpu.pack_format<interleaved>} : vector<32xbf16> -> vector<16xf32>
        %add3A_315 = arith.addf %add3A_302, %unpack3A_313 : vector<16xf32>
        %add3A_316 = arith.addf %add3A_303, %unpack3A_314 : vector<16xf32>
        %add3A_317 = arith.addf %add3A_315, %add3A_316 : vector<16xf32>
        %reduce_sum3A_318 = arith.constant true
        %reduce_sum3A_319 = vector.broadcast %reduce_sum3A_318 : i1 to vector<16xi1>
        %reduce_sum3A_320 = tpu.scan <sum>, %add3A_317 masked %reduce_sum3A_319 : vector<16xf32>, vector<16xi1> -> vector<16xf32>
        %reduce_sum3A_321 = vector.extract %reduce_sum3A_320[15] : f32 from vector<16xf32>
        %eq3A_322 = vector.broadcast %add3A_257 : i32 to vector<16xi32>
        %eq3A_323 = arith.cmpi eq, %iota3A, %eq3A_322 : vector<16xi32>
        %broadcast_in_dim3A_324 = vector.broadcast %reduce_sum3A_321 : f32 to vector<16xf32>
        %select_n3A_325 = arith.select %eq3A_323, %broadcast_in_dim3A_324, %select_n3A_253 : vector<16xi1>, vector<16xf32>
        %mul3A_326 = arith.constant 4 : i32
        %mul3A_327 = arith.muli %scan3A_113, %mul3A_326 : i32
        %add3A_328 = arith.constant 3 : i32
        %add3A_329 = arith.addi %mul3A_327, %add3A_328 : i32
        %mul3A_330 = arith.constant 16 : i32
        %mul3A_331 = arith.muli %scan3A_98, %mul3A_330 : i32
        %add3A_332 = arith.addi %mul3A_331, %add3A_329 : i32
        %broadcast_in_dim3A_333 = arith.constant 0.000000e+00 : f32
        %broadcast_in_dim3A_334 = vector.broadcast %broadcast_in_dim3A_333 : f32 to vector<16xf32>
        %broadcast_in_dim3A_335 = arith.constant 0.000000e+00 : f32
        %broadcast_in_dim3A_336 = vector.broadcast %broadcast_in_dim3A_335 : f32 to vector<16xf32>
        %get3A_337 = arith.index_cast %add3A_332 : i32 to index
        %get3A_338 = arith.constant 0 : index
        %get3A_339 = tpu.vector_load %arg13[%get3A_337, %get3A_338] {strides = array<i32>} : memref<320x64xi32, #tpu.memory_space<vmem>>, vector<16xi32>,
        %bitcast3A_340 = vector.bitcast %get3A_339 : vector<16xi32> to vector<32xbf16>
        %get3A_341 = arith.index_cast %add3A_332 : i32 to index
        %get3A_342 = arith.constant 0 : index
        %get3A_343 = tpu.vector_load %arg15[%get3A_341, %get3A_342] {strides = array<i32>} : memref<320x64xi32, #tpu.memory_space<vmem>>, vector<16xi32>,
        %bitcast3A_344 = vector.bitcast %get3A_343 : vector<16xi32> to vector<32xbf16>
        %mul3A_345 = arith.mulf %bitcast3A_340, %bitcast3A_344 : vector<32xbf16>
        %unpack3A_346 = tpu.unpack_subelements %mul3A_345, 0 {pack_format = #tpu.pack_format<interleaved>} : vector<32xbf16> -> vector<16xf32>
        %unpack3A_347 = tpu.unpack_subelements %mul3A_345, 1 {pack_format = #tpu.pack_format<interleaved>} : vector<32xbf16> -> vector<16xf32>
        %add3A_348 = arith.addf %broadcast_in_dim3A_334, %unpack3A_346 : vector<16xf32>
        %add3A_349 = arith.addf %broadcast_in_dim3A_336, %unpack3A_347 : vector<16xf32>
        %get3A_350 = arith.index_cast %add3A_332 : i32 to index
        %get3A_351 = arith.constant 16 : index
        %get3A_352 = tpu.vector_load %arg13[%get3A_350, %get3A_351] {strides = array<i32>} : memref<320x64xi32, #tpu.memory_space<vmem>>, vector<16xi32>,
        %bitcast3A_353 = vector.bitcast %get3A_352 : vector<16xi32> to vector<32xbf16>
        %get3A_354 = arith.index_cast %add3A_332 : i32 to index
        %get3A_355 = arith.constant 16 : index
        %get3A_356 = tpu.vector_load %arg15[%get3A_354, %get3A_355] {strides = array<i32>} : memref<320x64xi32, #tpu.memory_space<vmem>>, vector<16xi32>,
        %bitcast3A_357 = vector.bitcast %get3A_356 : vector<16xi32> to vector<32xbf16>
        %mul3A_358 = arith.mulf %bitcast3A_353, %bitcast3A_357 : vector<32xbf16>
        %unpack3A_359 = tpu.unpack_subelements %mul3A_358, 0 {pack_format = #tpu.pack_format<interleaved>} : vector<32xbf16> -> vector<16xf32>
        %unpack3A_360 = tpu.unpack_subelements %mul3A_358, 1 {pack_format = #tpu.pack_format<interleaved>} : vector<32xbf16> -> vector<16xf32>
        %add3A_361 = arith.addf %add3A_348, %unpack3A_359 : vector<16xf32>
        %add3A_362 = arith.addf %add3A_349, %unpack3A_360 : vector<16xf32>
        %get3A_363 = arith.index_cast %add3A_332 : i32 to index
        %get3A_364 = arith.constant 32 : index
        %get3A_365 = tpu.vector_load %arg13[%get3A_363, %get3A_364] {strides = array<i32>} : memref<320x64xi32, #tpu.memory_space<vmem>>, vector<16xi32>,
        %bitcast3A_366 = vector.bitcast %get3A_365 : vector<16xi32> to vector<32xbf16>
        %get3A_367 = arith.index_cast %add3A_332 : i32 to index
        %get3A_368 = arith.constant 32 : index
        %get3A_369 = tpu.vector_load %arg15[%get3A_367, %get3A_368] {strides = array<i32>} : memref<320x64xi32, #tpu.memory_space<vmem>>, vector<16xi32>,
        %bitcast3A_370 = vector.bitcast %get3A_369 : vector<16xi32> to vector<32xbf16>
        %mul3A_371 = arith.mulf %bitcast3A_366, %bitcast3A_370 : vector<32xbf16>
        %unpack3A_372 = tpu.unpack_subelements %mul3A_371, 0 {pack_format = #tpu.pack_format<interleaved>} : vector<32xbf16> -> vector<16xf32>
        %unpack3A_373 = tpu.unpack_subelements %mul3A_371, 1 {pack_format = #tpu.pack_format<interleaved>} : vector<32xbf16> -> vector<16xf32>
        %add3A_374 = arith.addf %add3A_361, %unpack3A_372 : vector<16xf32>
        %add3A_375 = arith.addf %add3A_362, %unpack3A_373 : vector<16xf32>
        %get3A_376 = arith.index_cast %add3A_332 : i32 to index
        %get3A_377 = arith.constant 48 : index
        %get3A_378 = tpu.vector_load %arg13[%get3A_376, %get3A_377] {strides = array<i32>} : memref<320x64xi32, #tpu.memory_space<vmem>>, vector<16xi32>,
        %bitcast3A_379 = vector.bitcast %get3A_378 : vector<16xi32> to vector<32xbf16>
        %get3A_380 = arith.index_cast %add3A_332 : i32 to index
        %get3A_381 = arith.constant 48 : index
        %get3A_382 = tpu.vector_load %arg15[%get3A_380, %get3A_381] {strides = array<i32>} : memref<320x64xi32, #tpu.memory_space<vmem>>, vector<16xi32>,
        %bitcast3A_383 = vector.bitcast %get3A_382 : vector<16xi32> to vector<32xbf16>
        %mul3A_384 = arith.mulf %bitcast3A_379, %bitcast3A_383 : vector<32xbf16>
        %unpack3A_385 = tpu.unpack_subelements %mul3A_384, 0 {pack_format = #tpu.pack_format<interleaved>} : vector<32xbf16> -> vector<16xf32>
        %unpack3A_386 = tpu.unpack_subelements %mul3A_384, 1 {pack_format = #tpu.pack_format<interleaved>} : vector<32xbf16> -> vector<16xf32>
        %add3A_387 = arith.addf %add3A_374, %unpack3A_385 : vector<16xf32>
        %add3A_388 = arith.addf %add3A_375, %unpack3A_386 : vector<16xf32>
        %add3A_389 = arith.addf %add3A_387, %add3A_388 : vector<16xf32>
        %reduce_sum3A_390 = arith.constant true
        %reduce_sum3A_391 = vector.broadcast %reduce_sum3A_390 : i1 to vector<16xi1>
        %reduce_sum3A_392 = tpu.scan <sum>, %add3A_389 masked %reduce_sum3A_391 : vector<16xf32>, vector<16xi1> -> vector<16xf32>
        %reduce_sum3A_393 = vector.extract %reduce_sum3A_392[15] : f32 from vector<16xf32>
        %eq3A_394 = vector.broadcast %add3A_329 : i32 to vector<16xi32>
        %eq3A_395 = arith.cmpi eq, %iota3A, %eq3A_394 : vector<16xi32>
        %broadcast_in_dim3A_396 = vector.broadcast %reduce_sum3A_393 : f32 to vector<16xf32>
        %select_n3A_397 = arith.select %eq3A_395, %broadcast_in_dim3A_396, %select_n3A_325 : vector<16xi1>, vector<16xf32>
        scf.yield %select_n3A_397 : vector<16xf32>
      }
      %scan3A_106 = arith.constant 4 : i32
      %mul3A_107 = arith.constant 16 : i32
      %mul3A_108 = arith.muli %scan3A_98, %mul3A_107 : i32
      %add3A_109 = arith.constant 9600 : i32
      %add3A_110 = arith.addi %add3A_109, %mul3A_108 : i32
      %swap3A = arith.index_cast %add3A_110 : i32 to index
      %swap3A_111 = tpu.vector_load %arg17[%swap3A] {strides = array<i32>} : memref<10000xf32, #tpu.memory_space<vmem>>, vector<16xf32>,
      tpu.vector_store %arg17[%swap3A], %scan3A_105 {strides = array<i32>} : memref<10000xf32, #tpu.memory_space<vmem>>, vector<16xf32>,
      %scan3A_112 = arith.constant 0 : i32
      scf.yield %scan3A_112 : i32
    }
    %scan3A_73 = arith.constant 20 : i32
    %dma_wait3A_74 = arith.constant 0 : i32
    %dma_wait3A_75 = arith.constant 0 : i32
    %dma_wait3A_76 = tpu.memref_slice %arg14[%dma_wait3A_74, %dma_wait3A_75] : memref<320x64xi32, #tpu.memory_space<vmem>> -> memref<80x64xi32, #tpu.memory_space<vmem>>
    %dma_wait3A_77 = arith.constant 0 : i32
    %dma_wait3A_78 = tpu.memref_slice %arg11[%dma_wait3A_77] : memref<10000xi32, #tpu.memory_space<vmem>> -> memref<80xi32, #tpu.memory_space<vmem>>
    %dma_wait3A_79 = arith.constant 0 : i32
    %dma_wait3A_80 = arith.constant 0 : i32
    %dma_wait3A_81 = tpu.memref_slice %arg5[%dma_wait3A_79, %dma_wait3A_80] : memref<10000x64xi32, #tpu.memory_space<hbm>> -> memref<10000x64xi32, #tpu.memory_space<hbm>>
    tpu.wait_indirect_dma semaphore(%arg19 : memref<!tpu.dma_semaphore, #tpu.memory_space<semaphore_mem>>) src(%dma_wait3A_81 : memref<10000x64xi32, #tpu.memory_space<hbm>>) dst(%dma_wait3A_76 : memref<80x64xi32, #tpu.memory_space<vmem>>)
    %dma_wait3A_82 = arith.constant 0 : i32
    %dma_wait3A_83 = arith.constant 0 : i32
    %dma_wait3A_84 = tpu.memref_slice %arg16[%dma_wait3A_82, %dma_wait3A_83] : memref<320x64xi32, #tpu.memory_space<vmem>> -> memref<80x64xi32, #tpu.memory_space<vmem>>
    %dma_wait3A_85 = arith.constant 0 : i32
    %dma_wait3A_86 = tpu.memref_slice %arg12[%dma_wait3A_85] : memref<10000xi32, #tpu.memory_space<vmem>> -> memref<80xi32, #tpu.memory_space<vmem>>
    %dma_wait3A_87 = arith.constant 0 : i32
    %dma_wait3A_88 = arith.constant 0 : i32
    %dma_wait3A_89 = tpu.memref_slice %arg5[%dma_wait3A_87, %dma_wait3A_88] : memref<10000x64xi32, #tpu.memory_space<hbm>> -> memref<10000x64xi32, #tpu.memory_space<hbm>>
    tpu.wait_indirect_dma semaphore(%arg21 : memref<!tpu.dma_semaphore, #tpu.memory_space<semaphore_mem>>) src(%dma_wait3A_89 : memref<10000x64xi32, #tpu.memory_space<hbm>>) dst(%dma_wait3A_84 : memref<80x64xi32, #tpu.memory_space<vmem>>)
    %iota3A_90 = tpu.iota {dimensions = array<i32: 0>} : vector<16xi32>
    %scan3A_91 = arith.constant 0 : i32
    %scan3A_92 = arith.constant 0 : i32
    %scan3A_93 = arith.constant 5 : i32
    %scan3A_94 = arith.addi %scan3A_92, %scan3A_93 : i32
    %scan3A_95 = arith.constant 1 : i32
    %scan3A_96 = scf.for %scan3A_98 = %scan3A_92 to %scan3A_94 step %scan3A_95 iter_args(%scan3A_99 = %scan3A_91) -> (i32)  : i32 {
      %broadcast_in_dim3A = arith.constant 0.000000e+00 : f32
      %broadcast_in_dim3A_100 = vector.broadcast %broadcast_in_dim3A : f32 to vector<16xf32>
      %scan3A_101 = arith.constant 0 : i32
      %scan3A_102 = arith.constant 4 : i32
      %scan3A_103 = arith.addi %scan3A_101, %scan3A_102 : i32
      %scan3A_104 = arith.constant 1 : i32
      %scan3A_105 = scf.for %scan3A_113 = %scan3A_101 to %scan3A_103 step %scan3A_104 iter_args(%scan3A_114 = %broadcast_in_dim3A_100) -> (vector<16xf32>)  : i32 {
        %mul3A_115 = arith.constant 4 : i32
        %mul3A_116 = arith.muli %scan3A_113, %mul3A_115 : i32
        %add3A_117 = arith.constant 0 : i32
        %add3A_118 = arith.addi %mul3A_116, %add3A_117 : i32
        %mul3A_119 = arith.constant 16 : i32
        %mul3A_120 = arith.muli %scan3A_98, %mul3A_119 : i32
        %add3A_121 = arith.addi %mul3A_120, %add3A_118 : i32
        %broadcast_in_dim3A_122 = arith.constant 0.000000e+00 : f32
        %broadcast_in_dim3A_123 = vector.broadcast %broadcast_in_dim3A_122 : f32 to vector<16xf32>
        %broadcast_in_dim3A_124 = arith.constant 0.000000e+00 : f32
        %broadcast_in_dim3A_125 = vector.broadcast %broadcast_in_dim3A_124 : f32 to vector<16xf32>
        %get3A = arith.index_cast %add3A_121 : i32 to index
        %get3A_126 = arith.constant 0 : index
        %get3A_127 = tpu.vector_load %arg14[%get3A, %get3A_126] {strides = array<i32>} : memref<320x64xi32, #tpu.memory_space<vmem>>, vector<16xi32>,
        %bitcast3A = vector.bitcast %get3A_127 : vector<16xi32> to vector<32xbf16>
        %get3A_128 = arith.index_cast %add3A_121 : i32 to index
        %get3A_129 = arith.constant 0 : index
        %get3A_130 = tpu.vector_load %arg16[%get3A_128, %get3A_129] {strides = array<i32>} : memref<320x64xi32, #tpu.memory_space<vmem>>, vector<16xi32>,
        %bitcast3A_131 = vector.bitcast %get3A_130 : vector<16xi32> to vector<32xbf16>
        %mul3A_132 = arith.mulf %bitcast3A, %bitcast3A_131 : vector<32xbf16>
        %unpack3A = tpu.unpack_subelements %mul3A_132, 0 {pack_format = #tpu.pack_format<interleaved>} : vector<32xbf16> -> vector<16xf32>
        %unpack3A_133 = tpu.unpack_subelements %mul3A_132, 1 {pack_format = #tpu.pack_format<interleaved>} : vector<32xbf16> -> vector<16xf32>
        %add3A_134 = arith.addf %broadcast_in_dim3A_123, %unpack3A : vector<16xf32>
        %add3A_135 = arith.addf %broadcast_in_dim3A_125, %unpack3A_133 : vector<16xf32>
        %get3A_136 = arith.index_cast %add3A_121 : i32 to index
        %get3A_137 = arith.constant 16 : index
        %get3A_138 = tpu.vector_load %arg14[%get3A_136, %get3A_137] {strides = array<i32>} : memref<320x64xi32, #tpu.memory_space<vmem>>, vector<16xi32>,
        %bitcast3A_139 = vector.bitcast %get3A_138 : vector<16xi32> to vector<32xbf16>
        %get3A_140 = arith.index_cast %add3A_121 : i32 to index
        %get3A_141 = arith.constant 16 : index
        %get3A_142 = tpu.vector_load %arg16[%get3A_140, %get3A_141] {strides = array<i32>} : memref<320x64xi32, #tpu.memory_space<vmem>>, vector<16xi32>,
        %bitcast3A_143 = vector.bitcast %get3A_142 : vector<16xi32> to vector<32xbf16>
        %mul3A_144 = arith.mulf %bitcast3A_139, %bitcast3A_143 : vector<32xbf16>
        %unpack3A_145 = tpu.unpack_subelements %mul3A_144, 0 {pack_format = #tpu.pack_format<interleaved>} : vector<32xbf16> -> vector<16xf32>
        %unpack3A_146 = tpu.unpack_subelements %mul3A_144, 1 {pack_format = #tpu.pack_format<interleaved>} : vector<32xbf16> -> vector<16xf32>
        %add3A_147 = arith.addf %add3A_134, %unpack3A_145 : vector<16xf32>
        %add3A_148 = arith.addf %add3A_135, %unpack3A_146 : vector<16xf32>
        %get3A_149 = arith.index_cast %add3A_121 : i32 to index
        %get3A_150 = arith.constant 32 : index
        %get3A_151 = tpu.vector_load %arg14[%get3A_149, %get3A_150] {strides = array<i32>} : memref<320x64xi32, #tpu.memory_space<vmem>>, vector<16xi32>,
        %bitcast3A_152 = vector.bitcast %get3A_151 : vector<16xi32> to vector<32xbf16>
        %get3A_153 = arith.index_cast %add3A_121 : i32 to index
        %get3A_154 = arith.constant 32 : index
        %get3A_155 = tpu.vector_load %arg16[%get3A_153, %get3A_154] {strides = array<i32>} : memref<320x64xi32, #tpu.memory_space<vmem>>, vector<16xi32>,
        %bitcast3A_156 = vector.bitcast %get3A_155 : vector<16xi32> to vector<32xbf16>
        %mul3A_157 = arith.mulf %bitcast3A_152, %bitcast3A_156 : vector<32xbf16>
        %unpack3A_158 = tpu.unpack_subelements %mul3A_157, 0 {pack_format = #tpu.pack_format<interleaved>} : vector<32xbf16> -> vector<16xf32>
        %unpack3A_159 = tpu.unpack_subelements %mul3A_157, 1 {pack_format = #tpu.pack_format<interleaved>} : vector<32xbf16> -> vector<16xf32>
        %add3A_160 = arith.addf %add3A_147, %unpack3A_158 : vector<16xf32>
        %add3A_161 = arith.addf %add3A_148, %unpack3A_159 : vector<16xf32>
        %get3A_162 = arith.index_cast %add3A_121 : i32 to index
        %get3A_163 = arith.constant 48 : index
        %get3A_164 = tpu.vector_load %arg14[%get3A_162, %get3A_163] {strides = array<i32>} : memref<320x64xi32, #tpu.memory_space<vmem>>, vector<16xi32>,
        %bitcast3A_165 = vector.bitcast %get3A_164 : vector<16xi32> to vector<32xbf16>
        %get3A_166 = arith.index_cast %add3A_121 : i32 to index
        %get3A_167 = arith.constant 48 : index
        %get3A_168 = tpu.vector_load %arg16[%get3A_166, %get3A_167] {strides = array<i32>} : memref<320x64xi32, #tpu.memory_space<vmem>>, vector<16xi32>,
        %bitcast3A_169 = vector.bitcast %get3A_168 : vector<16xi32> to vector<32xbf16>
        %mul3A_170 = arith.mulf %bitcast3A_165, %bitcast3A_169 : vector<32xbf16>
        %unpack3A_171 = tpu.unpack_subelements %mul3A_170, 0 {pack_format = #tpu.pack_format<interleaved>} : vector<32xbf16> -> vector<16xf32>
        %unpack3A_172 = tpu.unpack_subelements %mul3A_170, 1 {pack_format = #tpu.pack_format<interleaved>} : vector<32xbf16> -> vector<16xf32>
        %add3A_173 = arith.addf %add3A_160, %unpack3A_171 : vector<16xf32>
        %add3A_174 = arith.addf %add3A_161, %unpack3A_172 : vector<16xf32>
        %add3A_175 = arith.addf %add3A_173, %add3A_174 : vector<16xf32>
        %reduce_sum3A = arith.constant true
        %reduce_sum3A_176 = vector.broadcast %reduce_sum3A : i1 to vector<16xi1>
        %reduce_sum3A_177 = tpu.scan <sum>, %add3A_175 masked %reduce_sum3A_176 : vector<16xf32>, vector<16xi1> -> vector<16xf32>
        %reduce_sum3A_178 = vector.extract %reduce_sum3A_177[15] : f32 from vector<16xf32>
        %eq3A_179 = vector.broadcast %add3A_118 : i32 to vector<16xi32>
        %eq3A_180 = arith.cmpi eq, %iota3A_90, %eq3A_179 : vector<16xi32>
        %broadcast_in_dim3A_181 = vector.broadcast %reduce_sum3A_178 : f32 to vector<16xf32>
        %select_n3A = arith.select %eq3A_180, %broadcast_in_dim3A_181, %scan3A_114 : vector<16xi1>, vector<16xf32>
        %mul3A_182 = arith.constant 4 : i32
        %mul3A_183 = arith.muli %scan3A_113, %mul3A_182 : i32
        %add3A_184 = arith.constant 1 : i32
        %add3A_185 = arith.addi %mul3A_183, %add3A_184 : i32
        %mul3A_186 = arith.constant 16 : i32
        %mul3A_187 = arith.muli %scan3A_98, %mul3A_186 : i32
        %add3A_188 = arith.addi %mul3A_187, %add3A_185 : i32
        %broadcast_in_dim3A_189 = arith.constant 0.000000e+00 : f32
        %broadcast_in_dim3A_190 = vector.broadcast %broadcast_in_dim3A_189 : f32 to vector<16xf32>
        %broadcast_in_dim3A_191 = arith.constant 0.000000e+00 : f32
        %broadcast_in_dim3A_192 = vector.broadcast %broadcast_in_dim3A_191 : f32 to vector<16xf32>
        %get3A_193 = arith.index_cast %add3A_188 : i32 to index
        %get3A_194 = arith.constant 0 : index
        %get3A_195 = tpu.vector_load %arg14[%get3A_193, %get3A_194] {strides = array<i32>} : memref<320x64xi32, #tpu.memory_space<vmem>>, vector<16xi32>,
        %bitcast3A_196 = vector.bitcast %get3A_195 : vector<16xi32> to vector<32xbf16>
        %get3A_197 = arith.index_cast %add3A_188 : i32 to index
        %get3A_198 = arith.constant 0 : index
        %get3A_199 = tpu.vector_load %arg16[%get3A_197, %get3A_198] {strides = array<i32>} : memref<320x64xi32, #tpu.memory_space<vmem>>, vector<16xi32>,
        %bitcast3A_200 = vector.bitcast %get3A_199 : vector<16xi32> to vector<32xbf16>
        %mul3A_201 = arith.mulf %bitcast3A_196, %bitcast3A_200 : vector<32xbf16>
        %unpack3A_202 = tpu.unpack_subelements %mul3A_201, 0 {pack_format = #tpu.pack_format<interleaved>} : vector<32xbf16> -> vector<16xf32>
        %unpack3A_203 = tpu.unpack_subelements %mul3A_201, 1 {pack_format = #tpu.pack_format<interleaved>} : vector<32xbf16> -> vector<16xf32>
        %add3A_204 = arith.addf %broadcast_in_dim3A_190, %unpack3A_202 : vector<16xf32>
        %add3A_205 = arith.addf %broadcast_in_dim3A_192, %unpack3A_203 : vector<16xf32>
        %get3A_206 = arith.index_cast %add3A_188 : i32 to index
        %get3A_207 = arith.constant 16 : index
        %get3A_208 = tpu.vector_load %arg14[%get3A_206, %get3A_207] {strides = array<i32>} : memref<320x64xi32, #tpu.memory_space<vmem>>, vector<16xi32>,
        %bitcast3A_209 = vector.bitcast %get3A_208 : vector<16xi32> to vector<32xbf16>
        %get3A_210 = arith.index_cast %add3A_188 : i32 to index
        %get3A_211 = arith.constant 16 : index
        %get3A_212 = tpu.vector_load %arg16[%get3A_210, %get3A_211] {strides = array<i32>} : memref<320x64xi32, #tpu.memory_space<vmem>>, vector<16xi32>,
        %bitcast3A_213 = vector.bitcast %get3A_212 : vector<16xi32> to vector<32xbf16>
        %mul3A_214 = arith.mulf %bitcast3A_209, %bitcast3A_213 : vector<32xbf16>
        %unpack3A_215 = tpu.unpack_subelements %mul3A_214, 0 {pack_format = #tpu.pack_format<interleaved>} : vector<32xbf16> -> vector<16xf32>
        %unpack3A_216 = tpu.unpack_subelements %mul3A_214, 1 {pack_format = #tpu.pack_format<interleaved>} : vector<32xbf16> -> vector<16xf32>
        %add3A_217 = arith.addf %add3A_204, %unpack3A_215 : vector<16xf32>
        %add3A_218 = arith.addf %add3A_205, %unpack3A_216 : vector<16xf32>
        %get3A_219 = arith.index_cast %add3A_188 : i32 to index
        %get3A_220 = arith.constant 32 : index
        %get3A_221 = tpu.vector_load %arg14[%get3A_219, %get3A_220] {strides = array<i32>} : memref<320x64xi32, #tpu.memory_space<vmem>>, vector<16xi32>,
        %bitcast3A_222 = vector.bitcast %get3A_221 : vector<16xi32> to vector<32xbf16>
        %get3A_223 = arith.index_cast %add3A_188 : i32 to index
        %get3A_224 = arith.constant 32 : index
        %get3A_225 = tpu.vector_load %arg16[%get3A_223, %get3A_224] {strides = array<i32>} : memref<320x64xi32, #tpu.memory_space<vmem>>, vector<16xi32>,
        %bitcast3A_226 = vector.bitcast %get3A_225 : vector<16xi32> to vector<32xbf16>
        %mul3A_227 = arith.mulf %bitcast3A_222, %bitcast3A_226 : vector<32xbf16>
        %unpack3A_228 = tpu.unpack_subelements %mul3A_227, 0 {pack_format = #tpu.pack_format<interleaved>} : vector<32xbf16> -> vector<16xf32>
        %unpack3A_229 = tpu.unpack_subelements %mul3A_227, 1 {pack_format = #tpu.pack_format<interleaved>} : vector<32xbf16> -> vector<16xf32>
        %add3A_230 = arith.addf %add3A_217, %unpack3A_228 : vector<16xf32>
        %add3A_231 = arith.addf %add3A_218, %unpack3A_229 : vector<16xf32>
        %get3A_232 = arith.index_cast %add3A_188 : i32 to index
        %get3A_233 = arith.constant 48 : index
        %get3A_234 = tpu.vector_load %arg14[%get3A_232, %get3A_233] {strides = array<i32>} : memref<320x64xi32, #tpu.memory_space<vmem>>, vector<16xi32>,
        %bitcast3A_235 = vector.bitcast %get3A_234 : vector<16xi32> to vector<32xbf16>
        %get3A_236 = arith.index_cast %add3A_188 : i32 to index
        %get3A_237 = arith.constant 48 : index
        %get3A_238 = tpu.vector_load %arg16[%get3A_236, %get3A_237] {strides = array<i32>} : memref<320x64xi32, #tpu.memory_space<vmem>>, vector<16xi32>,
        %bitcast3A_239 = vector.bitcast %get3A_238 : vector<16xi32> to vector<32xbf16>
        %mul3A_240 = arith.mulf %bitcast3A_235, %bitcast3A_239 : vector<32xbf16>
        %unpack3A_241 = tpu.unpack_subelements %mul3A_240, 0 {pack_format = #tpu.pack_format<interleaved>} : vector<32xbf16> -> vector<16xf32>
        %unpack3A_242 = tpu.unpack_subelements %mul3A_240, 1 {pack_format = #tpu.pack_format<interleaved>} : vector<32xbf16> -> vector<16xf32>
        %add3A_243 = arith.addf %add3A_230, %unpack3A_241 : vector<16xf32>
        %add3A_244 = arith.addf %add3A_231, %unpack3A_242 : vector<16xf32>
        %add3A_245 = arith.addf %add3A_243, %add3A_244 : vector<16xf32>
        %reduce_sum3A_246 = arith.constant true
        %reduce_sum3A_247 = vector.broadcast %reduce_sum3A_246 : i1 to vector<16xi1>
        %reduce_sum3A_248 = tpu.scan <sum>, %add3A_245 masked %reduce_sum3A_247 : vector<16xf32>, vector<16xi1> -> vector<16xf32>
        %reduce_sum3A_249 = vector.extract %reduce_sum3A_248[15] : f32 from vector<16xf32>
        %eq3A_250 = vector.broadcast %add3A_185 : i32 to vector<16xi32>
        %eq3A_251 = arith.cmpi eq, %iota3A_90, %eq3A_250 : vector<16xi32>
        %broadcast_in_dim3A_252 = vector.broadcast %reduce_sum3A_249 : f32 to vector<16xf32>
        %select_n3A_253 = arith.select %eq3A_251, %broadcast_in_dim3A_252, %select_n3A : vector<16xi1>, vector<16xf32>
        %mul3A_254 = arith.constant 4 : i32
        %mul3A_255 = arith.muli %scan3A_113, %mul3A_254 : i32
        %add3A_256 = arith.constant 2 : i32
        %add3A_257 = arith.addi %mul3A_255, %add3A_256 : i32
        %mul3A_258 = arith.constant 16 : i32
        %mul3A_259 = arith.muli %scan3A_98, %mul3A_258 : i32
        %add3A_260 = arith.addi %mul3A_259, %add3A_257 : i32
        %broadcast_in_dim3A_261 = arith.constant 0.000000e+00 : f32
        %broadcast_in_dim3A_262 = vector.broadcast %broadcast_in_dim3A_261 : f32 to vector<16xf32>
        %broadcast_in_dim3A_263 = arith.constant 0.000000e+00 : f32
        %broadcast_in_dim3A_264 = vector.broadcast %broadcast_in_dim3A_263 : f32 to vector<16xf32>
        %get3A_265 = arith.index_cast %add3A_260 : i32 to index
        %get3A_266 = arith.constant 0 : index
        %get3A_267 = tpu.vector_load %arg14[%get3A_265, %get3A_266] {strides = array<i32>} : memref<320x64xi32, #tpu.memory_space<vmem>>, vector<16xi32>,
        %bitcast3A_268 = vector.bitcast %get3A_267 : vector<16xi32> to vector<32xbf16>
        %get3A_269 = arith.index_cast %add3A_260 : i32 to index
        %get3A_270 = arith.constant 0 : index
        %get3A_271 = tpu.vector_load %arg16[%get3A_269, %get3A_270] {strides = array<i32>} : memref<320x64xi32, #tpu.memory_space<vmem>>, vector<16xi32>,
        %bitcast3A_272 = vector.bitcast %get3A_271 : vector<16xi32> to vector<32xbf16>
        %mul3A_273 = arith.mulf %bitcast3A_268, %bitcast3A_272 : vector<32xbf16>
        %unpack3A_274 = tpu.unpack_subelements %mul3A_273, 0 {pack_format = #tpu.pack_format<interleaved>} : vector<32xbf16> -> vector<16xf32>
        %unpack3A_275 = tpu.unpack_subelements %mul3A_273, 1 {pack_format = #tpu.pack_format<interleaved>} : vector<32xbf16> -> vector<16xf32>
        %add3A_276 = arith.addf %broadcast_in_dim3A_262, %unpack3A_274 : vector<16xf32>
        %add3A_277 = arith.addf %broadcast_in_dim3A_264, %unpack3A_275 : vector<16xf32>
        %get3A_278 = arith.index_cast %add3A_260 : i32 to index
        %get3A_279 = arith.constant 16 : index
        %get3A_280 = tpu.vector_load %arg14[%get3A_278, %get3A_279] {strides = array<i32>} : memref<320x64xi32, #tpu.memory_space<vmem>>, vector<16xi32>,
        %bitcast3A_281 = vector.bitcast %get3A_280 : vector<16xi32> to vector<32xbf16>
        %get3A_282 = arith.index_cast %add3A_260 : i32 to index
        %get3A_283 = arith.constant 16 : index
        %get3A_284 = tpu.vector_load %arg16[%get3A_282, %get3A_283] {strides = array<i32>} : memref<320x64xi32, #tpu.memory_space<vmem>>, vector<16xi32>,
        %bitcast3A_285 = vector.bitcast %get3A_284 : vector<16xi32> to vector<32xbf16>
        %mul3A_286 = arith.mulf %bitcast3A_281, %bitcast3A_285 : vector<32xbf16>
        %unpack3A_287 = tpu.unpack_subelements %mul3A_286, 0 {pack_format = #tpu.pack_format<interleaved>} : vector<32xbf16> -> vector<16xf32>
        %unpack3A_288 = tpu.unpack_subelements %mul3A_286, 1 {pack_format = #tpu.pack_format<interleaved>} : vector<32xbf16> -> vector<16xf32>
        %add3A_289 = arith.addf %add3A_276, %unpack3A_287 : vector<16xf32>
        %add3A_290 = arith.addf %add3A_277, %unpack3A_288 : vector<16xf32>
        %get3A_291 = arith.index_cast %add3A_260 : i32 to index
        %get3A_292 = arith.constant 32 : index
        %get3A_293 = tpu.vector_load %arg14[%get3A_291, %get3A_292] {strides = array<i32>} : memref<320x64xi32, #tpu.memory_space<vmem>>, vector<16xi32>,
        %bitcast3A_294 = vector.bitcast %get3A_293 : vector<16xi32> to vector<32xbf16>
        %get3A_295 = arith.index_cast %add3A_260 : i32 to index
        %get3A_296 = arith.constant 32 : index
        %get3A_297 = tpu.vector_load %arg16[%get3A_295, %get3A_296] {strides = array<i32>} : memref<320x64xi32, #tpu.memory_space<vmem>>, vector<16xi32>,
        %bitcast3A_298 = vector.bitcast %get3A_297 : vector<16xi32> to vector<32xbf16>
        %mul3A_299 = arith.mulf %bitcast3A_294, %bitcast3A_298 : vector<32xbf16>
        %unpack3A_300 = tpu.unpack_subelements %mul3A_299, 0 {pack_format = #tpu.pack_format<interleaved>} : vector<32xbf16> -> vector<16xf32>
        %unpack3A_301 = tpu.unpack_subelements %mul3A_299, 1 {pack_format = #tpu.pack_format<interleaved>} : vector<32xbf16> -> vector<16xf32>
        %add3A_302 = arith.addf %add3A_289, %unpack3A_300 : vector<16xf32>
        %add3A_303 = arith.addf %add3A_290, %unpack3A_301 : vector<16xf32>
        %get3A_304 = arith.index_cast %add3A_260 : i32 to index
        %get3A_305 = arith.constant 48 : index
        %get3A_306 = tpu.vector_load %arg14[%get3A_304, %get3A_305] {strides = array<i32>} : memref<320x64xi32, #tpu.memory_space<vmem>>, vector<16xi32>,
        %bitcast3A_307 = vector.bitcast %get3A_306 : vector<16xi32> to vector<32xbf16>
        %get3A_308 = arith.index_cast %add3A_260 : i32 to index
        %get3A_309 = arith.constant 48 : index
        %get3A_310 = tpu.vector_load %arg16[%get3A_308, %get3A_309] {strides = array<i32>} : memref<320x64xi32, #tpu.memory_space<vmem>>, vector<16xi32>,
        %bitcast3A_311 = vector.bitcast %get3A_310 : vector<16xi32> to vector<32xbf16>
        %mul3A_312 = arith.mulf %bitcast3A_307, %bitcast3A_311 : vector<32xbf16>
        %unpack3A_313 = tpu.unpack_subelements %mul3A_312, 0 {pack_format = #tpu.pack_format<interleaved>} : vector<32xbf16> -> vector<16xf32>
        %unpack3A_314 = tpu.unpack_subelements %mul3A_312, 1 {pack_format = #tpu.pack_format<interleaved>} : vector<32xbf16> -> vector<16xf32>
        %add3A_315 = arith.addf %add3A_302, %unpack3A_313 : vector<16xf32>
        %add3A_316 = arith.addf %add3A_303, %unpack3A_314 : vector<16xf32>
        %add3A_317 = arith.addf %add3A_315, %add3A_316 : vector<16xf32>
        %reduce_sum3A_318 = arith.constant true
        %reduce_sum3A_319 = vector.broadcast %reduce_sum3A_318 : i1 to vector<16xi1>
        %reduce_sum3A_320 = tpu.scan <sum>, %add3A_317 masked %reduce_sum3A_319 : vector<16xf32>, vector<16xi1> -> vector<16xf32>
        %reduce_sum3A_321 = vector.extract %reduce_sum3A_320[15] : f32 from vector<16xf32>
        %eq3A_322 = vector.broadcast %add3A_257 : i32 to vector<16xi32>
        %eq3A_323 = arith.cmpi eq, %iota3A_90, %eq3A_322 : vector<16xi32>
        %broadcast_in_dim3A_324 = vector.broadcast %reduce_sum3A_321 : f32 to vector<16xf32>
        %select_n3A_325 = arith.select %eq3A_323, %broadcast_in_dim3A_324, %select_n3A_253 : vector<16xi1>, vector<16xf32>
        %mul3A_326 = arith.constant 4 : i32
        %mul3A_327 = arith.muli %scan3A_113, %mul3A_326 : i32
        %add3A_328 = arith.constant 3 : i32
        %add3A_329 = arith.addi %mul3A_327, %add3A_328 : i32
        %mul3A_330 = arith.constant 16 : i32
        %mul3A_331 = arith.muli %scan3A_98, %mul3A_330 : i32
        %add3A_332 = arith.addi %mul3A_331, %add3A_329 : i32
        %broadcast_in_dim3A_333 = arith.constant 0.000000e+00 : f32
        %broadcast_in_dim3A_334 = vector.broadcast %broadcast_in_dim3A_333 : f32 to vector<16xf32>
        %broadcast_in_dim3A_335 = arith.constant 0.000000e+00 : f32
        %broadcast_in_dim3A_336 = vector.broadcast %broadcast_in_dim3A_335 : f32 to vector<16xf32>
        %get3A_337 = arith.index_cast %add3A_332 : i32 to index
        %get3A_338 = arith.constant 0 : index
        %get3A_339 = tpu.vector_load %arg14[%get3A_337, %get3A_338] {strides = array<i32>} : memref<320x64xi32, #tpu.memory_space<vmem>>, vector<16xi32>,
        %bitcast3A_340 = vector.bitcast %get3A_339 : vector<16xi32> to vector<32xbf16>
        %get3A_341 = arith.index_cast %add3A_332 : i32 to index
        %get3A_342 = arith.constant 0 : index
        %get3A_343 = tpu.vector_load %arg16[%get3A_341, %get3A_342] {strides = array<i32>} : memref<320x64xi32, #tpu.memory_space<vmem>>, vector<16xi32>,
        %bitcast3A_344 = vector.bitcast %get3A_343 : vector<16xi32> to vector<32xbf16>
        %mul3A_345 = arith.mulf %bitcast3A_340, %bitcast3A_344 : vector<32xbf16>
        %unpack3A_346 = tpu.unpack_subelements %mul3A_345, 0 {pack_format = #tpu.pack_format<interleaved>} : vector<32xbf16> -> vector<16xf32>
        %unpack3A_347 = tpu.unpack_subelements %mul3A_345, 1 {pack_format = #tpu.pack_format<interleaved>} : vector<32xbf16> -> vector<16xf32>
        %add3A_348 = arith.addf %broadcast_in_dim3A_334, %unpack3A_346 : vector<16xf32>
        %add3A_349 = arith.addf %broadcast_in_dim3A_336, %unpack3A_347 : vector<16xf32>
        %get3A_350 = arith.index_cast %add3A_332 : i32 to index
        %get3A_351 = arith.constant 16 : index
        %get3A_352 = tpu.vector_load %arg14[%get3A_350, %get3A_351] {strides = array<i32>} : memref<320x64xi32, #tpu.memory_space<vmem>>, vector<16xi32>,
        %bitcast3A_353 = vector.bitcast %get3A_352 : vector<16xi32> to vector<32xbf16>
        %get3A_354 = arith.index_cast %add3A_332 : i32 to index
        %get3A_355 = arith.constant 16 : index
        %get3A_356 = tpu.vector_load %arg16[%get3A_354, %get3A_355] {strides = array<i32>} : memref<320x64xi32, #tpu.memory_space<vmem>>, vector<16xi32>,
        %bitcast3A_357 = vector.bitcast %get3A_356 : vector<16xi32> to vector<32xbf16>
        %mul3A_358 = arith.mulf %bitcast3A_353, %bitcast3A_357 : vector<32xbf16>
        %unpack3A_359 = tpu.unpack_subelements %mul3A_358, 0 {pack_format = #tpu.pack_format<interleaved>} : vector<32xbf16> -> vector<16xf32>
        %unpack3A_360 = tpu.unpack_subelements %mul3A_358, 1 {pack_format = #tpu.pack_format<interleaved>} : vector<32xbf16> -> vector<16xf32>
        %add3A_361 = arith.addf %add3A_348, %unpack3A_359 : vector<16xf32>
        %add3A_362 = arith.addf %add3A_349, %unpack3A_360 : vector<16xf32>
        %get3A_363 = arith.index_cast %add3A_332 : i32 to index
        %get3A_364 = arith.constant 32 : index
        %get3A_365 = tpu.vector_load %arg14[%get3A_363, %get3A_364] {strides = array<i32>} : memref<320x64xi32, #tpu.memory_space<vmem>>, vector<16xi32>,
        %bitcast3A_366 = vector.bitcast %get3A_365 : vector<16xi32> to vector<32xbf16>
        %get3A_367 = arith.index_cast %add3A_332 : i32 to index
        %get3A_368 = arith.constant 32 : index
        %get3A_369 = tpu.vector_load %arg16[%get3A_367, %get3A_368] {strides = array<i32>} : memref<320x64xi32, #tpu.memory_space<vmem>>, vector<16xi32>,
        %bitcast3A_370 = vector.bitcast %get3A_369 : vector<16xi32> to vector<32xbf16>
        %mul3A_371 = arith.mulf %bitcast3A_366, %bitcast3A_370 : vector<32xbf16>
        %unpack3A_372 = tpu.unpack_subelements %mul3A_371, 0 {pack_format = #tpu.pack_format<interleaved>} : vector<32xbf16> -> vector<16xf32>
        %unpack3A_373 = tpu.unpack_subelements %mul3A_371, 1 {pack_format = #tpu.pack_format<interleaved>} : vector<32xbf16> -> vector<16xf32>
        %add3A_374 = arith.addf %add3A_361, %unpack3A_372 : vector<16xf32>
        %add3A_375 = arith.addf %add3A_362, %unpack3A_373 : vector<16xf32>
        %get3A_376 = arith.index_cast %add3A_332 : i32 to index
        %get3A_377 = arith.constant 48 : index
        %get3A_378 = tpu.vector_load %arg14[%get3A_376, %get3A_377] {strides = array<i32>} : memref<320x64xi32, #tpu.memory_space<vmem>>, vector<16xi32>,
        %bitcast3A_379 = vector.bitcast %get3A_378 : vector<16xi32> to vector<32xbf16>
        %get3A_380 = arith.index_cast %add3A_332 : i32 to index
        %get3A_381 = arith.constant 48 : index
        %get3A_382 = tpu.vector_load %arg16[%get3A_380, %get3A_381] {strides = array<i32>} : memref<320x64xi32, #tpu.memory_space<vmem>>, vector<16xi32>,
        %bitcast3A_383 = vector.bitcast %get3A_382 : vector<16xi32> to vector<32xbf16>
        %mul3A_384 = arith.mulf %bitcast3A_379, %bitcast3A_383 : vector<32xbf16>
        %unpack3A_385 = tpu.unpack_subelements %mul3A_384, 0 {pack_format = #tpu.pack_format<interleaved>} : vector<32xbf16> -> vector<16xf32>
        %unpack3A_386 = tpu.unpack_subelements %mul3A_384, 1 {pack_format = #tpu.pack_format<interleaved>} : vector<32xbf16> -> vector<16xf32>
        %add3A_387 = arith.addf %add3A_374, %unpack3A_385 : vector<16xf32>
        %add3A_388 = arith.addf %add3A_375, %unpack3A_386 : vector<16xf32>
        %add3A_389 = arith.addf %add3A_387, %add3A_388 : vector<16xf32>
        %reduce_sum3A_390 = arith.constant true
        %reduce_sum3A_391 = vector.broadcast %reduce_sum3A_390 : i1 to vector<16xi1>
        %reduce_sum3A_392 = tpu.scan <sum>, %add3A_389 masked %reduce_sum3A_391 : vector<16xf32>, vector<16xi1> -> vector<16xf32>
        %reduce_sum3A_393 = vector.extract %reduce_sum3A_392[15] : f32 from vector<16xf32>
        %eq3A_394 = vector.broadcast %add3A_329 : i32 to vector<16xi32>
        %eq3A_395 = arith.cmpi eq, %iota3A_90, %eq3A_394 : vector<16xi32>
        %broadcast_in_dim3A_396 = vector.broadcast %reduce_sum3A_393 : f32 to vector<16xf32>
        %select_n3A_397 = arith.select %eq3A_395, %broadcast_in_dim3A_396, %select_n3A_325 : vector<16xi1>, vector<16xf32>
        scf.yield %select_n3A_397 : vector<16xf32>
      }
      %scan3A_106 = arith.constant 4 : i32
      %mul3A_107 = arith.constant 16 : i32
      %mul3A_108 = arith.muli %scan3A_98, %mul3A_107 : i32
      %add3A_109 = arith.constant 9920 : i32
      %add3A_110 = arith.addi %add3A_109, %mul3A_108 : i32
      %swap3A = arith.index_cast %add3A_110 : i32 to index
      %swap3A_111 = tpu.vector_load %arg17[%swap3A] {strides = array<i32>} : memref<10000xf32, #tpu.memory_space<vmem>>, vector<16xf32>,
      tpu.vector_store %arg17[%swap3A], %scan3A_105 {strides = array<i32>} : memref<10000xf32, #tpu.memory_space<vmem>>, vector<16xf32>,
      %scan3A_112 = arith.constant 0 : i32
      scf.yield %scan3A_112 : i32
    }
    %scan3A_97 = arith.constant 5 : i32
    "tpu.region"() ({
      %run_scoped3A = tpu.sem_alloc : memref<!tpu.dma_semaphore, #tpu.memory_space<semaphore_mem>>
      %dma_start3A_98 = tpu.memref_slice %arg4[%mul3A_2] : memref<320000xf32, #tpu.memory_space<hbm>> -> memref<10000xf32, #tpu.memory_space<hbm>>
      %dma_start3A_99 = tpu.memref_slice %arg4[%mul3A_2] : memref<320000xf32, #tpu.memory_space<hbm>> -> memref<10000xf32, #tpu.memory_space<hbm>>
      tpu.enqueue_dma source(%arg17 : memref<10000xf32, #tpu.memory_space<vmem>>) target(%dma_start3A_99 : memref<10000xf32, #tpu.memory_space<hbm>>) target_semaphore(%run_scoped3A : memref<!tpu.dma_semaphore, #tpu.memory_space<semaphore_mem>>)
      %dma_wait3A_100 = tpu.memref_slice %arg4[%mul3A_2] : memref<320000xf32, #tpu.memory_space<hbm>> -> memref<10000xf32, #tpu.memory_space<hbm>>
      %dma_wait3A_101 = tpu.memref_slice %arg4[%mul3A_2] : memref<320000xf32, #tpu.memory_space<hbm>> -> memref<10000xf32, #tpu.memory_space<hbm>>
      tpu.wait_dma2 semaphore(%run_scoped3A : memref<!tpu.dma_semaphore, #tpu.memory_space<semaphore_mem>>) src(%arg17 : memref<10000xf32, #tpu.memory_space<vmem>>) dst(%dma_wait3A_101 : memref<10000xf32, #tpu.memory_space<hbm>>)
      tpu.yield
    }) : () -> ()
    return
  }
}

</mosaic_0001>

<sc_bundles>
// kernel: kernel.3.cloned.1.call-start
scs
__scs_entry_jumppad:
0x0: {  	(pc) =	sbr.rel $0x88, $3  }
0x1: {  	(tag) =	ssettag $0x0;
	lr =	simm.s32 $0x1  }
0x2: {  	[smem:$0x3F9F] =	sst lr;
	_ =	strace $0xD0000000  }
0x3: {  	_ = 	snop  }
0x4: {  	_ = 	snop  }
0x5: {  	_ = 	snop  }
0x6: {  	_ = 	snop  }
0x7: {  	_ = 	snop  }
__scs_overlays_trampoline_lowered:
0x8: {  	[smem:$0x3FAE] =	sst s0  }
0x9: {  	[smem:$0x3FAF] =	sst s1  }
0xa: {  	[smem:$0x3FB0] =	sst s2  }
0xb: {  	[smem:$0x3FB1] =	sst s3  }
0xc: {  	[smem:$0x3FB2] =	sst s4  }
0xd: {  	[smem:$0x3FB3] =	sst s5  }
0xe: {  	[smem:$0x3FB4] =	sst s6  }
0xf: {  	[smem:$0x3FB5] =	sst s7  }
0x10: {  	[smem:$0x3FB6] =	sst s8  }
0x11: {  	[smem:$0x3FB7] =	sst s9;
	s0 =	simm.s32 @!p0 $0x0  }
0x12: {  	s1 =	sld [smem:$0x3F9D];
	s0 =	simm.s32 @p0 $0x1  }
0x13: {  	[smem:$0x3FB8] =	sst s0;
	s0 =	simm.s32 @!p1 $0x0  }
0x14: {  	s2 =	sld [smem:$0x3F9C];
	s0 =	simm.s32 @p1 $0x1  }
0x15: {  	[smem:$0x3FB9] =	sst s0;
	s0 =	simm.s32 @!p2 $0x0  }
0x16: {  	s3 =	sld [smem:$0x3FDB];
	s0 =	simm.s32 @p2 $0x1  }
0x17: {  	s4 =	simm.s32 $0x1BF5;
	[smem:$0x3FBB] =	sst s0  }
0x18: {  	s0 =	sld [smem:$0x3F9E];
	_ =	swait.ge [sflag:s4], $0x0  }
0x19: {  	s7 =	sld [smem:$0x3F9F]  }
0x1a: {  	s8 =	sadd.s32 $0xFFFFE003, lr  }
0x1b: {  	s9 =	sadd.s32 $0xFFFFFEF7, lr;
	s5 =	simm.s32 $0xFFFFFFFF;
	p2 =	slt.u32 s8, $0xFFFFF086  }
0x1c: {  	p1 =	slt.u32 s9, $0xF7A;
	s5 =	simm.s32 @!p2 $0x0  }
0x1d: {  	s5 =	simm.s32 @p1 $0x1;
	p0 =	seq.s32 s7, s2  }
0x1e: {  	s7 =	smul.u32 @!p0 $0xF7A, s2;
	p2 =	seq.s32 @!p0 s5, $0x0  }
0x1f: {  	s9 =	smul.u32 $0xF7A, s1;
	s8 =	simm.s32 @!p0 $0x1BF5;
	p2 =	por !p2, p0  }
0x20: {  	[sflag:s8] =	ssyncset.s32 @!p0 $0xFFFFF086;
	s6 =	sadd.s32 @!p0 s3, s7;
	s7 =	simm.s32 @!p0 $0x108  }
0x21: {  	s3 =	sadd.s32 s3, s9;
	s6 =	sadd.s32 @!p0 $0x88, s6;
	s7 =	simm.s32 @p2 $0x1082  }
0x22: {  	[simem:s7], [sflag:s8] =	dma.local @!p0 [hbm:s6], $0xF7A  }
0x23: {  	s9 =	sor.u32 $0xD0000000, s2;
	s6 =	simm.s32 $0x108;
	_ =	swait.ge @!p0 [sflag:s8], $0x0  }
0x24: {  	s3 =	sadd.s32 $0x88, s3;
	s6 =	simm.s32 @!p1 $0x1082;
	[sflag:s4] =	ssyncset.s32 $0xFFFFF086  }
0x25: {  	[simem:s6], [sflag:s4] =	dma.local [hbm:s3], $0xF7A  }
0x26: {  	[smem:$0x3F9F] =	sst s1;
	(tag) =	ssettag s2;
	_ =	strace s9  }
0x27: {  	s1 =	sld [smem:$0x3FAF]  }
0x28: {  	s2 =	sld [smem:$0x3FB0]  }
0x29: {  	s4 =	sld [smem:$0x3FB2]  }
0x2a: {  	p0 =	seq.s32 s5, $0x0;
	s5 =	sld [smem:$0x3FB3]  }
0x2b: {  	s6 =	sld [smem:$0x3FB4]  }
0x2c: {  	s7 =	sld [smem:$0x3FB5]  }
0x2d: {  	s3 =	simm.s32 $0x108;
	s8 =	sld [smem:$0x3FB6]  }
0x2e: {  	s3 =	simm.s32 @!p0 $0x1082;
	s9 =	sld [smem:$0x3FB7]  }
0x2f: {  	lr =	sadd.s32 s0, s3;
	s0 =	sld [smem:$0x3FAE]  }
0x30: {  	s3 =	sld [smem:$0x3FB1]  }
0x31: {  	[smem:$0x3FBA] =	sst s10  }
0x32: {  	s10 =	sld [smem:$0x3FB8];
	_ =	sdelay $0x3  }
0x33: {  	p0 =	seq.s32 s10, $0x1;
	s10 =	sld [smem:$0x3FBA];
	_ =	sdelay $0x3  }
0x34: {  	[smem:$0x3FBA] =	sst s10  }
0x35: {  	s10 =	sld [smem:$0x3FB9];
	_ =	sdelay $0x3  }
0x36: {  	p1 =	seq.s32 s10, $0x1;
	s10 =	sld [smem:$0x3FBA];
	_ =	sdelay $0x3  }
0x37: {  	[smem:$0x3FBA] =	sst s10  }
0x38: {  	s10 =	sld [smem:$0x3FBB]  }
0x39: {  	_ = 	snop;
	(pc) =	sbr.ind lr, $3  }
0x3a: {  	_ = 	snop  }
0x3b: {  	_ = 	snop  }
0x3c: {  	p2 =	seq.s32 s10, $0x1;
	s10 =	sld [smem:$0x3FBA]  }
0x3d: {  	_ =	shalt  }
0x3e: {  	_ =	shalt  }
0x3f: {  	_ =	shalt  }
0x40: {  	_ =	shalt  }
0x41: {  	_ =	shalt  }
0x42: {  	_ =	shalt  }
0x43: {  	_ =	shalt  }
0x44: {  	_ =	shalt  }
0x45: {  	_ =	shalt  }
0x46: {  	_ =	shalt  }
0x47: {  	_ =	shalt  }
0x48: {  	_ =	shalt  }
0x49: {  	_ =	shalt  }
0x4a: {  	_ =	shalt  }
0x4b: {  	_ =	shalt  }
0x4c: {  	_ =	shalt  }
0x4d: {  	_ =	shalt  }
0x4e: {  	_ =	shalt  }
0x4f: {  	_ =	shalt  }
0x50: {  	_ =	shalt  }
0x51: {  	_ =	shalt  }
0x52: {  	_ =	shalt  }
0x53: {  	_ =	shalt  }
0x54: {  	_ =	shalt  }
0x55: {  	_ =	shalt  }
0x56: {  	_ =	shalt  }
0x57: {  	_ =	shalt  }
0x58: {  	_ =	shalt  }
0x59: {  	_ =	shalt  }
0x5a: {  	_ =	shalt  }
0x5b: {  	_ =	shalt  }
0x5c: {  	_ =	shalt  }
0x5d: {  	_ =	shalt  }
0x5e: {  	_ =	shalt  }
0x5f: {  	_ =	shalt  }
0x60: {  	_ =	shalt  }
0x61: {  	_ =	shalt  }
0x62: {  	_ =	shalt  }
0x63: {  	_ =	shalt  }
0x64: {  	_ =	shalt  }
0x65: {  	_ =	shalt  }
0x66: {  	_ =	shalt  }
0x67: {  	_ =	shalt  }
0x68: {  	_ =	shalt  }
0x69: {  	_ =	shalt  }
0x6a: {  	_ =	shalt  }
0x6b: {  	_ =	shalt  }
0x6c: {  	_ =	shalt  }
0x6d: {  	_ =	shalt  }
0x6e: {  	_ =	shalt  }
0x6f: {  	_ =	shalt  }
0x70: {  	_ =	shalt  }
0x71: {  	_ =	shalt  }
0x72: {  	_ =	shalt  }
0x73: {  	_ =	shalt  }
0x74: {  	_ =	shalt  }
0x75: {  	_ =	shalt  }
0x76: {  	_ =	shalt  }
0x77: {  	_ =	shalt  }
0x78: {  	_ =	shalt  }
0x79: {  	_ =	shalt  }
0x7a: {  	_ =	shalt  }
0x7b: {  	_ =	shalt  }
0x7c: {  	_ =	shalt  }
0x7d: {  	_ =	shalt  }
0x7e: {  	_ =	shalt  }
0x7f: {  	_ =	shalt  }
0x80: {  	_ =	shalt  }
0x81: {  	_ =	shalt  }
0x82: {  	_ =	shalt  }
0x83: {  	_ =	shalt  }
0x84: {  	_ =	shalt  }
0x85: {  	_ =	shalt  }
0x86: {  	_ =	shalt  }
0x87: {  	_ =	shalt  }
.Lfunc_end0:
.L_simem_size_0:
called_computation_lowered:
.L_overlay_start_0:
0x88: {  	s2 =	sld [smem:$0x3FD9]  }
0x89: {  	s3 =	sld [smem:$0x3FFE];
	_ =	sdelay $0x1  }
0x8a: {  	s1 =	srdreg.scid  }
0x8b: {  	s0 =	sand.u32 $0x1, s1  }
0x8c: {  	s17 =	sshll.u32 s0, $0xA;
	s2 =	sadd.s32 s3, s2  }
0x8d: {  	s2 =	sadd.s32 s2, s17  }
0x8e: {  	[smem:$0x3FC6] =	sst s2  }
0x8f: {  	_ = 	snop  }
0x90: {  	s2 =	sld [smem:$0x3FC9]  }
0x91: {  	s18 =	sld [smem:$0x3FD0];
	(tm) =	ssettm $0x1  }
0x92: {  	s4 =	sld [smem:$0x3FFB];
	_ =	sdelay $0x3  }
0x93: {  	_ =	strace s4  }
0x94: {  	s4 =	sld [smem:$0x3FFC];
	_ =	sdelay $0x3  }
0x95: {  	_ =	strace s4  }
0x96: {  	s4 =	sld [smem:$0x3FFD];
	_ =	sdelay $0x3  }
0x97: {  	_ =	strace s4  }
0x98: {  	_ =	strace $0x8FFFFFFF  }
0x99: {  	s19 =	sld [smem:$0x3FDB];
	_ =	sdelay $0x1  }
0x9a: {  	s5 =	simm.s32 $_scs_section_size  }
0x9b: {  	s6 =	simm.s32 $_size__tile_overlayer_lowered;
	s7 =	simm.s32 $_tile_overlayer_lowered  }
0x9c: {  	s22 =	simm.s32 $0x1BFF;
	s21 =	sshll.u32 s7, $0x1;
	s4 =	sadd.s32 s5, s19  }
0x9d: {  	s8 =	simm.s32 $0x0;
	s20 =	sshll.u32 s6, $0x1;
	s6 =	sadd.s32 s21, s4  }
0x9e: {  	[timem:s8], [sflag:s22] =	dma.local [hbm:s6], s20  }
0x9f: {  	_ =	swait.ge [sflag:s22], s20  }
0xa0: {  	s5 =	ssub.s32 $0x0, s20;
	[sflag:s22] =	ssyncset.done $0x0  }
0xa1: {  	[sflag:s22] =	ssyncadd.s32 s5;
	_ =	sdelay $0x1  }
0xa2: {  	s23 =	simm.s32 $0x1B8B  }
0xa3: {  	_ =	swait.ge [sflag:s23], $0x1  }
0xa4: {  	[sflag:s23] =	ssyncset.done $0x0  }
0xa5: {  	s25 =	simm.s32 $0x1B8E;
	s24 =	sld [smem:$0x3FFE];
	[sflag:s23] =	ssyncadd.s32 $0xFFFFFFFF  }
0xa6: {  	s26 =	simm.s32 $execute0_lowered;
	[smem:$0x3FD2] =	sst s25  }
0xa7: {  	s6 =	sshll.u32 s26, $0x1;
	_ =	strace $0x80000046;
	[dreg:$0x1] =	wrdreg $0xFFFFFFFF  }
0xa8: {  	s28 =	simm.s32 $_size_execute0_lowered;
	s4 =	sadd.s32 s4, s6;
	[dreg:$0x0] =	wrdreg $0x0  }
0xa9: {  	s6 =	sshll.u32 s28, $0x1;
	[dreg:$0x2] =	wrdreg s4  }
0xaa: {  	[dreg:$0x3] =	wrdreg s6  }
0xab: {  	[dreg:$0x4] =	wrdreg $0xC0  }
0xac: {  	_ =	task [dreg:s8], $0x5FFFF  }
0xad: {  	[dreg:$0x1] =	wrdreg $0xFFFFFFFF  }
0xae: {  	[dreg:$0x0] =	wrdreg $0x60  }
0xaf: {  	[dreg:$0x2] =	wrdreg s2  }
0xb0: {  	[dreg:$0x3] =	wrdreg s24  }
0xb1: {  	[dreg:$0x4] =	wrdreg s18  }
0xb2: {  	[dreg:$0x5] =	wrdreg $0x9  }
0xb3: {  	_ =	task.clear_ibuf [dreg:s8], $0x6FFFF;
	_ =	strace $0x90000046  }
0xb4: {  	s29 =	simm.s32 $0x9;
	_ =	strace $0x80000048  }
0xb5: {  	_ =	swait.ge [sflag:s29], $0x1  }
0xb6: {  	[sflag:s29] =	ssyncadd.s32 $0xFFFFFFFF  }
0xb7: {  	_ =	strace $0x90000048  }
0xb8: {  	_ =	sfence  }
0xb9: {  	s30 =	sld [smem:$0x0];
	_ =	sdelay $0x2  }
0xba: {  	s31 =	sshll.u32 s1, $0xD;
	s1 =	sshrl.u32 s1, $0x2  }
0xbb: {  	s3 =	sand.u32 $0x4000, s31;
	s1 =	sadd.s32 s1, s30  }
0xbc: {  	s0 =	sor.u32 s3, s0;
	s1 =	sshll.u32 s1, $0x11  }
0xbd: {  	s0 =	sor.u32 s1, s0  }
0xbe: {  	s0 =	sadd.s32 $0x8F2B, s0  }
0xbf: {  	[sflag:s0] =	ssyncadd.remote.s32 $0x1  }
0xc0: {  	_ =	sfence.sel $0xFFFF  }
0xc1: {  	[dreg:$0x0] =	wrdreg $0xFFFFFFFF;
	(pc) =	sbr.abs _section_cstart, $3  }
0xc2: {  	[dreg:$0x1] =	wrdreg $0xFFFFFFFF  }
0xc3: {  	_ =	task.clear_ibuf [dreg:s8], $0x2FFFF;
	_ =	strace $0x9FFFFFFF  }
0xc4: {  	(tm) =	ssettm $0x7FFFFFFF  }
0xc5: {  	_ =	shalt  }
tec
execute0_lowered:
.L_overlay_start_1:
0x0: {  	(tag) =	ssettag $0x1  }
0x1: {  	s1 =	rddreg [dreg:$0x0]  }
0x2: {  	s0 =	srdreg.scid;
	s5 =	rddreg [dreg:$0x1]  }
0x3: {  	s12 =	stileid.u32;
	s6 =	rddreg [dreg:$0x2]  }
0x4: {  	s3 =	simm.s32 $0x0;
	s22 =	simm.s32 $0x2580;
	s23 =	simm.s32 $0x4C90  }
0x5: {  	s24 =	simm.s32 $0xC80;
	s19 =	simm.s32 $0x5;
	s21 =	simm.s32 $0x6  }
0x6: {  	s28 =	simm.s32 $0x140;
	s31 =	simm.s32 $0xC3A0;
	s16 =	simm.s32 $0x3  }
0x7: {  	s17 =	simm.s32 $0x2;
	s0 =	sand.u32 $0x1, s0;
	s2 =	sshll.u32 s12, $0x1  }
0x8: {  	[smem:$0x7FF] =	sst s3;
	s4 =	sadd.s32 $0x14200, s5;
	s10 =	smul.u32 $0x2710, s12  }
0x9: {  	s11 =	smul.u32 $0x9C40, s12;
	s2 =	sor.u32 s0, s2;
	_ =	strace $0x80000047  }
0xa: {  	s8 =	ssub.s32 $0x2, s0;
	p0 =	seq.s32 s0, $0x0;
	s2 =	smul.u32 $0x2710, s2  }
0xb: {  	s9 =	sshrl.u32 s8, $0x1;
	s26 =	sadd.s32 s1, s10;
	s29 =	sshrl.u32 s11, $0x3  }
0xc: {  	s9 =	ssub.s32 s8, s9;
	s8 =	smul.u32 $0x271, s12;
	[dreg:$0x6] =	wrdreg s26  }
0xd: {  	s26 =	simm.s32 $0x1F40;
	s12 =	simm.s32 $0x0;
	s2 =	sshrl.u32 s2, $0x3  }
0xe: {  	s30 =	smax.u32 s9, $0x1;
	s7 =	sadd.s32 s2, s5;
	s5 =	sadd.s32 $0x27C00, s5  }
0xf: {  	s10 =	sadd.s32 $0x19, s8;
	s2 =	sadd.s32 s6, s2;
	[dreg:$0x9] =	wrdreg s30  }
0x10: {  	s11 =	sadd.s32 $0x32, s8;
	s25 =	sadd.s32 $0x800, s7;
	[dreg:$0x8] =	wrdreg s2  }
0x11: {  	s6 =	simm.s32 $0x4;
	s7 =	sadd.s32 $0xA440, s7;
	[dreg:$0x4] =	wrdreg s25  }
0x12: {  	s13 =	smov.u32 s5;
	s2 =	simm.s32 $0x163A0;
	[dreg:$0x5] =	wrdreg s7  }
0x13: {  	s7 =	sadd.s32 $0x12C0, s29;
	s13 =	smov.u32 @p0 s4;
	p0 =	sne.s32 s0, $0x0  }
0x14: {  	v0 =	vlaneseq.u32;
	s25 =	simm.s32 $0x1900;
	s0 =	simm.s32 $0x1;
	[dreg:$0x7] =	wrdreg s7  }
.LBB2_1:
0x15: {  	s7 =	rddreg [dreg:$0x4]  }
0x16: {  	[tilespmem:s22], [sflag:$0x9] =	stream.linear.gather [hbm4b:s7+s3], $0x2710, $0x38;
	[tilespmem:$0x1DAB0] =	vst v63  }
.Ltmp0:
0x17: {  	[dreg:$0xa] =	wrdreg s12;
	(pc) =	sbr.rel @p0 .LBB2_10-.Ltmp0, $4  }
0x18: {  	s29 =	rddreg [dreg:$0x5]  }
0x19: {  	[tilespmem:s23], [sflag:$0xA] =	stream.linear.gather [hbm4b:s29+s3], $0x2710, $0x38;
	[tilespmem:$0x1DAB0] =	vst v63  }
0x1a: {  	s30 =	rddreg [dreg:$0x6];
	s9 =	simm.s32 $0x0;
	s7 =	simm.s32 $0x0  }
0x1b: {  	[tilespmem:s3], [sflag:$0x5] =	stream.linear.gather [hbm4b:s30+s3], $0xC80, $0x38;
	[tilespmem:$0x1DAB0] =	vst v63  }
.LBB2_2:
0x1c: {  	s12 =	smul.u32 $0x32, s7;
	_ =	sdelay $0x1  }
0x1d: {  	s9 =	sadd.s32 s12, s10  }
0x1e: {  	s14 =	sshll.u32 s9, $0x4  }
0x1f: {  	s14 =	sadd.s32 s1, s14  }
0x20: {  	[tilespmem:s24], [sflag:$0x6] =	stream.linear.gather [hbm4b:s14+s3], $0xC80, $0x38;
	[tilespmem:$0x1DAB0] =	vst v63  }
0x21: {  	_ =	swait.ge [sflag:s19], $0xC80  }
0x22: {  	p1 =	seq.s32 s7, $0x0;
	[sflag:s19] =	ssyncset.done $0x0  }
0x23: {  	s14 =	simm.s32 @!p1 $0x7;
	[sflag:s19] =	ssyncadd.s32 $0xFFFFF380  }
0x24: {  	_ =	swait.ge @!p1 [sflag:s14], $0x640  }
0x25: {  	[sflag:s14] =	ssyncset.done @!p1 $0x0  }
0x26: {  	[sflag:s14] =	ssyncadd.s32 @!p1 $0xFFFFF9C0;
	s14 =	simm.s32 $0x40  }
0x27: {  	v1 =	vld [tilespmem:s14+$0xFFFFFFC0]  }
0x28: {  	v2 =	vld [tilespmem:s14+$0x0];
	_ =	sdelay $0x4  }
0x29: {  	s15 =	simm.s32 $0x0;
	v1 =	vpack.i.f32.bf16 v2, v1  }
0x2a: {  	[tilespmem:s15+$0x1900] =	vst v1  }
0x2b: {  	v1 =	vld [tilespmem:s14+$0xFFFFFFD0]  }
0x2c: {  	v2 =	vld [tilespmem:s14+$0x10];
	_ =	sdelay $0x4  }
0x2d: {  	v1 =	vpack.i.f32.bf16 v2, v1  }
0x2e: {  	[tilespmem:s15+$0x1910] =	vst v1  }
0x2f: {  	v1 =	vld [tilespmem:s14+$0xFFFFFFE0]  }
0x30: {  	v2 =	vld [tilespmem:s14+$0x20];
	_ =	sdelay $0x4  }
0x31: {  	v1 =	vpack.i.f32.bf16 v2, v1  }
0x32: {  	[tilespmem:s15+$0x1920] =	vst v1  }
0x33: {  	v1 =	vld [tilespmem:s14+$0xFFFFFFF0]  }
0x34: {  	s18 =	simm.s32 $0x100;
	v2 =	vld [tilespmem:s14+$0x30]  }
.LBB2_3:
0x35: {  	_ = 	snop  }
0x36: {  	p2 =	sne.s32 s18, $0x1800  }
0x37: {  	s14 =	sadd.s32 $0x80, s14;
	s20 =	smov.u32 s18;
	s18 =	sadd.s32 $0x100, s18  }
0x38: {  	_ = 	snop  }
0x39: {  	v1 =	vpack.i.f32.bf16 v2, v1  }
0x3a: {  	[tilespmem:s15+$0x1930] =	vst v1  }
0x3b: {  	v1 =	vld [tilespmem:s14+$0xFFFFFFC0]  }
0x3c: {  	v2 =	vld [tilespmem:s14+$0x0];
	_ =	sdelay $0x4  }
0x3d: {  	s15 =	sshra.s32 s20, $0x2;
	v1 =	vpack.i.f32.bf16 v2, v1  }
0x3e: {  	[tilespmem:s15+$0x1900] =	vst v1  }
0x3f: {  	v1 =	vld [tilespmem:s14+$0xFFFFFFD0]  }
0x40: {  	v2 =	vld [tilespmem:s14+$0x10];
	_ =	sdelay $0x4  }
0x41: {  	v1 =	vpack.i.f32.bf16 v2, v1  }
0x42: {  	[tilespmem:s15+$0x1910] =	vst v1  }
0x43: {  	v1 =	vld [tilespmem:s14+$0xFFFFFFE0]  }
0x44: {  	v2 =	vld [tilespmem:s14+$0x20];
	_ =	sdelay $0x3  }
.Ltmp1:
0x45: {  	(pc) =	sbr.rel @p2 .LBB2_3-.Ltmp1, $4  }
0x46: {  	v1 =	vpack.i.f32.bf16 v2, v1  }
0x47: {  	[tilespmem:s15+$0x1920] =	vst v1  }
0x48: {  	v1 =	vld [tilespmem:s14+$0xFFFFFFF0]  }
0x49: {  	v2 =	vld [tilespmem:s14+$0x30]  }
0x4a: {  	_ =	sdelay $0x2  }
0x4b: {  	s14 =	sadd.s32 s8, s12  }
0x4c: {  	s30 =	sadd.s32 s12, s11;
	s14 =	sshll.u32 s14, $0x3;
	v1 =	vpack.i.f32.bf16 v2, v1  }
0x4d: {  	s12 =	sshll.u32 s30, $0x4;
	s14 =	sadd.s32 s4, s14;
	[tilespmem:s15+$0x1930] =	vst v1  }
0x4e: {  	[hbm4b:s14+s3] =	stream.linear.scatter [tilespmem:s25], [sflag:$0x7], $0x640, $0x38;
	[tilespmem:$0x1DAB0] =	vst v63  }
0x4f: {  	s12 =	sadd.s32 s1, s12  }
0x50: {  	[tilespmem:s3], [sflag:$0x5] =	stream.linear.gather [hbm4b:s12+s3], $0xC80, $0x38;
	[tilespmem:$0x1DAB0] =	vst v63  }
0x51: {  	_ =	swait.ge [sflag:s21], $0xC80  }
0x52: {  	[sflag:s21] =	ssyncset.done $0x0  }
0x53: {  	s12 =	simm.s32 @!p1 $0x8;
	[sflag:s21] =	ssyncadd.s32 $0xFFFFF380  }
0x54: {  	_ =	swait.ge @!p1 [sflag:s12], $0x640  }
0x55: {  	[sflag:s12] =	ssyncset.done @!p1 $0x0  }
0x56: {  	[sflag:s12] =	ssyncadd.s32 @!p1 $0xFFFFF9C0;
	s12 =	simm.s32 $0xCC0  }
0x57: {  	v1 =	vld [tilespmem:s12+$0xFFFFFFC0]  }
0x58: {  	v2 =	vld [tilespmem:s12+$0x0];
	_ =	sdelay $0x4  }
0x59: {  	s14 =	simm.s32 $0x0;
	v1 =	vpack.i.f32.bf16 v2, v1  }
0x5a: {  	[tilespmem:s14+$0x1F40] =	vst v1  }
0x5b: {  	v1 =	vld [tilespmem:s12+$0xFFFFFFD0]  }
0x5c: {  	v2 =	vld [tilespmem:s12+$0x10];
	_ =	sdelay $0x4  }
0x5d: {  	v1 =	vpack.i.f32.bf16 v2, v1  }
0x5e: {  	[tilespmem:s14+$0x1F50] =	vst v1  }
0x5f: {  	v1 =	vld [tilespmem:s12+$0xFFFFFFE0]  }
0x60: {  	v2 =	vld [tilespmem:s12+$0x20];
	_ =	sdelay $0x4  }
0x61: {  	v1 =	vpack.i.f32.bf16 v2, v1  }
0x62: {  	[tilespmem:s14+$0x1F60] =	vst v1  }
0x63: {  	v1 =	vld [tilespmem:s12+$0xFFFFFFF0]  }
0x64: {  	s15 =	simm.s32 $0x100;
	v2 =	vld [tilespmem:s12+$0x30]  }
.LBB2_5:
0x65: {  	_ = 	snop  }
0x66: {  	p1 =	sne.s32 s15, $0x1800  }
0x67: {  	s12 =	sadd.s32 $0x80, s12;
	s18 =	smov.u32 s15;
	s15 =	sadd.s32 $0x100, s15  }
0x68: {  	_ = 	snop  }
0x69: {  	v1 =	vpack.i.f32.bf16 v2, v1  }
0x6a: {  	[tilespmem:s14+$0x1F70] =	vst v1  }
0x6b: {  	v1 =	vld [tilespmem:s12+$0xFFFFFFC0]  }
0x6c: {  	v2 =	vld [tilespmem:s12+$0x0];
	_ =	sdelay $0x4  }
0x6d: {  	s14 =	sshra.s32 s18, $0x2;
	v1 =	vpack.i.f32.bf16 v2, v1  }
0x6e: {  	[tilespmem:s14+$0x1F40] =	vst v1  }
0x6f: {  	v1 =	vld [tilespmem:s12+$0xFFFFFFD0]  }
0x70: {  	v2 =	vld [tilespmem:s12+$0x10];
	_ =	sdelay $0x4  }
0x71: {  	v1 =	vpack.i.f32.bf16 v2, v1  }
0x72: {  	[tilespmem:s14+$0x1F50] =	vst v1  }
0x73: {  	v1 =	vld [tilespmem:s12+$0xFFFFFFE0]  }
0x74: {  	v2 =	vld [tilespmem:s12+$0x20];
	_ =	sdelay $0x3  }
.Ltmp2:
0x75: {  	(pc) =	sbr.rel @p1 .LBB2_5-.Ltmp2, $4  }
0x76: {  	v1 =	vpack.i.f32.bf16 v2, v1  }
0x77: {  	[tilespmem:s14+$0x1F60] =	vst v1  }
0x78: {  	v1 =	vld [tilespmem:s12+$0xFFFFFFF0]  }
0x79: {  	v2 =	vld [tilespmem:s12+$0x30]  }
0x7a: {  	s7 =	sadd.s32 $0x1, s7  }
0x7b: {  	p1 =	sne.s32 s7, $0xC  }
.Ltmp3:
0x7c: {  	_ = 	snop;
	(pc) =	sbr.rel @p1 .LBB2_2-.Ltmp3, $4  }
0x7d: {  	_ = 	snop  }
0x7e: {  	s9 =	sshll.u32 s9, $0x3;
	v1 =	vpack.i.f32.bf16 v2, v1  }
0x7f: {  	s9 =	sadd.s32 s4, s9;
	[tilespmem:s14+$0x1F70] =	vst v1  }
0x80: {  	[hbm4b:s9+s3] =	stream.linear.scatter [tilespmem:s26], [sflag:$0x8], $0x640, $0x38;
	[tilespmem:$0x1DAB0] =	vst v63  }
0x81: {  	_ =	swait.ge [sflag:s19], $0xC80  }
0x82: {  	[sflag:s19] =	ssyncset.done $0x0  }
0x83: {  	s7 =	simm.s32 $0x7;
	[sflag:s19] =	ssyncadd.s32 $0xFFFFF380  }
0x84: {  	_ =	swait.ge [sflag:s7], $0x640  }
0x85: {  	[sflag:s7] =	ssyncset.done $0x0  }
0x86: {  	[sflag:s7] =	ssyncadd.s32 $0xFFFFF9C0;
	s7 =	simm.s32 $0x40  }
0x87: {  	v1 =	vld [tilespmem:s7+$0xFFFFFFC0]  }
0x88: {  	v2 =	vld [tilespmem:s7+$0x0];
	_ =	sdelay $0x4  }
0x89: {  	s9 =	simm.s32 $0x0;
	v1 =	vpack.i.f32.bf16 v2, v1  }
0x8a: {  	[tilespmem:s9+$0x1900] =	vst v1  }
0x8b: {  	v1 =	vld [tilespmem:s7+$0xFFFFFFD0]  }
0x8c: {  	v2 =	vld [tilespmem:s7+$0x10];
	_ =	sdelay $0x4  }
0x8d: {  	v1 =	vpack.i.f32.bf16 v2, v1  }
0x8e: {  	[tilespmem:s9+$0x1910] =	vst v1  }
0x8f: {  	v1 =	vld [tilespmem:s7+$0xFFFFFFE0]  }
0x90: {  	v2 =	vld [tilespmem:s7+$0x20];
	_ =	sdelay $0x4  }
0x91: {  	v1 =	vpack.i.f32.bf16 v2, v1  }
0x92: {  	[tilespmem:s9+$0x1920] =	vst v1  }
0x93: {  	v1 =	vld [tilespmem:s7+$0xFFFFFFF0]  }
0x94: {  	s12 =	simm.s32 $0x100;
	v2 =	vld [tilespmem:s7+$0x30]  }
.LBB2_8:
0x95: {  	_ = 	snop  }
0x96: {  	p1 =	seq.s32 s12, $0x1800  }
0x97: {  	s7 =	sadd.s32 $0x80, s7;
	s14 =	smov.u32 s12;
	s12 =	sadd.s32 $0x100, s12  }
0x98: {  	_ = 	snop  }
0x99: {  	v1 =	vpack.i.f32.bf16 v2, v1  }
0x9a: {  	[tilespmem:s9+$0x1930] =	vst v1  }
0x9b: {  	v1 =	vld [tilespmem:s7+$0xFFFFFFC0]  }
0x9c: {  	v2 =	vld [tilespmem:s7+$0x0];
	_ =	sdelay $0x4  }
0x9d: {  	s9 =	sshra.s32 s14, $0x2;
	v1 =	vpack.i.f32.bf16 v2, v1  }
0x9e: {  	[tilespmem:s9+$0x1900] =	vst v1  }
0x9f: {  	v1 =	vld [tilespmem:s7+$0xFFFFFFD0]  }
0xa0: {  	v2 =	vld [tilespmem:s7+$0x10];
	_ =	sdelay $0x4  }
0xa1: {  	v1 =	vpack.i.f32.bf16 v2, v1  }
0xa2: {  	[tilespmem:s9+$0x1910] =	vst v1  }
0xa3: {  	v1 =	vld [tilespmem:s7+$0xFFFFFFE0]  }
0xa4: {  	v2 =	vld [tilespmem:s7+$0x20];
	_ =	sdelay $0x3  }
.Ltmp4:
0xa5: {  	(pc) =	sbr.rel @!p1 .LBB2_8-.Ltmp4, $4  }
0xa6: {  	v1 =	vpack.i.f32.bf16 v2, v1  }
0xa7: {  	[tilespmem:s9+$0x1920] =	vst v1  }
0xa8: {  	v1 =	vld [tilespmem:s7+$0xFFFFFFF0]  }
0xa9: {  	v2 =	vld [tilespmem:s7+$0x30]  }
0xaa: {  	_ = 	snop  }
.Ltmp5:
0xab: {  	_ = 	snop;
	(pc) =	sbr.rel .LBB2_18-.Ltmp5, $3  }
0xac: {  	_ =	sdelay $0x1  }
0xad: {  	v1 =	vpack.i.f32.bf16 v2, v1  }
0xae: {  	s7 =	smov.u32 s4;
	[tilespmem:s9+$0x1930] =	vst v1;
	s9 =	smov.u32 s4  }
.LBB2_10:
0xaf: {  	s12 =	smul.u32 $0x32, s9;
	_ =	sdelay $0x1  }
0xb0: {  	s7 =	sadd.s32 s12, s10  }
0xb1: {  	s14 =	sshll.u32 s7, $0x4  }
0xb2: {  	s14 =	sadd.s32 s1, s14  }
0xb3: {  	[tilespmem:s24], [sflag:$0x6] =	stream.linear.gather [hbm4b:s14+s3], $0xC80, $0x38;
	[tilespmem:$0x1DAB0] =	vst v63  }
0xb4: {  	_ =	swait.ge [sflag:s19], $0xC80  }
0xb5: {  	p1 =	seq.s32 s9, $0x0;
	[sflag:s19] =	ssyncset.done $0x0  }
0xb6: {  	s14 =	simm.s32 @!p1 $0x7;
	[sflag:s19] =	ssyncadd.s32 $0xFFFFF380  }
0xb7: {  	_ =	swait.ge @!p1 [sflag:s14], $0x640  }
0xb8: {  	[sflag:s14] =	ssyncset.done @!p1 $0x0  }
0xb9: {  	[sflag:s14] =	ssyncadd.s32 @!p1 $0xFFFFF9C0;
	s14 =	simm.s32 $0x40  }
0xba: {  	v1 =	vld [tilespmem:s14+$0xFFFFFFC0]  }
0xbb: {  	v2 =	vld [tilespmem:s14+$0x0];
	_ =	sdelay $0x4  }
0xbc: {  	s15 =	simm.s32 $0x0;
	v1 =	vpack.i.f32.bf16 v2, v1  }
0xbd: {  	[tilespmem:s15+$0x1900] =	vst v1  }
0xbe: {  	v1 =	vld [tilespmem:s14+$0xFFFFFFD0]  }
0xbf: {  	v2 =	vld [tilespmem:s14+$0x10];
	_ =	sdelay $0x4  }
0xc0: {  	v1 =	vpack.i.f32.bf16 v2, v1  }
0xc1: {  	[tilespmem:s15+$0x1910] =	vst v1  }
0xc2: {  	v1 =	vld [tilespmem:s14+$0xFFFFFFE0]  }
0xc3: {  	v2 =	vld [tilespmem:s14+$0x20];
	_ =	sdelay $0x4  }
0xc4: {  	v1 =	vpack.i.f32.bf16 v2, v1  }
0xc5: {  	[tilespmem:s15+$0x1920] =	vst v1  }
0xc6: {  	v1 =	vld [tilespmem:s14+$0xFFFFFFF0]  }
0xc7: {  	s18 =	simm.s32 $0x100;
	v2 =	vld [tilespmem:s14+$0x30]  }
.LBB2_11:
0xc8: {  	_ = 	snop  }
0xc9: {  	p2 =	sne.s32 s18, $0x1800  }
0xca: {  	s14 =	sadd.s32 $0x80, s14;
	s20 =	smov.u32 s18;
	s18 =	sadd.s32 $0x100, s18  }
0xcb: {  	_ = 	snop  }
0xcc: {  	v1 =	vpack.i.f32.bf16 v2, v1  }
0xcd: {  	[tilespmem:s15+$0x1930] =	vst v1  }
0xce: {  	v1 =	vld [tilespmem:s14+$0xFFFFFFC0]  }
0xcf: {  	v2 =	vld [tilespmem:s14+$0x0];
	_ =	sdelay $0x4  }
0xd0: {  	s15 =	sshra.s32 s20, $0x2;
	v1 =	vpack.i.f32.bf16 v2, v1  }
0xd1: {  	[tilespmem:s15+$0x1900] =	vst v1  }
0xd2: {  	v1 =	vld [tilespmem:s14+$0xFFFFFFD0]  }
0xd3: {  	v2 =	vld [tilespmem:s14+$0x10];
	_ =	sdelay $0x4  }
0xd4: {  	v1 =	vpack.i.f32.bf16 v2, v1  }
0xd5: {  	[tilespmem:s15+$0x1910] =	vst v1  }
0xd6: {  	v1 =	vld [tilespmem:s14+$0xFFFFFFE0]  }
0xd7: {  	v2 =	vld [tilespmem:s14+$0x20];
	_ =	sdelay $0x3  }
.Ltmp6:
0xd8: {  	(pc) =	sbr.rel @p2 .LBB2_11-.Ltmp6, $4  }
0xd9: {  	v1 =	vpack.i.f32.bf16 v2, v1  }
0xda: {  	[tilespmem:s15+$0x1920] =	vst v1  }
0xdb: {  	v1 =	vld [tilespmem:s14+$0xFFFFFFF0]  }
0xdc: {  	v2 =	vld [tilespmem:s14+$0x30]  }
0xdd: {  	_ =	sdelay $0x2  }
0xde: {  	s14 =	sadd.s32 s8, s12  }
0xdf: {  	s30 =	sadd.s32 s12, s11;
	s14 =	sshll.u32 s14, $0x3;
	v1 =	vpack.i.f32.bf16 v2, v1  }
0xe0: {  	s12 =	sshll.u32 s30, $0x4;
	s14 =	sadd.s32 s5, s14;
	[tilespmem:s15+$0x1930] =	vst v1  }
0xe1: {  	[hbm4b:s14+s3] =	stream.linear.scatter [tilespmem:s25], [sflag:$0x7], $0x640, $0x38;
	[tilespmem:$0x1DAB0] =	vst v63  }
0xe2: {  	s12 =	sadd.s32 s1, s12  }
0xe3: {  	[tilespmem:s3], [sflag:$0x5] =	stream.linear.gather [hbm4b:s12+s3], $0xC80, $0x38;
	[tilespmem:$0x1DAB0] =	vst v63  }
0xe4: {  	_ =	swait.ge [sflag:s21], $0xC80  }
0xe5: {  	[sflag:s21] =	ssyncset.done $0x0  }
0xe6: {  	s12 =	simm.s32 @!p1 $0x8;
	[sflag:s21] =	ssyncadd.s32 $0xFFFFF380  }
0xe7: {  	_ =	swait.ge @!p1 [sflag:s12], $0x640  }
0xe8: {  	[sflag:s12] =	ssyncset.done @!p1 $0x0  }
0xe9: {  	[sflag:s12] =	ssyncadd.s32 @!p1 $0xFFFFF9C0;
	s12 =	simm.s32 $0xCC0  }
0xea: {  	v1 =	vld [tilespmem:s12+$0xFFFFFFC0]  }
0xeb: {  	v2 =	vld [tilespmem:s12+$0x0];
	_ =	sdelay $0x4  }
0xec: {  	s14 =	simm.s32 $0x0;
	v1 =	vpack.i.f32.bf16 v2, v1  }
0xed: {  	[tilespmem:s14+$0x1F40] =	vst v1  }
0xee: {  	v1 =	vld [tilespmem:s12+$0xFFFFFFD0]  }
0xef: {  	v2 =	vld [tilespmem:s12+$0x10];
	_ =	sdelay $0x4  }
0xf0: {  	v1 =	vpack.i.f32.bf16 v2, v1  }
0xf1: {  	[tilespmem:s14+$0x1F50] =	vst v1  }
0xf2: {  	v1 =	vld [tilespmem:s12+$0xFFFFFFE0]  }
0xf3: {  	v2 =	vld [tilespmem:s12+$0x20];
	_ =	sdelay $0x4  }
0xf4: {  	v1 =	vpack.i.f32.bf16 v2, v1  }
0xf5: {  	[tilespmem:s14+$0x1F60] =	vst v1  }
0xf6: {  	v1 =	vld [tilespmem:s12+$0xFFFFFFF0]  }
0xf7: {  	s15 =	simm.s32 $0x100;
	v2 =	vld [tilespmem:s12+$0x30]  }
.LBB2_13:
0xf8: {  	_ = 	snop  }
0xf9: {  	p1 =	sne.s32 s15, $0x1800  }
0xfa: {  	s12 =	sadd.s32 $0x80, s12;
	s18 =	smov.u32 s15;
	s15 =	sadd.s32 $0x100, s15  }
0xfb: {  	_ = 	snop  }
0xfc: {  	v1 =	vpack.i.f32.bf16 v2, v1  }
0xfd: {  	[tilespmem:s14+$0x1F70] =	vst v1  }
0xfe: {  	v1 =	vld [tilespmem:s12+$0xFFFFFFC0]  }
0xff: {  	v2 =	vld [tilespmem:s12+$0x0];
	_ =	sdelay $0x4  }
0x100: {  	s14 =	sshra.s32 s18, $0x2;
	v1 =	vpack.i.f32.bf16 v2, v1  }
0x101: {  	[tilespmem:s14+$0x1F40] =	vst v1  }
0x102: {  	v1 =	vld [tilespmem:s12+$0xFFFFFFD0]  }
0x103: {  	v2 =	vld [tilespmem:s12+$0x10];
	_ =	sdelay $0x4  }
0x104: {  	v1 =	vpack.i.f32.bf16 v2, v1  }
0x105: {  	[tilespmem:s14+$0x1F50] =	vst v1  }
0x106: {  	v1 =	vld [tilespmem:s12+$0xFFFFFFE0]  }
0x107: {  	v2 =	vld [tilespmem:s12+$0x20];
	_ =	sdelay $0x3  }
.Ltmp7:
0x108: {  	(pc) =	sbr.rel @p1 .LBB2_13-.Ltmp7, $4  }
0x109: {  	v1 =	vpack.i.f32.bf16 v2, v1  }
0x10a: {  	[tilespmem:s14+$0x1F60] =	vst v1  }
0x10b: {  	v1 =	vld [tilespmem:s12+$0xFFFFFFF0]  }
0x10c: {  	v2 =	vld [tilespmem:s12+$0x30]  }
0x10d: {  	s9 =	sadd.s32 $0x1, s9  }
0x10e: {  	p1 =	sne.s32 s9, $0xC  }
.Ltmp8:
0x10f: {  	_ = 	snop;
	(pc) =	sbr.rel @p1 .LBB2_10-.Ltmp8, $4  }
0x110: {  	_ = 	snop  }
0x111: {  	s7 =	sshll.u32 s7, $0x3;
	v1 =	vpack.i.f32.bf16 v2, v1  }
0x112: {  	s7 =	sadd.s32 s5, s7;
	[tilespmem:s14+$0x1F70] =	vst v1  }
0x113: {  	[hbm4b:s7+s3] =	stream.linear.scatter [tilespmem:s26], [sflag:$0x8], $0x640, $0x38;
	[tilespmem:$0x1DAB0] =	vst v63  }
0x114: {  	_ =	swait.ge [sflag:s19], $0xC80  }
0x115: {  	[sflag:s19] =	ssyncset.done $0x0  }
0x116: {  	s7 =	simm.s32 $0x7;
	[sflag:s19] =	ssyncadd.s32 $0xFFFFF380  }
0x117: {  	_ =	swait.ge [sflag:s7], $0x640  }
0x118: {  	[sflag:s7] =	ssyncset.done $0x0  }
0x119: {  	[sflag:s7] =	ssyncadd.s32 $0xFFFFF9C0;
	s7 =	simm.s32 $0x40  }
0x11a: {  	v1 =	vld [tilespmem:s7+$0xFFFFFFC0]  }
0x11b: {  	v2 =	vld [tilespmem:s7+$0x0];
	_ =	sdelay $0x4  }
0x11c: {  	s9 =	simm.s32 $0x0;
	v1 =	vpack.i.f32.bf16 v2, v1  }
0x11d: {  	[tilespmem:s9+$0x1900] =	vst v1  }
0x11e: {  	v1 =	vld [tilespmem:s7+$0xFFFFFFD0]  }
0x11f: {  	v2 =	vld [tilespmem:s7+$0x10];
	_ =	sdelay $0x4  }
0x120: {  	v1 =	vpack.i.f32.bf16 v2, v1  }
0x121: {  	[tilespmem:s9+$0x1910] =	vst v1  }
0x122: {  	v1 =	vld [tilespmem:s7+$0xFFFFFFE0]  }
0x123: {  	v2 =	vld [tilespmem:s7+$0x20];
	_ =	sdelay $0x4  }
0x124: {  	v1 =	vpack.i.f32.bf16 v2, v1  }
0x125: {  	[tilespmem:s9+$0x1920] =	vst v1  }
0x126: {  	v1 =	vld [tilespmem:s7+$0xFFFFFFF0]  }
0x127: {  	s12 =	simm.s32 $0x100;
	v2 =	vld [tilespmem:s7+$0x30]  }
.LBB2_16:
0x128: {  	_ = 	snop  }
0x129: {  	p1 =	sne.s32 s12, $0x1800  }
0x12a: {  	s7 =	sadd.s32 $0x80, s7;
	s14 =	smov.u32 s12;
	s12 =	sadd.s32 $0x100, s12  }
0x12b: {  	_ = 	snop  }
0x12c: {  	v1 =	vpack.i.f32.bf16 v2, v1  }
0x12d: {  	[tilespmem:s9+$0x1930] =	vst v1  }
0x12e: {  	v1 =	vld [tilespmem:s7+$0xFFFFFFC0]  }
0x12f: {  	v2 =	vld [tilespmem:s7+$0x0];
	_ =	sdelay $0x4  }
0x130: {  	s9 =	sshra.s32 s14, $0x2;
	v1 =	vpack.i.f32.bf16 v2, v1  }
0x131: {  	[tilespmem:s9+$0x1900] =	vst v1  }
0x132: {  	v1 =	vld [tilespmem:s7+$0xFFFFFFD0]  }
0x133: {  	v2 =	vld [tilespmem:s7+$0x10];
	_ =	sdelay $0x4  }
0x134: {  	v1 =	vpack.i.f32.bf16 v2, v1  }
0x135: {  	[tilespmem:s9+$0x1910] =	vst v1  }
0x136: {  	v1 =	vld [tilespmem:s7+$0xFFFFFFE0]  }
0x137: {  	v2 =	vld [tilespmem:s7+$0x20];
	_ =	sdelay $0x3  }
.Ltmp9:
0x138: {  	(pc) =	sbr.rel @p1 .LBB2_16-.Ltmp9, $4  }
0x139: {  	v1 =	vpack.i.f32.bf16 v2, v1  }
0x13a: {  	[tilespmem:s9+$0x1920] =	vst v1  }
0x13b: {  	v1 =	vld [tilespmem:s7+$0xFFFFFFF0]  }
0x13c: {  	v2 =	vld [tilespmem:s7+$0x30]  }
0x13d: {  	_ =	sdelay $0x3  }
0x13e: {  	v1 =	vpack.i.f32.bf16 v2, v1  }
0x13f: {  	s7 =	smov.u32 s5;
	[tilespmem:s9+$0x1930] =	vst v1;
	s9 =	smov.u32 s5  }
.LBB2_18:
0x140: {  	s12 =	rddreg [dreg:$0x7]  }
0x141: {  	s20 =	simm.s32 $0x7;
	s9 =	sadd.s32 s9, s12;
	s12 =	simm.s32 $0x0  }
0x142: {  	[hbm4b:s9+s12] =	stream.linear.scatter [tilespmem:s25], [sflag:$0x7], $0x640, $0x38;
	[tilespmem:$0x1DAB0] =	vst v63  }
0x143: {  	_ =	swait.ge [sflag:s20], $0x640  }
0x144: {  	[sflag:s20] =	ssyncset.done $0x0  }
0x145: {  	s24 =	simm.s32 $0x8;
	[sflag:s20] =	ssyncadd.s32 $0xFFFFF9C0  }
0x146: {  	_ =	swait.ge [sflag:s24], $0x640  }
0x147: {  	[sflag:s24] =	ssyncset.done $0x0  }
0x148: {  	s25 =	simm.s32 $0x9;
	[sflag:s24] =	ssyncadd.s32 $0xFFFFF9C0  }
0x149: {  	_ =	swait.ge [sflag:s25], $0x2710  }
0x14a: {  	[sflag:s25] =	ssyncset.done $0x0  }
0x14b: {  	s26 =	simm.s32 $0xA;
	[sflag:s25] =	ssyncadd.s32 $0xFFFFD8F0  }
0x14c: {  	_ =	swait.ge [sflag:s26], $0x2710  }
0x14d: {  	[sflag:s26] =	ssyncset.done $0x0  }
0x14e: {  	[sflag:s26] =	ssyncadd.s32 $0xFFFFD8F0  }
0x14f: {  	s29 =	simm.s32 $0x73A0;
	[bflag:$0x0] =	sbarrier.arrive $0xFFFF  }
0x150: {  	[tilespmem:s29], [sflag:$0x1] =	stream.indirect.gather [hbm4b:s7+s28], $0x40, s22, s28, $0xb8;
	[tilespmem:$0x1DAB0] =	vst v63  }
0x151: {  	s30 =	simm.s32 $0x113A0  }
0x152: {  	[tilespmem:s30], [sflag:$0x3] =	stream.indirect.gather [hbm4b:s7+s28], $0x40, s23, s28, $0xb8;
	[tilespmem:$0x1DAB0] =	vst v63  }
.LBB2_19:
0x153: {  	s14 =	smul.u32 $0x280, s12;
	_ =	sdelay $0x1  }
0x154: {  	s7 =	sadd.s32 $0x26C0, s14  }
0x155: {  	[tilespmem:s31], [sflag:$0x2] =	stream.indirect.gather [hbm4b:s13+s28], $0x40, s7, s28, $0xb8;
	[tilespmem:$0x1DAB0] =	vst v63  }
0x156: {  	s29 =	sadd.s32 $0x4DD0, s14  }
0x157: {  	[tilespmem:s2], [sflag:$0x4] =	stream.indirect.gather [hbm4b:s13+s28], $0x40, s29, s28, $0xb8;
	[tilespmem:$0x1DAB0] =	vst v63  }
0x158: {  	_ =	swait.ge [sflag:s0], $0x5000  }
0x159: {  	s30 =	smul.u32 $0xA00, s12;
	[sflag:s0] =	ssyncset.done $0x0  }
0x15a: {  	[sflag:s0] =	ssyncadd.s32 $0xFFFFB000  }
0x15b: {  	s24 =	simm.s32 $0x11420;
	s7 =	sshra.s32 s30, $0x2;
	_ =	swait.ge [sflag:s16], $0x5000  }
0x15c: {  	s25 =	simm.s32 $0x7420;
	s7 =	sadd.s32 $0x1B3A0, s7;
	[sflag:s16] =	ssyncset.done $0x0  }
0x15d: {  	s26 =	simm.s32 $0x0;
	s15 =	sadd.s32 $0x140, s14;
	v1 =	vmov s7;
	[sflag:s16] =	ssyncadd.s32 $0xFFFFB000  }
.LBB2_20:
0x15e: {  	v7 =	vld [tilespmem:s25+$0xFFFFFF80]  }
0x15f: {  	v5 =	vld [tilespmem:s25+$0x20]  }
0x160: {  	v10 =	vld [tilespmem:s24+$0x20]  }
0x161: {  	v11 =	vld [tilespmem:s24+$0x10]  }
0x162: {  	v12 =	vld [tilespmem:s25+$0x10]  }
0x163: {  	v2 =	vld [tilespmem:s24+$0x0]  }
0x164: {  	v4 =	vld [tilespmem:s25+$0x0]  }
0x165: {  	v14 =	vld [tilespmem:s24+$0xFFFFFFD0]  }
0x166: {  	v15 =	vld [tilespmem:s25+$0xFFFFFFD0]  }
0x167: {  	v16 =	vld [tilespmem:s24+$0xFFFFFFC0]  }
0x168: {  	v17 =	vld [tilespmem:s25+$0xFFFFFFC0]  }
0x169: {  	v18 =	vld [tilespmem:s24+$0xFFFFFF80]  }
0x16a: {  	v9 =	vld [tilespmem:s24+$0xFFFFFFE0]  }
0x16b: {  	v13 =	vld [tilespmem:s24+$0xFFFFFF90]  }
0x16c: {  	s7 =	simm.s32 $0x1;
	v6 =	vimm.f32 $0.0e+00;
	v22 =	vld [tilespmem:s24+$0xFFFFFFF0];
	v19 =	vmul.bf16 v2, v4;
	v11 =	vmul.bf16 v11, v12  }
0x16d: {  	s20 =	simm.s32 $0x2;
	v25 =	vld [tilespmem:s24+$0x30];
	v3 =	vmov s7;
	v10 =	vmul.bf16 v10, v5;
	v14 =	vmul.bf16 v14, v15  }
0x16e: {  	v26 =	vld [tilespmem:s25+$0x30];
	v4 =	vmov s20;
	v16 =	vmul.bf16 v16, v17;
	v7 =	vmul.bf16 v18, v7  }
0x16f: {  	v12 =	vld [tilespmem:s25+$0xFFFFFF90];
	v20 =	vunpack.i.u.bf16.f32 v19;
	v5 =	vunpack.i.l.bf16.f32 v19;
	v21 =	vunpack.i.l.bf16.f32 v11  }
0x170: {  	v17 =	vld [tilespmem:s25+$0xFFFFFFF0];
	v23 =	vunpack.i.l.bf16.f32 v10;
	v11 =	vunpack.i.u.bf16.f32 v11;
	v24 =	vunpack.i.l.bf16.f32 v7  }
0x171: {  	v19 =	vld [tilespmem:s25+$0xFFFFFFE0];
	v7 =	vunpack.i.u.bf16.f32 v7;
	v15 =	vadd.f32 $0.0e+00, v5;
	v20 =	vadd.f32 $0.0e+00, v20  }
0x172: {  	v28 =	vld [tilespmem:s25+$0x70];
	v27 =	vunpack.i.l.bf16.f32 v14;
	v10 =	vunpack.i.u.bf16.f32 v10;
	v24 =	vadd.f32 $0.0e+00, v24  }
0x173: {  	v52 =	vld [tilespmem:s25+$0x40];
	v15 =	vadd.f32 v21, v15;
	v11 =	vadd.f32 v11, v20;
	v20 =	vunpack.i.l.bf16.f32 v16  }
0x174: {  	v29 =	vld [tilespmem:s24+$0x50];
	v16 =	vunpack.i.u.bf16.f32 v16;
	v12 =	vmul.bf16 v13, v12;
	v13 =	vunpack.i.u.bf16.f32 v14  }
0x175: {  	v18 =	vld [tilespmem:s24+$0xFFFFFFA0];
	v17 =	vmul.bf16 v22, v17;
	v20 =	vadd.f32 $0.0e+00, v20;
	v16 =	vadd.f32 $0.0e+00, v16  }
0x176: {  	v21 =	vld [tilespmem:s25+$0xFFFFFFA0];
	v15 =	vadd.f32 v23, v15;
	v9 =	vmul.bf16 v9, v19;
	v19 =	vadd.f32 $0.0e+00, v7  }
0x177: {  	s22 =	sadd.s32 $0x100, s25;
	v56 =	vld [tilespmem:s24+$0x60];
	v22 =	vunpack.i.u.bf16.f32 v12;
	v12 =	vunpack.i.l.bf16.f32 v12;
	v10 =	vadd.f32 v10, v11  }
0x178: {  	s9 =	simm.s32 $0x3;
	v8 =	vld [tilespmem:s22+$0xFFFFFF80];
	v11 =	vmul.bf16 v25, v26;
	v13 =	vadd.f32 v13, v16;
	v12 =	vadd.f32 v12, v24  }
0x179: {  	v2 =	vmov s9;
	v14 =	vld [tilespmem:s25+$0xFFFFFFB0];
	v20 =	vadd.f32 v27, v20;
	v19 =	vadd.f32 v22, v19  }
0x17a: {  	v23 =	vld [tilespmem:s24+$0xFFFFFFB0];
	v54 =	vunpack.i.u.bf16.f32 v9;
	v9 =	vunpack.i.l.bf16.f32 v9;
	v55 =	vunpack.i.l.bf16.f32 v11  }
0x17b: {  	v11 =	vunpack.i.u.bf16.f32 v11;
	v18 =	vmul.bf16 v18, v21;
	v21 =	vld [tilespmem:s24+$0x40];
	v13 =	vadd.f32 v54, v13  }
0x17c: {  	v59 =	vld [tilespmem:s22+$0x10];
	v22 =	vunpack.i.l.bf16.f32 v17;
	v10 =	vadd.f32 v11, v10;
	v20 =	vadd.f32 v9, v20  }
0x17d: {  	v16 =	vld [tilespmem:s24+$0x70];
	v15 =	vadd.f32 v55, v15;
	v53 =	vunpack.i.u.bf16.f32 v18;
	v18 =	vunpack.i.l.bf16.f32 v18  }
0x17e: {  	v17 =	vunpack.i.u.bf16.f32 v17;
	v12 =	vadd.f32 v18, v12;
	v18 =	vadd.f32 v53, v19;
	v19 =	vld [tilespmem:s25+$0x50]  }
0x17f: {  	s23 =	simm.s32 $0x5;
	v11 =	vld [tilespmem:s25+$0x60];
	v14 =	vmul.bf16 v23, v14;
	v13 =	vadd.f32 v17, v13;
	v20 =	vadd.f32 v22, v20  }
0x180: {  	v60 =	vld [tilespmem:s22+$0x0];
	v5 =	vmov s23;
	v15 =	vadd.f32 v15, v10;
	v21 =	vmul.bf16 v21, v52  }
0x181: {  	s9 =	sadd.s32 $0x100, s24;
	v23 =	vld [tilespmem:s22+$0x20];
	v57 =	vunpack.i.l.bf16.f32 v14;
	v14 =	vunpack.i.u.bf16.f32 v14;
	v20 =	vadd.f32 v20, v13  }
0x182: {  	v17 =	vld [tilespmem:s9+$0x20];
	v12 =	vadd.f32 v57, v12;
	v14 =	vadd.f32 v14, v18;
	v10 =	vunpack.i.l.bf16.f32 v21  }
0x183: {  	v58 =	vld [tilespmem:s9+$0x10];
	v18 =	vunpack.i.u.bf16.f32 v21;
	v21 =	vadd.f32 $0.0e+00, v10;
	v10 =	vmul.bf16 v29, v19  }
0x184: {  	v9 =	vld [tilespmem:s9+$0xFFFFFFE0];
	(xrf2) =	vadd.scan.msk.f32 $0xffff, v15;
	v11 =	vmul.bf16 v56, v11;
	v19 =	vmul.bf16 v16, v28;
	v16 =	vadd.f32 $0.0e+00, v18  }
0x185: {  	s29 =	simm.s32 $0x6;
	v22 =	vadd.f32 v12, v14;
	v18 =	vld [tilespmem:s9+$0x0];
	v14 =	vunpack.i.u.bf16.f32 v10;
	v61 =	vunpack.i.l.bf16.f32 v10  }
0x186: {  	v7 =	vmov s29;
	v15 =	vld [tilespmem:s9+$0xFFFFFFC0];
	v21 =	vadd.f32 v61, v21;
	v62 =	vadd.f32 v14, v16  }
0x187: {  	s30 =	simm.s32 $0x7;
	v12 =	vld [tilespmem:s9+$0xFFFFFF90];
	v13 =	vunpack.i.u.bf16.f32 v11;
	v63 =	vunpack.i.l.bf16.f32 v11;
	v11 =	vmul.bf16 v17, v23;
	(xrf2) =	vadd.scan.msk.f32 $0xffff, v22  }
0x188: {  	v10 =	vmov s30;
	v14 =	vld [tilespmem:s9+$0xFFFFFFD0];
	v21 =	vadd.f32 v63, v21;
	v23 =	vadd.f32 v13, v62  }
0x189: {  	s18 =	simm.s32 $0x0;
	v22 =	vunpack.i.u.bf16.f32 v19;
	v19 =	vunpack.i.l.bf16.f32 v19;
	v16 =	vld [tilespmem:s22+$0xFFFFFFD0];
	v13 =	vmul.bf16 v58, v59  }
0x18a: {  	s7 =	smov.u32 s22;
	s20 =	simm.s32 $0x8;
	s23 =	simm.s32 $0x4;
	v17 =	vld [tilespmem:s22+$0xFFFFFFC0];
	(xrf2) =	vadd.scan.msk.f32 $0xffff, v20;
	v18 =	vmul.bf16 v18, v60;
	v19 =	vadd.f32 v19, v21;
	v20 =	vadd.f32 v22, v23  }
.LBB2_21:
0x18b: {  	p1 =	sne.s32 s20, $0xC;
	vm2 =	veq.s32 v3, v0  }
0x18c: {  	v21 =	vld [tilespmem:s9+$0xFFFFFF80];
	s22 =	sadd.s32 $0x100, s22;
	vm1 =	veq.s32 v4, v0;
	vm0 =	veq.s32 v2, v0;
	v3 =	vmovc v5;
	v4 =	vmovc v7;
	v2 =	vmov v10;
	s29 =	smov.u32 s20;
	s20 =	sadd.s32 $0x4, s20  }
0x18d: {  	v7 =	vld [tilespmem:s22+$0xFFFFFF80];
	v10 =	vunpack.i.u.bf16.f32 v18;
	v5 =	vunpack.i.l.bf16.f32 v18;
	v18 =	vadd.f32 v19, v20  }
0x18e: {  	s30 =	sadd.s32 $0x1, s29;
	v20 =	vunpack.i.l.bf16.f32 v13;
	v19 =	vld [tilespmem:s7+$0xFFFFFF90];
	v14 =	vmul.bf16 v14, v16;
	v16 =	vadd.f32 $0.0e+00, v5;
	v22, _, _ =	vpop (xrf2)  }
0x18f: {  	v24 =	vunpack.i.l.bf16.f32 v11;
	v5 =	vmov s30;
	v10 =	vadd.f32 $0.0e+00, v10;
	v23 =	vld [tilespmem:s7+$0xFFFFFFE0];
	(xrf2) =	vadd.scan.msk.f32 $0xffff, v18  }
0x190: {  	v25 =	vunpack.i.u.bf16.f32 v13;
	v15 =	vmul.bf16 v15, v17;
	v17 =	vld [tilespmem:s9+$0xFFFFFFF0];
	v16 =	vadd.f32 v20, v16  }
0x191: {  	v26 =	vmov s18;
	s18 =	smov.u32 s23;
	s23 =	smov.u32 s29;
	v10 =	vadd.f32 v25, v10;
	v18 =	vmul.bf16 v21, v8;
	v20 =	vld [tilespmem:s7+$0xFFFFFFF0];
	v13, _, _ =	vpop (xrf2)  }
0x192: {  	vm3 =	veq.s32 v26, v0;
	v21 =	vld [tilespmem:s9+$0xFFFFFFA0];
	v25 =	vunpack.i.u.bf16.f32 v15;
	v15 =	vunpack.i.l.bf16.f32 v15;
	v8 =	vmovc v7  }
0x193: {  	v7 =	vunpack.i.u.bf16.f32 v18;
	v18 =	vunpack.i.l.bf16.f32 v18;
	v26 =	vld [tilespmem:s7+$0xFFFFFFA0];
	v15 =	vadd.f32 $0.0e+00, v15  }
0x194: {  	v27 =	vunpack.i.l.bf16.f32 v14;
	v13 =	vbroadcast v13, $0xF;
	v18 =	vadd.f32 $0.0e+00, v18;
	v28 =	vld [tilespmem:s9+$0x30];
	v29, _, _ =	vpop (xrf2)  }
0x195: {  	v16 =	vadd.f32 v24, v16;
	v25 =	vadd.f32 $0.0e+00, v25;
	v24 =	vld [tilespmem:s7+$0x30];
	v29 =	vbroadcast v29, $0xF  }
0x196: {  	v14 =	vunpack.i.u.bf16.f32 v14;
	v12 =	vmul.bf16 v12, v19;
	v6 =	vsel vm3, v13, v6  }
0x197: {  	v9 =	vmul.bf16 v9, v23;
	v13 =	vadd.f32 v14, v25;
	v14 =	vbroadcast v22, $0xF  }
0x198: {  	v19 =	vadd.f32 $0.0e+00, v7;
	v17 =	vmul.bf16 v17, v20;
	v6 =	vsel vm2, v29, v6;
	v22 =	vld [tilespmem:s7+$0xFFFFFFB0]  }
0x199: {  	v11 =	vunpack.i.u.bf16.f32 v11;
	s29 =	sadd.s32 $0x2, s23;
	v20 =	vunpack.i.u.bf16.f32 v12;
	v12 =	vunpack.i.l.bf16.f32 v12;
	v23 =	vld [tilespmem:s9+$0x70];
	v25, _, _ =	vpop (xrf2)  }
0x19a: {  	v7 =	vmov s29;
	v19 =	vadd.f32 v20, v19;
	v29 =	vunpack.i.l.bf16.f32 v17;
	v20 =	vld [tilespmem:s9+$0xFFFFFFB0]  }
0x19b: {  	v12 =	vadd.f32 v12, v18;
	v18 =	vmul.bf16 v21, v26;
	v6 =	vsel vm1, v14, v6;
	v21 =	vld [tilespmem:s7+$0x70]  }
0x19c: {  	v10 =	vadd.f32 v11, v10;
	v11 =	vmul.bf16 v28, v24;
	v24 =	vbroadcast v25, $0xF;
	v14 =	vld [tilespmem:s9+$0x40]  }
0x19d: {  	v26 =	vunpack.i.u.bf16.f32 v9;
	v25 =	vunpack.i.u.bf16.f32 v18;
	v18 =	vunpack.i.l.bf16.f32 v18;
	v28 =	vld [tilespmem:s7+$0x40]  }
0x19e: {  	v17 =	vunpack.i.u.bf16.f32 v17;
	v12 =	vadd.f32 v18, v12;
	v6 =	vsel vm0, v24, v6;
	v18 =	vld [tilespmem:s9+$0x50]  }
0x19f: {  	v9 =	vunpack.i.l.bf16.f32 v9;
	v19 =	vadd.f32 v25, v19;
	v24 =	vunpack.i.l.bf16.f32 v11;
	v25 =	vld [tilespmem:s7+$0x50]  }
0x1a0: {  	v15 =	vadd.f32 v27, v15;
	v13 =	vadd.f32 v26, v13;
	v11 =	vunpack.i.u.bf16.f32 v11;
	v26 =	vld [tilespmem:s9+$0x60]  }
0x1a1: {  	v10 =	vadd.f32 v11, v10;
	v20 =	vmul.bf16 v20, v22;
	v21 =	vmul.bf16 v23, v21;
	v11 =	vld [tilespmem:s7+$0x60];
	s7 =	smov.u32 s22  }
0x1a2: {  	v15 =	vadd.f32 v9, v15;
	v16 =	vadd.f32 v24, v16;
	s9 =	sadd.s32 $0x100, s9;
	v22 =	vld [tilespmem:s22+$0x20];
	v14 =	vmul.bf16 v14, v28  }
0x1a3: {  	v13 =	vadd.f32 v17, v13;
	v23 =	vunpack.i.u.bf16.f32 v20;
	v20 =	vunpack.i.l.bf16.f32 v20;
	v9 =	vld [tilespmem:s9+$0xFFFFFFE0]  }
0x1a4: {  	v10 =	vadd.f32 v16, v10;
	v12 =	vadd.f32 v20, v12;
	v17 =	vld [tilespmem:s9+$0x20];
	v16 =	vunpack.i.l.bf16.f32 v14  }
0x1a5: {  	v19 =	vadd.f32 v23, v19;
	v14 =	vunpack.i.u.bf16.f32 v14;
	v20 =	vld [tilespmem:s9+$0x10];
	v16 =	vadd.f32 $0.0e+00, v16  }
0x1a6: {  	s29 =	sadd.s32 $0x3, s23;
	v15 =	vadd.f32 v29, v15;
	v18 =	vmul.bf16 v18, v25;
	v14 =	vadd.f32 $0.0e+00, v14;
	v23 =	vld [tilespmem:s22+$0x10];
	(xrf2) =	vadd.scan.msk.f32 $0xffff, v10  }
0x1a7: {  	v19 =	vadd.f32 v12, v19;
	v10 =	vmov s29;
	v25 =	vmul.bf16 v26, v11;
	v24 =	vld [tilespmem:s9+$0x0]  }
0x1a8: {  	v27 =	vadd.f32 v15, v13;
	v13 =	vunpack.i.u.bf16.f32 v18;
	v15 =	vunpack.i.l.bf16.f32 v18;
	v26 =	vld [tilespmem:s22+$0x0]  }
.Ltmp10:
0x1a9: {  	v15 =	vadd.f32 v15, v16;
	v12 =	vld [tilespmem:s9+$0xFFFFFF90];
	v11 =	vmul.bf16 v17, v22;
	v17 =	vadd.f32 v13, v14;
	(xrf2) =	vadd.scan.msk.f32 $0xffff, v19;
	(pc) =	sbr.rel @p1 .LBB2_21-.Ltmp10, $4  }
0x1aa: {  	v18 =	vunpack.i.u.bf16.f32 v25;
	v19 =	vunpack.i.l.bf16.f32 v25;
	v14 =	vld [tilespmem:s9+$0xFFFFFFD0]  }
0x1ab: {  	v19 =	vadd.f32 v19, v15;
	v16 =	vld [tilespmem:s22+$0xFFFFFFD0];
	v13 =	vmul.bf16 v20, v23;
	v20 =	vadd.f32 v18, v17  }
0x1ac: {  	v22 =	vunpack.i.u.bf16.f32 v21;
	v21 =	vunpack.i.l.bf16.f32 v21;
	v15 =	vld [tilespmem:s9+$0xFFFFFFC0];
	(xrf2) =	vadd.scan.msk.f32 $0xffff, v27  }
0x1ad: {  	v19 =	vadd.f32 v21, v19;
	v17 =	vld [tilespmem:s22+$0xFFFFFFC0];
	v18 =	vmul.bf16 v24, v26;
	v20 =	vadd.f32 v22, v20  }
0x1ae: {  	v21 =	vld [tilespmem:s9+$0xFFFFFF80]  }
0x1af: {  	v45 =	vld [tilespmem:s7+$0xFFFFFF90]  }
0x1b0: {  	v23 =	vld [tilespmem:s7+$0xFFFFFFE0]  }
0x1b1: {  	v48 =	vld [tilespmem:s9+$0xFFFFFFF0]  }
0x1b2: {  	v51 =	vld [tilespmem:s7+$0xFFFFFFF0]  }
0x1b3: {  	v52 =	vld [tilespmem:s9+$0xFFFFFFA0]  }
0x1b4: {  	v26 =	vld [tilespmem:s7+$0xFFFFFFA0]  }
0x1b5: {  	v27 =	vld [tilespmem:s9+$0x30]  }
0x1b6: {  	v54 =	vld [tilespmem:s7+$0x30]  }
0x1b7: {  	v60 =	vld [tilespmem:s9+$0x40]  }
0x1b8: {  	v63 =	vld [tilespmem:s9+$0x70]  }
0x1b9: {  	v31 =	vld [tilespmem:s9+$0x50]  }
0x1ba: {  	v47 =	vunpack.i.l.bf16.f32 v13;
	v49 =	vunpack.i.l.bf16.f32 v11;
	v32 =	vld [tilespmem:s7+$0x50]  }
0x1bb: {  	v50 =	vunpack.i.u.bf16.f32 v13;
	v57 =	vunpack.i.u.bf16.f32 v11;
	v35 =	vld [tilespmem:s9+$0x60];
	v44 =	vunpack.i.l.bf16.f32 v18  }
0x1bc: {  	v36 =	vld [tilespmem:s7+$0x60];
	v22 =	vunpack.i.u.bf16.f32 v18;
	v19 =	vadd.f32 v19, v20;
	v46 =	vadd.f32 $0.0e+00, v44  }
0x1bd: {  	v38 =	vld [tilespmem:s7+$0x70];
	v14 =	vmul.bf16 v14, v16;
	v22 =	vadd.f32 $0.0e+00, v22;
	v15 =	vmul.bf16 v15, v17  }
0x1be: {  	v62 =	vld [tilespmem:s7+$0x40];
	v16 =	vadd.f32 v47, v46;
	v8 =	vmul.bf16 v21, v8;
	v12 =	vmul.bf16 v12, v45  }
0x1bf: {  	v13 =	vadd.f32 v50, v22;
	v9 =	vmul.bf16 v9, v23;
	v17 =	vmul.bf16 v48, v51  }
0x1c0: {  	v53 =	vunpack.i.l.bf16.f32 v14;
	v22 =	vmul.bf16 v52, v26;
	v20 =	vmul.bf16 v27, v54  }
0x1c1: {  	v14 =	vunpack.i.u.bf16.f32 v14;
	v41 =	vmul.bf16 v31, v32;
	v42 =	vmul.bf16 v35, v36  }
0x1c2: {  	v44 =	vmul.bf16 v63, v38;
	v24 =	vunpack.i.l.bf16.f32 v15;
	v15 =	vunpack.i.u.bf16.f32 v15  }
0x1c3: {  	v16 =	vadd.f32 v49, v16;
	v11 =	vadd.f32 v57, v13;
	v13 =	vmul.bf16 v60, v62  }
0x1c4: {  	v25 =	vunpack.i.l.bf16.f32 v8;
	v24 =	vadd.f32 $0.0e+00, v24;
	v8 =	vunpack.i.u.bf16.f32 v8  }
0x1c5: {  	v15 =	vadd.f32 $0.0e+00, v15;
	v56 =	vunpack.i.u.bf16.f32 v12;
	v12 =	vunpack.i.l.bf16.f32 v12  }
0x1c6: {  	v59 =	vunpack.i.l.bf16.f32 v17;
	v61 =	vunpack.i.u.bf16.f32 v22;
	v22 =	vunpack.i.l.bf16.f32 v22  }
0x1c7: {  	v55 =	vld [tilespmem:s7+$0xFFFFFFB0];
	v30 =	vunpack.i.u.bf16.f32 v9;
	v33 =	vunpack.i.u.bf16.f32 v20;
	v25 =	vadd.f32 $0.0e+00, v25  }
0x1c8: {  	v58 =	vld [tilespmem:s9+$0xFFFFFFB0];
	v34 =	vunpack.i.l.bf16.f32 v20;
	v8 =	vadd.f32 $0.0e+00, v8;
	v11 =	vadd.f32 v33, v11  }
0x1c9: {  	v16 =	vadd.f32 v34, v16;
	v39 =	vunpack.i.l.bf16.f32 v13;
	v14 =	vadd.f32 v14, v15  }
0x1ca: {  	v13 =	vunpack.i.u.bf16.f32 v13;
	v21 =	vadd.f32 v53, v24;
	v40 =	vadd.f32 $0.0e+00, v39  }
0x1cb: {  	v17 =	vunpack.i.u.bf16.f32 v17;
	v13 =	vadd.f32 $0.0e+00, v13;
	v8 =	vadd.f32 v56, v8  }
0x1cc: {  	v9 =	vunpack.i.l.bf16.f32 v9;
	v12 =	vadd.f32 v12, v25;
	v11 =	vadd.f32 v16, v11  }
0x1cd: {  	v15 =	vmul.bf16 v58, v55;
	v14 =	vadd.f32 v30, v14;
	v9 =	vadd.f32 v9, v21  }
0x1ce: {  	v43 =	vunpack.i.u.bf16.f32 v41;
	v12 =	vadd.f32 v22, v12;
	v8 =	vadd.f32 v61, v8  }
0x1cf: {  	v37 =	vunpack.i.l.bf16.f32 v15;
	v15 =	vunpack.i.u.bf16.f32 v15;
	v13 =	vadd.f32 v43, v13  }
0x1d0: {  	v16 =	vunpack.i.l.bf16.f32 v41;
	v12 =	vadd.f32 v37, v12;
	v8 =	vadd.f32 v15, v8  }
0x1d1: {  	v45 =	vunpack.i.u.bf16.f32 v42;
	v14 =	vadd.f32 v17, v14;
	v15 =	vadd.f32 v16, v40  }
0x1d2: {  	v46 =	vunpack.i.l.bf16.f32 v42;
	v9 =	vadd.f32 v59, v9;
	v8 =	vadd.f32 v12, v8  }
0x1d3: {  	v15 =	vadd.f32 v46, v15;
	v12 =	vadd.f32 v45, v13  }
0x1d4: {  	(xrf2) =	vadd.scan.msk.f32 $0xffff, v19;
	v47 =	vunpack.i.u.bf16.f32 v44;
	v48 =	vunpack.i.l.bf16.f32 v44;
	v9 =	vadd.f32 v9, v14  }
0x1d5: {  	(xrf2) =	vadd.scan.msk.f32 $0xffff, v11;
	v49 =	vadd.f32 v48, v15;
	v12 =	vadd.f32 v47, v12  }
0x1d6: {  	(xrf2) =	vadd.scan.msk.f32 $0xffff, v8  }
0x1d7: {  	(xrf2) =	vadd.scan.msk.f32 $0xffff, v9;
	v50 =	vadd.f32 v49, v12;
	_ =	sdelay $0x1  }
0x1d8: {  	(xrf2) =	vadd.scan.msk.f32 $0xffff, v50;
	_ =	sdelay $0x1  }
0x1d9: {  	v51, _, _ =	vpop (xrf2)  }
0x1da: {  	v52, _, _ =	vpop (xrf2)  }
0x1db: {  	v54 =	vmov s18;
	v53, _, _ =	vpop (xrf2);
	v9 =	vbroadcast v52, $0xF  }
0x1dc: {  	vm0 =	veq.s32 v3, v0;
	vm1 =	veq.s32 v54, v0;
	v3 =	vbroadcast v53, $0xF;
	v55, _, _ =	vpop (xrf2)  }
0x1dd: {  	vm2 =	veq.s32 v4, v0;
	v58 =	vbroadcast v51, $0xF;
	v57 =	vsel vm1, v9, v6;
	v56, _, _ =	vpop (xrf2)  }
0x1de: {  	vm11 =	veq.s32 v2, v0;
	v2 =	vsel vm0, v3, v57;
	v3 =	vbroadcast v55, $0xF;
	v59, _, _ =	vpop (xrf2)  }
0x1df: {  	s30 =	sshll.u32 s26, $0x4;
	s26 =	sadd.s32 $0x1, s26;
	v60 =	vmov s23;
	v2 =	vsel vm2, v58, v2;
	v4 =	vbroadcast v59, $0xF;
	v61, _, _ =	vpop (xrf2)  }
0x1e0: {  	p1 =	sne.s32 s26, $0x14;
	vm12 =	veq.s32 v60, v0;
	v2 =	vsel vm11, v3, v2;
	v3 =	vbroadcast v61, $0xF  }
.Ltmp11:
0x1e1: {  	vm13 =	veq.s32 v5, v0;
	v62 =	vbroadcast v56, $0xF;
	v2 =	vsel vm12, v4, v2;
	v63, _, _ =	vpop (xrf2);
	(pc) =	sbr.rel @p1 .LBB2_20-.Ltmp11, $4  }
0x1e2: {  	vm14 =	veq.s32 v7, v0;
	v2 =	vsel vm13, v3, v2;
	v3 =	vbroadcast v63, $0xF  }
0x1e3: {  	vm15 =	veq.s32 v10, v0;
	v2 =	vsel vm14, v62, v2  }
0x1e4: {  	s7 =	sand.u32 $0x3FFFFFF0, s30;
	v2 =	vsel vm15, v3, v2  }
0x1e5: {  	s24 =	sadd.s32 $0x400, s24;
	s25 =	sadd.s32 $0x400, s25;
	[tilespmem:v1+s7+$0x0 ss:$0x1] =	vst.idx.msk $0xffff, v2  }
0x1e6: {  	s7 =	sadd.s32 $0x2800, s14;
	s9 =	simm.s32 $0x73A0  }
0x1e7: {  	[tilespmem:s9], [sflag:$0x1] =	stream.indirect.gather [hbm4b:s13+s28], $0x40, s7, s28, $0xb8;
	[tilespmem:$0x1DAB0] =	vst v63  }
0x1e8: {  	s26 =	sadd.s32 $0x4F10, s14;
	s29 =	simm.s32 $0x113A0  }
0x1e9: {  	[tilespmem:s29], [sflag:$0x3] =	stream.indirect.gather [hbm4b:s13+s28], $0x40, s26, s28, $0xb8;
	[tilespmem:$0x1DAB0] =	vst v63  }
0x1ea: {  	_ =	swait.ge [sflag:s17], $0x5000  }
0x1eb: {  	[sflag:s17] =	ssyncset.done $0x0  }
0x1ec: {  	[sflag:s17] =	ssyncadd.s32 $0xFFFFB000  }
0x1ed: {  	_ =	swait.ge [sflag:s6], $0x5000  }
0x1ee: {  	s30 =	sadd.s32 $0x1B3A0, s15;
	s14 =	simm.s32 $0x0;
	[sflag:s6] =	ssyncset.done $0x0  }
0x1ef: {  	s15 =	simm.s32 $0x16420;
	s24 =	simm.s32 $0xC420;
	v1 =	vmov s30;
	[sflag:s6] =	ssyncadd.s32 $0xFFFFB000  }
.LBB2_24:
0x1f0: {  	v7 =	vld [tilespmem:s24+$0xFFFFFF80]  }
0x1f1: {  	v5 =	vld [tilespmem:s24+$0x20]  }
0x1f2: {  	v10 =	vld [tilespmem:s15+$0x20]  }
0x1f3: {  	v11 =	vld [tilespmem:s15+$0x10]  }
0x1f4: {  	v12 =	vld [tilespmem:s24+$0x10]  }
0x1f5: {  	v2 =	vld [tilespmem:s15+$0x0]  }
0x1f6: {  	v4 =	vld [tilespmem:s24+$0x0]  }
0x1f7: {  	v14 =	vld [tilespmem:s15+$0xFFFFFFD0]  }
0x1f8: {  	v15 =	vld [tilespmem:s24+$0xFFFFFFD0]  }
0x1f9: {  	v16 =	vld [tilespmem:s15+$0xFFFFFFC0]  }
0x1fa: {  	v17 =	vld [tilespmem:s24+$0xFFFFFFC0]  }
0x1fb: {  	v18 =	vld [tilespmem:s15+$0xFFFFFF80]  }
0x1fc: {  	v9 =	vld [tilespmem:s15+$0xFFFFFFE0]  }
0x1fd: {  	v13 =	vld [tilespmem:s15+$0xFFFFFF90]  }
0x1fe: {  	s9 =	simm.s32 $0x1;
	v6 =	vimm.f32 $0.0e+00;
	v22 =	vld [tilespmem:s15+$0xFFFFFFF0];
	v19 =	vmul.bf16 v2, v4;
	v11 =	vmul.bf16 v11, v12  }
0x1ff: {  	s25 =	simm.s32 $0x2;
	v25 =	vld [tilespmem:s15+$0x30];
	v3 =	vmov s9;
	v10 =	vmul.bf16 v10, v5;
	v14 =	vmul.bf16 v14, v15  }
0x200: {  	v26 =	vld [tilespmem:s24+$0x30];
	v4 =	vmov s25;
	v16 =	vmul.bf16 v16, v17;
	v7 =	vmul.bf16 v18, v7  }
0x201: {  	v12 =	vld [tilespmem:s24+$0xFFFFFF90];
	v20 =	vunpack.i.u.bf16.f32 v19;
	v5 =	vunpack.i.l.bf16.f32 v19;
	v21 =	vunpack.i.l.bf16.f32 v11  }
0x202: {  	v17 =	vld [tilespmem:s24+$0xFFFFFFF0];
	v23 =	vunpack.i.l.bf16.f32 v10;
	v11 =	vunpack.i.u.bf16.f32 v11;
	v24 =	vunpack.i.l.bf16.f32 v7  }
0x203: {  	v19 =	vld [tilespmem:s24+$0xFFFFFFE0];
	v7 =	vunpack.i.u.bf16.f32 v7;
	v15 =	vadd.f32 $0.0e+00, v5;
	v20 =	vadd.f32 $0.0e+00, v20  }
0x204: {  	v28 =	vld [tilespmem:s24+$0x70];
	v27 =	vunpack.i.l.bf16.f32 v14;
	v10 =	vunpack.i.u.bf16.f32 v10;
	v24 =	vadd.f32 $0.0e+00, v24  }
0x205: {  	v52 =	vld [tilespmem:s24+$0x40];
	v15 =	vadd.f32 v21, v15;
	v11 =	vadd.f32 v11, v20;
	v20 =	vunpack.i.l.bf16.f32 v16  }
0x206: {  	v29 =	vld [tilespmem:s15+$0x50];
	v16 =	vunpack.i.u.bf16.f32 v16;
	v12 =	vmul.bf16 v13, v12;
	v13 =	vunpack.i.u.bf16.f32 v14  }
0x207: {  	v18 =	vld [tilespmem:s15+$0xFFFFFFA0];
	v17 =	vmul.bf16 v22, v17;
	v20 =	vadd.f32 $0.0e+00, v20;
	v16 =	vadd.f32 $0.0e+00, v16  }
0x208: {  	v21 =	vld [tilespmem:s24+$0xFFFFFFA0];
	v15 =	vadd.f32 v23, v15;
	v9 =	vmul.bf16 v9, v19;
	v19 =	vadd.f32 $0.0e+00, v7  }
0x209: {  	s7 =	sadd.s32 $0x100, s24;
	v56 =	vld [tilespmem:s15+$0x60];
	v22 =	vunpack.i.u.bf16.f32 v12;
	v12 =	vunpack.i.l.bf16.f32 v12;
	v10 =	vadd.f32 v10, v11  }
0x20a: {  	s18 =	simm.s32 $0x3;
	v8 =	vld [tilespmem:s7+$0xFFFFFF80];
	v11 =	vmul.bf16 v25, v26;
	v13 =	vadd.f32 v13, v16;
	v12 =	vadd.f32 v12, v24  }
0x20b: {  	v2 =	vmov s18;
	v14 =	vld [tilespmem:s24+$0xFFFFFFB0];
	v20 =	vadd.f32 v27, v20;
	v19 =	vadd.f32 v22, v19  }
0x20c: {  	v23 =	vld [tilespmem:s15+$0xFFFFFFB0];
	v54 =	vunpack.i.u.bf16.f32 v9;
	v9 =	vunpack.i.l.bf16.f32 v9;
	v55 =	vunpack.i.l.bf16.f32 v11  }
0x20d: {  	v11 =	vunpack.i.u.bf16.f32 v11;
	v18 =	vmul.bf16 v18, v21;
	v21 =	vld [tilespmem:s15+$0x40];
	v13 =	vadd.f32 v54, v13  }
0x20e: {  	v59 =	vld [tilespmem:s7+$0x10];
	v22 =	vunpack.i.l.bf16.f32 v17;
	v10 =	vadd.f32 v11, v10;
	v20 =	vadd.f32 v9, v20  }
0x20f: {  	v16 =	vld [tilespmem:s15+$0x70];
	v15 =	vadd.f32 v55, v15;
	v53 =	vunpack.i.u.bf16.f32 v18;
	v18 =	vunpack.i.l.bf16.f32 v18  }
0x210: {  	v17 =	vunpack.i.u.bf16.f32 v17;
	v12 =	vadd.f32 v18, v12;
	v18 =	vadd.f32 v53, v19;
	v19 =	vld [tilespmem:s24+$0x50]  }
0x211: {  	s26 =	simm.s32 $0x5;
	v11 =	vld [tilespmem:s24+$0x60];
	v14 =	vmul.bf16 v23, v14;
	v13 =	vadd.f32 v17, v13;
	v20 =	vadd.f32 v22, v20  }
0x212: {  	v60 =	vld [tilespmem:s7+$0x0];
	v5 =	vmov s26;
	v15 =	vadd.f32 v15, v10;
	v21 =	vmul.bf16 v21, v52  }
0x213: {  	s9 =	sadd.s32 $0x100, s15;
	v23 =	vld [tilespmem:s7+$0x20];
	v57 =	vunpack.i.l.bf16.f32 v14;
	v14 =	vunpack.i.u.bf16.f32 v14;
	v20 =	vadd.f32 v20, v13  }
0x214: {  	v17 =	vld [tilespmem:s9+$0x20];
	v12 =	vadd.f32 v57, v12;
	v14 =	vadd.f32 v14, v18;
	v10 =	vunpack.i.l.bf16.f32 v21  }
0x215: {  	v58 =	vld [tilespmem:s9+$0x10];
	v18 =	vunpack.i.u.bf16.f32 v21;
	v21 =	vadd.f32 $0.0e+00, v10;
	v10 =	vmul.bf16 v29, v19  }
0x216: {  	v9 =	vld [tilespmem:s9+$0xFFFFFFE0];
	(xrf2) =	vadd.scan.msk.f32 $0xffff, v15;
	v11 =	vmul.bf16 v56, v11;
	v19 =	vmul.bf16 v16, v28;
	v16 =	vadd.f32 $0.0e+00, v18  }
0x217: {  	s29 =	simm.s32 $0x6;
	v22 =	vadd.f32 v12, v14;
	v18 =	vld [tilespmem:s9+$0x0];
	v14 =	vunpack.i.u.bf16.f32 v10;
	v61 =	vunpack.i.l.bf16.f32 v10  }
0x218: {  	v7 =	vmov s29;
	v15 =	vld [tilespmem:s9+$0xFFFFFFC0];
	v21 =	vadd.f32 v61, v21;
	v62 =	vadd.f32 v14, v16  }
0x219: {  	s30 =	simm.s32 $0x7;
	v12 =	vld [tilespmem:s9+$0xFFFFFF90];
	v13 =	vunpack.i.u.bf16.f32 v11;
	v63 =	vunpack.i.l.bf16.f32 v11;
	v11 =	vmul.bf16 v17, v23;
	(xrf2) =	vadd.scan.msk.f32 $0xffff, v22  }
0x21a: {  	v10 =	vmov s30;
	v14 =	vld [tilespmem:s9+$0xFFFFFFD0];
	v21 =	vadd.f32 v63, v21;
	v23 =	vadd.f32 v13, v62  }
0x21b: {  	s22 =	simm.s32 $0x8;
	v22 =	vunpack.i.u.bf16.f32 v19;
	v19 =	vunpack.i.l.bf16.f32 v19;
	v16 =	vld [tilespmem:s7+$0xFFFFFFD0];
	v13 =	vmul.bf16 v58, v59  }
0x21c: {  	s23 =	smov.u32 s7;
	s25 =	simm.s32 $0x4;
	s18 =	simm.s32 $0x0;
	v17 =	vld [tilespmem:s7+$0xFFFFFFC0];
	(xrf2) =	vadd.scan.msk.f32 $0xffff, v20;
	v18 =	vmul.bf16 v18, v60;
	v19 =	vadd.f32 v19, v21;
	v20 =	vadd.f32 v22, v23  }
.LBB2_25:
0x21d: {  	p1 =	sne.s32 s22, $0xC;
	vm2 =	veq.s32 v3, v0  }
0x21e: {  	v21 =	vld [tilespmem:s9+$0xFFFFFF80];
	s7 =	sadd.s32 $0x100, s7;
	vm1 =	veq.s32 v4, v0;
	vm0 =	veq.s32 v2, v0;
	v3 =	vmovc v5;
	v4 =	vmovc v7;
	v2 =	vmov v10;
	s20 =	smov.u32 s22;
	s22 =	sadd.s32 $0x4, s22  }
0x21f: {  	v7 =	vld [tilespmem:s7+$0xFFFFFF80];
	v10 =	vunpack.i.u.bf16.f32 v18;
	v5 =	vunpack.i.l.bf16.f32 v18;
	v18 =	vadd.f32 v19, v20  }
0x220: {  	s26 =	sadd.s32 $0x1, s20;
	v20 =	vunpack.i.l.bf16.f32 v13;
	v19 =	vld [tilespmem:s23+$0xFFFFFF90];
	v14 =	vmul.bf16 v14, v16;
	v16 =	vadd.f32 $0.0e+00, v5;
	v22, _, _ =	vpop (xrf2)  }
0x221: {  	v24 =	vunpack.i.l.bf16.f32 v11;
	v5 =	vmov s26;
	v10 =	vadd.f32 $0.0e+00, v10;
	v23 =	vld [tilespmem:s23+$0xFFFFFFE0];
	(xrf2) =	vadd.scan.msk.f32 $0xffff, v18  }
0x222: {  	v25 =	vunpack.i.u.bf16.f32 v13;
	v15 =	vmul.bf16 v15, v17;
	v17 =	vld [tilespmem:s9+$0xFFFFFFF0];
	v16 =	vadd.f32 v20, v16  }
0x223: {  	v26 =	vmov s18;
	s18 =	smov.u32 s25;
	s25 =	smov.u32 s20;
	v10 =	vadd.f32 v25, v10;
	v18 =	vmul.bf16 v21, v8;
	v20 =	vld [tilespmem:s23+$0xFFFFFFF0];
	v13, _, _ =	vpop (xrf2)  }
0x224: {  	vm3 =	veq.s32 v26, v0;
	v21 =	vld [tilespmem:s9+$0xFFFFFFA0];
	v25 =	vunpack.i.u.bf16.f32 v15;
	v15 =	vunpack.i.l.bf16.f32 v15;
	v8 =	vmovc v7  }
0x225: {  	v7 =	vunpack.i.u.bf16.f32 v18;
	v18 =	vunpack.i.l.bf16.f32 v18;
	v26 =	vld [tilespmem:s23+$0xFFFFFFA0];
	v15 =	vadd.f32 $0.0e+00, v15  }
0x226: {  	v27 =	vunpack.i.l.bf16.f32 v14;
	v13 =	vbroadcast v13, $0xF;
	v18 =	vadd.f32 $0.0e+00, v18;
	v28 =	vld [tilespmem:s9+$0x30];
	v29, _, _ =	vpop (xrf2)  }
0x227: {  	v16 =	vadd.f32 v24, v16;
	v25 =	vadd.f32 $0.0e+00, v25;
	v24 =	vld [tilespmem:s23+$0x30];
	v29 =	vbroadcast v29, $0xF  }
0x228: {  	v14 =	vunpack.i.u.bf16.f32 v14;
	v12 =	vmul.bf16 v12, v19;
	v6 =	vsel vm3, v13, v6  }
0x229: {  	v9 =	vmul.bf16 v9, v23;
	v13 =	vadd.f32 v14, v25;
	v14 =	vbroadcast v22, $0xF  }
0x22a: {  	v19 =	vadd.f32 $0.0e+00, v7;
	v17 =	vmul.bf16 v17, v20;
	v6 =	vsel vm2, v29, v6;
	v22 =	vld [tilespmem:s23+$0xFFFFFFB0]  }
0x22b: {  	v11 =	vunpack.i.u.bf16.f32 v11;
	s20 =	sadd.s32 $0x2, s25;
	v20 =	vunpack.i.u.bf16.f32 v12;
	v12 =	vunpack.i.l.bf16.f32 v12;
	v23 =	vld [tilespmem:s9+$0x70];
	v25, _, _ =	vpop (xrf2)  }
0x22c: {  	v7 =	vmov s20;
	v19 =	vadd.f32 v20, v19;
	v29 =	vunpack.i.l.bf16.f32 v17;
	v20 =	vld [tilespmem:s9+$0xFFFFFFB0]  }
0x22d: {  	v12 =	vadd.f32 v12, v18;
	v18 =	vmul.bf16 v21, v26;
	v6 =	vsel vm1, v14, v6;
	v21 =	vld [tilespmem:s23+$0x70]  }
0x22e: {  	v10 =	vadd.f32 v11, v10;
	v11 =	vmul.bf16 v28, v24;
	v24 =	vbroadcast v25, $0xF;
	v14 =	vld [tilespmem:s9+$0x40]  }
0x22f: {  	v26 =	vunpack.i.u.bf16.f32 v9;
	v25 =	vunpack.i.u.bf16.f32 v18;
	v18 =	vunpack.i.l.bf16.f32 v18;
	v28 =	vld [tilespmem:s23+$0x40]  }
0x230: {  	v17 =	vunpack.i.u.bf16.f32 v17;
	v12 =	vadd.f32 v18, v12;
	v6 =	vsel vm0, v24, v6;
	v18 =	vld [tilespmem:s9+$0x50]  }
0x231: {  	v9 =	vunpack.i.l.bf16.f32 v9;
	v19 =	vadd.f32 v25, v19;
	v24 =	vunpack.i.l.bf16.f32 v11;
	v25 =	vld [tilespmem:s23+$0x50]  }
0x232: {  	v15 =	vadd.f32 v27, v15;
	v13 =	vadd.f32 v26, v13;
	v11 =	vunpack.i.u.bf16.f32 v11;
	v26 =	vld [tilespmem:s9+$0x60]  }
0x233: {  	v10 =	vadd.f32 v11, v10;
	v20 =	vmul.bf16 v20, v22;
	v21 =	vmul.bf16 v23, v21;
	v11 =	vld [tilespmem:s23+$0x60];
	s23 =	smov.u32 s7  }
0x234: {  	v15 =	vadd.f32 v9, v15;
	v16 =	vadd.f32 v24, v16;
	s9 =	sadd.s32 $0x100, s9;
	v22 =	vld [tilespmem:s7+$0x20];
	v14 =	vmul.bf16 v14, v28  }
0x235: {  	v13 =	vadd.f32 v17, v13;
	v23 =	vunpack.i.u.bf16.f32 v20;
	v20 =	vunpack.i.l.bf16.f32 v20;
	v9 =	vld [tilespmem:s9+$0xFFFFFFE0]  }
0x236: {  	v10 =	vadd.f32 v16, v10;
	v12 =	vadd.f32 v20, v12;
	v17 =	vld [tilespmem:s9+$0x20];
	v16 =	vunpack.i.l.bf16.f32 v14  }
0x237: {  	v19 =	vadd.f32 v23, v19;
	v14 =	vunpack.i.u.bf16.f32 v14;
	v20 =	vld [tilespmem:s9+$0x10];
	v16 =	vadd.f32 $0.0e+00, v16  }
0x238: {  	s20 =	sadd.s32 $0x3, s25;
	v15 =	vadd.f32 v29, v15;
	v18 =	vmul.bf16 v18, v25;
	v14 =	vadd.f32 $0.0e+00, v14;
	v23 =	vld [tilespmem:s7+$0x10];
	(xrf2) =	vadd.scan.msk.f32 $0xffff, v10  }
0x239: {  	v19 =	vadd.f32 v12, v19;
	v10 =	vmov s20;
	v25 =	vmul.bf16 v26, v11;
	v24 =	vld [tilespmem:s9+$0x0]  }
0x23a: {  	v27 =	vadd.f32 v15, v13;
	v13 =	vunpack.i.u.bf16.f32 v18;
	v15 =	vunpack.i.l.bf16.f32 v18;
	v26 =	vld [tilespmem:s7+$0x0]  }
.Ltmp12:
0x23b: {  	v15 =	vadd.f32 v15, v16;
	v12 =	vld [tilespmem:s9+$0xFFFFFF90];
	v11 =	vmul.bf16 v17, v22;
	v17 =	vadd.f32 v13, v14;
	(xrf2) =	vadd.scan.msk.f32 $0xffff, v19;
	(pc) =	sbr.rel @p1 .LBB2_25-.Ltmp12, $4  }
0x23c: {  	v18 =	vunpack.i.u.bf16.f32 v25;
	v19 =	vunpack.i.l.bf16.f32 v25;
	v14 =	vld [tilespmem:s9+$0xFFFFFFD0]  }
0x23d: {  	v19 =	vadd.f32 v19, v15;
	v16 =	vld [tilespmem:s7+$0xFFFFFFD0];
	v13 =	vmul.bf16 v20, v23;
	v20 =	vadd.f32 v18, v17  }
0x23e: {  	v22 =	vunpack.i.u.bf16.f32 v21;
	v21 =	vunpack.i.l.bf16.f32 v21;
	v15 =	vld [tilespmem:s9+$0xFFFFFFC0];
	(xrf2) =	vadd.scan.msk.f32 $0xffff, v27  }
0x23f: {  	v19 =	vadd.f32 v21, v19;
	v17 =	vld [tilespmem:s7+$0xFFFFFFC0];
	v18 =	vmul.bf16 v24, v26;
	v20 =	vadd.f32 v22, v20  }
0x240: {  	v21 =	vld [tilespmem:s9+$0xFFFFFF80]  }
0x241: {  	v45 =	vld [tilespmem:s23+$0xFFFFFF90]  }
0x242: {  	v23 =	vld [tilespmem:s23+$0xFFFFFFE0]  }
0x243: {  	v48 =	vld [tilespmem:s9+$0xFFFFFFF0]  }
0x244: {  	v51 =	vld [tilespmem:s23+$0xFFFFFFF0]  }
0x245: {  	v52 =	vld [tilespmem:s9+$0xFFFFFFA0]  }
0x246: {  	v26 =	vld [tilespmem:s23+$0xFFFFFFA0]  }
0x247: {  	v27 =	vld [tilespmem:s9+$0x30]  }
0x248: {  	v54 =	vld [tilespmem:s23+$0x30]  }
0x249: {  	v60 =	vld [tilespmem:s9+$0x40]  }
0x24a: {  	v63 =	vld [tilespmem:s9+$0x70]  }
0x24b: {  	v31 =	vld [tilespmem:s9+$0x50]  }
0x24c: {  	v47 =	vunpack.i.l.bf16.f32 v13;
	v49 =	vunpack.i.l.bf16.f32 v11;
	v32 =	vld [tilespmem:s23+$0x50]  }
0x24d: {  	v50 =	vunpack.i.u.bf16.f32 v13;
	v57 =	vunpack.i.u.bf16.f32 v11;
	v35 =	vld [tilespmem:s9+$0x60];
	v44 =	vunpack.i.l.bf16.f32 v18  }
0x24e: {  	v36 =	vld [tilespmem:s23+$0x60];
	v22 =	vunpack.i.u.bf16.f32 v18;
	v19 =	vadd.f32 v19, v20;
	v46 =	vadd.f32 $0.0e+00, v44  }
0x24f: {  	v38 =	vld [tilespmem:s23+$0x70];
	v14 =	vmul.bf16 v14, v16;
	v22 =	vadd.f32 $0.0e+00, v22;
	v15 =	vmul.bf16 v15, v17  }
0x250: {  	v62 =	vld [tilespmem:s23+$0x40];
	v16 =	vadd.f32 v47, v46;
	v8 =	vmul.bf16 v21, v8;
	v12 =	vmul.bf16 v12, v45  }
0x251: {  	v13 =	vadd.f32 v50, v22;
	v9 =	vmul.bf16 v9, v23;
	v17 =	vmul.bf16 v48, v51  }
0x252: {  	v53 =	vunpack.i.l.bf16.f32 v14;
	v22 =	vmul.bf16 v52, v26;
	v20 =	vmul.bf16 v27, v54  }
0x253: {  	v14 =	vunpack.i.u.bf16.f32 v14;
	v41 =	vmul.bf16 v31, v32;
	v42 =	vmul.bf16 v35, v36  }
0x254: {  	v44 =	vmul.bf16 v63, v38;
	v24 =	vunpack.i.l.bf16.f32 v15;
	v15 =	vunpack.i.u.bf16.f32 v15  }
0x255: {  	v16 =	vadd.f32 v49, v16;
	v11 =	vadd.f32 v57, v13;
	v13 =	vmul.bf16 v60, v62  }
0x256: {  	v25 =	vunpack.i.l.bf16.f32 v8;
	v24 =	vadd.f32 $0.0e+00, v24;
	v8 =	vunpack.i.u.bf16.f32 v8  }
0x257: {  	v15 =	vadd.f32 $0.0e+00, v15;
	v56 =	vunpack.i.u.bf16.f32 v12;
	v12 =	vunpack.i.l.bf16.f32 v12  }
0x258: {  	v59 =	vunpack.i.l.bf16.f32 v17;
	v61 =	vunpack.i.u.bf16.f32 v22;
	v22 =	vunpack.i.l.bf16.f32 v22  }
0x259: {  	v55 =	vld [tilespmem:s23+$0xFFFFFFB0];
	v30 =	vunpack.i.u.bf16.f32 v9;
	v33 =	vunpack.i.u.bf16.f32 v20;
	v25 =	vadd.f32 $0.0e+00, v25  }
0x25a: {  	v58 =	vld [tilespmem:s9+$0xFFFFFFB0];
	v34 =	vunpack.i.l.bf16.f32 v20;
	v8 =	vadd.f32 $0.0e+00, v8;
	v11 =	vadd.f32 v33, v11  }
0x25b: {  	v16 =	vadd.f32 v34, v16;
	v39 =	vunpack.i.l.bf16.f32 v13;
	v14 =	vadd.f32 v14, v15  }
0x25c: {  	v13 =	vunpack.i.u.bf16.f32 v13;
	v21 =	vadd.f32 v53, v24;
	v40 =	vadd.f32 $0.0e+00, v39  }
0x25d: {  	v17 =	vunpack.i.u.bf16.f32 v17;
	v13 =	vadd.f32 $0.0e+00, v13;
	v8 =	vadd.f32 v56, v8  }
0x25e: {  	v9 =	vunpack.i.l.bf16.f32 v9;
	v12 =	vadd.f32 v12, v25;
	v11 =	vadd.f32 v16, v11  }
0x25f: {  	v15 =	vmul.bf16 v58, v55;
	v14 =	vadd.f32 v30, v14;
	v9 =	vadd.f32 v9, v21  }
0x260: {  	v43 =	vunpack.i.u.bf16.f32 v41;
	v12 =	vadd.f32 v22, v12;
	v8 =	vadd.f32 v61, v8  }
0x261: {  	v37 =	vunpack.i.l.bf16.f32 v15;
	v15 =	vunpack.i.u.bf16.f32 v15;
	v13 =	vadd.f32 v43, v13  }
0x262: {  	v16 =	vunpack.i.l.bf16.f32 v41;
	v12 =	vadd.f32 v37, v12;
	v8 =	vadd.f32 v15, v8  }
0x263: {  	v45 =	vunpack.i.u.bf16.f32 v42;
	v14 =	vadd.f32 v17, v14;
	v15 =	vadd.f32 v16, v40  }
0x264: {  	v46 =	vunpack.i.l.bf16.f32 v42;
	v9 =	vadd.f32 v59, v9;
	v8 =	vadd.f32 v12, v8  }
0x265: {  	v15 =	vadd.f32 v46, v15;
	v12 =	vadd.f32 v45, v13  }
0x266: {  	(xrf2) =	vadd.scan.msk.f32 $0xffff, v19;
	v47 =	vunpack.i.u.bf16.f32 v44;
	v48 =	vunpack.i.l.bf16.f32 v44;
	v9 =	vadd.f32 v9, v14  }
0x267: {  	(xrf2) =	vadd.scan.msk.f32 $0xffff, v11;
	v49 =	vadd.f32 v48, v15;
	v12 =	vadd.f32 v47, v12  }
0x268: {  	(xrf2) =	vadd.scan.msk.f32 $0xffff, v8  }
0x269: {  	(xrf2) =	vadd.scan.msk.f32 $0xffff, v9;
	v50 =	vadd.f32 v49, v12;
	_ =	sdelay $0x1  }
0x26a: {  	(xrf2) =	vadd.scan.msk.f32 $0xffff, v50;
	_ =	sdelay $0x1  }
0x26b: {  	v51, _, _ =	vpop (xrf2)  }
0x26c: {  	v52, _, _ =	vpop (xrf2)  }
0x26d: {  	v54 =	vmov s18;
	v53, _, _ =	vpop (xrf2);
	v9 =	vbroadcast v52, $0xF  }
0x26e: {  	vm0 =	veq.s32 v3, v0;
	vm1 =	veq.s32 v54, v0;
	v3 =	vbroadcast v53, $0xF;
	v55, _, _ =	vpop (xrf2)  }
0x26f: {  	vm2 =	veq.s32 v4, v0;
	v58 =	vbroadcast v51, $0xF;
	v57 =	vsel vm1, v9, v6;
	v56, _, _ =	vpop (xrf2)  }
0x270: {  	vm11 =	veq.s32 v2, v0;
	v2 =	vsel vm0, v3, v57;
	v3 =	vbroadcast v55, $0xF;
	v59, _, _ =	vpop (xrf2)  }
0x271: {  	s7 =	sshll.u32 s14, $0x4;
	s14 =	sadd.s32 $0x1, s14;
	v60 =	vmov s25;
	v2 =	vsel vm2, v58, v2;
	v4 =	vbroadcast v59, $0xF;
	v61, _, _ =	vpop (xrf2)  }
0x272: {  	p1 =	sne.s32 s14, $0x14;
	vm12 =	veq.s32 v60, v0;
	v2 =	vsel vm11, v3, v2;
	v3 =	vbroadcast v61, $0xF  }
.Ltmp13:
0x273: {  	vm13 =	veq.s32 v5, v0;
	v62 =	vbroadcast v56, $0xF;
	v2 =	vsel vm12, v4, v2;
	v63, _, _ =	vpop (xrf2);
	(pc) =	sbr.rel @p1 .LBB2_24-.Ltmp13, $4  }
0x274: {  	vm14 =	veq.s32 v7, v0;
	v2 =	vsel vm13, v3, v2;
	v3 =	vbroadcast v63, $0xF  }
0x275: {  	vm15 =	veq.s32 v10, v0;
	v2 =	vsel vm14, v62, v2  }
0x276: {  	s7 =	sand.u32 $0x3FFFFFF0, s7;
	v2 =	vsel vm15, v3, v2  }
0x277: {  	s15 =	sadd.s32 $0x400, s15;
	s24 =	sadd.s32 $0x400, s24;
	[tilespmem:v1+s7+$0x0 ss:$0x1] =	vst.idx.msk $0xffff, v2  }
0x278: {  	s12 =	sadd.s32 $0x1, s12  }
0x279: {  	p1 =	sne.s32 s12, $0xF  }
.Ltmp14:
0x27a: {  	_ = 	snop;
	(pc) =	sbr.rel @p1 .LBB2_19-.Ltmp14, $1  }
0x27b: {  	_ =	sdelay $0x3  }
0x27c: {  	s7 =	simm.s32 $0x50;
	s9 =	simm.s32 $0x4C40  }
0x27d: {  	[tilespmem:s31], [sflag:$0x2] =	stream.indirect.gather [hbm4b:s13+s7], $0x40, s9, s7, $0xb8;
	[tilespmem:$0x1DAB0] =	vst v63  }
0x27e: {  	s30 =	simm.s32 $0x7350  }
0x27f: {  	[tilespmem:s2], [sflag:$0x4] =	stream.indirect.gather [hbm4b:s13+s7], $0x40, s30, s7, $0xb8;
	[tilespmem:$0x1DAB0] =	vst v63  }
0x280: {  	_ =	swait.ge [sflag:s0], $0x5000  }
0x281: {  	[sflag:s0] =	ssyncset.done $0x0  }
0x282: {  	[sflag:s0] =	ssyncadd.s32 $0xFFFFB000  }
0x283: {  	_ =	swait.ge [sflag:s16], $0x5000  }
0x284: {  	s12 =	simm.s32 $0x0;
	s14 =	simm.s32 $0x11420;
	[sflag:s16] =	ssyncset.done $0x0  }
0x285: {  	s15 =	simm.s32 $0x7420;
	s26 =	simm.s32 $0x1F40;
	[sflag:s16] =	ssyncadd.s32 $0xFFFFB000  }
.LBB2_29:
0x286: {  	v6 =	vld [tilespmem:s15+$0xFFFFFF80]  }
0x287: {  	v4 =	vld [tilespmem:s15+$0x20]  }
0x288: {  	v9 =	vld [tilespmem:s14+$0x20]  }
0x289: {  	v10 =	vld [tilespmem:s14+$0x10]  }
0x28a: {  	v11 =	vld [tilespmem:s15+$0x10]  }
0x28b: {  	v1 =	vld [tilespmem:s14+$0x0]  }
0x28c: {  	v3 =	vld [tilespmem:s15+$0x0]  }
0x28d: {  	v13 =	vld [tilespmem:s14+$0xFFFFFFD0]  }
0x28e: {  	v14 =	vld [tilespmem:s15+$0xFFFFFFD0]  }
0x28f: {  	v15 =	vld [tilespmem:s14+$0xFFFFFFC0]  }
0x290: {  	v16 =	vld [tilespmem:s15+$0xFFFFFFC0]  }
0x291: {  	v17 =	vld [tilespmem:s14+$0xFFFFFF80]  }
0x292: {  	v8 =	vld [tilespmem:s14+$0xFFFFFFE0]  }
0x293: {  	v12 =	vld [tilespmem:s14+$0xFFFFFF90]  }
0x294: {  	s9 =	simm.s32 $0x1;
	v5 =	vimm.f32 $0.0e+00;
	v21 =	vld [tilespmem:s14+$0xFFFFFFF0];
	v18 =	vmul.bf16 v1, v3;
	v10 =	vmul.bf16 v10, v11  }
0x295: {  	s24 =	simm.s32 $0x2;
	v24 =	vld [tilespmem:s14+$0x30];
	v2 =	vmov s9;
	v9 =	vmul.bf16 v9, v4;
	v13 =	vmul.bf16 v13, v14  }
0x296: {  	v25 =	vld [tilespmem:s15+$0x30];
	v3 =	vmov s24;
	v15 =	vmul.bf16 v15, v16;
	v6 =	vmul.bf16 v17, v6  }
0x297: {  	v11 =	vld [tilespmem:s15+$0xFFFFFF90];
	v19 =	vunpack.i.u.bf16.f32 v18;
	v4 =	vunpack.i.l.bf16.f32 v18;
	v20 =	vunpack.i.l.bf16.f32 v10  }
0x298: {  	v16 =	vld [tilespmem:s15+$0xFFFFFFF0];
	v22 =	vunpack.i.l.bf16.f32 v9;
	v10 =	vunpack.i.u.bf16.f32 v10;
	v23 =	vunpack.i.l.bf16.f32 v6  }
0x299: {  	v18 =	vld [tilespmem:s15+$0xFFFFFFE0];
	v6 =	vunpack.i.u.bf16.f32 v6;
	v14 =	vadd.f32 $0.0e+00, v4;
	v19 =	vadd.f32 $0.0e+00, v19  }
0x29a: {  	v46 =	vld [tilespmem:s14+$0xFFFFFFB0];
	v26 =	vunpack.i.l.bf16.f32 v13;
	v9 =	vunpack.i.u.bf16.f32 v9;
	v23 =	vadd.f32 $0.0e+00, v23  }
0x29b: {  	v27 =	vld [tilespmem:s15+$0x70];
	v14 =	vadd.f32 v20, v14;
	v10 =	vadd.f32 v10, v19;
	v19 =	vunpack.i.l.bf16.f32 v15  }
0x29c: {  	v48 =	vld [tilespmem:s15+$0x40];
	v15 =	vunpack.i.u.bf16.f32 v15;
	v11 =	vmul.bf16 v12, v11;
	v12 =	vunpack.i.u.bf16.f32 v13  }
0x29d: {  	v17 =	vld [tilespmem:s14+$0xFFFFFFA0];
	v16 =	vmul.bf16 v21, v16;
	v19 =	vadd.f32 $0.0e+00, v19;
	v15 =	vadd.f32 $0.0e+00, v15  }
0x29e: {  	v20 =	vld [tilespmem:s15+$0xFFFFFFA0];
	v14 =	vadd.f32 v22, v14;
	v8 =	vmul.bf16 v8, v18;
	v18 =	vadd.f32 $0.0e+00, v6  }
0x29f: {  	v28 =	vld [tilespmem:s14+$0x50];
	v45 =	vunpack.i.u.bf16.f32 v11;
	v11 =	vunpack.i.l.bf16.f32 v11;
	v9 =	vadd.f32 v9, v10  }
0x2a0: {  	v52 =	vld [tilespmem:s14+$0x60];
	v10 =	vmul.bf16 v24, v25;
	v12 =	vadd.f32 v12, v15;
	v11 =	vadd.f32 v11, v23  }
0x2a1: {  	s7 =	sadd.s32 $0x100, s15;
	v13 =	vld [tilespmem:s15+$0xFFFFFFB0];
	v47 =	vunpack.i.l.bf16.f32 v16;
	v19 =	vadd.f32 v26, v19;
	v18 =	vadd.f32 v45, v18  }
0x2a2: {  	v7 =	vld [tilespmem:s7+$0xFFFFFF80];
	v50 =	vunpack.i.u.bf16.f32 v8;
	v8 =	vunpack.i.l.bf16.f32 v8;
	v51 =	vunpack.i.l.bf16.f32 v10  }
0x2a3: {  	v10 =	vunpack.i.u.bf16.f32 v10;
	v17 =	vmul.bf16 v17, v20;
	v20 =	vld [tilespmem:s14+$0x40];
	v12 =	vadd.f32 v50, v12  }
0x2a4: {  	v53 =	vld [tilespmem:s7+$0x20];
	v16 =	vunpack.i.u.bf16.f32 v16;
	v9 =	vadd.f32 v10, v9;
	v19 =	vadd.f32 v8, v19  }
0x2a5: {  	v15 =	vld [tilespmem:s14+$0x70];
	v14 =	vadd.f32 v51, v14;
	v49 =	vunpack.i.u.bf16.f32 v17;
	v17 =	vunpack.i.l.bf16.f32 v17  }
0x2a6: {  	s18 =	simm.s32 $0x3;
	v13 =	vmul.bf16 v46, v13;
	v11 =	vadd.f32 v17, v11;
	v17 =	vadd.f32 v49, v18;
	v18 =	vld [tilespmem:s15+$0x50]  }
0x2a7: {  	s25 =	simm.s32 $0x5;
	v1 =	vmov s18;
	v10 =	vld [tilespmem:s15+$0x60];
	v12 =	vadd.f32 v16, v12;
	v19 =	vadd.f32 v47, v19  }
0x2a8: {  	v56 =	vld [tilespmem:s7+$0x10];
	v4 =	vmov s25;
	v54 =	vunpack.i.l.bf16.f32 v13;
	v20 =	vmul.bf16 v20, v48  }
0x2a9: {  	s9 =	sadd.s32 $0x100, s14;
	v58 =	vld [tilespmem:s7+$0x0];
	v13 =	vunpack.i.u.bf16.f32 v13;
	v14 =	vadd.f32 v14, v9;
	v19 =	vadd.f32 v19, v12  }
0x2aa: {  	v16 =	vld [tilespmem:s9+$0x20];
	v11 =	vadd.f32 v54, v11;
	v13 =	vadd.f32 v13, v17;
	v9 =	vunpack.i.l.bf16.f32 v20  }
0x2ab: {  	v55 =	vld [tilespmem:s9+$0x10];
	v17 =	vunpack.i.u.bf16.f32 v20;
	v20 =	vadd.f32 $0.0e+00, v9;
	v9 =	vmul.bf16 v28, v18  }
0x2ac: {  	v8 =	vld [tilespmem:s9+$0xFFFFFFE0];
	(xrf2) =	vadd.scan.msk.f32 $0xffff, v14;
	v10 =	vmul.bf16 v52, v10;
	v18 =	vmul.bf16 v15, v27;
	v15 =	vadd.f32 $0.0e+00, v17  }
0x2ad: {  	s29 =	simm.s32 $0x6;
	v57 =	vadd.f32 v11, v13;
	v17 =	vld [tilespmem:s9+$0x0];
	v13 =	vunpack.i.u.bf16.f32 v9;
	v59 =	vunpack.i.l.bf16.f32 v9  }
0x2ae: {  	v6 =	vmov s29;
	v14 =	vld [tilespmem:s9+$0xFFFFFFC0];
	v20 =	vadd.f32 v59, v20;
	v60 =	vadd.f32 v13, v15  }
0x2af: {  	s30 =	simm.s32 $0x7;
	v11 =	vld [tilespmem:s9+$0xFFFFFF90];
	v12 =	vunpack.i.u.bf16.f32 v10;
	v61 =	vunpack.i.l.bf16.f32 v10;
	v10 =	vmul.bf16 v16, v53;
	(xrf2) =	vadd.scan.msk.f32 $0xffff, v57  }
0x2b0: {  	v9 =	vmov s30;
	v13 =	vld [tilespmem:s9+$0xFFFFFFD0];
	v20 =	vadd.f32 v61, v20;
	v62 =	vadd.f32 v12, v60  }
0x2b1: {  	s22 =	simm.s32 $0x8;
	v63 =	vunpack.i.u.bf16.f32 v18;
	v18 =	vunpack.i.l.bf16.f32 v18;
	v15 =	vld [tilespmem:s7+$0xFFFFFFD0];
	v12 =	vmul.bf16 v55, v56  }
0x2b2: {  	s23 =	smov.u32 s7;
	s24 =	simm.s32 $0x4;
	s18 =	simm.s32 $0x0;
	v16 =	vld [tilespmem:s7+$0xFFFFFFC0];
	(xrf2) =	vadd.scan.msk.f32 $0xffff, v19;
	v17 =	vmul.bf16 v17, v58;
	v18 =	vadd.f32 v18, v20;
	v19 =	vadd.f32 v63, v62  }
.LBB2_30:
0x2b3: {  	p1 =	sne.s32 s22, $0xC;
	vm2 =	veq.s32 v2, v0  }
0x2b4: {  	v20 =	vld [tilespmem:s9+$0xFFFFFF80];
	s7 =	sadd.s32 $0x100, s7;
	vm1 =	veq.s32 v3, v0;
	vm0 =	veq.s32 v1, v0;
	v2 =	vmovc v4;
	v3 =	vmovc v6;
	v1 =	vmov v9;
	s20 =	smov.u32 s22;
	s22 =	sadd.s32 $0x4, s22  }
0x2b5: {  	v6 =	vld [tilespmem:s7+$0xFFFFFF80];
	v9 =	vunpack.i.u.bf16.f32 v17;
	v4 =	vunpack.i.l.bf16.f32 v17;
	v17 =	vadd.f32 v18, v19  }
0x2b6: {  	s25 =	sadd.s32 $0x1, s20;
	v19 =	vunpack.i.l.bf16.f32 v12;
	v18 =	vld [tilespmem:s23+$0xFFFFFF90];
	v13 =	vmul.bf16 v13, v15;
	v15 =	vadd.f32 $0.0e+00, v4;
	v21, _, _ =	vpop (xrf2)  }
0x2b7: {  	v23 =	vunpack.i.l.bf16.f32 v10;
	v4 =	vmov s25;
	v9 =	vadd.f32 $0.0e+00, v9;
	v22 =	vld [tilespmem:s23+$0xFFFFFFE0];
	(xrf2) =	vadd.scan.msk.f32 $0xffff, v17  }
0x2b8: {  	v24 =	vunpack.i.u.bf16.f32 v12;
	v14 =	vmul.bf16 v14, v16;
	v16 =	vld [tilespmem:s9+$0xFFFFFFF0];
	v15 =	vadd.f32 v19, v15  }
0x2b9: {  	v25 =	vmov s18;
	s18 =	smov.u32 s24;
	s24 =	smov.u32 s20;
	v9 =	vadd.f32 v24, v9;
	v17 =	vmul.bf16 v20, v7;
	v19 =	vld [tilespmem:s23+$0xFFFFFFF0];
	v12, _, _ =	vpop (xrf2)  }
0x2ba: {  	vm3 =	veq.s32 v25, v0;
	v20 =	vld [tilespmem:s9+$0xFFFFFFA0];
	v24 =	vunpack.i.u.bf16.f32 v14;
	v14 =	vunpack.i.l.bf16.f32 v14;
	v7 =	vmovc v6  }
0x2bb: {  	v6 =	vunpack.i.u.bf16.f32 v17;
	v17 =	vunpack.i.l.bf16.f32 v17;
	v25 =	vld [tilespmem:s23+$0xFFFFFFA0];
	v14 =	vadd.f32 $0.0e+00, v14  }
0x2bc: {  	v26 =	vunpack.i.l.bf16.f32 v13;
	v12 =	vbroadcast v12, $0xF;
	v17 =	vadd.f32 $0.0e+00, v17;
	v27 =	vld [tilespmem:s9+$0x30];
	v28, _, _ =	vpop (xrf2)  }
0x2bd: {  	v15 =	vadd.f32 v23, v15;
	v24 =	vadd.f32 $0.0e+00, v24;
	v23 =	vld [tilespmem:s23+$0x30];
	v28 =	vbroadcast v28, $0xF  }
0x2be: {  	v13 =	vunpack.i.u.bf16.f32 v13;
	v11 =	vmul.bf16 v11, v18;
	v5 =	vsel vm3, v12, v5  }
0x2bf: {  	v8 =	vmul.bf16 v8, v22;
	v12 =	vadd.f32 v13, v24;
	v13 =	vbroadcast v21, $0xF  }
0x2c0: {  	v18 =	vadd.f32 $0.0e+00, v6;
	v16 =	vmul.bf16 v16, v19;
	v5 =	vsel vm2, v28, v5;
	v21 =	vld [tilespmem:s23+$0xFFFFFFB0]  }
0x2c1: {  	v10 =	vunpack.i.u.bf16.f32 v10;
	s20 =	sadd.s32 $0x2, s24;
	v19 =	vunpack.i.u.bf16.f32 v11;
	v11 =	vunpack.i.l.bf16.f32 v11;
	v22 =	vld [tilespmem:s9+$0x70];
	v24, _, _ =	vpop (xrf2)  }
0x2c2: {  	v6 =	vmov s20;
	v18 =	vadd.f32 v19, v18;
	v28 =	vunpack.i.l.bf16.f32 v16;
	v19 =	vld [tilespmem:s9+$0xFFFFFFB0]  }
0x2c3: {  	v11 =	vadd.f32 v11, v17;
	v17 =	vmul.bf16 v20, v25;
	v5 =	vsel vm1, v13, v5;
	v20 =	vld [tilespmem:s23+$0x70]  }
0x2c4: {  	v9 =	vadd.f32 v10, v9;
	v10 =	vmul.bf16 v27, v23;
	v23 =	vbroadcast v24, $0xF;
	v13 =	vld [tilespmem:s9+$0x40]  }
0x2c5: {  	v25 =	vunpack.i.u.bf16.f32 v8;
	v24 =	vunpack.i.u.bf16.f32 v17;
	v17 =	vunpack.i.l.bf16.f32 v17;
	v27 =	vld [tilespmem:s23+$0x40]  }
0x2c6: {  	v16 =	vunpack.i.u.bf16.f32 v16;
	v11 =	vadd.f32 v17, v11;
	v5 =	vsel vm0, v23, v5;
	v17 =	vld [tilespmem:s9+$0x50]  }
0x2c7: {  	v8 =	vunpack.i.l.bf16.f32 v8;
	v18 =	vadd.f32 v24, v18;
	v23 =	vunpack.i.l.bf16.f32 v10;
	v24 =	vld [tilespmem:s23+$0x50]  }
0x2c8: {  	v14 =	vadd.f32 v26, v14;
	v12 =	vadd.f32 v25, v12;
	v10 =	vunpack.i.u.bf16.f32 v10;
	v25 =	vld [tilespmem:s9+$0x60]  }
0x2c9: {  	v9 =	vadd.f32 v10, v9;
	v19 =	vmul.bf16 v19, v21;
	v20 =	vmul.bf16 v22, v20;
	v10 =	vld [tilespmem:s23+$0x60];
	s23 =	smov.u32 s7  }
0x2ca: {  	v14 =	vadd.f32 v8, v14;
	v15 =	vadd.f32 v23, v15;
	s9 =	sadd.s32 $0x100, s9;
	v21 =	vld [tilespmem:s7+$0x20];
	v13 =	vmul.bf16 v13, v27  }
0x2cb: {  	v12 =	vadd.f32 v16, v12;
	v22 =	vunpack.i.u.bf16.f32 v19;
	v19 =	vunpack.i.l.bf16.f32 v19;
	v8 =	vld [tilespmem:s9+$0xFFFFFFE0]  }
0x2cc: {  	v9 =	vadd.f32 v15, v9;
	v11 =	vadd.f32 v19, v11;
	v16 =	vld [tilespmem:s9+$0x20];
	v15 =	vunpack.i.l.bf16.f32 v13  }
0x2cd: {  	v18 =	vadd.f32 v22, v18;
	v13 =	vunpack.i.u.bf16.f32 v13;
	v19 =	vld [tilespmem:s9+$0x10];
	v15 =	vadd.f32 $0.0e+00, v15  }
0x2ce: {  	s20 =	sadd.s32 $0x3, s24;
	v14 =	vadd.f32 v28, v14;
	v17 =	vmul.bf16 v17, v24;
	v13 =	vadd.f32 $0.0e+00, v13;
	v22 =	vld [tilespmem:s7+$0x10];
	(xrf2) =	vadd.scan.msk.f32 $0xffff, v9  }
0x2cf: {  	v18 =	vadd.f32 v11, v18;
	v9 =	vmov s20;
	v24 =	vmul.bf16 v25, v10;
	v23 =	vld [tilespmem:s9+$0x0]  }
0x2d0: {  	v26 =	vadd.f32 v14, v12;
	v12 =	vunpack.i.u.bf16.f32 v17;
	v14 =	vunpack.i.l.bf16.f32 v17;
	v25 =	vld [tilespmem:s7+$0x0]  }
.Ltmp15:
0x2d1: {  	v14 =	vadd.f32 v14, v15;
	v11 =	vld [tilespmem:s9+$0xFFFFFF90];
	v10 =	vmul.bf16 v16, v21;
	v16 =	vadd.f32 v12, v13;
	(xrf2) =	vadd.scan.msk.f32 $0xffff, v18;
	(pc) =	sbr.rel @p1 .LBB2_30-.Ltmp15, $4  }
0x2d2: {  	v17 =	vunpack.i.u.bf16.f32 v24;
	v18 =	vunpack.i.l.bf16.f32 v24;
	v13 =	vld [tilespmem:s9+$0xFFFFFFD0]  }
0x2d3: {  	v18 =	vadd.f32 v18, v14;
	v15 =	vld [tilespmem:s7+$0xFFFFFFD0];
	v12 =	vmul.bf16 v19, v22;
	v19 =	vadd.f32 v17, v16  }
0x2d4: {  	v21 =	vunpack.i.u.bf16.f32 v20;
	v20 =	vunpack.i.l.bf16.f32 v20;
	v14 =	vld [tilespmem:s9+$0xFFFFFFC0];
	(xrf2) =	vadd.scan.msk.f32 $0xffff, v26  }
0x2d5: {  	v18 =	vadd.f32 v20, v18;
	v16 =	vld [tilespmem:s7+$0xFFFFFFC0];
	v17 =	vmul.bf16 v23, v25;
	v19 =	vadd.f32 v21, v19  }
0x2d6: {  	v20 =	vld [tilespmem:s9+$0xFFFFFF80]  }
0x2d7: {  	v50 =	vld [tilespmem:s23+$0xFFFFFF90]  }
0x2d8: {  	v22 =	vld [tilespmem:s23+$0xFFFFFFE0]  }
0x2d9: {  	v53 =	vld [tilespmem:s9+$0xFFFFFFF0]  }
0x2da: {  	v56 =	vld [tilespmem:s23+$0xFFFFFFF0]  }
0x2db: {  	v57 =	vld [tilespmem:s9+$0xFFFFFFA0]  }
0x2dc: {  	v25 =	vld [tilespmem:s23+$0xFFFFFFA0]  }
0x2dd: {  	v26 =	vld [tilespmem:s9+$0x30]  }
0x2de: {  	v59 =	vld [tilespmem:s23+$0x30]  }
0x2df: {  	v29 =	vld [tilespmem:s9+$0x40]  }
0x2e0: {  	v32 =	vld [tilespmem:s9+$0x70]  }
0x2e1: {  	v34 =	vld [tilespmem:s9+$0x50]  }
0x2e2: {  	v52 =	vunpack.i.l.bf16.f32 v12;
	v54 =	vunpack.i.l.bf16.f32 v10;
	v35 =	vld [tilespmem:s23+$0x50]  }
0x2e3: {  	v55 =	vunpack.i.u.bf16.f32 v12;
	v62 =	vunpack.i.u.bf16.f32 v10;
	v38 =	vld [tilespmem:s9+$0x60];
	v49 =	vunpack.i.l.bf16.f32 v17  }
0x2e4: {  	v39 =	vld [tilespmem:s23+$0x60];
	v21 =	vunpack.i.u.bf16.f32 v17;
	v18 =	vadd.f32 v18, v19;
	v51 =	vadd.f32 $0.0e+00, v49  }
0x2e5: {  	v41 =	vld [tilespmem:s23+$0x70];
	v13 =	vmul.bf16 v13, v15;
	v21 =	vadd.f32 $0.0e+00, v21;
	v14 =	vmul.bf16 v14, v16  }
0x2e6: {  	v31 =	vld [tilespmem:s23+$0x40];
	v15 =	vadd.f32 v52, v51;
	v7 =	vmul.bf16 v20, v7;
	v11 =	vmul.bf16 v11, v50  }
0x2e7: {  	v12 =	vadd.f32 v55, v21;
	v8 =	vmul.bf16 v8, v22;
	v16 =	vmul.bf16 v53, v56  }
0x2e8: {  	v58 =	vunpack.i.l.bf16.f32 v13;
	v21 =	vmul.bf16 v57, v25;
	v19 =	vmul.bf16 v26, v59  }
0x2e9: {  	v13 =	vunpack.i.u.bf16.f32 v13;
	v44 =	vmul.bf16 v34, v35;
	v45 =	vmul.bf16 v38, v39  }
0x2ea: {  	v47 =	vmul.bf16 v32, v41;
	v23 =	vunpack.i.l.bf16.f32 v14;
	v14 =	vunpack.i.u.bf16.f32 v14  }
0x2eb: {  	v15 =	vadd.f32 v54, v15;
	v10 =	vadd.f32 v62, v12;
	v12 =	vmul.bf16 v29, v31  }
0x2ec: {  	v24 =	vunpack.i.l.bf16.f32 v7;
	v23 =	vadd.f32 $0.0e+00, v23;
	v7 =	vunpack.i.u.bf16.f32 v7  }
0x2ed: {  	v14 =	vadd.f32 $0.0e+00, v14;
	v61 =	vunpack.i.u.bf16.f32 v11;
	v11 =	vunpack.i.l.bf16.f32 v11  }
0x2ee: {  	v28 =	vunpack.i.l.bf16.f32 v16;
	v30 =	vunpack.i.u.bf16.f32 v21;
	v21 =	vunpack.i.l.bf16.f32 v21  }
0x2ef: {  	v60 =	vld [tilespmem:s23+$0xFFFFFFB0];
	v33 =	vunpack.i.u.bf16.f32 v8;
	v36 =	vunpack.i.u.bf16.f32 v19;
	v24 =	vadd.f32 $0.0e+00, v24  }
0x2f0: {  	v63 =	vld [tilespmem:s9+$0xFFFFFFB0];
	v37 =	vunpack.i.l.bf16.f32 v19;
	v7 =	vadd.f32 $0.0e+00, v7;
	v10 =	vadd.f32 v36, v10  }
0x2f1: {  	v15 =	vadd.f32 v37, v15;
	v42 =	vunpack.i.l.bf16.f32 v12;
	v13 =	vadd.f32 v13, v14  }
0x2f2: {  	v12 =	vunpack.i.u.bf16.f32 v12;
	v20 =	vadd.f32 v58, v23;
	v43 =	vadd.f32 $0.0e+00, v42  }
0x2f3: {  	v16 =	vunpack.i.u.bf16.f32 v16;
	v12 =	vadd.f32 $0.0e+00, v12;
	v7 =	vadd.f32 v61, v7  }
0x2f4: {  	v8 =	vunpack.i.l.bf16.f32 v8;
	v11 =	vadd.f32 v11, v24;
	v10 =	vadd.f32 v15, v10  }
0x2f5: {  	v14 =	vmul.bf16 v63, v60;
	v13 =	vadd.f32 v33, v13;
	v8 =	vadd.f32 v8, v20  }
0x2f6: {  	v46 =	vunpack.i.u.bf16.f32 v44;
	v11 =	vadd.f32 v21, v11;
	v7 =	vadd.f32 v30, v7  }
0x2f7: {  	v40 =	vunpack.i.l.bf16.f32 v14;
	v14 =	vunpack.i.u.bf16.f32 v14;
	v12 =	vadd.f32 v46, v12  }
0x2f8: {  	v15 =	vunpack.i.l.bf16.f32 v44;
	v11 =	vadd.f32 v40, v11;
	v7 =	vadd.f32 v14, v7  }
0x2f9: {  	v48 =	vunpack.i.u.bf16.f32 v45;
	v13 =	vadd.f32 v16, v13;
	v14 =	vadd.f32 v15, v43  }
0x2fa: {  	v49 =	vunpack.i.l.bf16.f32 v45;
	v8 =	vadd.f32 v28, v8;
	v7 =	vadd.f32 v11, v7  }
0x2fb: {  	v14 =	vadd.f32 v49, v14;
	v11 =	vadd.f32 v48, v12  }
0x2fc: {  	(xrf2) =	vadd.scan.msk.f32 $0xffff, v18;
	v50 =	vunpack.i.u.bf16.f32 v47;
	v51 =	vunpack.i.l.bf16.f32 v47;
	v8 =	vadd.f32 v8, v13  }
0x2fd: {  	(xrf2) =	vadd.scan.msk.f32 $0xffff, v10;
	v52 =	vadd.f32 v51, v14;
	v11 =	vadd.f32 v50, v11  }
0x2fe: {  	(xrf2) =	vadd.scan.msk.f32 $0xffff, v7  }
0x2ff: {  	(xrf2) =	vadd.scan.msk.f32 $0xffff, v8;
	v53 =	vadd.f32 v52, v11;
	_ =	sdelay $0x1  }
0x300: {  	v54, _, _ =	vpop (xrf2);
	(xrf2) =	vadd.scan.msk.f32 $0xffff, v53  }
0x301: {  	v55, _, _ =	vpop (xrf2)  }
0x302: {  	v57 =	vmov s18;
	v8 =	vbroadcast v55, $0xF  }
0x303: {  	vm1 =	veq.s32 v57, v0  }
0x304: {  	vm2 =	veq.s32 v3, v0;
	v56, _, _ =	vpop (xrf2);
	v3 =	vsel vm1, v8, v5  }
0x305: {  	vm0 =	veq.s32 v2, v0;
	v2 =	vbroadcast v56, $0xF;
	v58, _, _ =	vpop (xrf2)  }
0x306: {  	v60 =	vbroadcast v54, $0xF;
	v59, _, _ =	vpop (xrf2)  }
0x307: {  	vm11 =	veq.s32 v1, v0;
	v1 =	vsel vm0, v2, v3;
	v2 =	vbroadcast v58, $0xF;
	v3, _, _ =	vpop (xrf2)  }
0x308: {  	s7 =	sshll.u32 s12, $0x4;
	s12 =	sadd.s32 $0x1, s12;
	v61 =	vmov s24;
	v1 =	vsel vm2, v60, v1;
	v3 =	vbroadcast v3, $0xF;
	v62, _, _ =	vpop (xrf2)  }
0x309: {  	p1 =	sne.s32 s12, $0x14;
	vm12 =	veq.s32 v61, v0;
	v1 =	vsel vm11, v2, v1;
	v2 =	vbroadcast v62, $0xF  }
.Ltmp16:
0x30a: {  	vm13 =	veq.s32 v4, v0;
	v1 =	vsel vm12, v3, v1;
	v3 =	vbroadcast v59, $0xF;
	v63, _, _ =	vpop (xrf2);
	(pc) =	sbr.rel @p1 .LBB2_29-.Ltmp16, $4  }
0x30b: {  	vm14 =	veq.s32 v6, v0;
	v1 =	vsel vm13, v2, v1;
	v2 =	vbroadcast v63, $0xF  }
0x30c: {  	vm15 =	veq.s32 v9, v0;
	v1 =	vsel vm14, v3, v1  }
0x30d: {  	s7 =	sand.u32 $0x3FFFFFF0, s7;
	v1 =	vsel vm15, v2, v1  }
0x30e: {  	s14 =	sadd.s32 $0x400, s14;
	s15 =	sadd.s32 $0x400, s15;
	[tilespmem:s7+$0x1D920] =	vst v1  }
0x30f: {  	_ =	swait.ge [sflag:s17], $0x1400  }
0x310: {  	[sflag:s17] =	ssyncset.done $0x0  }
0x311: {  	[sflag:s17] =	ssyncadd.s32 $0xFFFFEC00  }
0x312: {  	_ =	swait.ge [sflag:s6], $0x1400  }
0x313: {  	s12 =	simm.s32 $0x0;
	[sflag:s6] =	ssyncset.done $0x0  }
0x314: {  	s14 =	simm.s32 $0x16420;
	s15 =	simm.s32 $0xC420;
	[sflag:s6] =	ssyncadd.s32 $0xFFFFEC00  }
.LBB2_33:
0x315: {  	v6 =	vld [tilespmem:s15+$0xFFFFFF80]  }
0x316: {  	v4 =	vld [tilespmem:s15+$0x20]  }
0x317: {  	v9 =	vld [tilespmem:s14+$0x20]  }
0x318: {  	v10 =	vld [tilespmem:s14+$0x10]  }
0x319: {  	v11 =	vld [tilespmem:s15+$0x10]  }
0x31a: {  	v1 =	vld [tilespmem:s14+$0x0]  }
0x31b: {  	v3 =	vld [tilespmem:s15+$0x0]  }
0x31c: {  	v13 =	vld [tilespmem:s14+$0xFFFFFFD0]  }
0x31d: {  	v14 =	vld [tilespmem:s15+$0xFFFFFFD0]  }
0x31e: {  	v15 =	vld [tilespmem:s14+$0xFFFFFFC0]  }
0x31f: {  	v16 =	vld [tilespmem:s15+$0xFFFFFFC0]  }
0x320: {  	v17 =	vld [tilespmem:s14+$0xFFFFFF80]  }
0x321: {  	v8 =	vld [tilespmem:s14+$0xFFFFFFE0]  }
0x322: {  	v12 =	vld [tilespmem:s14+$0xFFFFFF90]  }
0x323: {  	s9 =	simm.s32 $0x1;
	v5 =	vimm.f32 $0.0e+00;
	v21 =	vld [tilespmem:s14+$0xFFFFFFF0];
	v18 =	vmul.bf16 v1, v3;
	v10 =	vmul.bf16 v10, v11  }
0x324: {  	s24 =	simm.s32 $0x2;
	v24 =	vld [tilespmem:s14+$0x30];
	v2 =	vmov s9;
	v9 =	vmul.bf16 v9, v4;
	v13 =	vmul.bf16 v13, v14  }
0x325: {  	v25 =	vld [tilespmem:s15+$0x30];
	v3 =	vmov s24;
	v15 =	vmul.bf16 v15, v16;
	v6 =	vmul.bf16 v17, v6  }
0x326: {  	v11 =	vld [tilespmem:s15+$0xFFFFFF90];
	v19 =	vunpack.i.u.bf16.f32 v18;
	v4 =	vunpack.i.l.bf16.f32 v18;
	v20 =	vunpack.i.l.bf16.f32 v10  }
0x327: {  	v16 =	vld [tilespmem:s15+$0xFFFFFFF0];
	v22 =	vunpack.i.l.bf16.f32 v9;
	v10 =	vunpack.i.u.bf16.f32 v10;
	v23 =	vunpack.i.l.bf16.f32 v6  }
0x328: {  	v18 =	vld [tilespmem:s15+$0xFFFFFFE0];
	v6 =	vunpack.i.u.bf16.f32 v6;
	v14 =	vadd.f32 $0.0e+00, v4;
	v19 =	vadd.f32 $0.0e+00, v19  }
0x329: {  	v46 =	vld [tilespmem:s14+$0xFFFFFFB0];
	v26 =	vunpack.i.l.bf16.f32 v13;
	v9 =	vunpack.i.u.bf16.f32 v9;
	v23 =	vadd.f32 $0.0e+00, v23  }
0x32a: {  	v27 =	vld [tilespmem:s15+$0x70];
	v14 =	vadd.f32 v20, v14;
	v10 =	vadd.f32 v10, v19;
	v19 =	vunpack.i.l.bf16.f32 v15  }
0x32b: {  	v48 =	vld [tilespmem:s15+$0x40];
	v15 =	vunpack.i.u.bf16.f32 v15;
	v11 =	vmul.bf16 v12, v11;
	v12 =	vunpack.i.u.bf16.f32 v13  }
0x32c: {  	v17 =	vld [tilespmem:s14+$0xFFFFFFA0];
	v16 =	vmul.bf16 v21, v16;
	v19 =	vadd.f32 $0.0e+00, v19;
	v15 =	vadd.f32 $0.0e+00, v15  }
0x32d: {  	v20 =	vld [tilespmem:s15+$0xFFFFFFA0];
	v14 =	vadd.f32 v22, v14;
	v8 =	vmul.bf16 v8, v18;
	v18 =	vadd.f32 $0.0e+00, v6  }
0x32e: {  	v28 =	vld [tilespmem:s14+$0x50];
	v45 =	vunpack.i.u.bf16.f32 v11;
	v11 =	vunpack.i.l.bf16.f32 v11;
	v9 =	vadd.f32 v9, v10  }
0x32f: {  	v52 =	vld [tilespmem:s14+$0x60];
	v10 =	vmul.bf16 v24, v25;
	v12 =	vadd.f32 v12, v15;
	v11 =	vadd.f32 v11, v23  }
0x330: {  	s7 =	sadd.s32 $0x100, s15;
	v13 =	vld [tilespmem:s15+$0xFFFFFFB0];
	v47 =	vunpack.i.l.bf16.f32 v16;
	v19 =	vadd.f32 v26, v19;
	v18 =	vadd.f32 v45, v18  }
0x331: {  	v7 =	vld [tilespmem:s7+$0xFFFFFF80];
	v50 =	vunpack.i.u.bf16.f32 v8;
	v8 =	vunpack.i.l.bf16.f32 v8;
	v51 =	vunpack.i.l.bf16.f32 v10  }
0x332: {  	v10 =	vunpack.i.u.bf16.f32 v10;
	v17 =	vmul.bf16 v17, v20;
	v20 =	vld [tilespmem:s14+$0x40];
	v12 =	vadd.f32 v50, v12  }
0x333: {  	v53 =	vld [tilespmem:s7+$0x20];
	v16 =	vunpack.i.u.bf16.f32 v16;
	v9 =	vadd.f32 v10, v9;
	v19 =	vadd.f32 v8, v19  }
0x334: {  	v15 =	vld [tilespmem:s14+$0x70];
	v14 =	vadd.f32 v51, v14;
	v49 =	vunpack.i.u.bf16.f32 v17;
	v17 =	vunpack.i.l.bf16.f32 v17  }
0x335: {  	s18 =	simm.s32 $0x3;
	v13 =	vmul.bf16 v46, v13;
	v11 =	vadd.f32 v17, v11;
	v17 =	vadd.f32 v49, v18;
	v18 =	vld [tilespmem:s15+$0x50]  }
0x336: {  	s25 =	simm.s32 $0x5;
	v1 =	vmov s18;
	v10 =	vld [tilespmem:s15+$0x60];
	v12 =	vadd.f32 v16, v12;
	v19 =	vadd.f32 v47, v19  }
0x337: {  	v56 =	vld [tilespmem:s7+$0x10];
	v4 =	vmov s25;
	v54 =	vunpack.i.l.bf16.f32 v13;
	v20 =	vmul.bf16 v20, v48  }
0x338: {  	s9 =	sadd.s32 $0x100, s14;
	v58 =	vld [tilespmem:s7+$0x0];
	v13 =	vunpack.i.u.bf16.f32 v13;
	v14 =	vadd.f32 v14, v9;
	v19 =	vadd.f32 v19, v12  }
0x339: {  	v16 =	vld [tilespmem:s9+$0x20];
	v11 =	vadd.f32 v54, v11;
	v13 =	vadd.f32 v13, v17;
	v9 =	vunpack.i.l.bf16.f32 v20  }
0x33a: {  	v55 =	vld [tilespmem:s9+$0x10];
	v17 =	vunpack.i.u.bf16.f32 v20;
	v20 =	vadd.f32 $0.0e+00, v9;
	v9 =	vmul.bf16 v28, v18  }
0x33b: {  	v8 =	vld [tilespmem:s9+$0xFFFFFFE0];
	(xrf2) =	vadd.scan.msk.f32 $0xffff, v14;
	v10 =	vmul.bf16 v52, v10;
	v18 =	vmul.bf16 v15, v27;
	v15 =	vadd.f32 $0.0e+00, v17  }
0x33c: {  	s29 =	simm.s32 $0x6;
	v57 =	vadd.f32 v11, v13;
	v17 =	vld [tilespmem:s9+$0x0];
	v13 =	vunpack.i.u.bf16.f32 v9;
	v59 =	vunpack.i.l.bf16.f32 v9  }
0x33d: {  	v6 =	vmov s29;
	v14 =	vld [tilespmem:s9+$0xFFFFFFC0];
	v20 =	vadd.f32 v59, v20;
	v60 =	vadd.f32 v13, v15  }
0x33e: {  	s30 =	simm.s32 $0x7;
	v11 =	vld [tilespmem:s9+$0xFFFFFF90];
	v12 =	vunpack.i.u.bf16.f32 v10;
	v61 =	vunpack.i.l.bf16.f32 v10;
	v10 =	vmul.bf16 v16, v53;
	(xrf2) =	vadd.scan.msk.f32 $0xffff, v57  }
0x33f: {  	v9 =	vmov s30;
	v13 =	vld [tilespmem:s9+$0xFFFFFFD0];
	v20 =	vadd.f32 v61, v20;
	v62 =	vadd.f32 v12, v60  }
0x340: {  	s22 =	simm.s32 $0x8;
	v63 =	vunpack.i.u.bf16.f32 v18;
	v18 =	vunpack.i.l.bf16.f32 v18;
	v15 =	vld [tilespmem:s7+$0xFFFFFFD0];
	v12 =	vmul.bf16 v55, v56  }
0x341: {  	s23 =	smov.u32 s7;
	s24 =	simm.s32 $0x4;
	s18 =	simm.s32 $0x0;
	v16 =	vld [tilespmem:s7+$0xFFFFFFC0];
	(xrf2) =	vadd.scan.msk.f32 $0xffff, v19;
	v17 =	vmul.bf16 v17, v58;
	v18 =	vadd.f32 v18, v20;
	v19 =	vadd.f32 v63, v62  }
.LBB2_34:
0x342: {  	p1 =	sne.s32 s22, $0xC;
	vm2 =	veq.s32 v2, v0  }
0x343: {  	v20 =	vld [tilespmem:s9+$0xFFFFFF80];
	s7 =	sadd.s32 $0x100, s7;
	vm1 =	veq.s32 v3, v0;
	vm0 =	veq.s32 v1, v0;
	v2 =	vmovc v4;
	v3 =	vmovc v6;
	v1 =	vmov v9;
	s20 =	smov.u32 s22;
	s22 =	sadd.s32 $0x4, s22  }
0x344: {  	v6 =	vld [tilespmem:s7+$0xFFFFFF80];
	v9 =	vunpack.i.u.bf16.f32 v17;
	v4 =	vunpack.i.l.bf16.f32 v17;
	v17 =	vadd.f32 v18, v19  }
0x345: {  	s25 =	sadd.s32 $0x1, s20;
	v19 =	vunpack.i.l.bf16.f32 v12;
	v18 =	vld [tilespmem:s23+$0xFFFFFF90];
	v13 =	vmul.bf16 v13, v15;
	v15 =	vadd.f32 $0.0e+00, v4;
	v21, _, _ =	vpop (xrf2)  }
0x346: {  	v23 =	vunpack.i.l.bf16.f32 v10;
	v4 =	vmov s25;
	v9 =	vadd.f32 $0.0e+00, v9;
	v22 =	vld [tilespmem:s23+$0xFFFFFFE0];
	(xrf2) =	vadd.scan.msk.f32 $0xffff, v17  }
0x347: {  	v24 =	vunpack.i.u.bf16.f32 v12;
	v14 =	vmul.bf16 v14, v16;
	v16 =	vld [tilespmem:s9+$0xFFFFFFF0];
	v15 =	vadd.f32 v19, v15  }
0x348: {  	v25 =	vmov s18;
	s18 =	smov.u32 s24;
	s24 =	smov.u32 s20;
	v9 =	vadd.f32 v24, v9;
	v17 =	vmul.bf16 v20, v7;
	v19 =	vld [tilespmem:s23+$0xFFFFFFF0];
	v12, _, _ =	vpop (xrf2)  }
0x349: {  	vm3 =	veq.s32 v25, v0;
	v20 =	vld [tilespmem:s9+$0xFFFFFFA0];
	v24 =	vunpack.i.u.bf16.f32 v14;
	v14 =	vunpack.i.l.bf16.f32 v14;
	v7 =	vmovc v6  }
0x34a: {  	v6 =	vunpack.i.u.bf16.f32 v17;
	v17 =	vunpack.i.l.bf16.f32 v17;
	v25 =	vld [tilespmem:s23+$0xFFFFFFA0];
	v14 =	vadd.f32 $0.0e+00, v14  }
0x34b: {  	v26 =	vunpack.i.l.bf16.f32 v13;
	v12 =	vbroadcast v12, $0xF;
	v17 =	vadd.f32 $0.0e+00, v17;
	v27 =	vld [tilespmem:s9+$0x30];
	v28, _, _ =	vpop (xrf2)  }
0x34c: {  	v15 =	vadd.f32 v23, v15;
	v24 =	vadd.f32 $0.0e+00, v24;
	v23 =	vld [tilespmem:s23+$0x30];
	v28 =	vbroadcast v28, $0xF  }
0x34d: {  	v13 =	vunpack.i.u.bf16.f32 v13;
	v11 =	vmul.bf16 v11, v18;
	v5 =	vsel vm3, v12, v5  }
0x34e: {  	v8 =	vmul.bf16 v8, v22;
	v12 =	vadd.f32 v13, v24;
	v13 =	vbroadcast v21, $0xF  }
0x34f: {  	v18 =	vadd.f32 $0.0e+00, v6;
	v16 =	vmul.bf16 v16, v19;
	v5 =	vsel vm2, v28, v5;
	v21 =	vld [tilespmem:s23+$0xFFFFFFB0]  }
0x350: {  	v10 =	vunpack.i.u.bf16.f32 v10;
	s20 =	sadd.s32 $0x2, s24;
	v19 =	vunpack.i.u.bf16.f32 v11;
	v11 =	vunpack.i.l.bf16.f32 v11;
	v22 =	vld [tilespmem:s9+$0x70];
	v24, _, _ =	vpop (xrf2)  }
0x351: {  	v6 =	vmov s20;
	v18 =	vadd.f32 v19, v18;
	v28 =	vunpack.i.l.bf16.f32 v16;
	v19 =	vld [tilespmem:s9+$0xFFFFFFB0]  }
0x352: {  	v11 =	vadd.f32 v11, v17;
	v17 =	vmul.bf16 v20, v25;
	v5 =	vsel vm1, v13, v5;
	v20 =	vld [tilespmem:s23+$0x70]  }
0x353: {  	v9 =	vadd.f32 v10, v9;
	v10 =	vmul.bf16 v27, v23;
	v23 =	vbroadcast v24, $0xF;
	v13 =	vld [tilespmem:s9+$0x40]  }
0x354: {  	v25 =	vunpack.i.u.bf16.f32 v8;
	v24 =	vunpack.i.u.bf16.f32 v17;
	v17 =	vunpack.i.l.bf16.f32 v17;
	v27 =	vld [tilespmem:s23+$0x40]  }
0x355: {  	v16 =	vunpack.i.u.bf16.f32 v16;
	v11 =	vadd.f32 v17, v11;
	v5 =	vsel vm0, v23, v5;
	v17 =	vld [tilespmem:s9+$0x50]  }
0x356: {  	v8 =	vunpack.i.l.bf16.f32 v8;
	v18 =	vadd.f32 v24, v18;
	v23 =	vunpack.i.l.bf16.f32 v10;
	v24 =	vld [tilespmem:s23+$0x50]  }
0x357: {  	v14 =	vadd.f32 v26, v14;
	v12 =	vadd.f32 v25, v12;
	v10 =	vunpack.i.u.bf16.f32 v10;
	v25 =	vld [tilespmem:s9+$0x60]  }
0x358: {  	v9 =	vadd.f32 v10, v9;
	v19 =	vmul.bf16 v19, v21;
	v20 =	vmul.bf16 v22, v20;
	v10 =	vld [tilespmem:s23+$0x60];
	s23 =	smov.u32 s7  }
0x359: {  	v14 =	vadd.f32 v8, v14;
	v15 =	vadd.f32 v23, v15;
	s9 =	sadd.s32 $0x100, s9;
	v21 =	vld [tilespmem:s7+$0x20];
	v13 =	vmul.bf16 v13, v27  }
0x35a: {  	v12 =	vadd.f32 v16, v12;
	v22 =	vunpack.i.u.bf16.f32 v19;
	v19 =	vunpack.i.l.bf16.f32 v19;
	v8 =	vld [tilespmem:s9+$0xFFFFFFE0]  }
0x35b: {  	v9 =	vadd.f32 v15, v9;
	v11 =	vadd.f32 v19, v11;
	v16 =	vld [tilespmem:s9+$0x20];
	v15 =	vunpack.i.l.bf16.f32 v13  }
0x35c: {  	v18 =	vadd.f32 v22, v18;
	v13 =	vunpack.i.u.bf16.f32 v13;
	v19 =	vld [tilespmem:s9+$0x10];
	v15 =	vadd.f32 $0.0e+00, v15  }
0x35d: {  	s20 =	sadd.s32 $0x3, s24;
	v14 =	vadd.f32 v28, v14;
	v17 =	vmul.bf16 v17, v24;
	v13 =	vadd.f32 $0.0e+00, v13;
	v22 =	vld [tilespmem:s7+$0x10];
	(xrf2) =	vadd.scan.msk.f32 $0xffff, v9  }
0x35e: {  	v18 =	vadd.f32 v11, v18;
	v9 =	vmov s20;
	v24 =	vmul.bf16 v25, v10;
	v23 =	vld [tilespmem:s9+$0x0]  }
0x35f: {  	v26 =	vadd.f32 v14, v12;
	v12 =	vunpack.i.u.bf16.f32 v17;
	v14 =	vunpack.i.l.bf16.f32 v17;
	v25 =	vld [tilespmem:s7+$0x0]  }
.Ltmp17:
0x360: {  	v14 =	vadd.f32 v14, v15;
	v11 =	vld [tilespmem:s9+$0xFFFFFF90];
	v10 =	vmul.bf16 v16, v21;
	v16 =	vadd.f32 v12, v13;
	(xrf2) =	vadd.scan.msk.f32 $0xffff, v18;
	(pc) =	sbr.rel @p1 .LBB2_34-.Ltmp17, $4  }
0x361: {  	v17 =	vunpack.i.u.bf16.f32 v24;
	v18 =	vunpack.i.l.bf16.f32 v24;
	v13 =	vld [tilespmem:s9+$0xFFFFFFD0]  }
0x362: {  	v18 =	vadd.f32 v18, v14;
	v15 =	vld [tilespmem:s7+$0xFFFFFFD0];
	v12 =	vmul.bf16 v19, v22;
	v19 =	vadd.f32 v17, v16  }
0x363: {  	v21 =	vunpack.i.u.bf16.f32 v20;
	v20 =	vunpack.i.l.bf16.f32 v20;
	v14 =	vld [tilespmem:s9+$0xFFFFFFC0];
	(xrf2) =	vadd.scan.msk.f32 $0xffff, v26  }
0x364: {  	v18 =	vadd.f32 v20, v18;
	v16 =	vld [tilespmem:s7+$0xFFFFFFC0];
	v17 =	vmul.bf16 v23, v25;
	v19 =	vadd.f32 v21, v19  }
0x365: {  	v20 =	vld [tilespmem:s9+$0xFFFFFF80]  }
0x366: {  	v50 =	vld [tilespmem:s23+$0xFFFFFF90]  }
0x367: {  	v22 =	vld [tilespmem:s23+$0xFFFFFFE0]  }
0x368: {  	v53 =	vld [tilespmem:s9+$0xFFFFFFF0]  }
0x369: {  	v56 =	vld [tilespmem:s23+$0xFFFFFFF0]  }
0x36a: {  	v57 =	vld [tilespmem:s9+$0xFFFFFFA0]  }
0x36b: {  	v25 =	vld [tilespmem:s23+$0xFFFFFFA0]  }
0x36c: {  	v26 =	vld [tilespmem:s9+$0x30]  }
0x36d: {  	v59 =	vld [tilespmem:s23+$0x30]  }
0x36e: {  	v29 =	vld [tilespmem:s9+$0x40]  }
0x36f: {  	v32 =	vld [tilespmem:s9+$0x70]  }
0x370: {  	v34 =	vld [tilespmem:s9+$0x50]  }
0x371: {  	v52 =	vunpack.i.l.bf16.f32 v12;
	v54 =	vunpack.i.l.bf16.f32 v10;
	v35 =	vld [tilespmem:s23+$0x50]  }
0x372: {  	v55 =	vunpack.i.u.bf16.f32 v12;
	v62 =	vunpack.i.u.bf16.f32 v10;
	v38 =	vld [tilespmem:s9+$0x60];
	v49 =	vunpack.i.l.bf16.f32 v17  }
0x373: {  	v39 =	vld [tilespmem:s23+$0x60];
	v21 =	vunpack.i.u.bf16.f32 v17;
	v18 =	vadd.f32 v18, v19;
	v51 =	vadd.f32 $0.0e+00, v49  }
0x374: {  	v41 =	vld [tilespmem:s23+$0x70];
	v13 =	vmul.bf16 v13, v15;
	v21 =	vadd.f32 $0.0e+00, v21;
	v14 =	vmul.bf16 v14, v16  }
0x375: {  	v31 =	vld [tilespmem:s23+$0x40];
	v15 =	vadd.f32 v52, v51;
	v7 =	vmul.bf16 v20, v7;
	v11 =	vmul.bf16 v11, v50  }
0x376: {  	v12 =	vadd.f32 v55, v21;
	v8 =	vmul.bf16 v8, v22;
	v16 =	vmul.bf16 v53, v56  }
0x377: {  	v58 =	vunpack.i.l.bf16.f32 v13;
	v21 =	vmul.bf16 v57, v25;
	v19 =	vmul.bf16 v26, v59  }
0x378: {  	v13 =	vunpack.i.u.bf16.f32 v13;
	v44 =	vmul.bf16 v34, v35;
	v45 =	vmul.bf16 v38, v39  }
0x379: {  	v47 =	vmul.bf16 v32, v41;
	v23 =	vunpack.i.l.bf16.f32 v14;
	v14 =	vunpack.i.u.bf16.f32 v14  }
0x37a: {  	v15 =	vadd.f32 v54, v15;
	v10 =	vadd.f32 v62, v12;
	v12 =	vmul.bf16 v29, v31  }
0x37b: {  	v24 =	vunpack.i.l.bf16.f32 v7;
	v23 =	vadd.f32 $0.0e+00, v23;
	v7 =	vunpack.i.u.bf16.f32 v7  }
0x37c: {  	v14 =	vadd.f32 $0.0e+00, v14;
	v61 =	vunpack.i.u.bf16.f32 v11;
	v11 =	vunpack.i.l.bf16.f32 v11  }
0x37d: {  	v28 =	vunpack.i.l.bf16.f32 v16;
	v30 =	vunpack.i.u.bf16.f32 v21;
	v21 =	vunpack.i.l.bf16.f32 v21  }
0x37e: {  	v60 =	vld [tilespmem:s23+$0xFFFFFFB0];
	v33 =	vunpack.i.u.bf16.f32 v8;
	v36 =	vunpack.i.u.bf16.f32 v19;
	v24 =	vadd.f32 $0.0e+00, v24  }
0x37f: {  	v63 =	vld [tilespmem:s9+$0xFFFFFFB0];
	v37 =	vunpack.i.l.bf16.f32 v19;
	v7 =	vadd.f32 $0.0e+00, v7;
	v10 =	vadd.f32 v36, v10  }
0x380: {  	v15 =	vadd.f32 v37, v15;
	v42 =	vunpack.i.l.bf16.f32 v12;
	v13 =	vadd.f32 v13, v14  }
0x381: {  	v12 =	vunpack.i.u.bf16.f32 v12;
	v20 =	vadd.f32 v58, v23;
	v43 =	vadd.f32 $0.0e+00, v42  }
0x382: {  	v16 =	vunpack.i.u.bf16.f32 v16;
	v12 =	vadd.f32 $0.0e+00, v12;
	v7 =	vadd.f32 v61, v7  }
0x383: {  	v8 =	vunpack.i.l.bf16.f32 v8;
	v11 =	vadd.f32 v11, v24;
	v10 =	vadd.f32 v15, v10  }
0x384: {  	v14 =	vmul.bf16 v63, v60;
	v13 =	vadd.f32 v33, v13;
	v8 =	vadd.f32 v8, v20  }
0x385: {  	v46 =	vunpack.i.u.bf16.f32 v44;
	v11 =	vadd.f32 v21, v11;
	v7 =	vadd.f32 v30, v7  }
0x386: {  	v40 =	vunpack.i.l.bf16.f32 v14;
	v14 =	vunpack.i.u.bf16.f32 v14;
	v12 =	vadd.f32 v46, v12  }
0x387: {  	v15 =	vunpack.i.l.bf16.f32 v44;
	v11 =	vadd.f32 v40, v11;
	v7 =	vadd.f32 v14, v7  }
0x388: {  	v48 =	vunpack.i.u.bf16.f32 v45;
	v13 =	vadd.f32 v16, v13;
	v14 =	vadd.f32 v15, v43  }
0x389: {  	v49 =	vunpack.i.l.bf16.f32 v45;
	v8 =	vadd.f32 v28, v8;
	v7 =	vadd.f32 v11, v7  }
0x38a: {  	v14 =	vadd.f32 v49, v14;
	v11 =	vadd.f32 v48, v12  }
0x38b: {  	(xrf2) =	vadd.scan.msk.f32 $0xffff, v18;
	v50 =	vunpack.i.u.bf16.f32 v47;
	v51 =	vunpack.i.l.bf16.f32 v47;
	v8 =	vadd.f32 v8, v13  }
0x38c: {  	(xrf2) =	vadd.scan.msk.f32 $0xffff, v10;
	v52 =	vadd.f32 v51, v14;
	v11 =	vadd.f32 v50, v11  }
0x38d: {  	(xrf2) =	vadd.scan.msk.f32 $0xffff, v7  }
0x38e: {  	(xrf2) =	vadd.scan.msk.f32 $0xffff, v8;
	v53 =	vadd.f32 v52, v11;
	_ =	sdelay $0x1  }
0x38f: {  	v54, _, _ =	vpop (xrf2);
	(xrf2) =	vadd.scan.msk.f32 $0xffff, v53  }
0x390: {  	v55, _, _ =	vpop (xrf2)  }
0x391: {  	v57 =	vmov s18;
	v8 =	vbroadcast v55, $0xF  }
0x392: {  	vm1 =	veq.s32 v57, v0  }
0x393: {  	vm2 =	veq.s32 v3, v0;
	v56, _, _ =	vpop (xrf2);
	v3 =	vsel vm1, v8, v5  }
0x394: {  	vm0 =	veq.s32 v2, v0;
	v2 =	vbroadcast v56, $0xF;
	v58, _, _ =	vpop (xrf2)  }
0x395: {  	v60 =	vbroadcast v54, $0xF;
	v59, _, _ =	vpop (xrf2)  }
0x396: {  	vm11 =	veq.s32 v1, v0;
	v1 =	vsel vm0, v2, v3;
	v2 =	vbroadcast v58, $0xF;
	v3, _, _ =	vpop (xrf2)  }
0x397: {  	s7 =	sshll.u32 s12, $0x4;
	s12 =	sadd.s32 $0x1, s12;
	v61 =	vmov s24;
	v1 =	vsel vm2, v60, v1;
	v3 =	vbroadcast v3, $0xF;
	v62, _, _ =	vpop (xrf2)  }
0x398: {  	p1 =	sne.s32 s12, $0x5;
	vm12 =	veq.s32 v61, v0;
	v1 =	vsel vm11, v2, v1;
	v2 =	vbroadcast v62, $0xF  }
.Ltmp18:
0x399: {  	vm13 =	veq.s32 v4, v0;
	v1 =	vsel vm12, v3, v1;
	v3 =	vbroadcast v59, $0xF;
	v63, _, _ =	vpop (xrf2);
	(pc) =	sbr.rel @p1 .LBB2_33-.Ltmp18, $4  }
0x39a: {  	vm14 =	veq.s32 v6, v0;
	v1 =	vsel vm13, v2, v1;
	v2 =	vbroadcast v63, $0xF  }
0x39b: {  	vm15 =	veq.s32 v9, v0;
	v1 =	vsel vm14, v3, v1  }
0x39c: {  	s7 =	sand.u32 $0x3FFFFFF0, s7;
	v1 =	vsel vm15, v2, v1  }
0x39d: {  	s14 =	sadd.s32 $0x400, s14;
	s15 =	sadd.s32 $0x400, s15;
	[tilespmem:s7+$0x1DA60] =	vst v1  }
0x39e: {  	s7 =	rddreg [dreg:$0x8];
	s9 =	simm.s32 $0x1B3A0;
	s29 =	simm.s32 $0xB  }
0x39f: {  	[hbm4b:s7+s3] =	stream.linear.scatter [tilespmem:s9], [sflag:$0xB], $0x2710, $0x38;
	[tilespmem:$0x1DAB0] =	vst v63  }
0x3a0: {  	_ =	swait.ge [sflag:s29], $0x2710  }
0x3a1: {  	s12 =	rddreg [dreg:$0xa]  }
0x3a2: {  	s30 =	rddreg [dreg:$0x9];
	s12 =	sadd.s32 $0x1, s12  }
0x3a3: {  	p1 =	sne.s32 s12, s30  }
.Ltmp19:
0x3a4: {  	_ = 	snop;
	(pc) =	sbr.rel @p1 .LBB2_1-.Ltmp19, $3  }
0x3a5: {  	_ =	sdelay $0x1  }
0x3a6: {  	s22 =	simm.s32 $0x2580;
	s23 =	simm.s32 $0x4C90;
	[sflag:s29] =	ssyncset.done $0x0  }
0x3a7: {  	s24 =	simm.s32 $0xC80;
	s25 =	simm.s32 $0x1900;
	[sflag:s29] =	ssyncadd.s32 $0xFFFFD8F0  }
0x3a8: {  	_ =	sfence.sel $0x180000  }
0x3a9: {  	[bflag:$0x0] =	sbarrier.arrive $0xFFFF  }
0x3aa: {  	_ =	strace $0x90000047  }
0x3ab: {  	s0 =	stileid.u32;
	[bflag:$0x2] =	sbarrier.arrive $0xFFFF  }
0x3ac: {  	p0 =	sne.s32 s0, $0x0;
	s0 =	rddreg [dreg:$0x3]  }
0x3ad: {  	s0 =	sadd.s32 @!p0 $0x100000, s0  }
0x3ae: {  	[sflag:s0] =	ssyncadd.tile.s32 @!p0 $0x1;
	_ =	shalt  }
.Lfunc_end2:
_tile_overlayer_lowered:
.L_overlay_start_2:
0x3af: {  	(tag) =	ssettag $0x2  }
0x3b0: {  	s0 =	rddreg [dreg:$0x0];
	s2 =	stileid.u32  }
0x3b1: {  	s1 =	rddreg [dreg:$0x1];
	p0 =	sne.s32 s2, $0x0  }
0x3b2: {  	s3 =	rddreg [dreg:$0x2];
	[bflag:$0x3] =	sbarrier.arrive $0xFFFF;
	s2 =	simm.s32 @!p0 $0x1C0B  }
0x3b3: {  	[timem:s3], [sflag:s2] =	dma.local @!p0 [hbm:s0], s1  }
0x3b4: {  	s0 =	simm.s32 @!p0 $0xB  }
0x3b5: {  	_ =	swait.ge @!p0 [sflag:s0], s1  }
0x3b6: {  	s1 =	ssub.s32 @!p0 $0x0, s1;
	[sflag:s0] =	ssyncset.done @!p0 $0x0  }
0x3b7: {  	[sflag:s0] =	ssyncadd.s32 @!p0 s1  }
0x3b8: {  	[bflag:$0x3] =	sbarrier.arrive $0xFFFF  }
0x3b9: {  	_ =	shalt  }

</sc_bundles>
